<compile_context>
chip_gen: v7x
topology: tpu7x:2x2x1
jax: 0.10.2.dev20260603
libtpu: 0.0.44.dev20260713+nightly
codegen_flags: <defaults>
</compile_context>

<pallas_src>
import functools

import jax
import jax.numpy as jnp
from jax import lax
from jax.experimental import pallas as pl
from jax.experimental.pallas import tpu as pltpu
from jax.experimental.pallas import tpu_sc as plsc

N = 100000
E = 1600000
D = 32
NC = 2
NS = 16

HALF = N // 2
SUM_ACC_R = HALF + 48
EPT = E // NS
CH = 80

BLK = N // (NC * NS)
MACC_R = BLK + 16
MAFL = MACC_R * D
MOUT = (BLK + 3) * D
MCH = 1600
MP = 128
MCAP = MP + MCH + 16

_ROWBLK = 2000
_GRID = N // _ROWBLK


def _mesh():
  return plsc.VectorSubcoreMesh(core_axis_name="c", subcore_axis_name="s",
                                num_cores=NC, num_subcores=NS)


@functools.partial(
    pl.kernel,
    out_type=jax.ShapeDtypeStruct((NC, SUM_ACC_R, D), jnp.float32),
    mesh=_mesh(),
    scratch_types=[
        pltpu.VMEM_SHARED((SUM_ACC_R, D), jnp.float32),
        pltpu.VMEM((CH,), jnp.int32),
        pltpu.VMEM((CH,), jnp.int32),
        pltpu.VMEM((CH,), jnp.int32),
        pltpu.VMEM((CH, 128), jnp.float32),
        pltpu.VMEM((CH, D), jnp.float32),
        pltpu.VMEM((16,), jnp.int32),
        pltpu.VMEM((16, D), jnp.float32),
        pltpu.SemaphoreType.DMA,
    ],
    compiler_params=pltpu.CompilerParams(needs_layout_passes=False),
)
def _sc_segsum(xs_hbm, src_hbm, dst_hbm, out_hbm,
               acc_sh, src_v, dst_v, idx_v, rows_v, rows32_v, idx8_v,
               rows8_v, sem):
  c = lax.axis_index("c")
  s = lax.axis_index("s")
  base = c * HALF
  zrows = SUM_ACC_R // NS
  lanes = lax.iota(jnp.int32, 16)
  zv = jnp.zeros((16,), jnp.float32)

  def zfill(i, _):
    rows32_v[i, pl.ds(0, 16)] = zv
    rows32_v[i, pl.ds(16, 16)] = zv
    return 0

  lax.fori_loop(0, CH, zfill, 0)

  def mkidx(row0, clamp):
    def bidx(g, _):
      v = row0 + g * 16 + lanes
      if clamp:
        v = jnp.minimum(v, SUM_ACC_R - 1)
      idx_v[pl.ds(g * 16, 16)] = v
      return 0

    lax.fori_loop(0, CH // 16, bidx, 0)

  def zinit(k, _):
    mkidx(s * zrows + k * CH, True)
    pltpu.sync_copy(rows32_v, acc_sh.at[idx_v])
    return 0

  lax.fori_loop(0, (zrows + CH - 1) // CH, zinit, 0)
  plsc.subcore_barrier()

  def chunk(i, _):
    off = s * EPT + i * CH
    pltpu.sync_copy(src_hbm.at[pl.ds(off, CH)], src_v)
    pltpu.sync_copy(dst_hbm.at[pl.ds(off, CH)], dst_v)

    def vb(g, _):
      d = dst_v[pl.ds(g * 16, 16)]
      dp = d - base
      owned = plsc.bitcast(dp, jnp.uint32) < jnp.uint32(HALF)
      idx_v[pl.ds(g * 16, 16)] = jnp.where(owned, dp, HALF + lanes)
      return 0

    lax.fori_loop(0, CH // 16, vb, 0)
    pltpu.async_copy(xs_hbm.at[src_v], rows_v, sem).wait()

    def repack(e, _):
      rows32_v[e, pl.ds(0, 16)] = rows_v[e, pl.ds(0, 16)]
      rows32_v[e, pl.ds(16, 16)] = rows_v[e, pl.ds(16, 16)]
      return 0

    lax.fori_loop(0, CH, repack, 0)
    pltpu.sync_copy(rows32_v, acc_sh.at[idx_v], add=True)
    return 0

  lax.fori_loop(0, EPT // CH, chunk, 0)
  plsc.subcore_barrier()

  def wb(k, _):
    mkidx(s * zrows + k * CH, False)
    pltpu.async_copy(acc_sh.at[idx_v], rows32_v, sem).wait()
    pltpu.sync_copy(rows32_v, out_hbm.at[c, pl.ds(s * zrows + k * CH, CH)])
    return 0

  lax.fori_loop(0, zrows // CH, wb, 0)
  toff = s * zrows + (zrows // CH) * CH
  idx8_v[...] = jnp.minimum(toff + lanes, SUM_ACC_R - 1)
  pltpu.async_copy(acc_sh.at[idx8_v], rows8_v, sem).wait()
  pltpu.sync_copy(rows8_v.at[pl.ds(0, zrows % CH)],
                  out_hbm.at[c, pl.ds(toff, zrows % CH)])


@functools.partial(
    pl.kernel,
    out_type=(jax.ShapeDtypeStruct((NC, SUM_ACC_R, 16), jnp.float32),
              jax.ShapeDtypeStruct((NC, SUM_ACC_R, 16), jnp.float32)),
    mesh=_mesh(),
    scratch_types=[
        pltpu.VMEM_SHARED((SUM_ACC_R, 16), jnp.float32),
        pltpu.VMEM_SHARED((SUM_ACC_R, 16), jnp.float32),
        pltpu.VMEM((CH,), jnp.int32),
        pltpu.VMEM((CH,), jnp.int32),
        pltpu.VMEM((CH, 16), jnp.float32),
        pltpu.VMEM((CH, 16), jnp.float32),
        pltpu.VMEM((16,), jnp.int32),
        pltpu.VMEM((16, 16), jnp.float32),
        pltpu.SemaphoreType.DMA,
    ],
    compiler_params=pltpu.CompilerParams(needs_layout_passes=False),
)
def _sc_counts(dst1_hbm, dst3_hbm, out1_hbm, out3_hbm,
               acc1_sh, acc3_sh, dst_v, idx_v, ones_v, zb_v, idx8_v,
               rows8_v, sem):
  c = lax.axis_index("c")
  s = lax.axis_index("s")
  base = c * HALF
  zrows = SUM_ACC_R // NS
  lanes = lax.iota(jnp.int32, 16)

  one = jnp.full((16,), 1.0, jnp.float32)
  zv = jnp.zeros((16,), jnp.float32)

  def fill(i, _):
    ones_v[i, :] = one
    zb_v[i, :] = zv
    return 0

  lax.fori_loop(0, CH, fill, 0)

  def mkidx(row0, clamp):
    def bidx(g, _):
      v = row0 + g * 16 + lanes
      if clamp:
        v = jnp.minimum(v, SUM_ACC_R - 1)
      idx_v[pl.ds(g * 16, 16)] = v
      return 0

    lax.fori_loop(0, CH // 16, bidx, 0)

  for acc_sh in (acc1_sh, acc3_sh):

    def zinit(k, _):
      mkidx(s * zrows + k * CH, True)
      pltpu.sync_copy(zb_v, acc_sh.at[idx_v])
      return 0

    lax.fori_loop(0, (zrows + CH - 1) // CH, zinit, 0)

  plsc.subcore_barrier()

  for dst_hbm, acc_sh in ((dst1_hbm, acc1_sh), (dst3_hbm, acc3_sh)):

    def chunk(i, _):
      off = s * EPT + i * CH
      pltpu.sync_copy(dst_hbm.at[pl.ds(off, CH)], dst_v)

      def vb(g, _):
        d = dst_v[pl.ds(g * 16, 16)]
        dp = d - base
        owned = plsc.bitcast(dp, jnp.uint32) < jnp.uint32(HALF)
        idx_v[pl.ds(g * 16, 16)] = jnp.where(owned, dp, HALF + lanes)
        return 0

      lax.fori_loop(0, CH // 16, vb, 0)
      pltpu.sync_copy(ones_v, acc_sh.at[idx_v], add=True)
      return 0

    lax.fori_loop(0, EPT // CH, chunk, 0)

  plsc.subcore_barrier()

  for acc_sh, o_hbm in ((acc1_sh, out1_hbm), (acc3_sh, out3_hbm)):

    def wb(k, _):
      mkidx(s * zrows + k * CH, False)
      pltpu.async_copy(acc_sh.at[idx_v], zb_v, sem).wait()
      pltpu.sync_copy(zb_v, o_hbm.at[c, pl.ds(s * zrows + k * CH, CH)])
      return 0

    lax.fori_loop(0, zrows // CH, wb, 0)
    toff = s * zrows + (zrows // CH) * CH
    idx8_v[...] = jnp.minimum(toff + lanes, SUM_ACC_R - 1)
    pltpu.async_copy(acc_sh.at[idx8_v], rows8_v, sem).wait()
    pltpu.sync_copy(rows8_v.at[pl.ds(0, zrows % CH)],
                    o_hbm.at[c, pl.ds(toff, zrows % CH)])


@functools.partial(
    pl.kernel,
    out_type=jax.ShapeDtypeStruct((NC * NS * MOUT,), jnp.float32),
    mesh=_mesh(),
    scratch_types=[
        pltpu.VMEM((MAFL,), jnp.float32),
        pltpu.VMEM((MCH,), jnp.int32),
        pltpu.VMEM((MCH,), jnp.int32),
        pltpu.VMEM((MCAP,), jnp.int32),
        pltpu.VMEM((MCAP,), jnp.int32),
        pltpu.VMEM((MP, 128), jnp.float32),
        pltpu.SemaphoreType.DMA,
    ],
    compiler_params=pltpu.CompilerParams(needs_layout_passes=False),
)
def _sc_segmax(y_hbm, src_hbm, dst_hbm, ninf_hbm, out_hbm,
               acc_v, src_v, dst_v, csrc_v, cdst_v, rows_v, sem):
  c = lax.axis_index("c")
  s = lax.axis_index("s")
  wid = s * NC + c
  base = wid * BLK

  pltpu.sync_copy(ninf_hbm, acc_v)

  lanes = lax.iota(jnp.int32, 16)

  def initc(g, _):
    cdst_v[pl.ds(g * 16, 16)] = BLK + lanes
    csrc_v[pl.ds(g * 16, 16)] = lanes * 512 + g
    return 0

  lax.fori_loop(0, MCAP // 16, initc, 0)

  def fire():
    pltpu.async_copy(y_hbm.at[csrc_v.at[pl.ds(0, MP)]], rows_v, sem).wait()

    def rmw(e, _):
      dp = cdst_v[pl.ds(e, 16)][0]
      a0 = acc_v[pl.ds(dp * D, 16)]
      r0 = rows_v[e, pl.ds(0, 16)]
      acc_v[pl.ds(dp * D, 16)] = jnp.maximum(a0, r0)
      a1 = acc_v[pl.ds(dp * D + 16, 16)]
      r1 = rows_v[e, pl.ds(16, 16)]
      acc_v[pl.ds(dp * D + 16, 16)] = jnp.maximum(a1, r1)
      return 0

    lax.fori_loop(0, MP, rmw, 0)

    def shift(g, _):
      cdst_v[pl.ds(g * 16, 16)] = cdst_v[pl.ds(MP + g * 16, 16)]
      csrc_v[pl.ds(g * 16, 16)] = csrc_v[pl.ds(MP + g * 16, 16)]
      return 0

    lax.fori_loop(0, (MCAP - MP) // 16, shift, 0)

  def fire_n(n):
    lax.fori_loop(0, n, lambda i, _: (fire(), 0)[1], 0)

  def chunk(i, cur):
    off = i * MCH
    pltpu.sync_copy(src_hbm.at[pl.ds(off, MCH)], src_v)
    pltpu.sync_copy(dst_hbm.at[pl.ds(off, MCH)], dst_v)

    def vb(g, cur):
      d = dst_v[pl.ds(g * 16, 16)]
      sv = src_v[pl.ds(g * 16, 16)]
      dp = d - base
      owned = plsc.bitcast(dp, jnp.uint32) < jnp.uint32(BLK)
      cs = plsc.cumsum(jnp.where(owned, jnp.int32(1), jnp.int32(0)))
      pos = jnp.where(owned, cur + cs - 1, jnp.int32(MCAP - 16) + lanes)
      plsc.store_scatter(cdst_v, [pos], jnp.where(owned, dp, jnp.int32(BLK)))
      plsc.store_scatter(csrc_v, [pos], jnp.where(owned, sv, lanes * 97 + 8))
      return cur + cs[15]

    cur = lax.fori_loop(0, MCH // 16, vb, cur)
    nf = cur // MP
    fire_n(nf)
    return cur - nf * MP

  cur = lax.fori_loop(0, E // MCH, chunk, jnp.int32(0))
  fire()

  pltpu.sync_copy(acc_v.at[pl.ds(0, MOUT)], out_hbm.at[pl.ds(wid * MOUT, MOUT)])


def _prep_body(x_ref, sid_ref, w4_ref, w5_ref, xs_ref, xsp_ref, y4_ref,
               y5_ref):
  xs = x_ref[...] * (1.0 + sid_ref[...].astype(jnp.float32))
  xs_ref[...] = xs
  pad = jnp.zeros((xs.shape[0], 128 - D), jnp.float32)
  xsp_ref[...] = jnp.concatenate([xs, pad], axis=1)
  y4 = jnp.dot(xs, w4_ref[...], preferred_element_type=jnp.float32)
  y5 = jnp.dot(xs, w5_ref[...], preferred_element_type=jnp.float32)
  y4_ref[...] = jnp.concatenate([y4, pad], axis=1)
  y5_ref[...] = jnp.concatenate([y5, pad], axis=1)


def _prep(x, sid, w4, w5):
  blk = _ROWBLK
  return pl.pallas_call(
      _prep_body,
      grid=(_GRID,),
      in_specs=[
          pl.BlockSpec((blk, D), lambda i: (i, 0)),
          pl.BlockSpec((blk, 1), lambda i: (i, 0)),
          pl.BlockSpec((D, D), lambda i: (0, 0)),
          pl.BlockSpec((D, D), lambda i: (0, 0)),
      ],
      out_specs=[
          pl.BlockSpec((blk, D), lambda i: (i, 0)),
          pl.BlockSpec((blk, 128), lambda i: (i, 0)),
          pl.BlockSpec((blk, 128), lambda i: (i, 0)),
          pl.BlockSpec((blk, 128), lambda i: (i, 0)),
      ],
      out_shape=[jax.ShapeDtypeStruct((N, D), jnp.float32),
                 jax.ShapeDtypeStruct((N, 128), jnp.float32),
                 jax.ShapeDtypeStruct((N, 128), jnp.float32),
                 jax.ShapeDtypeStruct((N, 128), jnp.float32)],
  )(x, sid, w4, w5)


def _finish_body(xs_ref, s1_ref, s2_ref, s3_ref, c1_ref, c3_ref, m4_ref,
                 m5_ref, w1_ref, w2_ref, w3_ref, lhw_ref, lhb_ref, dw1_ref,
                 db1_ref, dw2_ref, db2_ref, out_ref):
  f32 = jnp.float32
  c1 = jnp.clip(c1_ref[...][:, 0:1], 1.0, None)
  c3 = jnp.clip(c3_ref[...][:, 0:1], 1.0, None)
  m4 = m4_ref[...]
  m4 = jnp.where(jnp.isfinite(m4), m4, 0.0)
  m5 = m5_ref[...]
  m5 = jnp.where(jnp.isfinite(m5), m5, 0.0)
  h = (xs_ref[...]
       + jnp.dot(s1_ref[...], w1_ref[...], preferred_element_type=f32) / c1
       + jnp.dot(s2_ref[...], w2_ref[...], preferred_element_type=f32)
       + jnp.dot(s3_ref[...], w3_ref[...], preferred_element_type=f32) / c3
       + m4 + m5)
  h = jnp.maximum(h, 0.0)
  feat = jnp.dot(h, lhw_ref[...], preferred_element_type=f32) + lhb_ref[...]
  z = jnp.maximum(
      jnp.dot(feat, dw1_ref[...], preferred_element_type=f32) + db1_ref[...],
      0.0)
  logit = jnp.dot(z, dw2_ref[...], preferred_element_type=f32) + db2_ref[...]
  out_ref[...] = jax.nn.sigmoid(logit)


def _finish(xs, s1, s2, s3, c1, c3, m4, m5, w1, w2, w3, lhw, lhb, dw1, db1,
            dw2, db2):
  blk = _ROWBLK
  row = lambda r, cdim: pl.BlockSpec((blk, cdim), lambda i: (i, 0))
  full = lambda a: pl.BlockSpec(a.shape, lambda i: (0,) * a.ndim)
  return pl.pallas_call(
      _finish_body,
      grid=(_GRID,),
      in_specs=[
          row(xs, D), row(s1, D), row(s2, D), row(s3, D),
          row(c1, 16), row(c3, 16), row(m4, D), row(m5, D),
          full(w1), full(w2), full(w3), full(lhw), full(lhb),
          full(dw1), full(db1), full(dw2), full(db2),
      ],
      out_specs=pl.BlockSpec((blk, 1), lambda i: (i, 0)),
      out_shape=jax.ShapeDtypeStruct((N, 1), jnp.float32),
  )(xs, s1, s2, s3, c1, c3, m4, m5, w1, w2, w3, lhw, lhb, dw1, db1, dw2, db2)


def kernel(x_stroke, edge_intersects, edge_temp_previous, edge_represented_by,
           edge_brepcoplanar, edge_strokecoplanar, sketch_strokes_id,
           W_intersects, W_temp_previous, W_represented_by, W_brepcoplanar,
           W_strokecoplanar, local_head_w, local_head_b, dec_w1, dec_b1,
           dec_w2, dec_b2):
  xs, xsp, y4, y5 = _prep(x_stroke, sketch_strokes_id, W_brepcoplanar,
                          W_strokecoplanar)

  ninf = jnp.full((MAFL,), -jnp.inf, jnp.float32)

  s1 = _sc_segsum(xsp, edge_intersects[0], edge_intersects[1])
  s2 = _sc_segsum(xsp, edge_temp_previous[0], edge_temp_previous[1])
  s3 = _sc_segsum(xsp, edge_represented_by[0], edge_represented_by[1])
  c1, c3 = _sc_counts(edge_intersects[1], edge_represented_by[1])
  m4 = _sc_segmax(y4, edge_brepcoplanar[0], edge_brepcoplanar[1], ninf)
  m5 = _sc_segmax(y5, edge_strokecoplanar[0], edge_strokecoplanar[1], ninf)

  s1, s2, s3 = (t[:, :HALF].reshape(N, D) for t in (s1, s2, s3))
  c1, c3 = (t[:, :HALF].reshape(N, 16) for t in (c1, c3))
  m4, m5 = (t.reshape(NC * NS, BLK + 3, D)[:, :BLK].reshape(N, D)
            for t in (m4, m5))

  return _finish(xs, s1, s2, s3, c1, c3, m4, m5, W_intersects,
                 W_temp_previous, W_represented_by, local_head_w,
                 local_head_b.reshape(1, -1), dec_w1, dec_b1.reshape(1, -1),
                 dec_w2, dec_b2.reshape(1, -1))

# --- scband reference (transcript-rebuilt; emitter-appended) ---
"""Pipeline reference for scband-extruding-stroke-prediction-14053132993281 (READ-ONLY COPY).

The authoritative reference and input builder live on the scoring server;
editing this copy changes nothing except your own understanding.
"""

import jax, jax.numpy as jnp
import numpy as np

N = 100000
E = 1600000
D = 32
H = 64


def setup_inputs(seed: int = 0) -> dict:
    key = jax.random.key(seed)
    ks = jax.random.split(key, 20)
    inp = {}
    inp['x_stroke'] = jax.random.normal(ks[0], (N, D), dtype=jnp.float32)
    rel_names = ['intersects', 'temp_previous', 'represented_by', 'brepcoplanar', 'strokecoplanar']
    for i, nm in enumerate(rel_names):
        inp['edge_' + nm] = jax.random.randint(ks[1 + i], (2, E), 0, N)
    inp['sketch_strokes_id'] = jax.random.randint(ks[6], (N, 1), 0, 2)
    # learned parameters (ResidualGeneralHeteroConvBlock: one 32x32 weight per relation)
    for i, nm in enumerate(rel_names):
        inp['W_' + nm] = jax.random.normal(ks[7 + i], (D, D), dtype=jnp.float32) * 0.1
    inp['local_head_w'] = jax.random.normal(ks[12], (D, H), dtype=jnp.float32) * 0.1
    inp['local_head_b'] = jnp.zeros((H,), dtype=jnp.float32)
    inp['dec_w1'] = jax.random.normal(ks[13], (H, H), dtype=jnp.float32) * 0.1
    inp['dec_b1'] = jnp.zeros((H,), dtype=jnp.float32)
    inp['dec_w2'] = jax.random.normal(ks[14], (H, 1), dtype=jnp.float32) * 0.1
    inp['dec_b2'] = jnp.zeros((1,), dtype=jnp.float32)
    return inp


def reference(x_stroke, edge_intersects, edge_temp_previous, edge_represented_by,
              edge_brepcoplanar, edge_strokecoplanar, sketch_strokes_id,
              W_intersects, W_temp_previous, W_represented_by, W_brepcoplanar,
              W_strokecoplanar, local_head_w, local_head_b, dec_w1, dec_b1,
              dec_w2, dec_b2):
    n = x_stroke.shape[0]
    sid = sketch_strokes_id.astype(jnp.float32)
    # connected_strokes_mask (dead code in original forward, kept for fidelity;
    # the python edge loop is vectorized as scatter-max of indicators)
    src_i, dst_i = edge_intersects[0], edge_intersects[1]
    is_sk = (sketch_strokes_id.reshape(-1) == 1).astype(jnp.float32)
    mask = jnp.zeros((n,), jnp.float32)
    mask = mask.at[dst_i].max(is_sk[src_i])
    mask = mask.at[src_i].max(is_sk[dst_i])
    _ = mask  # unused, as in original

    xs = x_stroke + x_stroke * sid

    def agg_mean(ei, W):
        m = xs[ei[0]] @ W
        s = jax.ops.segment_sum(m, ei[1], num_segments=n)
        cnt = jax.ops.segment_sum(jnp.ones((ei.shape[1],), jnp.float32), ei[1], num_segments=n)
        return s / jnp.clip(cnt, 1.0)[:, None]

    def agg_add(ei, W):
        return jax.ops.segment_sum(xs[ei[0]] @ W, ei[1], num_segments=n)

    def agg_max(ei, W):
        m = jax.ops.segment_max(xs[ei[0]] @ W, ei[1], num_segments=n)
        return jnp.where(jnp.isfinite(m), m, 0.0)

    h = xs
    h = h + agg_mean(edge_intersects, W_intersects)
    h = h + agg_add(edge_temp_previous, W_temp_previous)
    h = h + agg_mean(edge_represented_by, W_represented_by)
    h = h + agg_max(edge_brepcoplanar, W_brepcoplanar)
    h = h + agg_max(edge_strokecoplanar, W_strokecoplanar)
    h = jax.nn.relu(h)  # residual hetero conv block output

    feat = h @ local_head_w + local_head_b
    z = jax.nn.relu(feat @ dec_w1 + dec_b1)
    out = jax.nn.sigmoid(z @ dec_w2 + dec_b2)
    return out

if __name__ == "__main__":
    import jax
    _d = setup_inputs()
    print(jax.jit(kernel)(*tuple(_d.values())))

</pallas_src>

<mosaic_0001>
#map = affine_map<(d0, d1) -> (0, 0)>
#map1 = affine_map<(d0, d1) -> (0)>
#map2 = affine_map<(d0, d1) -> (0, 0, 0)>
module attributes {stable_mosaic.version = 14 : i64} {
  func.func @_sc_segsum(%arg0: i32, %arg1: i32, %arg2: memref<100000x128xf32, #tpu.memory_space<hbm>>, %arg3: memref<1600000xi32, #tpu.memory_space<hbm>>, %arg4: memref<1600000xi32, #tpu.memory_space<hbm>>, %arg5: memref<2x50048x32xf32, #tpu.memory_space<hbm>>, %arg6: memref<50048x32xf32, #tpu.memory_space<vmem_shared>>, %arg7: memref<80xi32, #tpu.memory_space<vmem>>, %arg8: memref<80xi32, #tpu.memory_space<vmem>>, %arg9: memref<80xi32, #tpu.memory_space<vmem>>, %arg10: memref<80x128xf32, #tpu.memory_space<vmem>>, %arg11: memref<80x32xf32, #tpu.memory_space<vmem>>, %arg12: memref<16xi32, #tpu.memory_space<vmem>>, %arg13: memref<16x32xf32, #tpu.memory_space<vmem>>, %arg14: memref<!tpu.dma_semaphore, #tpu.memory_space<semaphore_mem>>) attributes {dimension_semantics = [#tpu.dimension_semantics<core_parallel>, #tpu.dimension_semantics<subcore_parallel>], iteration_bounds = array<i64: 2, 16>, scalar_prefetch = 0 : i64, scratch_operands = 9 : i64, tpu.core_type = #tpu.core_type<sc_vector_subcore>, window_params = [{transform_indices = #map}, {transform_indices = #map1}, {transform_indices = #map1}, {transform_indices = #map2}]} {
    %mul3A = arith.constant 50000 : i32
    %mul3A_0 = arith.muli %arg0, %mul3A : i32
    %iota3A = tpu.iota {dimensions = array<i32: 0>} : vector<16xi32>
    %broadcast_in_dim3A = arith.constant 0.000000e+00 : f32
    %broadcast_in_dim3A_1 = vector.broadcast %broadcast_in_dim3A : f32 to vector<16xf32>
    %scan3A = arith.constant 0 : i32
    %scan3A_2 = arith.constant 0 : i32
    %scan3A_3 = arith.constant 80 : i32
    %scan3A_4 = arith.addi %scan3A_2, %scan3A_3 : i32
    %scan3A_5 = arith.constant 1 : i32
    %scan3A_6 = scf.for %scan3A_42 = %scan3A_2 to %scan3A_4 step %scan3A_5 iter_args(%scan3A_43 = %scan3A) -> (i32)  : i32 {
      %swap3A_44 = arith.index_cast %scan3A_42 : i32 to index
      %swap3A_45 = arith.constant 0 : index
      %swap3A_46 = tpu.vector_load %arg11[%swap3A_44, %swap3A_45] {strides = array<i32>} : memref<80x32xf32, #tpu.memory_space<vmem>>, vector<16xf32>,
      tpu.vector_store %arg11[%swap3A_44, %swap3A_45], %broadcast_in_dim3A_1 {strides = array<i32>} : memref<80x32xf32, #tpu.memory_space<vmem>>, vector<16xf32>,
      %swap3A_47 = arith.index_cast %scan3A_42 : i32 to index
      %swap3A_48 = arith.constant 16 : index
      %swap3A_49 = tpu.vector_load %arg11[%swap3A_47, %swap3A_48] {strides = array<i32>} : memref<80x32xf32, #tpu.memory_space<vmem>>, vector<16xf32>,
      tpu.vector_store %arg11[%swap3A_47, %swap3A_48], %broadcast_in_dim3A_1 {strides = array<i32>} : memref<80x32xf32, #tpu.memory_space<vmem>>, vector<16xf32>,
      %scan3A_50 = arith.constant 0 : i32
      scf.yield %scan3A_50 : i32
    }
    %scan3A_7 = arith.constant 80 : i32
    %scan3A_8 = arith.constant 0 : i32
    %scan3A_9 = arith.constant 0 : i32
    %scan3A_10 = arith.constant 40 : i32
    %scan3A_11 = arith.addi %scan3A_9, %scan3A_10 : i32
    %scan3A_12 = arith.constant 1 : i32
    %scan3A_13 = scf.for %scan3A_42 = %scan3A_9 to %scan3A_11 step %scan3A_12 iter_args(%scan3A_43 = %scan3A_8) -> (i32)  : i32 {
      %mul3A_44 = arith.constant 3128 : i32
      %mul3A_45 = arith.muli %arg1, %mul3A_44 : i32
      %mul3A_46 = arith.constant 80 : i32
      %mul3A_47 = arith.muli %scan3A_42, %mul3A_46 : i32
      %add3A_48 = arith.addi %mul3A_45, %mul3A_47 : i32
      %scan3A_49 = arith.constant 0 : i32
      %scan3A_50 = arith.constant 0 : i32
      %scan3A_51 = arith.constant 5 : i32
      %scan3A_52 = arith.addi %scan3A_50, %scan3A_51 : i32
      %scan3A_53 = arith.constant 1 : i32
      %scan3A_54 = scf.for %scan3A_57 = %scan3A_50 to %scan3A_52 step %scan3A_53 iter_args(%scan3A_58 = %scan3A_49) -> (i32)  : i32 {
        %mul3A_59 = arith.constant 16 : i32
        %mul3A_60 = arith.muli %scan3A_57, %mul3A_59 : i32
        %add3A_61 = arith.addi %add3A_48, %mul3A_60 : i32
        %add3A_62 = vector.broadcast %add3A_61 : i32 to vector<16xi32>
        %add3A_63 = arith.addi %add3A_62, %iota3A : vector<16xi32>
        %min3A_64 = arith.constant 50047 : i32
        %min3A_65 = vector.broadcast %min3A_64 : i32 to vector<16xi32>
        %min3A_66 = arith.minsi %add3A_63, %min3A_65 : vector<16xi32>
        %mul3A_67 = arith.constant 16 : i32
        %mul3A_68 = arith.muli %scan3A_57, %mul3A_67 : i32
        %swap3A_69 = arith.index_cast %mul3A_68 : i32 to index
        %swap3A_70 = tpu.vector_load %arg9[%swap3A_69] {strides = array<i32>} : memref<80xi32, #tpu.memory_space<vmem>>, vector<16xi32>,
        tpu.vector_store %arg9[%swap3A_69], %min3A_66 {strides = array<i32>} : memref<80xi32, #tpu.memory_space<vmem>>, vector<16xi32>,
        %scan3A_71 = arith.constant 0 : i32
        scf.yield %scan3A_71 : i32
      }
      %scan3A_55 = arith.constant 5 : i32
      "tpu.region"() ({
        %run_scoped3A = tpu.sem_alloc : memref<!tpu.dma_semaphore, #tpu.memory_space<semaphore_mem>>
        %dma_start3A_57 = arith.constant 0 : i32
        %dma_start3A_58 = arith.constant 0 : i32
        %dma_start3A_59 = tpu.memref_slice %arg6[%dma_start3A_57, %dma_start3A_58] : memref<50048x32xf32, #tpu.memory_space<vmem_shared>> -> memref<50048x32xf32, #tpu.memory_space<vmem_shared>>
        tpu.enqueue_indirect_dma source(%arg11 : memref<80x32xf32, #tpu.memory_space<vmem>>) target(%dma_start3A_59 : memref<50048x32xf32, #tpu.memory_space<vmem_shared>>) offsets(%arg9 : memref<80xi32, #tpu.memory_space<vmem>>) semaphore(%run_scoped3A : memref<!tpu.dma_semaphore, #tpu.memory_space<semaphore_mem>>)
        %dma_wait3A_60 = arith.constant 0 : i32
        %dma_wait3A_61 = arith.constant 0 : i32
        %dma_wait3A_62 = tpu.memref_slice %arg6[%dma_wait3A_60, %dma_wait3A_61] : memref<50048x32xf32, #tpu.memory_space<vmem_shared>> -> memref<50048x32xf32, #tpu.memory_space<vmem_shared>>
        tpu.wait_indirect_dma semaphore(%run_scoped3A : memref<!tpu.dma_semaphore, #tpu.memory_space<semaphore_mem>>) src(%arg11 : memref<80x32xf32, #tpu.memory_space<vmem>>) dst(%dma_wait3A_62 : memref<50048x32xf32, #tpu.memory_space<vmem_shared>>)
        tpu.yield
      }) : () -> ()
      %scan3A_56 = arith.constant 0 : i32
      scf.yield %scan3A_56 : i32
    }
    %scan3A_14 = arith.constant 40 : i32
    %barrier3A = arith.constant 0 : index
    tpu.barrier barrier_id(%barrier3A)
    %scan3A_15 = arith.constant 0 : i32
    %scan3A_16 = arith.constant 0 : i32
    %scan3A_17 = arith.constant 1250 : i32
    %scan3A_18 = arith.addi %scan3A_16, %scan3A_17 : i32
    %scan3A_19 = arith.constant 1 : i32
    %scan3A_20 = scf.for %scan3A_42 = %scan3A_16 to %scan3A_18 step %scan3A_19 iter_args(%scan3A_43 = %scan3A_15) -> (i32)  : i32 {
      %mul3A_44 = arith.constant 100000 : i32
      %mul3A_45 = arith.muli %arg1, %mul3A_44 : i32
      %mul3A_46 = arith.constant 80 : i32
      %mul3A_47 = arith.muli %scan3A_42, %mul3A_46 : i32
      %add3A_48 = arith.addi %mul3A_45, %mul3A_47 : i32
      "tpu.region"() ({
        %run_scoped3A = tpu.sem_alloc : memref<!tpu.dma_semaphore, #tpu.memory_space<semaphore_mem>>
        %dma_start3A_70 = tpu.memref_slice %arg3[%add3A_48] : memref<1600000xi32, #tpu.memory_space<hbm>> -> memref<80xi32, #tpu.memory_space<hbm>>
        %dma_start3A_71 = tpu.memref_slice %arg3[%add3A_48] : memref<1600000xi32, #tpu.memory_space<hbm>> -> memref<80xi32, #tpu.memory_space<hbm>>
        tpu.enqueue_dma source(%dma_start3A_71 : memref<80xi32, #tpu.memory_space<hbm>>) target(%arg7 : memref<80xi32, #tpu.memory_space<vmem>>) target_semaphore(%run_scoped3A : memref<!tpu.dma_semaphore, #tpu.memory_space<semaphore_mem>>)
        %dma_wait3A_72 = tpu.memref_slice %arg3[%add3A_48] : memref<1600000xi32, #tpu.memory_space<hbm>> -> memref<80xi32, #tpu.memory_space<hbm>>
        %dma_wait3A_73 = tpu.memref_slice %arg3[%add3A_48] : memref<1600000xi32, #tpu.memory_space<hbm>> -> memref<80xi32, #tpu.memory_space<hbm>>
        tpu.wait_dma2 semaphore(%run_scoped3A : memref<!tpu.dma_semaphore, #tpu.memory_space<semaphore_mem>>) src(%dma_wait3A_73 : memref<80xi32, #tpu.memory_space<hbm>>) dst(%arg7 : memref<80xi32, #tpu.memory_space<vmem>>)
        tpu.yield
      }) : () -> ()
      "tpu.region"() ({
        %run_scoped3A = tpu.sem_alloc : memref<!tpu.dma_semaphore, #tpu.memory_space<semaphore_mem>>
        %dma_start3A_70 = tpu.memref_slice %arg4[%add3A_48] : memref<1600000xi32, #tpu.memory_space<hbm>> -> memref<80xi32, #tpu.memory_space<hbm>>
        %dma_start3A_71 = tpu.memref_slice %arg4[%add3A_48] : memref<1600000xi32, #tpu.memory_space<hbm>> -> memref<80xi32, #tpu.memory_space<hbm>>
        tpu.enqueue_dma source(%dma_start3A_71 : memref<80xi32, #tpu.memory_space<hbm>>) target(%arg8 : memref<80xi32, #tpu.memory_space<vmem>>) target_semaphore(%run_scoped3A : memref<!tpu.dma_semaphore, #tpu.memory_space<semaphore_mem>>)
        %dma_wait3A_72 = tpu.memref_slice %arg4[%add3A_48] : memref<1600000xi32, #tpu.memory_space<hbm>> -> memref<80xi32, #tpu.memory_space<hbm>>
        %dma_wait3A_73 = tpu.memref_slice %arg4[%add3A_48] : memref<1600000xi32, #tpu.memory_space<hbm>> -> memref<80xi32, #tpu.memory_space<hbm>>
        tpu.wait_dma2 semaphore(%run_scoped3A : memref<!tpu.dma_semaphore, #tpu.memory_space<semaphore_mem>>) src(%dma_wait3A_73 : memref<80xi32, #tpu.memory_space<hbm>>) dst(%arg8 : memref<80xi32, #tpu.memory_space<vmem>>)
        tpu.yield
      }) : () -> ()
      %scan3A_49 = arith.constant 0 : i32
      %scan3A_50 = arith.constant 0 : i32
      %scan3A_51 = arith.constant 5 : i32
      %scan3A_52 = arith.addi %scan3A_50, %scan3A_51 : i32
      %scan3A_53 = arith.constant 1 : i32
      %scan3A_54 = scf.for %scan3A_70 = %scan3A_50 to %scan3A_52 step %scan3A_53 iter_args(%scan3A_71 = %scan3A_49) -> (i32)  : i32 {
        %mul3A_72 = arith.constant 16 : i32
        %mul3A_73 = arith.muli %scan3A_70, %mul3A_72 : i32
        %get3A = arith.index_cast %mul3A_73 : i32 to index
        %get3A_74 = tpu.vector_load %arg8[%get3A] {strides = array<i32>} : memref<80xi32, #tpu.memory_space<vmem>>, vector<16xi32>,
        %sub3A = vector.broadcast %mul3A_0 : i32 to vector<16xi32>
        %sub3A_75 = arith.subi %get3A_74, %sub3A : vector<16xi32>
        %bitcast3A = vector.bitcast %sub3A_75 : vector<16xi32> to vector<16xi32>
        %lt3A = arith.constant 50000 : i32
        %lt3A_76 = vector.broadcast %lt3A : i32 to vector<16xi32>
        %lt3A_77 = arith.cmpi ult, %bitcast3A, %lt3A_76 : vector<16xi32>
        %add3A_78 = arith.constant 50000 : i32
        %add3A_79 = vector.broadcast %add3A_78 : i32 to vector<16xi32>
        %add3A_80 = arith.addi %add3A_79, %iota3A : vector<16xi32>
        %select_n3A = arith.select %lt3A_77, %sub3A_75, %add3A_80 : vector<16xi1>, vector<16xi32>
        %mul3A_81 = arith.constant 16 : i32
        %mul3A_82 = arith.muli %scan3A_70, %mul3A_81 : i32
        %swap3A_83 = arith.index_cast %mul3A_82 : i32 to index
        %swap3A_84 = tpu.vector_load %arg9[%swap3A_83] {strides = array<i32>} : memref<80xi32, #tpu.memory_space<vmem>>, vector<16xi32>,
        tpu.vector_store %arg9[%swap3A_83], %select_n3A {strides = array<i32>} : memref<80xi32, #tpu.memory_space<vmem>>, vector<16xi32>,
        %scan3A_85 = arith.constant 0 : i32
        scf.yield %scan3A_85 : i32
      }
      %scan3A_55 = arith.constant 5 : i32
      %dma_start3A_56 = arith.constant 0 : i32
      %dma_start3A_57 = arith.constant 0 : i32
      %dma_start3A_58 = tpu.memref_slice %arg2[%dma_start3A_56, %dma_start3A_57] : memref<100000x128xf32, #tpu.memory_space<hbm>> -> memref<100000x128xf32, #tpu.memory_space<hbm>>
      tpu.enqueue_indirect_dma source(%dma_start3A_58 : memref<100000x128xf32, #tpu.memory_space<hbm>>) target(%arg10 : memref<80x128xf32, #tpu.memory_space<vmem>>) offsets(%arg7 : memref<80xi32, #tpu.memory_space<vmem>>) semaphore(%arg14 : memref<!tpu.dma_semaphore, #tpu.memory_space<semaphore_mem>>)
      %dma_wait3A_59 = arith.constant 0 : i32
      %dma_wait3A_60 = arith.constant 0 : i32
      %dma_wait3A_61 = tpu.memref_slice %arg2[%dma_wait3A_59, %dma_wait3A_60] : memref<100000x128xf32, #tpu.memory_space<hbm>> -> memref<100000x128xf32, #tpu.memory_space<hbm>>
      tpu.wait_indirect_dma semaphore(%arg14 : memref<!tpu.dma_semaphore, #tpu.memory_space<semaphore_mem>>) src(%dma_wait3A_61 : memref<100000x128xf32, #tpu.memory_space<hbm>>) dst(%arg10 : memref<80x128xf32, #tpu.memory_space<vmem>>)
      %scan3A_62 = arith.constant 0 : i32
      %scan3A_63 = arith.constant 0 : i32
      %scan3A_64 = arith.constant 80 : i32
      %scan3A_65 = arith.addi %scan3A_63, %scan3A_64 : i32
      %scan3A_66 = arith.constant 1 : i32
      %scan3A_67 = scf.for %scan3A_70 = %scan3A_63 to %scan3A_65 step %scan3A_66 iter_args(%scan3A_71 = %scan3A_62) -> (i32)  : i32 {
        %get3A = arith.index_cast %scan3A_70 : i32 to index
        %get3A_72 = arith.constant 0 : index
        %get3A_73 = tpu.vector_load %arg10[%get3A, %get3A_72] {strides = array<i32>} : memref<80x128xf32, #tpu.memory_space<vmem>>, vector<16xf32>,
        %swap3A_74 = arith.index_cast %scan3A_70 : i32 to index
        %swap3A_75 = arith.constant 0 : index
        %swap3A_76 = tpu.vector_load %arg11[%swap3A_74, %swap3A_75] {strides = array<i32>} : memref<80x32xf32, #tpu.memory_space<vmem>>, vector<16xf32>,
        tpu.vector_store %arg11[%swap3A_74, %swap3A_75], %get3A_73 {strides = array<i32>} : memref<80x32xf32, #tpu.memory_space<vmem>>, vector<16xf32>,
        %get3A_77 = arith.index_cast %scan3A_70 : i32 to index
        %get3A_78 = arith.constant 16 : index
        %get3A_79 = tpu.vector_load %arg10[%get3A_77, %get3A_78] {strides = array<i32>} : memref<80x128xf32, #tpu.memory_space<vmem>>, vector<16xf32>,
        %swap3A_80 = arith.index_cast %scan3A_70 : i32 to index
        %swap3A_81 = arith.constant 16 : index
        %swap3A_82 = tpu.vector_load %arg11[%swap3A_80, %swap3A_81] {strides = array<i32>} : memref<80x32xf32, #tpu.memory_space<vmem>>, vector<16xf32>,
        tpu.vector_store %arg11[%swap3A_80, %swap3A_81], %get3A_79 {strides = array<i32>} : memref<80x32xf32, #tpu.memory_space<vmem>>, vector<16xf32>,
        %scan3A_83 = arith.constant 0 : i32
        scf.yield %scan3A_83 : i32
      }
      %scan3A_68 = arith.constant 80 : i32
      "tpu.region"() ({
        %run_scoped3A = tpu.sem_alloc : memref<!tpu.dma_semaphore, #tpu.memory_space<semaphore_mem>>
        %dma_start3A_70 = arith.constant 0 : i32
        %dma_start3A_71 = arith.constant 0 : i32
        %dma_start3A_72 = tpu.memref_slice %arg6[%dma_start3A_70, %dma_start3A_71] : memref<50048x32xf32, #tpu.memory_space<vmem_shared>> -> memref<50048x32xf32, #tpu.memory_space<vmem_shared>>
        tpu.enqueue_indirect_dma source(%arg11 : memref<80x32xf32, #tpu.memory_space<vmem>>) target(%dma_start3A_72 : memref<50048x32xf32, #tpu.memory_space<vmem_shared>>) offsets(%arg9 : memref<80xi32, #tpu.memory_space<vmem>>) semaphore(%run_scoped3A : memref<!tpu.dma_semaphore, #tpu.memory_space<semaphore_mem>>) {add = true}
        %dma_wait3A_73 = arith.constant 0 : i32
        %dma_wait3A_74 = arith.constant 0 : i32
        %dma_wait3A_75 = tpu.memref_slice %arg6[%dma_wait3A_73, %dma_wait3A_74] : memref<50048x32xf32, #tpu.memory_space<vmem_shared>> -> memref<50048x32xf32, #tpu.memory_space<vmem_shared>>
        tpu.wait_indirect_dma semaphore(%run_scoped3A : memref<!tpu.dma_semaphore, #tpu.memory_space<semaphore_mem>>) src(%arg11 : memref<80x32xf32, #tpu.memory_space<vmem>>) dst(%dma_wait3A_75 : memref<50048x32xf32, #tpu.memory_space<vmem_shared>>)
        tpu.yield
      }) : () -> ()
      %scan3A_69 = arith.constant 0 : i32
      scf.yield %scan3A_69 : i32
    }
    %scan3A_21 = arith.constant 1250 : i32
    %barrier3A_22 = arith.constant 0 : index
    tpu.barrier barrier_id(%barrier3A_22)
    %scan3A_23 = arith.constant 0 : i32
    %scan3A_24 = arith.constant 0 : i32
    %scan3A_25 = arith.constant 39 : i32
    %scan3A_26 = arith.addi %scan3A_24, %scan3A_25 : i32
    %scan3A_27 = arith.constant 1 : i32
    %scan3A_28 = scf.for %scan3A_42 = %scan3A_24 to %scan3A_26 step %scan3A_27 iter_args(%scan3A_43 = %scan3A_23) -> (i32)  : i32 {
      %mul3A_44 = arith.constant 3128 : i32
      %mul3A_45 = arith.muli %arg1, %mul3A_44 : i32
      %mul3A_46 = arith.constant 80 : i32
      %mul3A_47 = arith.muli %scan3A_42, %mul3A_46 : i32
      %add3A_48 = arith.addi %mul3A_45, %mul3A_47 : i32
      %scan3A_49 = arith.constant 0 : i32
      %scan3A_50 = arith.constant 0 : i32
      %scan3A_51 = arith.constant 5 : i32
      %scan3A_52 = arith.addi %scan3A_50, %scan3A_51 : i32
      %scan3A_53 = arith.constant 1 : i32
      %scan3A_54 = scf.for %scan3A_68 = %scan3A_50 to %scan3A_52 step %scan3A_53 iter_args(%scan3A_69 = %scan3A_49) -> (i32)  : i32 {
        %mul3A_70 = arith.constant 16 : i32
        %mul3A_71 = arith.muli %scan3A_68, %mul3A_70 : i32
        %add3A_72 = arith.addi %add3A_48, %mul3A_71 : i32
        %add3A_73 = vector.broadcast %add3A_72 : i32 to vector<16xi32>
        %add3A_74 = arith.addi %add3A_73, %iota3A : vector<16xi32>
        %mul3A_75 = arith.constant 16 : i32
        %mul3A_76 = arith.muli %scan3A_68, %mul3A_75 : i32
        %swap3A_77 = arith.index_cast %mul3A_76 : i32 to index
        %swap3A_78 = tpu.vector_load %arg9[%swap3A_77] {strides = array<i32>} : memref<80xi32, #tpu.memory_space<vmem>>, vector<16xi32>,
        tpu.vector_store %arg9[%swap3A_77], %add3A_74 {strides = array<i32>} : memref<80xi32, #tpu.memory_space<vmem>>, vector<16xi32>,
        %scan3A_79 = arith.constant 0 : i32
        scf.yield %scan3A_79 : i32
      }
      %scan3A_55 = arith.constant 5 : i32
      %dma_start3A_56 = arith.constant 0 : i32
      %dma_start3A_57 = arith.constant 0 : i32
      %dma_start3A_58 = tpu.memref_slice %arg6[%dma_start3A_56, %dma_start3A_57] : memref<50048x32xf32, #tpu.memory_space<vmem_shared>> -> memref<50048x32xf32, #tpu.memory_space<vmem_shared>>
      tpu.enqueue_indirect_dma source(%dma_start3A_58 : memref<50048x32xf32, #tpu.memory_space<vmem_shared>>) target(%arg11 : memref<80x32xf32, #tpu.memory_space<vmem>>) offsets(%arg9 : memref<80xi32, #tpu.memory_space<vmem>>) semaphore(%arg14 : memref<!tpu.dma_semaphore, #tpu.memory_space<semaphore_mem>>)
      %dma_wait3A_59 = arith.constant 0 : i32
      %dma_wait3A_60 = arith.constant 0 : i32
      %dma_wait3A_61 = tpu.memref_slice %arg6[%dma_wait3A_59, %dma_wait3A_60] : memref<50048x32xf32, #tpu.memory_space<vmem_shared>> -> memref<50048x32xf32, #tpu.memory_space<vmem_shared>>
      tpu.wait_indirect_dma semaphore(%arg14 : memref<!tpu.dma_semaphore, #tpu.memory_space<semaphore_mem>>) src(%dma_wait3A_61 : memref<50048x32xf32, #tpu.memory_space<vmem_shared>>) dst(%arg11 : memref<80x32xf32, #tpu.memory_space<vmem>>)
      %mul3A_62 = arith.constant 3128 : i32
      %mul3A_63 = arith.muli %arg1, %mul3A_62 : i32
      %mul3A_64 = arith.constant 80 : i32
      %mul3A_65 = arith.muli %scan3A_42, %mul3A_64 : i32
      %add3A_66 = arith.addi %mul3A_63, %mul3A_65 : i32
      "tpu.region"() ({
        %run_scoped3A = tpu.sem_alloc : memref<!tpu.dma_semaphore, #tpu.memory_space<semaphore_mem>>
        %dma_start3A_68 = arith.constant 0 : i32
        %dma_start3A_69 = tpu.memref_slice %arg5[%arg0, %add3A_66, %dma_start3A_68] : memref<2x50048x32xf32, #tpu.memory_space<hbm>> -> memref<1x80x32xf32, #tpu.memory_space<hbm>>
        %dma_start3A_70 = tpu.memref_squeeze %dma_start3A_69 : memref<1x80x32xf32, #tpu.memory_space<hbm>> -> memref<80x32xf32, #tpu.memory_space<hbm>>
        %dma_start3A_71 = arith.constant 0 : i32
        %dma_start3A_72 = tpu.memref_slice %arg5[%arg0, %add3A_66, %dma_start3A_71] : memref<2x50048x32xf32, #tpu.memory_space<hbm>> -> memref<1x80x32xf32, #tpu.memory_space<hbm>>
        %dma_start3A_73 = tpu.memref_squeeze %dma_start3A_72 : memref<1x80x32xf32, #tpu.memory_space<hbm>> -> memref<80x32xf32, #tpu.memory_space<hbm>>
        tpu.enqueue_dma source(%arg11 : memref<80x32xf32, #tpu.memory_space<vmem>>) target(%dma_start3A_73 : memref<80x32xf32, #tpu.memory_space<hbm>>) target_semaphore(%run_scoped3A : memref<!tpu.dma_semaphore, #tpu.memory_space<semaphore_mem>>)
        %dma_wait3A_74 = arith.constant 0 : i32
        %dma_wait3A_75 = tpu.memref_slice %arg5[%arg0, %add3A_66, %dma_wait3A_74] : memref<2x50048x32xf32, #tpu.memory_space<hbm>> -> memref<1x80x32xf32, #tpu.memory_space<hbm>>
        %dma_wait3A_76 = tpu.memref_squeeze %dma_wait3A_75 : memref<1x80x32xf32, #tpu.memory_space<hbm>> -> memref<80x32xf32, #tpu.memory_space<hbm>>
        %dma_wait3A_77 = arith.constant 0 : i32
        %dma_wait3A_78 = tpu.memref_slice %arg5[%arg0, %add3A_66, %dma_wait3A_77] : memref<2x50048x32xf32, #tpu.memory_space<hbm>> -> memref<1x80x32xf32, #tpu.memory_space<hbm>>
        %dma_wait3A_79 = tpu.memref_squeeze %dma_wait3A_78 : memref<1x80x32xf32, #tpu.memory_space<hbm>> -> memref<80x32xf32, #tpu.memory_space<hbm>>
        tpu.wait_dma2 semaphore(%run_scoped3A : memref<!tpu.dma_semaphore, #tpu.memory_space<semaphore_mem>>) src(%arg11 : memref<80x32xf32, #tpu.memory_space<vmem>>) dst(%dma_wait3A_79 : memref<80x32xf32, #tpu.memory_space<hbm>>)
        tpu.yield
      }) : () -> ()
      %scan3A_67 = arith.constant 0 : i32
      scf.yield %scan3A_67 : i32
    }
    %scan3A_29 = arith.constant 39 : i32
    %mul3A_30 = arith.constant 3128 : i32
    %mul3A_31 = arith.muli %arg1, %mul3A_30 : i32
    %add3A = arith.constant 3120 : i32
    %add3A_32 = arith.addi %mul3A_31, %add3A : i32
    %add3A_33 = vector.broadcast %add3A_32 : i32 to vector<16xi32>
    %add3A_34 = arith.addi %add3A_33, %iota3A : vector<16xi32>
    %min3A = arith.constant 50047 : i32
    %min3A_35 = vector.broadcast %min3A : i32 to vector<16xi32>
    %min3A_36 = arith.minsi %add3A_34, %min3A_35 : vector<16xi32>
    %swap3A = arith.constant 0 : index
    %swap3A_37 = tpu.vector_load %arg12[%swap3A] {strides = array<i32>} : memref<16xi32, #tpu.memory_space<vmem>>, vector<16xi32>,
    tpu.vector_store %arg12[%swap3A], %min3A_36 {strides = array<i32>} : memref<16xi32, #tpu.memory_space<vmem>>, vector<16xi32>,
    %dma_start3A = arith.constant 0 : i32
    %dma_start3A_38 = arith.constant 0 : i32
    %dma_start3A_39 = tpu.memref_slice %arg6[%dma_start3A, %dma_start3A_38] : memref<50048x32xf32, #tpu.memory_space<vmem_shared>> -> memref<50048x32xf32, #tpu.memory_space<vmem_shared>>
    tpu.enqueue_indirect_dma source(%dma_start3A_39 : memref<50048x32xf32, #tpu.memory_space<vmem_shared>>) target(%arg13 : memref<16x32xf32, #tpu.memory_space<vmem>>) offsets(%arg12 : memref<16xi32, #tpu.memory_space<vmem>>) semaphore(%arg14 : memref<!tpu.dma_semaphore, #tpu.memory_space<semaphore_mem>>)
    %dma_wait3A = arith.constant 0 : i32
    %dma_wait3A_40 = arith.constant 0 : i32
    %dma_wait3A_41 = tpu.memref_slice %arg6[%dma_wait3A, %dma_wait3A_40] : memref<50048x32xf32, #tpu.memory_space<vmem_shared>> -> memref<50048x32xf32, #tpu.memory_space<vmem_shared>>
    tpu.wait_indirect_dma semaphore(%arg14 : memref<!tpu.dma_semaphore, #tpu.memory_space<semaphore_mem>>) src(%dma_wait3A_41 : memref<50048x32xf32, #tpu.memory_space<vmem_shared>>) dst(%arg13 : memref<16x32xf32, #tpu.memory_space<vmem>>)
    "tpu.region"() ({
      %run_scoped3A = tpu.sem_alloc : memref<!tpu.dma_semaphore, #tpu.memory_space<semaphore_mem>>
      %dma_start3A_42 = arith.constant 0 : i32
      %dma_start3A_43 = arith.constant 0 : i32
      %dma_start3A_44 = tpu.memref_slice %arg13[%dma_start3A_42, %dma_start3A_43] : memref<16x32xf32, #tpu.memory_space<vmem>> -> memref<8x32xf32, #tpu.memory_space<vmem>>
      %dma_start3A_45 = arith.constant 0 : i32
      %dma_start3A_46 = tpu.memref_slice %arg5[%arg0, %add3A_32, %dma_start3A_45] : memref<2x50048x32xf32, #tpu.memory_space<hbm>> -> memref<1x8x32xf32, #tpu.memory_space<hbm>>
      %dma_start3A_47 = tpu.memref_squeeze %dma_start3A_46 : memref<1x8x32xf32, #tpu.memory_space<hbm>> -> memref<8x32xf32, #tpu.memory_space<hbm>>
      %dma_start3A_48 = arith.constant 0 : i32
      %dma_start3A_49 = tpu.memref_slice %arg5[%arg0, %add3A_32, %dma_start3A_48] : memref<2x50048x32xf32, #tpu.memory_space<hbm>> -> memref<1x8x32xf32, #tpu.memory_space<hbm>>
      %dma_start3A_50 = tpu.memref_squeeze %dma_start3A_49 : memref<1x8x32xf32, #tpu.memory_space<hbm>> -> memref<8x32xf32, #tpu.memory_space<hbm>>
      %dma_start3A_51 = arith.constant 0 : i32
      %dma_start3A_52 = arith.constant 0 : i32
      %dma_start3A_53 = tpu.memref_slice %arg13[%dma_start3A_51, %dma_start3A_52] : memref<16x32xf32, #tpu.memory_space<vmem>> -> memref<8x32xf32, #tpu.memory_space<vmem>>
      tpu.enqueue_dma source(%dma_start3A_53 : memref<8x32xf32, #tpu.memory_space<vmem>>) target(%dma_start3A_50 : memref<8x32xf32, #tpu.memory_space<hbm>>) target_semaphore(%run_scoped3A : memref<!tpu.dma_semaphore, #tpu.memory_space<semaphore_mem>>)
      %dma_wait3A_54 = arith.constant 0 : i32
      %dma_wait3A_55 = arith.constant 0 : i32
      %dma_wait3A_56 = tpu.memref_slice %arg13[%dma_wait3A_54, %dma_wait3A_55] : memref<16x32xf32, #tpu.memory_space<vmem>> -> memref<8x32xf32, #tpu.memory_space<vmem>>
      %dma_wait3A_57 = arith.constant 0 : i32
      %dma_wait3A_58 = tpu.memref_slice %arg5[%arg0, %add3A_32, %dma_wait3A_57] : memref<2x50048x32xf32, #tpu.memory_space<hbm>> -> memref<1x8x32xf32, #tpu.memory_space<hbm>>
      %dma_wait3A_59 = tpu.memref_squeeze %dma_wait3A_58 : memref<1x8x32xf32, #tpu.memory_space<hbm>> -> memref<8x32xf32, #tpu.memory_space<hbm>>
      %dma_wait3A_60 = arith.constant 0 : i32
      %dma_wait3A_61 = tpu.memref_slice %arg5[%arg0, %add3A_32, %dma_wait3A_60] : memref<2x50048x32xf32, #tpu.memory_space<hbm>> -> memref<1x8x32xf32, #tpu.memory_space<hbm>>
      %dma_wait3A_62 = tpu.memref_squeeze %dma_wait3A_61 : memref<1x8x32xf32, #tpu.memory_space<hbm>> -> memref<8x32xf32, #tpu.memory_space<hbm>>
      %dma_wait3A_63 = arith.constant 0 : i32
      %dma_wait3A_64 = arith.constant 0 : i32
      %dma_wait3A_65 = tpu.memref_slice %arg13[%dma_wait3A_63, %dma_wait3A_64] : memref<16x32xf32, #tpu.memory_space<vmem>> -> memref<8x32xf32, #tpu.memory_space<vmem>>
      tpu.wait_dma2 semaphore(%run_scoped3A : memref<!tpu.dma_semaphore, #tpu.memory_space<semaphore_mem>>) src(%dma_wait3A_65 : memref<8x32xf32, #tpu.memory_space<vmem>>) dst(%dma_wait3A_62 : memref<8x32xf32, #tpu.memory_space<hbm>>)
      tpu.yield
    }) : () -> ()
    return
  }
}

#map = affine_map<(d0, d1) -> (0)>
#map1 = affine_map<(d0, d1) -> (0, 0, 0)>
module attributes {stable_mosaic.version = 14 : i64} {
  func.func @_sc_counts(%arg0: i32, %arg1: i32, %arg2: memref<1600000xi32, #tpu.memory_space<hbm>>, %arg3: memref<1600000xi32, #tpu.memory_space<hbm>>, %arg4: memref<2x50048x16xf32, #tpu.memory_space<hbm>>, %arg5: memref<2x50048x16xf32, #tpu.memory_space<hbm>>, %arg6: memref<50048x16xf32, #tpu.memory_space<vmem_shared>>, %arg7: memref<50048x16xf32, #tpu.memory_space<vmem_shared>>, %arg8: memref<80xi32, #tpu.memory_space<vmem>>, %arg9: memref<80xi32, #tpu.memory_space<vmem>>, %arg10: memref<80x16xf32, #tpu.memory_space<vmem>>, %arg11: memref<80x16xf32, #tpu.memory_space<vmem>>, %arg12: memref<16xi32, #tpu.memory_space<vmem>>, %arg13: memref<16x16xf32, #tpu.memory_space<vmem>>, %arg14: memref<!tpu.dma_semaphore, #tpu.memory_space<semaphore_mem>>) attributes {dimension_semantics = [#tpu.dimension_semantics<core_parallel>, #tpu.dimension_semantics<subcore_parallel>], iteration_bounds = array<i64: 2, 16>, scalar_prefetch = 0 : i64, scratch_operands = 9 : i64, tpu.core_type = #tpu.core_type<sc_vector_subcore>, window_params = [{transform_indices = #map}, {transform_indices = #map}, {transform_indices = #map1}, {transform_indices = #map1}]} {
    %mul3A = arith.constant 50000 : i32
    %mul3A_0 = arith.muli %arg0, %mul3A : i32
    %iota3A = tpu.iota {dimensions = array<i32: 0>} : vector<16xi32>
    %broadcast_in_dim3A = arith.constant 1.000000e+00 : f32
    %broadcast_in_dim3A_1 = vector.broadcast %broadcast_in_dim3A : f32 to vector<16xf32>
    %broadcast_in_dim3A_2 = arith.constant 0.000000e+00 : f32
    %broadcast_in_dim3A_3 = vector.broadcast %broadcast_in_dim3A_2 : f32 to vector<16xf32>
    %scan3A = arith.constant 0 : i32
    %scan3A_4 = arith.constant 0 : i32
    %scan3A_5 = arith.constant 80 : i32
    %scan3A_6 = arith.addi %scan3A_4, %scan3A_5 : i32
    %scan3A_7 = arith.constant 1 : i32
    %scan3A_8 = scf.for %scan3A_82 = %scan3A_4 to %scan3A_6 step %scan3A_7 iter_args(%scan3A_83 = %scan3A) -> (i32)  : i32 {
      %swap3A_84 = arith.index_cast %scan3A_82 : i32 to index
      %swap3A_85 = arith.constant 0 : index
      %swap3A_86 = tpu.vector_load %arg10[%swap3A_84, %swap3A_85] {strides = array<i32>} : memref<80x16xf32, #tpu.memory_space<vmem>>, vector<16xf32>,
      tpu.vector_store %arg10[%swap3A_84, %swap3A_85], %broadcast_in_dim3A_1 {strides = array<i32>} : memref<80x16xf32, #tpu.memory_space<vmem>>, vector<16xf32>,
      %swap3A_87 = arith.index_cast %scan3A_82 : i32 to index
      %swap3A_88 = arith.constant 0 : index
      %swap3A_89 = tpu.vector_load %arg11[%swap3A_87, %swap3A_88] {strides = array<i32>} : memref<80x16xf32, #tpu.memory_space<vmem>>, vector<16xf32>,
      tpu.vector_store %arg11[%swap3A_87, %swap3A_88], %broadcast_in_dim3A_3 {strides = array<i32>} : memref<80x16xf32, #tpu.memory_space<vmem>>, vector<16xf32>,
      %scan3A_90 = arith.constant 0 : i32
      scf.yield %scan3A_90 : i32
    }
    %scan3A_9 = arith.constant 80 : i32
    %scan3A_10 = arith.constant 0 : i32
    %scan3A_11 = arith.constant 0 : i32
    %scan3A_12 = arith.constant 40 : i32
    %scan3A_13 = arith.addi %scan3A_11, %scan3A_12 : i32
    %scan3A_14 = arith.constant 1 : i32
    %scan3A_15 = scf.for %scan3A_82 = %scan3A_11 to %scan3A_13 step %scan3A_14 iter_args(%scan3A_83 = %scan3A_10) -> (i32)  : i32 {
      %mul3A_84 = arith.constant 3128 : i32
      %mul3A_85 = arith.muli %arg1, %mul3A_84 : i32
      %mul3A_86 = arith.constant 80 : i32
      %mul3A_87 = arith.muli %scan3A_82, %mul3A_86 : i32
      %add3A_88 = arith.addi %mul3A_85, %mul3A_87 : i32
      %scan3A_89 = arith.constant 0 : i32
      %scan3A_90 = arith.constant 0 : i32
      %scan3A_91 = arith.constant 5 : i32
      %scan3A_92 = arith.addi %scan3A_90, %scan3A_91 : i32
      %scan3A_93 = arith.constant 1 : i32
      %scan3A_94 = scf.for %scan3A_97 = %scan3A_90 to %scan3A_92 step %scan3A_93 iter_args(%scan3A_98 = %scan3A_89) -> (i32)  : i32 {
        %mul3A_99 = arith.constant 16 : i32
        %mul3A_100 = arith.muli %scan3A_97, %mul3A_99 : i32
        %add3A_101 = arith.addi %add3A_88, %mul3A_100 : i32
        %add3A_102 = vector.broadcast %add3A_101 : i32 to vector<16xi32>
        %add3A_103 = arith.addi %add3A_102, %iota3A : vector<16xi32>
        %min3A_104 = arith.constant 50047 : i32
        %min3A_105 = vector.broadcast %min3A_104 : i32 to vector<16xi32>
        %min3A_106 = arith.minsi %add3A_103, %min3A_105 : vector<16xi32>
        %mul3A_107 = arith.constant 16 : i32
        %mul3A_108 = arith.muli %scan3A_97, %mul3A_107 : i32
        %swap3A_109 = arith.index_cast %mul3A_108 : i32 to index
        %swap3A_110 = tpu.vector_load %arg9[%swap3A_109] {strides = array<i32>} : memref<80xi32, #tpu.memory_space<vmem>>, vector<16xi32>,
        tpu.vector_store %arg9[%swap3A_109], %min3A_106 {strides = array<i32>} : memref<80xi32, #tpu.memory_space<vmem>>, vector<16xi32>,
        %scan3A_111 = arith.constant 0 : i32
        scf.yield %scan3A_111 : i32
      }
      %scan3A_95 = arith.constant 5 : i32
      "tpu.region"() ({
        %run_scoped3A = tpu.sem_alloc : memref<!tpu.dma_semaphore, #tpu.memory_space<semaphore_mem>>
        %dma_start3A_97 = arith.constant 0 : i32
        %dma_start3A_98 = arith.constant 0 : i32
        %dma_start3A_99 = tpu.memref_slice %arg6[%dma_start3A_97, %dma_start3A_98] : memref<50048x16xf32, #tpu.memory_space<vmem_shared>> -> memref<50048x16xf32, #tpu.memory_space<vmem_shared>>
        tpu.enqueue_indirect_dma source(%arg11 : memref<80x16xf32, #tpu.memory_space<vmem>>) target(%dma_start3A_99 : memref<50048x16xf32, #tpu.memory_space<vmem_shared>>) offsets(%arg9 : memref<80xi32, #tpu.memory_space<vmem>>) semaphore(%run_scoped3A : memref<!tpu.dma_semaphore, #tpu.memory_space<semaphore_mem>>)
        %dma_wait3A_100 = arith.constant 0 : i32
        %dma_wait3A_101 = arith.constant 0 : i32
        %dma_wait3A_102 = tpu.memref_slice %arg6[%dma_wait3A_100, %dma_wait3A_101] : memref<50048x16xf32, #tpu.memory_space<vmem_shared>> -> memref<50048x16xf32, #tpu.memory_space<vmem_shared>>
        tpu.wait_indirect_dma semaphore(%run_scoped3A : memref<!tpu.dma_semaphore, #tpu.memory_space<semaphore_mem>>) src(%arg11 : memref<80x16xf32, #tpu.memory_space<vmem>>) dst(%dma_wait3A_102 : memref<50048x16xf32, #tpu.memory_space<vmem_shared>>)
        tpu.yield
      }) : () -> ()
      %scan3A_96 = arith.constant 0 : i32
      scf.yield %scan3A_96 : i32
    }
    %scan3A_16 = arith.constant 40 : i32
    %scan3A_17 = arith.constant 0 : i32
    %scan3A_18 = arith.constant 0 : i32
    %scan3A_19 = arith.constant 40 : i32
    %scan3A_20 = arith.addi %scan3A_18, %scan3A_19 : i32
    %scan3A_21 = arith.constant 1 : i32
    %scan3A_22 = scf.for %scan3A_82 = %scan3A_18 to %scan3A_20 step %scan3A_21 iter_args(%scan3A_83 = %scan3A_17) -> (i32)  : i32 {
      %mul3A_84 = arith.constant 3128 : i32
      %mul3A_85 = arith.muli %arg1, %mul3A_84 : i32
      %mul3A_86 = arith.constant 80 : i32
      %mul3A_87 = arith.muli %scan3A_82, %mul3A_86 : i32
      %add3A_88 = arith.addi %mul3A_85, %mul3A_87 : i32
      %scan3A_89 = arith.constant 0 : i32
      %scan3A_90 = arith.constant 0 : i32
      %scan3A_91 = arith.constant 5 : i32
      %scan3A_92 = arith.addi %scan3A_90, %scan3A_91 : i32
      %scan3A_93 = arith.constant 1 : i32
      %scan3A_94 = scf.for %scan3A_97 = %scan3A_90 to %scan3A_92 step %scan3A_93 iter_args(%scan3A_98 = %scan3A_89) -> (i32)  : i32 {
        %mul3A_99 = arith.constant 16 : i32
        %mul3A_100 = arith.muli %scan3A_97, %mul3A_99 : i32
        %add3A_101 = arith.addi %add3A_88, %mul3A_100 : i32
        %add3A_102 = vector.broadcast %add3A_101 : i32 to vector<16xi32>
        %add3A_103 = arith.addi %add3A_102, %iota3A : vector<16xi32>
        %min3A_104 = arith.constant 50047 : i32
        %min3A_105 = vector.broadcast %min3A_104 : i32 to vector<16xi32>
        %min3A_106 = arith.minsi %add3A_103, %min3A_105 : vector<16xi32>
        %mul3A_107 = arith.constant 16 : i32
        %mul3A_108 = arith.muli %scan3A_97, %mul3A_107 : i32
        %swap3A_109 = arith.index_cast %mul3A_108 : i32 to index
        %swap3A_110 = tpu.vector_load %arg9[%swap3A_109] {strides = array<i32>} : memref<80xi32, #tpu.memory_space<vmem>>, vector<16xi32>,
        tpu.vector_store %arg9[%swap3A_109], %min3A_106 {strides = array<i32>} : memref<80xi32, #tpu.memory_space<vmem>>, vector<16xi32>,
        %scan3A_111 = arith.constant 0 : i32
        scf.yield %scan3A_111 : i32
      }
      %scan3A_95 = arith.constant 5 : i32
      "tpu.region"() ({
        %run_scoped3A = tpu.sem_alloc : memref<!tpu.dma_semaphore, #tpu.memory_space<semaphore_mem>>
        %dma_start3A_97 = arith.constant 0 : i32
        %dma_start3A_98 = arith.constant 0 : i32
        %dma_start3A_99 = tpu.memref_slice %arg7[%dma_start3A_97, %dma_start3A_98] : memref<50048x16xf32, #tpu.memory_space<vmem_shared>> -> memref<50048x16xf32, #tpu.memory_space<vmem_shared>>
        tpu.enqueue_indirect_dma source(%arg11 : memref<80x16xf32, #tpu.memory_space<vmem>>) target(%dma_start3A_99 : memref<50048x16xf32, #tpu.memory_space<vmem_shared>>) offsets(%arg9 : memref<80xi32, #tpu.memory_space<vmem>>) semaphore(%run_scoped3A : memref<!tpu.dma_semaphore, #tpu.memory_space<semaphore_mem>>)
        %dma_wait3A_100 = arith.constant 0 : i32
        %dma_wait3A_101 = arith.constant 0 : i32
        %dma_wait3A_102 = tpu.memref_slice %arg7[%dma_wait3A_100, %dma_wait3A_101] : memref<50048x16xf32, #tpu.memory_space<vmem_shared>> -> memref<50048x16xf32, #tpu.memory_space<vmem_shared>>
        tpu.wait_indirect_dma semaphore(%run_scoped3A : memref<!tpu.dma_semaphore, #tpu.memory_space<semaphore_mem>>) src(%arg11 : memref<80x16xf32, #tpu.memory_space<vmem>>) dst(%dma_wait3A_102 : memref<50048x16xf32, #tpu.memory_space<vmem_shared>>)
        tpu.yield
      }) : () -> ()
      %scan3A_96 = arith.constant 0 : i32
      scf.yield %scan3A_96 : i32
    }
    %scan3A_23 = arith.constant 40 : i32
    %barrier3A = arith.constant 0 : index
    tpu.barrier barrier_id(%barrier3A)
    %scan3A_24 = arith.constant 0 : i32
    %scan3A_25 = arith.constant 0 : i32
    %scan3A_26 = arith.constant 1250 : i32
    %scan3A_27 = arith.addi %scan3A_25, %scan3A_26 : i32
    %scan3A_28 = arith.constant 1 : i32
    %scan3A_29 = scf.for %scan3A_82 = %scan3A_25 to %scan3A_27 step %scan3A_28 iter_args(%scan3A_83 = %scan3A_24) -> (i32)  : i32 {
      %mul3A_84 = arith.constant 100000 : i32
      %mul3A_85 = arith.muli %arg1, %mul3A_84 : i32
      %mul3A_86 = arith.constant 80 : i32
      %mul3A_87 = arith.muli %scan3A_82, %mul3A_86 : i32
      %add3A_88 = arith.addi %mul3A_85, %mul3A_87 : i32
      "tpu.region"() ({
        %run_scoped3A = tpu.sem_alloc : memref<!tpu.dma_semaphore, #tpu.memory_space<semaphore_mem>>
        %dma_start3A_97 = tpu.memref_slice %arg2[%add3A_88] : memref<1600000xi32, #tpu.memory_space<hbm>> -> memref<80xi32, #tpu.memory_space<hbm>>
        %dma_start3A_98 = tpu.memref_slice %arg2[%add3A_88] : memref<1600000xi32, #tpu.memory_space<hbm>> -> memref<80xi32, #tpu.memory_space<hbm>>
        tpu.enqueue_dma source(%dma_start3A_98 : memref<80xi32, #tpu.memory_space<hbm>>) target(%arg8 : memref<80xi32, #tpu.memory_space<vmem>>) target_semaphore(%run_scoped3A : memref<!tpu.dma_semaphore, #tpu.memory_space<semaphore_mem>>)
        %dma_wait3A_99 = tpu.memref_slice %arg2[%add3A_88] : memref<1600000xi32, #tpu.memory_space<hbm>> -> memref<80xi32, #tpu.memory_space<hbm>>
        %dma_wait3A_100 = tpu.memref_slice %arg2[%add3A_88] : memref<1600000xi32, #tpu.memory_space<hbm>> -> memref<80xi32, #tpu.memory_space<hbm>>
        tpu.wait_dma2 semaphore(%run_scoped3A : memref<!tpu.dma_semaphore, #tpu.memory_space<semaphore_mem>>) src(%dma_wait3A_100 : memref<80xi32, #tpu.memory_space<hbm>>) dst(%arg8 : memref<80xi32, #tpu.memory_space<vmem>>)
        tpu.yield
      }) : () -> ()
      %scan3A_89 = arith.constant 0 : i32
      %scan3A_90 = arith.constant 0 : i32
      %scan3A_91 = arith.constant 5 : i32
      %scan3A_92 = arith.addi %scan3A_90, %scan3A_91 : i32
      %scan3A_93 = arith.constant 1 : i32
      %scan3A_94 = scf.for %scan3A_97 = %scan3A_90 to %scan3A_92 step %scan3A_93 iter_args(%scan3A_98 = %scan3A_89) -> (i32)  : i32 {
        %mul3A_99 = arith.constant 16 : i32
        %mul3A_100 = arith.muli %scan3A_97, %mul3A_99 : i32
        %get3A = arith.index_cast %mul3A_100 : i32 to index
        %get3A_101 = tpu.vector_load %arg8[%get3A] {strides = array<i32>} : memref<80xi32, #tpu.memory_space<vmem>>, vector<16xi32>,
        %sub3A = vector.broadcast %mul3A_0 : i32 to vector<16xi32>
        %sub3A_102 = arith.subi %get3A_101, %sub3A : vector<16xi32>
        %bitcast3A = vector.bitcast %sub3A_102 : vector<16xi32> to vector<16xi32>
        %lt3A = arith.constant 50000 : i32
        %lt3A_103 = vector.broadcast %lt3A : i32 to vector<16xi32>
        %lt3A_104 = arith.cmpi ult, %bitcast3A, %lt3A_103 : vector<16xi32>
        %add3A_105 = arith.constant 50000 : i32
        %add3A_106 = vector.broadcast %add3A_105 : i32 to vector<16xi32>
        %add3A_107 = arith.addi %add3A_106, %iota3A : vector<16xi32>
        %select_n3A = arith.select %lt3A_104, %sub3A_102, %add3A_107 : vector<16xi1>, vector<16xi32>
        %mul3A_108 = arith.constant 16 : i32
        %mul3A_109 = arith.muli %scan3A_97, %mul3A_108 : i32
        %swap3A_110 = arith.index_cast %mul3A_109 : i32 to index
        %swap3A_111 = tpu.vector_load %arg9[%swap3A_110] {strides = array<i32>} : memref<80xi32, #tpu.memory_space<vmem>>, vector<16xi32>,
        tpu.vector_store %arg9[%swap3A_110], %select_n3A {strides = array<i32>} : memref<80xi32, #tpu.memory_space<vmem>>, vector<16xi32>,
        %scan3A_112 = arith.constant 0 : i32
        scf.yield %scan3A_112 : i32
      }
      %scan3A_95 = arith.constant 5 : i32
      "tpu.region"() ({
        %run_scoped3A = tpu.sem_alloc : memref<!tpu.dma_semaphore, #tpu.memory_space<semaphore_mem>>
        %dma_start3A_97 = arith.constant 0 : i32
        %dma_start3A_98 = arith.constant 0 : i32
        %dma_start3A_99 = tpu.memref_slice %arg6[%dma_start3A_97, %dma_start3A_98] : memref<50048x16xf32, #tpu.memory_space<vmem_shared>> -> memref<50048x16xf32, #tpu.memory_space<vmem_shared>>
        tpu.enqueue_indirect_dma source(%arg10 : memref<80x16xf32, #tpu.memory_space<vmem>>) target(%dma_start3A_99 : memref<50048x16xf32, #tpu.memory_space<vmem_shared>>) offsets(%arg9 : memref<80xi32, #tpu.memory_space<vmem>>) semaphore(%run_scoped3A : memref<!tpu.dma_semaphore, #tpu.memory_space<semaphore_mem>>) {add = true}
        %dma_wait3A_100 = arith.constant 0 : i32
        %dma_wait3A_101 = arith.constant 0 : i32
        %dma_wait3A_102 = tpu.memref_slice %arg6[%dma_wait3A_100, %dma_wait3A_101] : memref<50048x16xf32, #tpu.memory_space<vmem_shared>> -> memref<50048x16xf32, #tpu.memory_space<vmem_shared>>
        tpu.wait_indirect_dma semaphore(%run_scoped3A : memref<!tpu.dma_semaphore, #tpu.memory_space<semaphore_mem>>) src(%arg10 : memref<80x16xf32, #tpu.memory_space<vmem>>) dst(%dma_wait3A_102 : memref<50048x16xf32, #tpu.memory_space<vmem_shared>>)
        tpu.yield
      }) : () -> ()
      %scan3A_96 = arith.constant 0 : i32
      scf.yield %scan3A_96 : i32
    }
    %scan3A_30 = arith.constant 1250 : i32
    %scan3A_31 = arith.constant 0 : i32
    %scan3A_32 = arith.constant 0 : i32
    %scan3A_33 = arith.constant 1250 : i32
    %scan3A_34 = arith.addi %scan3A_32, %scan3A_33 : i32
    %scan3A_35 = arith.constant 1 : i32
    %scan3A_36 = scf.for %scan3A_82 = %scan3A_32 to %scan3A_34 step %scan3A_35 iter_args(%scan3A_83 = %scan3A_31) -> (i32)  : i32 {
      %mul3A_84 = arith.constant 100000 : i32
      %mul3A_85 = arith.muli %arg1, %mul3A_84 : i32
      %mul3A_86 = arith.constant 80 : i32
      %mul3A_87 = arith.muli %scan3A_82, %mul3A_86 : i32
      %add3A_88 = arith.addi %mul3A_85, %mul3A_87 : i32
      "tpu.region"() ({
        %run_scoped3A = tpu.sem_alloc : memref<!tpu.dma_semaphore, #tpu.memory_space<semaphore_mem>>
        %dma_start3A_97 = tpu.memref_slice %arg3[%add3A_88] : memref<1600000xi32, #tpu.memory_space<hbm>> -> memref<80xi32, #tpu.memory_space<hbm>>
        %dma_start3A_98 = tpu.memref_slice %arg3[%add3A_88] : memref<1600000xi32, #tpu.memory_space<hbm>> -> memref<80xi32, #tpu.memory_space<hbm>>
        tpu.enqueue_dma source(%dma_start3A_98 : memref<80xi32, #tpu.memory_space<hbm>>) target(%arg8 : memref<80xi32, #tpu.memory_space<vmem>>) target_semaphore(%run_scoped3A : memref<!tpu.dma_semaphore, #tpu.memory_space<semaphore_mem>>)
        %dma_wait3A_99 = tpu.memref_slice %arg3[%add3A_88] : memref<1600000xi32, #tpu.memory_space<hbm>> -> memref<80xi32, #tpu.memory_space<hbm>>
        %dma_wait3A_100 = tpu.memref_slice %arg3[%add3A_88] : memref<1600000xi32, #tpu.memory_space<hbm>> -> memref<80xi32, #tpu.memory_space<hbm>>
        tpu.wait_dma2 semaphore(%run_scoped3A : memref<!tpu.dma_semaphore, #tpu.memory_space<semaphore_mem>>) src(%dma_wait3A_100 : memref<80xi32, #tpu.memory_space<hbm>>) dst(%arg8 : memref<80xi32, #tpu.memory_space<vmem>>)
        tpu.yield
      }) : () -> ()
      %scan3A_89 = arith.constant 0 : i32
      %scan3A_90 = arith.constant 0 : i32
      %scan3A_91 = arith.constant 5 : i32
      %scan3A_92 = arith.addi %scan3A_90, %scan3A_91 : i32
      %scan3A_93 = arith.constant 1 : i32
      %scan3A_94 = scf.for %scan3A_97 = %scan3A_90 to %scan3A_92 step %scan3A_93 iter_args(%scan3A_98 = %scan3A_89) -> (i32)  : i32 {
        %mul3A_99 = arith.constant 16 : i32
        %mul3A_100 = arith.muli %scan3A_97, %mul3A_99 : i32
        %get3A = arith.index_cast %mul3A_100 : i32 to index
        %get3A_101 = tpu.vector_load %arg8[%get3A] {strides = array<i32>} : memref<80xi32, #tpu.memory_space<vmem>>, vector<16xi32>,
        %sub3A = vector.broadcast %mul3A_0 : i32 to vector<16xi32>
        %sub3A_102 = arith.subi %get3A_101, %sub3A : vector<16xi32>
        %bitcast3A = vector.bitcast %sub3A_102 : vector<16xi32> to vector<16xi32>
        %lt3A = arith.constant 50000 : i32
        %lt3A_103 = vector.broadcast %lt3A : i32 to vector<16xi32>
        %lt3A_104 = arith.cmpi ult, %bitcast3A, %lt3A_103 : vector<16xi32>
        %add3A_105 = arith.constant 50000 : i32
        %add3A_106 = vector.broadcast %add3A_105 : i32 to vector<16xi32>
        %add3A_107 = arith.addi %add3A_106, %iota3A : vector<16xi32>
        %select_n3A = arith.select %lt3A_104, %sub3A_102, %add3A_107 : vector<16xi1>, vector<16xi32>
        %mul3A_108 = arith.constant 16 : i32
        %mul3A_109 = arith.muli %scan3A_97, %mul3A_108 : i32
        %swap3A_110 = arith.index_cast %mul3A_109 : i32 to index
        %swap3A_111 = tpu.vector_load %arg9[%swap3A_110] {strides = array<i32>} : memref<80xi32, #tpu.memory_space<vmem>>, vector<16xi32>,
        tpu.vector_store %arg9[%swap3A_110], %select_n3A {strides = array<i32>} : memref<80xi32, #tpu.memory_space<vmem>>, vector<16xi32>,
        %scan3A_112 = arith.constant 0 : i32
        scf.yield %scan3A_112 : i32
      }
      %scan3A_95 = arith.constant 5 : i32
      "tpu.region"() ({
        %run_scoped3A = tpu.sem_alloc : memref<!tpu.dma_semaphore, #tpu.memory_space<semaphore_mem>>
        %dma_start3A_97 = arith.constant 0 : i32
        %dma_start3A_98 = arith.constant 0 : i32
        %dma_start3A_99 = tpu.memref_slice %arg7[%dma_start3A_97, %dma_start3A_98] : memref<50048x16xf32, #tpu.memory_space<vmem_shared>> -> memref<50048x16xf32, #tpu.memory_space<vmem_shared>>
        tpu.enqueue_indirect_dma source(%arg10 : memref<80x16xf32, #tpu.memory_space<vmem>>) target(%dma_start3A_99 : memref<50048x16xf32, #tpu.memory_space<vmem_shared>>) offsets(%arg9 : memref<80xi32, #tpu.memory_space<vmem>>) semaphore(%run_scoped3A : memref<!tpu.dma_semaphore, #tpu.memory_space<semaphore_mem>>) {add = true}
        %dma_wait3A_100 = arith.constant 0 : i32
        %dma_wait3A_101 = arith.constant 0 : i32
        %dma_wait3A_102 = tpu.memref_slice %arg7[%dma_wait3A_100, %dma_wait3A_101] : memref<50048x16xf32, #tpu.memory_space<vmem_shared>> -> memref<50048x16xf32, #tpu.memory_space<vmem_shared>>
        tpu.wait_indirect_dma semaphore(%run_scoped3A : memref<!tpu.dma_semaphore, #tpu.memory_space<semaphore_mem>>) src(%arg10 : memref<80x16xf32, #tpu.memory_space<vmem>>) dst(%dma_wait3A_102 : memref<50048x16xf32, #tpu.memory_space<vmem_shared>>)
        tpu.yield
      }) : () -> ()
      %scan3A_96 = arith.constant 0 : i32
      scf.yield %scan3A_96 : i32
    }
    %scan3A_37 = arith.constant 1250 : i32
    %barrier3A_38 = arith.constant 0 : index
    tpu.barrier barrier_id(%barrier3A_38)
    %scan3A_39 = arith.constant 0 : i32
    %scan3A_40 = arith.constant 0 : i32
    %scan3A_41 = arith.constant 39 : i32
    %scan3A_42 = arith.addi %scan3A_40, %scan3A_41 : i32
    %scan3A_43 = arith.constant 1 : i32
    %scan3A_44 = scf.for %scan3A_82 = %scan3A_40 to %scan3A_42 step %scan3A_43 iter_args(%scan3A_83 = %scan3A_39) -> (i32)  : i32 {
      %mul3A_84 = arith.constant 3128 : i32
      %mul3A_85 = arith.muli %arg1, %mul3A_84 : i32
      %mul3A_86 = arith.constant 80 : i32
      %mul3A_87 = arith.muli %scan3A_82, %mul3A_86 : i32
      %add3A_88 = arith.addi %mul3A_85, %mul3A_87 : i32
      %scan3A_89 = arith.constant 0 : i32
      %scan3A_90 = arith.constant 0 : i32
      %scan3A_91 = arith.constant 5 : i32
      %scan3A_92 = arith.addi %scan3A_90, %scan3A_91 : i32
      %scan3A_93 = arith.constant 1 : i32
      %scan3A_94 = scf.for %scan3A_108 = %scan3A_90 to %scan3A_92 step %scan3A_93 iter_args(%scan3A_109 = %scan3A_89) -> (i32)  : i32 {
        %mul3A_110 = arith.constant 16 : i32
        %mul3A_111 = arith.muli %scan3A_108, %mul3A_110 : i32
        %add3A_112 = arith.addi %add3A_88, %mul3A_111 : i32
        %add3A_113 = vector.broadcast %add3A_112 : i32 to vector<16xi32>
        %add3A_114 = arith.addi %add3A_113, %iota3A : vector<16xi32>
        %mul3A_115 = arith.constant 16 : i32
        %mul3A_116 = arith.muli %scan3A_108, %mul3A_115 : i32
        %swap3A_117 = arith.index_cast %mul3A_116 : i32 to index
        %swap3A_118 = tpu.vector_load %arg9[%swap3A_117] {strides = array<i32>} : memref<80xi32, #tpu.memory_space<vmem>>, vector<16xi32>,
        tpu.vector_store %arg9[%swap3A_117], %add3A_114 {strides = array<i32>} : memref<80xi32, #tpu.memory_space<vmem>>, vector<16xi32>,
        %scan3A_119 = arith.constant 0 : i32
        scf.yield %scan3A_119 : i32
      }
      %scan3A_95 = arith.constant 5 : i32
      %dma_start3A_96 = arith.constant 0 : i32
      %dma_start3A_97 = arith.constant 0 : i32
      %dma_start3A_98 = tpu.memref_slice %arg6[%dma_start3A_96, %dma_start3A_97] : memref<50048x16xf32, #tpu.memory_space<vmem_shared>> -> memref<50048x16xf32, #tpu.memory_space<vmem_shared>>
      tpu.enqueue_indirect_dma source(%dma_start3A_98 : memref<50048x16xf32, #tpu.memory_space<vmem_shared>>) target(%arg11 : memref<80x16xf32, #tpu.memory_space<vmem>>) offsets(%arg9 : memref<80xi32, #tpu.memory_space<vmem>>) semaphore(%arg14 : memref<!tpu.dma_semaphore, #tpu.memory_space<semaphore_mem>>)
      %dma_wait3A_99 = arith.constant 0 : i32
      %dma_wait3A_100 = arith.constant 0 : i32
      %dma_wait3A_101 = tpu.memref_slice %arg6[%dma_wait3A_99, %dma_wait3A_100] : memref<50048x16xf32, #tpu.memory_space<vmem_shared>> -> memref<50048x16xf32, #tpu.memory_space<vmem_shared>>
      tpu.wait_indirect_dma semaphore(%arg14 : memref<!tpu.dma_semaphore, #tpu.memory_space<semaphore_mem>>) src(%dma_wait3A_101 : memref<50048x16xf32, #tpu.memory_space<vmem_shared>>) dst(%arg11 : memref<80x16xf32, #tpu.memory_space<vmem>>)
      %mul3A_102 = arith.constant 3128 : i32
      %mul3A_103 = arith.muli %arg1, %mul3A_102 : i32
      %mul3A_104 = arith.constant 80 : i32
      %mul3A_105 = arith.muli %scan3A_82, %mul3A_104 : i32
      %add3A_106 = arith.addi %mul3A_103, %mul3A_105 : i32
      "tpu.region"() ({
        %run_scoped3A = tpu.sem_alloc : memref<!tpu.dma_semaphore, #tpu.memory_space<semaphore_mem>>
        %dma_start3A_108 = arith.constant 0 : i32
        %dma_start3A_109 = tpu.memref_slice %arg4[%arg0, %add3A_106, %dma_start3A_108] : memref<2x50048x16xf32, #tpu.memory_space<hbm>> -> memref<1x80x16xf32, #tpu.memory_space<hbm>>
        %dma_start3A_110 = tpu.memref_squeeze %dma_start3A_109 : memref<1x80x16xf32, #tpu.memory_space<hbm>> -> memref<80x16xf32, #tpu.memory_space<hbm>>
        %dma_start3A_111 = arith.constant 0 : i32
        %dma_start3A_112 = tpu.memref_slice %arg4[%arg0, %add3A_106, %dma_start3A_111] : memref<2x50048x16xf32, #tpu.memory_space<hbm>> -> memref<1x80x16xf32, #tpu.memory_space<hbm>>
        %dma_start3A_113 = tpu.memref_squeeze %dma_start3A_112 : memref<1x80x16xf32, #tpu.memory_space<hbm>> -> memref<80x16xf32, #tpu.memory_space<hbm>>
        tpu.enqueue_dma source(%arg11 : memref<80x16xf32, #tpu.memory_space<vmem>>) target(%dma_start3A_113 : memref<80x16xf32, #tpu.memory_space<hbm>>) target_semaphore(%run_scoped3A : memref<!tpu.dma_semaphore, #tpu.memory_space<semaphore_mem>>)
        %dma_wait3A_114 = arith.constant 0 : i32
        %dma_wait3A_115 = tpu.memref_slice %arg4[%arg0, %add3A_106, %dma_wait3A_114] : memref<2x50048x16xf32, #tpu.memory_space<hbm>> -> memref<1x80x16xf32, #tpu.memory_space<hbm>>
        %dma_wait3A_116 = tpu.memref_squeeze %dma_wait3A_115 : memref<1x80x16xf32, #tpu.memory_space<hbm>> -> memref<80x16xf32, #tpu.memory_space<hbm>>
        %dma_wait3A_117 = arith.constant 0 : i32
        %dma_wait3A_118 = tpu.memref_slice %arg4[%arg0, %add3A_106, %dma_wait3A_117] : memref<2x50048x16xf32, #tpu.memory_space<hbm>> -> memref<1x80x16xf32, #tpu.memory_space<hbm>>
        %dma_wait3A_119 = tpu.memref_squeeze %dma_wait3A_118 : memref<1x80x16xf32, #tpu.memory_space<hbm>> -> memref<80x16xf32, #tpu.memory_space<hbm>>
        tpu.wait_dma2 semaphore(%run_scoped3A : memref<!tpu.dma_semaphore, #tpu.memory_space<semaphore_mem>>) src(%arg11 : memref<80x16xf32, #tpu.memory_space<vmem>>) dst(%dma_wait3A_119 : memref<80x16xf32, #tpu.memory_space<hbm>>)
        tpu.yield
      }) : () -> ()
      %scan3A_107 = arith.constant 0 : i32
      scf.yield %scan3A_107 : i32
    }
    %scan3A_45 = arith.constant 39 : i32
    %mul3A_46 = arith.constant 3128 : i32
    %mul3A_47 = arith.muli %arg1, %mul3A_46 : i32
    %add3A = arith.constant 3120 : i32
    %add3A_48 = arith.addi %mul3A_47, %add3A : i32
    %add3A_49 = vector.broadcast %add3A_48 : i32 to vector<16xi32>
    %add3A_50 = arith.addi %add3A_49, %iota3A : vector<16xi32>
    %min3A = arith.constant 50047 : i32
    %min3A_51 = vector.broadcast %min3A : i32 to vector<16xi32>
    %min3A_52 = arith.minsi %add3A_50, %min3A_51 : vector<16xi32>
    %swap3A = arith.constant 0 : index
    %swap3A_53 = tpu.vector_load %arg12[%swap3A] {strides = array<i32>} : memref<16xi32, #tpu.memory_space<vmem>>, vector<16xi32>,
    tpu.vector_store %arg12[%swap3A], %min3A_52 {strides = array<i32>} : memref<16xi32, #tpu.memory_space<vmem>>, vector<16xi32>,
    %dma_start3A = arith.constant 0 : i32
    %dma_start3A_54 = arith.constant 0 : i32
    %dma_start3A_55 = tpu.memref_slice %arg6[%dma_start3A, %dma_start3A_54] : memref<50048x16xf32, #tpu.memory_space<vmem_shared>> -> memref<50048x16xf32, #tpu.memory_space<vmem_shared>>
    tpu.enqueue_indirect_dma source(%dma_start3A_55 : memref<50048x16xf32, #tpu.memory_space<vmem_shared>>) target(%arg13 : memref<16x16xf32, #tpu.memory_space<vmem>>) offsets(%arg12 : memref<16xi32, #tpu.memory_space<vmem>>) semaphore(%arg14 : memref<!tpu.dma_semaphore, #tpu.memory_space<semaphore_mem>>)
    %dma_wait3A = arith.constant 0 : i32
    %dma_wait3A_56 = arith.constant 0 : i32
    %dma_wait3A_57 = tpu.memref_slice %arg6[%dma_wait3A, %dma_wait3A_56] : memref<50048x16xf32, #tpu.memory_space<vmem_shared>> -> memref<50048x16xf32, #tpu.memory_space<vmem_shared>>
    tpu.wait_indirect_dma semaphore(%arg14 : memref<!tpu.dma_semaphore, #tpu.memory_space<semaphore_mem>>) src(%dma_wait3A_57 : memref<50048x16xf32, #tpu.memory_space<vmem_shared>>) dst(%arg13 : memref<16x16xf32, #tpu.memory_space<vmem>>)
    "tpu.region"() ({
      %run_scoped3A = tpu.sem_alloc : memref<!tpu.dma_semaphore, #tpu.memory_space<semaphore_mem>>
      %dma_start3A_82 = arith.constant 0 : i32
      %dma_start3A_83 = arith.constant 0 : i32
      %dma_start3A_84 = tpu.memref_slice %arg13[%dma_start3A_82, %dma_start3A_83] : memref<16x16xf32, #tpu.memory_space<vmem>> -> memref<8x16xf32, #tpu.memory_space<vmem>>
      %dma_start3A_85 = arith.constant 0 : i32
      %dma_start3A_86 = tpu.memref_slice %arg4[%arg0, %add3A_48, %dma_start3A_85] : memref<2x50048x16xf32, #tpu.memory_space<hbm>> -> memref<1x8x16xf32, #tpu.memory_space<hbm>>
      %dma_start3A_87 = tpu.memref_squeeze %dma_start3A_86 : memref<1x8x16xf32, #tpu.memory_space<hbm>> -> memref<8x16xf32, #tpu.memory_space<hbm>>
      %dma_start3A_88 = arith.constant 0 : i32
      %dma_start3A_89 = tpu.memref_slice %arg4[%arg0, %add3A_48, %dma_start3A_88] : memref<2x50048x16xf32, #tpu.memory_space<hbm>> -> memref<1x8x16xf32, #tpu.memory_space<hbm>>
      %dma_start3A_90 = tpu.memref_squeeze %dma_start3A_89 : memref<1x8x16xf32, #tpu.memory_space<hbm>> -> memref<8x16xf32, #tpu.memory_space<hbm>>
      %dma_start3A_91 = arith.constant 0 : i32
      %dma_start3A_92 = arith.constant 0 : i32
      %dma_start3A_93 = tpu.memref_slice %arg13[%dma_start3A_91, %dma_start3A_92] : memref<16x16xf32, #tpu.memory_space<vmem>> -> memref<8x16xf32, #tpu.memory_space<vmem>>
      tpu.enqueue_dma source(%dma_start3A_93 : memref<8x16xf32, #tpu.memory_space<vmem>>) target(%dma_start3A_90 : memref<8x16xf32, #tpu.memory_space<hbm>>) target_semaphore(%run_scoped3A : memref<!tpu.dma_semaphore, #tpu.memory_space<semaphore_mem>>)
      %dma_wait3A_94 = arith.constant 0 : i32
      %dma_wait3A_95 = arith.constant 0 : i32
      %dma_wait3A_96 = tpu.memref_slice %arg13[%dma_wait3A_94, %dma_wait3A_95] : memref<16x16xf32, #tpu.memory_space<vmem>> -> memref<8x16xf32, #tpu.memory_space<vmem>>
      %dma_wait3A_97 = arith.constant 0 : i32
      %dma_wait3A_98 = tpu.memref_slice %arg4[%arg0, %add3A_48, %dma_wait3A_97] : memref<2x50048x16xf32, #tpu.memory_space<hbm>> -> memref<1x8x16xf32, #tpu.memory_space<hbm>>
      %dma_wait3A_99 = tpu.memref_squeeze %dma_wait3A_98 : memref<1x8x16xf32, #tpu.memory_space<hbm>> -> memref<8x16xf32, #tpu.memory_space<hbm>>
      %dma_wait3A_100 = arith.constant 0 : i32
      %dma_wait3A_101 = tpu.memref_slice %arg4[%arg0, %add3A_48, %dma_wait3A_100] : memref<2x50048x16xf32, #tpu.memory_space<hbm>> -> memref<1x8x16xf32, #tpu.memory_space<hbm>>
      %dma_wait3A_102 = tpu.memref_squeeze %dma_wait3A_101 : memref<1x8x16xf32, #tpu.memory_space<hbm>> -> memref<8x16xf32, #tpu.memory_space<hbm>>
      %dma_wait3A_103 = arith.constant 0 : i32
      %dma_wait3A_104 = arith.constant 0 : i32
      %dma_wait3A_105 = tpu.memref_slice %arg13[%dma_wait3A_103, %dma_wait3A_104] : memref<16x16xf32, #tpu.memory_space<vmem>> -> memref<8x16xf32, #tpu.memory_space<vmem>>
      tpu.wait_dma2 semaphore(%run_scoped3A : memref<!tpu.dma_semaphore, #tpu.memory_space<semaphore_mem>>) src(%dma_wait3A_105 : memref<8x16xf32, #tpu.memory_space<vmem>>) dst(%dma_wait3A_102 : memref<8x16xf32, #tpu.memory_space<hbm>>)
      tpu.yield
    }) : () -> ()
    %scan3A_58 = arith.constant 0 : i32
    %scan3A_59 = arith.constant 0 : i32
    %scan3A_60 = arith.constant 39 : i32
    %scan3A_61 = arith.addi %scan3A_59, %scan3A_60 : i32
    %scan3A_62 = arith.constant 1 : i32
    %scan3A_63 = scf.for %scan3A_82 = %scan3A_59 to %scan3A_61 step %scan3A_62 iter_args(%scan3A_83 = %scan3A_58) -> (i32)  : i32 {
      %mul3A_84 = arith.constant 3128 : i32
      %mul3A_85 = arith.muli %arg1, %mul3A_84 : i32
      %mul3A_86 = arith.constant 80 : i32
      %mul3A_87 = arith.muli %scan3A_82, %mul3A_86 : i32
      %add3A_88 = arith.addi %mul3A_85, %mul3A_87 : i32
      %scan3A_89 = arith.constant 0 : i32
      %scan3A_90 = arith.constant 0 : i32
      %scan3A_91 = arith.constant 5 : i32
      %scan3A_92 = arith.addi %scan3A_90, %scan3A_91 : i32
      %scan3A_93 = arith.constant 1 : i32
      %scan3A_94 = scf.for %scan3A_108 = %scan3A_90 to %scan3A_92 step %scan3A_93 iter_args(%scan3A_109 = %scan3A_89) -> (i32)  : i32 {
        %mul3A_110 = arith.constant 16 : i32
        %mul3A_111 = arith.muli %scan3A_108, %mul3A_110 : i32
        %add3A_112 = arith.addi %add3A_88, %mul3A_111 : i32
        %add3A_113 = vector.broadcast %add3A_112 : i32 to vector<16xi32>
        %add3A_114 = arith.addi %add3A_113, %iota3A : vector<16xi32>
        %mul3A_115 = arith.constant 16 : i32
        %mul3A_116 = arith.muli %scan3A_108, %mul3A_115 : i32
        %swap3A_117 = arith.index_cast %mul3A_116 : i32 to index
        %swap3A_118 = tpu.vector_load %arg9[%swap3A_117] {strides = array<i32>} : memref<80xi32, #tpu.memory_space<vmem>>, vector<16xi32>,
        tpu.vector_store %arg9[%swap3A_117], %add3A_114 {strides = array<i32>} : memref<80xi32, #tpu.memory_space<vmem>>, vector<16xi32>,
        %scan3A_119 = arith.constant 0 : i32
        scf.yield %scan3A_119 : i32
      }
      %scan3A_95 = arith.constant 5 : i32
      %dma_start3A_96 = arith.constant 0 : i32
      %dma_start3A_97 = arith.constant 0 : i32
      %dma_start3A_98 = tpu.memref_slice %arg7[%dma_start3A_96, %dma_start3A_97] : memref<50048x16xf32, #tpu.memory_space<vmem_shared>> -> memref<50048x16xf32, #tpu.memory_space<vmem_shared>>
      tpu.enqueue_indirect_dma source(%dma_start3A_98 : memref<50048x16xf32, #tpu.memory_space<vmem_shared>>) target(%arg11 : memref<80x16xf32, #tpu.memory_space<vmem>>) offsets(%arg9 : memref<80xi32, #tpu.memory_space<vmem>>) semaphore(%arg14 : memref<!tpu.dma_semaphore, #tpu.memory_space<semaphore_mem>>)
      %dma_wait3A_99 = arith.constant 0 : i32
      %dma_wait3A_100 = arith.constant 0 : i32
      %dma_wait3A_101 = tpu.memref_slice %arg7[%dma_wait3A_99, %dma_wait3A_100] : memref<50048x16xf32, #tpu.memory_space<vmem_shared>> -> memref<50048x16xf32, #tpu.memory_space<vmem_shared>>
      tpu.wait_indirect_dma semaphore(%arg14 : memref<!tpu.dma_semaphore, #tpu.memory_space<semaphore_mem>>) src(%dma_wait3A_101 : memref<50048x16xf32, #tpu.memory_space<vmem_shared>>) dst(%arg11 : memref<80x16xf32, #tpu.memory_space<vmem>>)
      %mul3A_102 = arith.constant 3128 : i32
      %mul3A_103 = arith.muli %arg1, %mul3A_102 : i32
      %mul3A_104 = arith.constant 80 : i32
      %mul3A_105 = arith.muli %scan3A_82, %mul3A_104 : i32
      %add3A_106 = arith.addi %mul3A_103, %mul3A_105 : i32
      "tpu.region"() ({
        %run_scoped3A = tpu.sem_alloc : memref<!tpu.dma_semaphore, #tpu.memory_space<semaphore_mem>>
        %dma_start3A_108 = arith.constant 0 : i32
        %dma_start3A_109 = tpu.memref_slice %arg5[%arg0, %add3A_106, %dma_start3A_108] : memref<2x50048x16xf32, #tpu.memory_space<hbm>> -> memref<1x80x16xf32, #tpu.memory_space<hbm>>
        %dma_start3A_110 = tpu.memref_squeeze %dma_start3A_109 : memref<1x80x16xf32, #tpu.memory_space<hbm>> -> memref<80x16xf32, #tpu.memory_space<hbm>>
        %dma_start3A_111 = arith.constant 0 : i32
        %dma_start3A_112 = tpu.memref_slice %arg5[%arg0, %add3A_106, %dma_start3A_111] : memref<2x50048x16xf32, #tpu.memory_space<hbm>> -> memref<1x80x16xf32, #tpu.memory_space<hbm>>
        %dma_start3A_113 = tpu.memref_squeeze %dma_start3A_112 : memref<1x80x16xf32, #tpu.memory_space<hbm>> -> memref<80x16xf32, #tpu.memory_space<hbm>>
        tpu.enqueue_dma source(%arg11 : memref<80x16xf32, #tpu.memory_space<vmem>>) target(%dma_start3A_113 : memref<80x16xf32, #tpu.memory_space<hbm>>) target_semaphore(%run_scoped3A : memref<!tpu.dma_semaphore, #tpu.memory_space<semaphore_mem>>)
        %dma_wait3A_114 = arith.constant 0 : i32
        %dma_wait3A_115 = tpu.memref_slice %arg5[%arg0, %add3A_106, %dma_wait3A_114] : memref<2x50048x16xf32, #tpu.memory_space<hbm>> -> memref<1x80x16xf32, #tpu.memory_space<hbm>>
        %dma_wait3A_116 = tpu.memref_squeeze %dma_wait3A_115 : memref<1x80x16xf32, #tpu.memory_space<hbm>> -> memref<80x16xf32, #tpu.memory_space<hbm>>
        %dma_wait3A_117 = arith.constant 0 : i32
        %dma_wait3A_118 = tpu.memref_slice %arg5[%arg0, %add3A_106, %dma_wait3A_117] : memref<2x50048x16xf32, #tpu.memory_space<hbm>> -> memref<1x80x16xf32, #tpu.memory_space<hbm>>
        %dma_wait3A_119 = tpu.memref_squeeze %dma_wait3A_118 : memref<1x80x16xf32, #tpu.memory_space<hbm>> -> memref<80x16xf32, #tpu.memory_space<hbm>>
        tpu.wait_dma2 semaphore(%run_scoped3A : memref<!tpu.dma_semaphore, #tpu.memory_space<semaphore_mem>>) src(%arg11 : memref<80x16xf32, #tpu.memory_space<vmem>>) dst(%dma_wait3A_119 : memref<80x16xf32, #tpu.memory_space<hbm>>)
        tpu.yield
      }) : () -> ()
      %scan3A_107 = arith.constant 0 : i32
      scf.yield %scan3A_107 : i32
    }
    %scan3A_64 = arith.constant 39 : i32
    %mul3A_65 = arith.constant 3128 : i32
    %mul3A_66 = arith.muli %arg1, %mul3A_65 : i32
    %add3A_67 = arith.constant 3120 : i32
    %add3A_68 = arith.addi %mul3A_66, %add3A_67 : i32
    %add3A_69 = vector.broadcast %add3A_68 : i32 to vector<16xi32>
    %add3A_70 = arith.addi %add3A_69, %iota3A : vector<16xi32>
    %min3A_71 = arith.constant 50047 : i32
    %min3A_72 = vector.broadcast %min3A_71 : i32 to vector<16xi32>
    %min3A_73 = arith.minsi %add3A_70, %min3A_72 : vector<16xi32>
    %swap3A_74 = arith.constant 0 : index
    %swap3A_75 = tpu.vector_load %arg12[%swap3A_74] {strides = array<i32>} : memref<16xi32, #tpu.memory_space<vmem>>, vector<16xi32>,
    tpu.vector_store %arg12[%swap3A_74], %min3A_73 {strides = array<i32>} : memref<16xi32, #tpu.memory_space<vmem>>, vector<16xi32>,
    %dma_start3A_76 = arith.constant 0 : i32
    %dma_start3A_77 = arith.constant 0 : i32
    %dma_start3A_78 = tpu.memref_slice %arg7[%dma_start3A_76, %dma_start3A_77] : memref<50048x16xf32, #tpu.memory_space<vmem_shared>> -> memref<50048x16xf32, #tpu.memory_space<vmem_shared>>
    tpu.enqueue_indirect_dma source(%dma_start3A_78 : memref<50048x16xf32, #tpu.memory_space<vmem_shared>>) target(%arg13 : memref<16x16xf32, #tpu.memory_space<vmem>>) offsets(%arg12 : memref<16xi32, #tpu.memory_space<vmem>>) semaphore(%arg14 : memref<!tpu.dma_semaphore, #tpu.memory_space<semaphore_mem>>)
    %dma_wait3A_79 = arith.constant 0 : i32
    %dma_wait3A_80 = arith.constant 0 : i32
    %dma_wait3A_81 = tpu.memref_slice %arg7[%dma_wait3A_79, %dma_wait3A_80] : memref<50048x16xf32, #tpu.memory_space<vmem_shared>> -> memref<50048x16xf32, #tpu.memory_space<vmem_shared>>
    tpu.wait_indirect_dma semaphore(%arg14 : memref<!tpu.dma_semaphore, #tpu.memory_space<semaphore_mem>>) src(%dma_wait3A_81 : memref<50048x16xf32, #tpu.memory_space<vmem_shared>>) dst(%arg13 : memref<16x16xf32, #tpu.memory_space<vmem>>)
    "tpu.region"() ({
      %run_scoped3A = tpu.sem_alloc : memref<!tpu.dma_semaphore, #tpu.memory_space<semaphore_mem>>
      %dma_start3A_82 = arith.constant 0 : i32
      %dma_start3A_83 = arith.constant 0 : i32
      %dma_start3A_84 = tpu.memref_slice %arg13[%dma_start3A_82, %dma_start3A_83] : memref<16x16xf32, #tpu.memory_space<vmem>> -> memref<8x16xf32, #tpu.memory_space<vmem>>
      %dma_start3A_85 = arith.constant 0 : i32
      %dma_start3A_86 = tpu.memref_slice %arg5[%arg0, %add3A_68, %dma_start3A_85] : memref<2x50048x16xf32, #tpu.memory_space<hbm>> -> memref<1x8x16xf32, #tpu.memory_space<hbm>>
      %dma_start3A_87 = tpu.memref_squeeze %dma_start3A_86 : memref<1x8x16xf32, #tpu.memory_space<hbm>> -> memref<8x16xf32, #tpu.memory_space<hbm>>
      %dma_start3A_88 = arith.constant 0 : i32
      %dma_start3A_89 = tpu.memref_slice %arg5[%arg0, %add3A_68, %dma_start3A_88] : memref<2x50048x16xf32, #tpu.memory_space<hbm>> -> memref<1x8x16xf32, #tpu.memory_space<hbm>>
      %dma_start3A_90 = tpu.memref_squeeze %dma_start3A_89 : memref<1x8x16xf32, #tpu.memory_space<hbm>> -> memref<8x16xf32, #tpu.memory_space<hbm>>
      %dma_start3A_91 = arith.constant 0 : i32
      %dma_start3A_92 = arith.constant 0 : i32
      %dma_start3A_93 = tpu.memref_slice %arg13[%dma_start3A_91, %dma_start3A_92] : memref<16x16xf32, #tpu.memory_space<vmem>> -> memref<8x16xf32, #tpu.memory_space<vmem>>
      tpu.enqueue_dma source(%dma_start3A_93 : memref<8x16xf32, #tpu.memory_space<vmem>>) target(%dma_start3A_90 : memref<8x16xf32, #tpu.memory_space<hbm>>) target_semaphore(%run_scoped3A : memref<!tpu.dma_semaphore, #tpu.memory_space<semaphore_mem>>)
      %dma_wait3A_94 = arith.constant 0 : i32
      %dma_wait3A_95 = arith.constant 0 : i32
      %dma_wait3A_96 = tpu.memref_slice %arg13[%dma_wait3A_94, %dma_wait3A_95] : memref<16x16xf32, #tpu.memory_space<vmem>> -> memref<8x16xf32, #tpu.memory_space<vmem>>
      %dma_wait3A_97 = arith.constant 0 : i32
      %dma_wait3A_98 = tpu.memref_slice %arg5[%arg0, %add3A_68, %dma_wait3A_97] : memref<2x50048x16xf32, #tpu.memory_space<hbm>> -> memref<1x8x16xf32, #tpu.memory_space<hbm>>
      %dma_wait3A_99 = tpu.memref_squeeze %dma_wait3A_98 : memref<1x8x16xf32, #tpu.memory_space<hbm>> -> memref<8x16xf32, #tpu.memory_space<hbm>>
      %dma_wait3A_100 = arith.constant 0 : i32
      %dma_wait3A_101 = tpu.memref_slice %arg5[%arg0, %add3A_68, %dma_wait3A_100] : memref<2x50048x16xf32, #tpu.memory_space<hbm>> -> memref<1x8x16xf32, #tpu.memory_space<hbm>>
      %dma_wait3A_102 = tpu.memref_squeeze %dma_wait3A_101 : memref<1x8x16xf32, #tpu.memory_space<hbm>> -> memref<8x16xf32, #tpu.memory_space<hbm>>
      %dma_wait3A_103 = arith.constant 0 : i32
      %dma_wait3A_104 = arith.constant 0 : i32
      %dma_wait3A_105 = tpu.memref_slice %arg13[%dma_wait3A_103, %dma_wait3A_104] : memref<16x16xf32, #tpu.memory_space<vmem>> -> memref<8x16xf32, #tpu.memory_space<vmem>>
      tpu.wait_dma2 semaphore(%run_scoped3A : memref<!tpu.dma_semaphore, #tpu.memory_space<semaphore_mem>>) src(%dma_wait3A_105 : memref<8x16xf32, #tpu.memory_space<vmem>>) dst(%dma_wait3A_102 : memref<8x16xf32, #tpu.memory_space<hbm>>)
      tpu.yield
    }) : () -> ()
    return
  }
}

#map = affine_map<(d0, d1) -> (0, 0)>
#map1 = affine_map<(d0, d1) -> (0)>
module attributes {stable_mosaic.version = 14 : i64} {
  func.func @_sc_segmax(%arg0: i32, %arg1: i32, %arg2: memref<100000x128xf32, #tpu.memory_space<hbm>>, %arg3: memref<1600000xi32, #tpu.memory_space<hbm>>, %arg4: memref<1600000xi32, #tpu.memory_space<hbm>>, %arg5: memref<100512xf32, #tpu.memory_space<hbm>>, %arg6: memref<3203072xf32, #tpu.memory_space<hbm>>, %arg7: memref<100512xf32, #tpu.memory_space<vmem>>, %arg8: memref<1600xi32, #tpu.memory_space<vmem>>, %arg9: memref<1600xi32, #tpu.memory_space<vmem>>, %arg10: memref<1744xi32, #tpu.memory_space<vmem>>, %arg11: memref<1744xi32, #tpu.memory_space<vmem>>, %arg12: memref<128x128xf32, #tpu.memory_space<vmem>>, %arg13: memref<!tpu.dma_semaphore, #tpu.memory_space<semaphore_mem>>) attributes {dimension_semantics = [#tpu.dimension_semantics<core_parallel>, #tpu.dimension_semantics<subcore_parallel>], iteration_bounds = array<i64: 2, 16>, scalar_prefetch = 0 : i64, scratch_operands = 7 : i64, tpu.core_type = #tpu.core_type<sc_vector_subcore>, window_params = [{transform_indices = #map}, {transform_indices = #map1}, {transform_indices = #map1}, {transform_indices = #map1}, {transform_indices = #map1}]} {
    %mul3A = arith.constant 2 : i32
    %mul3A_0 = arith.muli %arg1, %mul3A : i32
    %add3A = arith.addi %mul3A_0, %arg0 : i32
    %mul3A_1 = arith.constant 3125 : i32
    %mul3A_2 = arith.muli %add3A, %mul3A_1 : i32
    "tpu.region"() ({
      %run_scoped3A = tpu.sem_alloc : memref<!tpu.dma_semaphore, #tpu.memory_space<semaphore_mem>>
      tpu.enqueue_dma source(%arg5 : memref<100512xf32, #tpu.memory_space<hbm>>) target(%arg7 : memref<100512xf32, #tpu.memory_space<vmem>>) target_semaphore(%run_scoped3A : memref<!tpu.dma_semaphore, #tpu.memory_space<semaphore_mem>>)
      tpu.wait_dma2 semaphore(%run_scoped3A : memref<!tpu.dma_semaphore, #tpu.memory_space<semaphore_mem>>) src(%arg5 : memref<100512xf32, #tpu.memory_space<hbm>>) dst(%arg7 : memref<100512xf32, #tpu.memory_space<vmem>>)
      tpu.yield
    }) : () -> ()
    %iota3A = tpu.iota {dimensions = array<i32: 0>} : vector<16xi32>
    %scan3A = arith.constant 0 : i32
    %scan3A_3 = arith.constant 0 : i32
    %scan3A_4 = arith.constant 109 : i32
    %scan3A_5 = arith.addi %scan3A_3, %scan3A_4 : i32
    %scan3A_6 = arith.constant 1 : i32
    %scan3A_7 = scf.for %scan3A_40 = %scan3A_3 to %scan3A_5 step %scan3A_6 iter_args(%scan3A_41 = %scan3A) -> (i32)  : i32 {
      %add3A_42 = arith.constant 3125 : i32
      %add3A_43 = vector.broadcast %add3A_42 : i32 to vector<16xi32>
      %add3A_44 = arith.addi %add3A_43, %iota3A : vector<16xi32>
      %mul3A_45 = arith.constant 16 : i32
      %mul3A_46 = arith.muli %scan3A_40, %mul3A_45 : i32
      %swap3A = arith.index_cast %mul3A_46 : i32 to index
      %swap3A_47 = tpu.vector_load %arg11[%swap3A] {strides = array<i32>} : memref<1744xi32, #tpu.memory_space<vmem>>, vector<16xi32>,
      tpu.vector_store %arg11[%swap3A], %add3A_44 {strides = array<i32>} : memref<1744xi32, #tpu.memory_space<vmem>>, vector<16xi32>,
      %mul3A_48 = arith.constant 512 : i32
      %mul3A_49 = vector.broadcast %mul3A_48 : i32 to vector<16xi32>
      %mul3A_50 = arith.muli %iota3A, %mul3A_49 : vector<16xi32>
      %add3A_51 = vector.broadcast %scan3A_40 : i32 to vector<16xi32>
      %add3A_52 = arith.addi %mul3A_50, %add3A_51 : vector<16xi32>
      %mul3A_53 = arith.constant 16 : i32
      %mul3A_54 = arith.muli %scan3A_40, %mul3A_53 : i32
      %swap3A_55 = arith.index_cast %mul3A_54 : i32 to index
      %swap3A_56 = tpu.vector_load %arg10[%swap3A_55] {strides = array<i32>} : memref<1744xi32, #tpu.memory_space<vmem>>, vector<16xi32>,
      tpu.vector_store %arg10[%swap3A_55], %add3A_52 {strides = array<i32>} : memref<1744xi32, #tpu.memory_space<vmem>>, vector<16xi32>,
      %scan3A_57 = arith.constant 0 : i32
      scf.yield %scan3A_57 : i32
    }
    %scan3A_8 = arith.constant 109 : i32
    %scan3A_9 = arith.constant 0 : i32
    %scan3A_10 = arith.constant 0 : i32
    %scan3A_11 = arith.constant 1000 : i32
    %scan3A_12 = arith.addi %scan3A_10, %scan3A_11 : i32
    %scan3A_13 = arith.constant 1 : i32
    %scan3A_14 = scf.for %scan3A_40 = %scan3A_10 to %scan3A_12 step %scan3A_13 iter_args(%scan3A_41 = %scan3A_9) -> (i32)  : i32 {
      %mul3A_42 = arith.constant 1600 : i32
      %mul3A_43 = arith.muli %scan3A_40, %mul3A_42 : i32
      "tpu.region"() ({
        %run_scoped3A = tpu.sem_alloc : memref<!tpu.dma_semaphore, #tpu.memory_space<semaphore_mem>>
        %dma_start3A_80 = tpu.memref_slice %arg3[%mul3A_43] : memref<1600000xi32, #tpu.memory_space<hbm>> -> memref<1600xi32, #tpu.memory_space<hbm>>
        %dma_start3A_81 = tpu.memref_slice %arg3[%mul3A_43] : memref<1600000xi32, #tpu.memory_space<hbm>> -> memref<1600xi32, #tpu.memory_space<hbm>>
        tpu.enqueue_dma source(%dma_start3A_81 : memref<1600xi32, #tpu.memory_space<hbm>>) target(%arg8 : memref<1600xi32, #tpu.memory_space<vmem>>) target_semaphore(%run_scoped3A : memref<!tpu.dma_semaphore, #tpu.memory_space<semaphore_mem>>)
        %dma_wait3A_82 = tpu.memref_slice %arg3[%mul3A_43] : memref<1600000xi32, #tpu.memory_space<hbm>> -> memref<1600xi32, #tpu.memory_space<hbm>>
        %dma_wait3A_83 = tpu.memref_slice %arg3[%mul3A_43] : memref<1600000xi32, #tpu.memory_space<hbm>> -> memref<1600xi32, #tpu.memory_space<hbm>>
        tpu.wait_dma2 semaphore(%run_scoped3A : memref<!tpu.dma_semaphore, #tpu.memory_space<semaphore_mem>>) src(%dma_wait3A_83 : memref<1600xi32, #tpu.memory_space<hbm>>) dst(%arg8 : memref<1600xi32, #tpu.memory_space<vmem>>)
        tpu.yield
      }) : () -> ()
      "tpu.region"() ({
        %run_scoped3A = tpu.sem_alloc : memref<!tpu.dma_semaphore, #tpu.memory_space<semaphore_mem>>
        %dma_start3A_80 = tpu.memref_slice %arg4[%mul3A_43] : memref<1600000xi32, #tpu.memory_space<hbm>> -> memref<1600xi32, #tpu.memory_space<hbm>>
        %dma_start3A_81 = tpu.memref_slice %arg4[%mul3A_43] : memref<1600000xi32, #tpu.memory_space<hbm>> -> memref<1600xi32, #tpu.memory_space<hbm>>
        tpu.enqueue_dma source(%dma_start3A_81 : memref<1600xi32, #tpu.memory_space<hbm>>) target(%arg9 : memref<1600xi32, #tpu.memory_space<vmem>>) target_semaphore(%run_scoped3A : memref<!tpu.dma_semaphore, #tpu.memory_space<semaphore_mem>>)
        %dma_wait3A_82 = tpu.memref_slice %arg4[%mul3A_43] : memref<1600000xi32, #tpu.memory_space<hbm>> -> memref<1600xi32, #tpu.memory_space<hbm>>
        %dma_wait3A_83 = tpu.memref_slice %arg4[%mul3A_43] : memref<1600000xi32, #tpu.memory_space<hbm>> -> memref<1600xi32, #tpu.memory_space<hbm>>
        tpu.wait_dma2 semaphore(%run_scoped3A : memref<!tpu.dma_semaphore, #tpu.memory_space<semaphore_mem>>) src(%dma_wait3A_83 : memref<1600xi32, #tpu.memory_space<hbm>>) dst(%arg9 : memref<1600xi32, #tpu.memory_space<vmem>>)
        tpu.yield
      }) : () -> ()
      %scan3A_44 = arith.constant 0 : i32
      %scan3A_45 = arith.constant 100 : i32
      %scan3A_46 = arith.addi %scan3A_44, %scan3A_45 : i32
      %scan3A_47 = arith.constant 1 : i32
      %scan3A_48 = scf.for %scan3A_80 = %scan3A_44 to %scan3A_46 step %scan3A_47 iter_args(%scan3A_81 = %scan3A_41) -> (i32)  : i32 {
        %mul3A_82 = arith.constant 16 : i32
        %mul3A_83 = arith.muli %scan3A_80, %mul3A_82 : i32
        %get3A = arith.index_cast %mul3A_83 : i32 to index
        %get3A_84 = tpu.vector_load %arg9[%get3A] {strides = array<i32>} : memref<1600xi32, #tpu.memory_space<vmem>>, vector<16xi32>,
        %mul3A_85 = arith.constant 16 : i32
        %mul3A_86 = arith.muli %scan3A_80, %mul3A_85 : i32
        %get3A_87 = arith.index_cast %mul3A_86 : i32 to index
        %get3A_88 = tpu.vector_load %arg8[%get3A_87] {strides = array<i32>} : memref<1600xi32, #tpu.memory_space<vmem>>, vector<16xi32>,
        %sub3A_89 = vector.broadcast %mul3A_2 : i32 to vector<16xi32>
        %sub3A_90 = arith.subi %get3A_84, %sub3A_89 : vector<16xi32>
        %bitcast3A = vector.bitcast %sub3A_90 : vector<16xi32> to vector<16xi32>
        %lt3A = arith.constant 3125 : i32
        %lt3A_91 = vector.broadcast %lt3A : i32 to vector<16xi32>
        %lt3A_92 = arith.cmpi ult, %bitcast3A, %lt3A_91 : vector<16xi32>
        %jit3A_93 = arith.constant 1 : i32
        %jit3A_94 = arith.constant 0 : i32
        %broadcast_in_dim3A = vector.broadcast %jit3A_93 : i32 to vector<16xi32>
        %broadcast_in_dim3A_95 = vector.broadcast %jit3A_94 : i32 to vector<16xi32>
        %select_n3A_96 = arith.select %lt3A_92, %broadcast_in_dim3A, %broadcast_in_dim3A_95 : vector<16xi1>, vector<16xi32>
        %broadcast_in_dim3A_97 = arith.constant true
        %broadcast_in_dim3A_98 = vector.broadcast %broadcast_in_dim3A_97 : i1 to vector<16xi1>
        %masked_cumsum3A = tpu.scan <sum>, %select_n3A_96 masked %broadcast_in_dim3A_98 : vector<16xi32>, vector<16xi1> -> vector<16xi32>
        %add3A_99 = vector.broadcast %scan3A_81 : i32 to vector<16xi32>
        %add3A_100 = arith.addi %add3A_99, %masked_cumsum3A : vector<16xi32>
        %sub3A_101 = arith.constant 1 : i32
        %sub3A_102 = vector.broadcast %sub3A_101 : i32 to vector<16xi32>
        %sub3A_103 = arith.subi %add3A_100, %sub3A_102 : vector<16xi32>
        %add3A_104 = arith.constant 1728 : i32
        %add3A_105 = vector.broadcast %add3A_104 : i32 to vector<16xi32>
        %add3A_106 = arith.addi %add3A_105, %iota3A : vector<16xi32>
        %select_n3A_107 = arith.select %lt3A_92, %sub3A_103, %add3A_106 : vector<16xi1>, vector<16xi32>
        %jit3A_108 = arith.constant 3125 : i32
        %broadcast_in_dim3A_109 = vector.broadcast %jit3A_108 : i32 to vector<16xi32>
        %select_n3A_110 = arith.select %lt3A_92, %sub3A_90, %broadcast_in_dim3A_109 : vector<16xi1>, vector<16xi32>
        tpu.vector_store_idx %arg11[%select_n3A_107], %select_n3A_110 : memref<1744xi32, #tpu.memory_space<vmem>>[vector<16xi32>], vector<16xi32>,
        %mul3A_111 = arith.constant 97 : i32
        %mul3A_112 = vector.broadcast %mul3A_111 : i32 to vector<16xi32>
        %mul3A_113 = arith.muli %iota3A, %mul3A_112 : vector<16xi32>
        %add3A_114 = arith.constant 8 : i32
        %add3A_115 = vector.broadcast %add3A_114 : i32 to vector<16xi32>
        %add3A_116 = arith.addi %mul3A_113, %add3A_115 : vector<16xi32>
        %select_n3A_117 = arith.select %lt3A_92, %get3A_88, %add3A_116 : vector<16xi1>, vector<16xi32>
        tpu.vector_store_idx %arg10[%select_n3A_107], %select_n3A_117 : memref<1744xi32, #tpu.memory_space<vmem>>[vector<16xi32>], vector<16xi32>,
        %slice3A = vector.extract_strided_slice %masked_cumsum3A {offsets = [15], sizes = [1], strides = [1]} : vector<16xi32> to vector<1xi32>
        %squeeze3A = vector.extract %slice3A[0] : i32 from vector<1xi32>
        %add3A_118 = arith.addi %scan3A_81, %squeeze3A : i32
        scf.yield %add3A_118 : i32
      }
      %scan3A_49 = arith.constant 100 : i32
      %jit3A = arith.constant 128 : i32
      %div3A = arith.divsi %scan3A_48, %jit3A : i32
      %sign3A = arith.constant 0 : i32
      %sign3A_50 = arith.cmpi sgt, %scan3A_48, %sign3A : i32
      %sign3A_51 = arith.extui %sign3A_50 : i1 to i32
      %sign3A_52 = arith.constant 0 : i32
      %sign3A_53 = arith.cmpi slt, %scan3A_48, %sign3A_52 : i32
      %sign3A_54 = arith.extui %sign3A_53 : i1 to i32
      %sign3A_55 = arith.subi %sign3A_51, %sign3A_54 : i32
      %sign3A_56 = arith.constant 0 : i32
      %sign3A_57 = arith.cmpi sgt, %jit3A, %sign3A_56 : i32
      %sign3A_58 = arith.extui %sign3A_57 : i1 to i32
      %sign3A_59 = arith.constant 0 : i32
      %sign3A_60 = arith.cmpi slt, %jit3A, %sign3A_59 : i32
      %sign3A_61 = arith.extui %sign3A_60 : i1 to i32
      %sign3A_62 = arith.subi %sign3A_58, %sign3A_61 : i32
      %ne3A = arith.cmpi ne, %sign3A_55, %sign3A_62 : i32
      %rem3A = arith.remsi %scan3A_48, %jit3A : i32
      %ne3A_63 = arith.constant 0 : i32
      %ne3A_64 = arith.cmpi ne, %rem3A, %ne3A_63 : i32
      %and3A = arith.andi %ne3A, %ne3A_64 : i1
      %sub3A = arith.constant 1 : i32
      %sub3A_65 = arith.subi %div3A, %sub3A : i32
      %select_n3A = arith.select %and3A, %sub3A_65, %div3A : i32
      %while3A = arith.constant 0 : i32
      %while3A_66 = arith.constant 0 : i32
      %while3A_67 = arith.subi %select_n3A, %while3A : i32
      %while3A_68 = arith.addi %while3A, %while3A_67 : i32
      %while3A_69 = arith.constant 1 : i32
      %while3A_70 = arith.divsi %while3A_67, %while3A_69 : i32
      %while3A_71 = arith.muli %while3A_70, %while3A_69 : i32
      %while3A_72 = arith.addi %while3A, %while3A_71 : i32
      %while3A_73 = arith.constant 1 : i32
      %while3A_74 = scf.for %while3A_80 = %while3A to %while3A_72 step %while3A_73 iter_args(%while3A_81 = %while3A_66) -> (i32)  : i32 {
        %dma_start3A_82 = arith.constant 0 : i32
        %dma_start3A_83 = tpu.memref_slice %arg10[%dma_start3A_82] : memref<1744xi32, #tpu.memory_space<vmem>> -> memref<128xi32, #tpu.memory_space<vmem>>
        %dma_start3A_84 = arith.constant 0 : i32
        %dma_start3A_85 = arith.constant 0 : i32
        %dma_start3A_86 = tpu.memref_slice %arg2[%dma_start3A_84, %dma_start3A_85] : memref<100000x128xf32, #tpu.memory_space<hbm>> -> memref<100000x128xf32, #tpu.memory_space<hbm>>
        tpu.enqueue_indirect_dma source(%dma_start3A_86 : memref<100000x128xf32, #tpu.memory_space<hbm>>) target(%arg12 : memref<128x128xf32, #tpu.memory_space<vmem>>) offsets(%dma_start3A_83 : memref<128xi32, #tpu.memory_space<vmem>>) semaphore(%arg13 : memref<!tpu.dma_semaphore, #tpu.memory_space<semaphore_mem>>)
        %dma_wait3A_87 = arith.constant 0 : i32
        %dma_wait3A_88 = tpu.memref_slice %arg10[%dma_wait3A_87] : memref<1744xi32, #tpu.memory_space<vmem>> -> memref<128xi32, #tpu.memory_space<vmem>>
        %dma_wait3A_89 = arith.constant 0 : i32
        %dma_wait3A_90 = arith.constant 0 : i32
        %dma_wait3A_91 = tpu.memref_slice %arg2[%dma_wait3A_89, %dma_wait3A_90] : memref<100000x128xf32, #tpu.memory_space<hbm>> -> memref<100000x128xf32, #tpu.memory_space<hbm>>
        tpu.wait_indirect_dma semaphore(%arg13 : memref<!tpu.dma_semaphore, #tpu.memory_space<semaphore_mem>>) src(%dma_wait3A_91 : memref<100000x128xf32, #tpu.memory_space<hbm>>) dst(%arg12 : memref<128x128xf32, #tpu.memory_space<vmem>>)
        %scan3A_92 = arith.constant 0 : i32
        %scan3A_93 = arith.constant 0 : i32
        %scan3A_94 = arith.constant 128 : i32
        %scan3A_95 = arith.addi %scan3A_93, %scan3A_94 : i32
        %scan3A_96 = arith.constant 1 : i32
        %scan3A_97 = scf.for %scan3A_107 = %scan3A_93 to %scan3A_95 step %scan3A_96 iter_args(%scan3A_108 = %scan3A_92) -> (i32)  : i32 {
          %get3A = arith.index_cast %scan3A_107 : i32 to index
          %get3A_109 = tpu.vector_load %arg11[%get3A] {strides = array<i32>} : memref<1744xi32, #tpu.memory_space<vmem>>, vector<16xi32>,
          %slice3A = vector.extract_strided_slice %get3A_109 {offsets = [0], sizes = [1], strides = [1]} : vector<16xi32> to vector<1xi32>
          %squeeze3A = vector.extract %slice3A[0] : i32 from vector<1xi32>
          %mul3A_110 = arith.constant 32 : i32
          %mul3A_111 = arith.muli %squeeze3A, %mul3A_110 : i32
          %get3A_112 = arith.index_cast %mul3A_111 : i32 to index
          %get3A_113 = tpu.vector_load %arg7[%get3A_112] {strides = array<i32>} : memref<100512xf32, #tpu.memory_space<vmem>>, vector<16xf32>,
          %get3A_114 = arith.index_cast %scan3A_107 : i32 to index
          %get3A_115 = arith.constant 0 : index
          %get3A_116 = tpu.vector_load %arg12[%get3A_114, %get3A_115] {strides = array<i32>} : memref<128x128xf32, #tpu.memory_space<vmem>>, vector<16xf32>,
          %max3A = arith.maximumf %get3A_113, %get3A_116 : vector<16xf32>
          %mul3A_117 = arith.constant 32 : i32
          %mul3A_118 = arith.muli %squeeze3A, %mul3A_117 : i32
          %swap3A = arith.index_cast %mul3A_118 : i32 to index
          %swap3A_119 = tpu.vector_load %arg7[%swap3A] {strides = array<i32>} : memref<100512xf32, #tpu.memory_space<vmem>>, vector<16xf32>,
          tpu.vector_store %arg7[%swap3A], %max3A {strides = array<i32>} : memref<100512xf32, #tpu.memory_space<vmem>>, vector<16xf32>,
          %mul3A_120 = arith.constant 32 : i32
          %mul3A_121 = arith.muli %squeeze3A, %mul3A_120 : i32
          %add3A_122 = arith.constant 16 : i32
          %add3A_123 = arith.addi %mul3A_121, %add3A_122 : i32
          %get3A_124 = arith.index_cast %add3A_123 : i32 to index
          %get3A_125 = tpu.vector_load %arg7[%get3A_124] {strides = array<i32>} : memref<100512xf32, #tpu.memory_space<vmem>>, vector<16xf32>,
          %get3A_126 = arith.index_cast %scan3A_107 : i32 to index
          %get3A_127 = arith.constant 16 : index
          %get3A_128 = tpu.vector_load %arg12[%get3A_126, %get3A_127] {strides = array<i32>} : memref<128x128xf32, #tpu.memory_space<vmem>>, vector<16xf32>,
          %max3A_129 = arith.maximumf %get3A_125, %get3A_128 : vector<16xf32>
          %mul3A_130 = arith.constant 32 : i32
          %mul3A_131 = arith.muli %squeeze3A, %mul3A_130 : i32
          %add3A_132 = arith.constant 16 : i32
          %add3A_133 = arith.addi %mul3A_131, %add3A_132 : i32
          %swap3A_134 = arith.index_cast %add3A_133 : i32 to index
          %swap3A_135 = tpu.vector_load %arg7[%swap3A_134] {strides = array<i32>} : memref<100512xf32, #tpu.memory_space<vmem>>, vector<16xf32>,
          tpu.vector_store %arg7[%swap3A_134], %max3A_129 {strides = array<i32>} : memref<100512xf32, #tpu.memory_space<vmem>>, vector<16xf32>,
          %scan3A_136 = arith.constant 0 : i32
          scf.yield %scan3A_136 : i32
        }
        %scan3A_98 = arith.constant 128 : i32
        %scan3A_99 = arith.constant 0 : i32
        %scan3A_100 = arith.constant 0 : i32
        %scan3A_101 = arith.constant 101 : i32
        %scan3A_102 = arith.addi %scan3A_100, %scan3A_101 : i32
        %scan3A_103 = arith.constant 1 : i32
        %scan3A_104 = scf.for %scan3A_107 = %scan3A_100 to %scan3A_102 step %scan3A_103 iter_args(%scan3A_108 = %scan3A_99) -> (i32)  : i32 {
          %mul3A_109 = arith.constant 16 : i32
          %mul3A_110 = arith.muli %scan3A_107, %mul3A_109 : i32
          %add3A_111 = arith.constant 128 : i32
          %add3A_112 = arith.addi %add3A_111, %mul3A_110 : i32
          %get3A = arith.index_cast %add3A_112 : i32 to index
          %get3A_113 = tpu.vector_load %arg11[%get3A] {strides = array<i32>} : memref<1744xi32, #tpu.memory_space<vmem>>, vector<16xi32>,
          %mul3A_114 = arith.constant 16 : i32
          %mul3A_115 = arith.muli %scan3A_107, %mul3A_114 : i32
          %swap3A = arith.index_cast %mul3A_115 : i32 to index
          %swap3A_116 = tpu.vector_load %arg11[%swap3A] {strides = array<i32>} : memref<1744xi32, #tpu.memory_space<vmem>>, vector<16xi32>,
          tpu.vector_store %arg11[%swap3A], %get3A_113 {strides = array<i32>} : memref<1744xi32, #tpu.memory_space<vmem>>, vector<16xi32>,
          %mul3A_117 = arith.constant 16 : i32
          %mul3A_118 = arith.muli %scan3A_107, %mul3A_117 : i32
          %add3A_119 = arith.constant 128 : i32
          %add3A_120 = arith.addi %add3A_119, %mul3A_118 : i32
          %get3A_121 = arith.index_cast %add3A_120 : i32 to index
          %get3A_122 = tpu.vector_load %arg10[%get3A_121] {strides = array<i32>} : memref<1744xi32, #tpu.memory_space<vmem>>, vector<16xi32>,
          %mul3A_123 = arith.constant 16 : i32
          %mul3A_124 = arith.muli %scan3A_107, %mul3A_123 : i32
          %swap3A_125 = arith.index_cast %mul3A_124 : i32 to index
          %swap3A_126 = tpu.vector_load %arg10[%swap3A_125] {strides = array<i32>} : memref<1744xi32, #tpu.memory_space<vmem>>, vector<16xi32>,
          tpu.vector_store %arg10[%swap3A_125], %get3A_122 {strides = array<i32>} : memref<1744xi32, #tpu.memory_space<vmem>>, vector<16xi32>,
          %scan3A_127 = arith.constant 0 : i32
          scf.yield %scan3A_127 : i32
        }
        %scan3A_105 = arith.constant 101 : i32
        %while3A_106 = arith.constant 0 : i32
        scf.yield %while3A_106 : i32
      }
      %while3A_75 = arith.constant 1 : i32
      %while3A_76 = scf.for %while3A_80 = %while3A_72 to %while3A_68 step %while3A_75 iter_args(%while3A_81 = %while3A_74) -> (i32)  : i32 {
        %dma_start3A_82 = arith.constant 0 : i32
        %dma_start3A_83 = tpu.memref_slice %arg10[%dma_start3A_82] : memref<1744xi32, #tpu.memory_space<vmem>> -> memref<128xi32, #tpu.memory_space<vmem>>
        %dma_start3A_84 = arith.constant 0 : i32
        %dma_start3A_85 = arith.constant 0 : i32
        %dma_start3A_86 = tpu.memref_slice %arg2[%dma_start3A_84, %dma_start3A_85] : memref<100000x128xf32, #tpu.memory_space<hbm>> -> memref<100000x128xf32, #tpu.memory_space<hbm>>
        tpu.enqueue_indirect_dma source(%dma_start3A_86 : memref<100000x128xf32, #tpu.memory_space<hbm>>) target(%arg12 : memref<128x128xf32, #tpu.memory_space<vmem>>) offsets(%dma_start3A_83 : memref<128xi32, #tpu.memory_space<vmem>>) semaphore(%arg13 : memref<!tpu.dma_semaphore, #tpu.memory_space<semaphore_mem>>)
        %dma_wait3A_87 = arith.constant 0 : i32
        %dma_wait3A_88 = tpu.memref_slice %arg10[%dma_wait3A_87] : memref<1744xi32, #tpu.memory_space<vmem>> -> memref<128xi32, #tpu.memory_space<vmem>>
        %dma_wait3A_89 = arith.constant 0 : i32
        %dma_wait3A_90 = arith.constant 0 : i32
        %dma_wait3A_91 = tpu.memref_slice %arg2[%dma_wait3A_89, %dma_wait3A_90] : memref<100000x128xf32, #tpu.memory_space<hbm>> -> memref<100000x128xf32, #tpu.memory_space<hbm>>
        tpu.wait_indirect_dma semaphore(%arg13 : memref<!tpu.dma_semaphore, #tpu.memory_space<semaphore_mem>>) src(%dma_wait3A_91 : memref<100000x128xf32, #tpu.memory_space<hbm>>) dst(%arg12 : memref<128x128xf32, #tpu.memory_space<vmem>>)
        %scan3A_92 = arith.constant 0 : i32
        %scan3A_93 = arith.constant 0 : i32
        %scan3A_94 = arith.constant 128 : i32
        %scan3A_95 = arith.addi %scan3A_93, %scan3A_94 : i32
        %scan3A_96 = arith.constant 1 : i32
        %scan3A_97 = scf.for %scan3A_107 = %scan3A_93 to %scan3A_95 step %scan3A_96 iter_args(%scan3A_108 = %scan3A_92) -> (i32)  : i32 {
          %get3A = arith.index_cast %scan3A_107 : i32 to index
          %get3A_109 = tpu.vector_load %arg11[%get3A] {strides = array<i32>} : memref<1744xi32, #tpu.memory_space<vmem>>, vector<16xi32>,
          %slice3A = vector.extract_strided_slice %get3A_109 {offsets = [0], sizes = [1], strides = [1]} : vector<16xi32> to vector<1xi32>
          %squeeze3A = vector.extract %slice3A[0] : i32 from vector<1xi32>
          %mul3A_110 = arith.constant 32 : i32
          %mul3A_111 = arith.muli %squeeze3A, %mul3A_110 : i32
          %get3A_112 = arith.index_cast %mul3A_111 : i32 to index
          %get3A_113 = tpu.vector_load %arg7[%get3A_112] {strides = array<i32>} : memref<100512xf32, #tpu.memory_space<vmem>>, vector<16xf32>,
          %get3A_114 = arith.index_cast %scan3A_107 : i32 to index
          %get3A_115 = arith.constant 0 : index
          %get3A_116 = tpu.vector_load %arg12[%get3A_114, %get3A_115] {strides = array<i32>} : memref<128x128xf32, #tpu.memory_space<vmem>>, vector<16xf32>,
          %max3A = arith.maximumf %get3A_113, %get3A_116 : vector<16xf32>
          %mul3A_117 = arith.constant 32 : i32
          %mul3A_118 = arith.muli %squeeze3A, %mul3A_117 : i32
          %swap3A = arith.index_cast %mul3A_118 : i32 to index
          %swap3A_119 = tpu.vector_load %arg7[%swap3A] {strides = array<i32>} : memref<100512xf32, #tpu.memory_space<vmem>>, vector<16xf32>,
          tpu.vector_store %arg7[%swap3A], %max3A {strides = array<i32>} : memref<100512xf32, #tpu.memory_space<vmem>>, vector<16xf32>,
          %mul3A_120 = arith.constant 32 : i32
          %mul3A_121 = arith.muli %squeeze3A, %mul3A_120 : i32
          %add3A_122 = arith.constant 16 : i32
          %add3A_123 = arith.addi %mul3A_121, %add3A_122 : i32
          %get3A_124 = arith.index_cast %add3A_123 : i32 to index
          %get3A_125 = tpu.vector_load %arg7[%get3A_124] {strides = array<i32>} : memref<100512xf32, #tpu.memory_space<vmem>>, vector<16xf32>,
          %get3A_126 = arith.index_cast %scan3A_107 : i32 to index
          %get3A_127 = arith.constant 16 : index
          %get3A_128 = tpu.vector_load %arg12[%get3A_126, %get3A_127] {strides = array<i32>} : memref<128x128xf32, #tpu.memory_space<vmem>>, vector<16xf32>,
          %max3A_129 = arith.maximumf %get3A_125, %get3A_128 : vector<16xf32>
          %mul3A_130 = arith.constant 32 : i32
          %mul3A_131 = arith.muli %squeeze3A, %mul3A_130 : i32
          %add3A_132 = arith.constant 16 : i32
          %add3A_133 = arith.addi %mul3A_131, %add3A_132 : i32
          %swap3A_134 = arith.index_cast %add3A_133 : i32 to index
          %swap3A_135 = tpu.vector_load %arg7[%swap3A_134] {strides = array<i32>} : memref<100512xf32, #tpu.memory_space<vmem>>, vector<16xf32>,
          tpu.vector_store %arg7[%swap3A_134], %max3A_129 {strides = array<i32>} : memref<100512xf32, #tpu.memory_space<vmem>>, vector<16xf32>,
          %scan3A_136 = arith.constant 0 : i32
          scf.yield %scan3A_136 : i32
        }
        %scan3A_98 = arith.constant 128 : i32
        %scan3A_99 = arith.constant 0 : i32
        %scan3A_100 = arith.constant 0 : i32
        %scan3A_101 = arith.constant 101 : i32
        %scan3A_102 = arith.addi %scan3A_100, %scan3A_101 : i32
        %scan3A_103 = arith.constant 1 : i32
        %scan3A_104 = scf.for %scan3A_107 = %scan3A_100 to %scan3A_102 step %scan3A_103 iter_args(%scan3A_108 = %scan3A_99) -> (i32)  : i32 {
          %mul3A_109 = arith.constant 16 : i32
          %mul3A_110 = arith.muli %scan3A_107, %mul3A_109 : i32
          %add3A_111 = arith.constant 128 : i32
          %add3A_112 = arith.addi %add3A_111, %mul3A_110 : i32
          %get3A = arith.index_cast %add3A_112 : i32 to index
          %get3A_113 = tpu.vector_load %arg11[%get3A] {strides = array<i32>} : memref<1744xi32, #tpu.memory_space<vmem>>, vector<16xi32>,
          %mul3A_114 = arith.constant 16 : i32
          %mul3A_115 = arith.muli %scan3A_107, %mul3A_114 : i32
          %swap3A = arith.index_cast %mul3A_115 : i32 to index
          %swap3A_116 = tpu.vector_load %arg11[%swap3A] {strides = array<i32>} : memref<1744xi32, #tpu.memory_space<vmem>>, vector<16xi32>,
          tpu.vector_store %arg11[%swap3A], %get3A_113 {strides = array<i32>} : memref<1744xi32, #tpu.memory_space<vmem>>, vector<16xi32>,
          %mul3A_117 = arith.constant 16 : i32
          %mul3A_118 = arith.muli %scan3A_107, %mul3A_117 : i32
          %add3A_119 = arith.constant 128 : i32
          %add3A_120 = arith.addi %add3A_119, %mul3A_118 : i32
          %get3A_121 = arith.index_cast %add3A_120 : i32 to index
          %get3A_122 = tpu.vector_load %arg10[%get3A_121] {strides = array<i32>} : memref<1744xi32, #tpu.memory_space<vmem>>, vector<16xi32>,
          %mul3A_123 = arith.constant 16 : i32
          %mul3A_124 = arith.muli %scan3A_107, %mul3A_123 : i32
          %swap3A_125 = arith.index_cast %mul3A_124 : i32 to index
          %swap3A_126 = tpu.vector_load %arg10[%swap3A_125] {strides = array<i32>} : memref<1744xi32, #tpu.memory_space<vmem>>, vector<16xi32>,
          tpu.vector_store %arg10[%swap3A_125], %get3A_122 {strides = array<i32>} : memref<1744xi32, #tpu.memory_space<vmem>>, vector<16xi32>,
          %scan3A_127 = arith.constant 0 : i32
          scf.yield %scan3A_127 : i32
        }
        %scan3A_105 = arith.constant 101 : i32
        %while3A_106 = arith.constant 0 : i32
        scf.yield %while3A_106 : i32
      }
      %mul3A_77 = arith.constant 128 : i32
      %mul3A_78 = arith.muli %select_n3A, %mul3A_77 : i32
      %sub3A_79 = arith.subi %scan3A_48, %mul3A_78 : i32
      scf.yield %sub3A_79 : i32
    }
    %scan3A_15 = arith.constant 1000 : i32
    %dma_start3A = arith.constant 0 : i32
    %dma_start3A_16 = tpu.memref_slice %arg10[%dma_start3A] : memref<1744xi32, #tpu.memory_space<vmem>> -> memref<128xi32, #tpu.memory_space<vmem>>
    %dma_start3A_17 = arith.constant 0 : i32
    %dma_start3A_18 = arith.constant 0 : i32
    %dma_start3A_19 = tpu.memref_slice %arg2[%dma_start3A_17, %dma_start3A_18] : memref<100000x128xf32, #tpu.memory_space<hbm>> -> memref<100000x128xf32, #tpu.memory_space<hbm>>
    tpu.enqueue_indirect_dma source(%dma_start3A_19 : memref<100000x128xf32, #tpu.memory_space<hbm>>) target(%arg12 : memref<128x128xf32, #tpu.memory_space<vmem>>) offsets(%dma_start3A_16 : memref<128xi32, #tpu.memory_space<vmem>>) semaphore(%arg13 : memref<!tpu.dma_semaphore, #tpu.memory_space<semaphore_mem>>)
    %dma_wait3A = arith.constant 0 : i32
    %dma_wait3A_20 = tpu.memref_slice %arg10[%dma_wait3A] : memref<1744xi32, #tpu.memory_space<vmem>> -> memref<128xi32, #tpu.memory_space<vmem>>
    %dma_wait3A_21 = arith.constant 0 : i32
    %dma_wait3A_22 = arith.constant 0 : i32
    %dma_wait3A_23 = tpu.memref_slice %arg2[%dma_wait3A_21, %dma_wait3A_22] : memref<100000x128xf32, #tpu.memory_space<hbm>> -> memref<100000x128xf32, #tpu.memory_space<hbm>>
    tpu.wait_indirect_dma semaphore(%arg13 : memref<!tpu.dma_semaphore, #tpu.memory_space<semaphore_mem>>) src(%dma_wait3A_23 : memref<100000x128xf32, #tpu.memory_space<hbm>>) dst(%arg12 : memref<128x128xf32, #tpu.memory_space<vmem>>)
    %scan3A_24 = arith.constant 0 : i32
    %scan3A_25 = arith.constant 0 : i32
    %scan3A_26 = arith.constant 128 : i32
    %scan3A_27 = arith.addi %scan3A_25, %scan3A_26 : i32
    %scan3A_28 = arith.constant 1 : i32
    %scan3A_29 = scf.for %scan3A_40 = %scan3A_25 to %scan3A_27 step %scan3A_28 iter_args(%scan3A_41 = %scan3A_24) -> (i32)  : i32 {
      %get3A = arith.index_cast %scan3A_40 : i32 to index
      %get3A_42 = tpu.vector_load %arg11[%get3A] {strides = array<i32>} : memref<1744xi32, #tpu.memory_space<vmem>>, vector<16xi32>,
      %slice3A = vector.extract_strided_slice %get3A_42 {offsets = [0], sizes = [1], strides = [1]} : vector<16xi32> to vector<1xi32>
      %squeeze3A = vector.extract %slice3A[0] : i32 from vector<1xi32>
      %mul3A_43 = arith.constant 32 : i32
      %mul3A_44 = arith.muli %squeeze3A, %mul3A_43 : i32
      %get3A_45 = arith.index_cast %mul3A_44 : i32 to index
      %get3A_46 = tpu.vector_load %arg7[%get3A_45] {strides = array<i32>} : memref<100512xf32, #tpu.memory_space<vmem>>, vector<16xf32>,
      %get3A_47 = arith.index_cast %scan3A_40 : i32 to index
      %get3A_48 = arith.constant 0 : index
      %get3A_49 = tpu.vector_load %arg12[%get3A_47, %get3A_48] {strides = array<i32>} : memref<128x128xf32, #tpu.memory_space<vmem>>, vector<16xf32>,
      %max3A = arith.maximumf %get3A_46, %get3A_49 : vector<16xf32>
      %mul3A_50 = arith.constant 32 : i32
      %mul3A_51 = arith.muli %squeeze3A, %mul3A_50 : i32
      %swap3A = arith.index_cast %mul3A_51 : i32 to index
      %swap3A_52 = tpu.vector_load %arg7[%swap3A] {strides = array<i32>} : memref<100512xf32, #tpu.memory_space<vmem>>, vector<16xf32>,
      tpu.vector_store %arg7[%swap3A], %max3A {strides = array<i32>} : memref<100512xf32, #tpu.memory_space<vmem>>, vector<16xf32>,
      %mul3A_53 = arith.constant 32 : i32
      %mul3A_54 = arith.muli %squeeze3A, %mul3A_53 : i32
      %add3A_55 = arith.constant 16 : i32
      %add3A_56 = arith.addi %mul3A_54, %add3A_55 : i32
      %get3A_57 = arith.index_cast %add3A_56 : i32 to index
      %get3A_58 = tpu.vector_load %arg7[%get3A_57] {strides = array<i32>} : memref<100512xf32, #tpu.memory_space<vmem>>, vector<16xf32>,
      %get3A_59 = arith.index_cast %scan3A_40 : i32 to index
      %get3A_60 = arith.constant 16 : index
      %get3A_61 = tpu.vector_load %arg12[%get3A_59, %get3A_60] {strides = array<i32>} : memref<128x128xf32, #tpu.memory_space<vmem>>, vector<16xf32>,
      %max3A_62 = arith.maximumf %get3A_58, %get3A_61 : vector<16xf32>
      %mul3A_63 = arith.constant 32 : i32
      %mul3A_64 = arith.muli %squeeze3A, %mul3A_63 : i32
      %add3A_65 = arith.constant 16 : i32
      %add3A_66 = arith.addi %mul3A_64, %add3A_65 : i32
      %swap3A_67 = arith.index_cast %add3A_66 : i32 to index
      %swap3A_68 = tpu.vector_load %arg7[%swap3A_67] {strides = array<i32>} : memref<100512xf32, #tpu.memory_space<vmem>>, vector<16xf32>,
      tpu.vector_store %arg7[%swap3A_67], %max3A_62 {strides = array<i32>} : memref<100512xf32, #tpu.memory_space<vmem>>, vector<16xf32>,
      %scan3A_69 = arith.constant 0 : i32
      scf.yield %scan3A_69 : i32
    }
    %scan3A_30 = arith.constant 128 : i32
    %scan3A_31 = arith.constant 0 : i32
    %scan3A_32 = arith.constant 0 : i32
    %scan3A_33 = arith.constant 101 : i32
    %scan3A_34 = arith.addi %scan3A_32, %scan3A_33 : i32
    %scan3A_35 = arith.constant 1 : i32
    %scan3A_36 = scf.for %scan3A_40 = %scan3A_32 to %scan3A_34 step %scan3A_35 iter_args(%scan3A_41 = %scan3A_31) -> (i32)  : i32 {
      %mul3A_42 = arith.constant 16 : i32
      %mul3A_43 = arith.muli %scan3A_40, %mul3A_42 : i32
      %add3A_44 = arith.constant 128 : i32
      %add3A_45 = arith.addi %add3A_44, %mul3A_43 : i32
      %get3A = arith.index_cast %add3A_45 : i32 to index
      %get3A_46 = tpu.vector_load %arg11[%get3A] {strides = array<i32>} : memref<1744xi32, #tpu.memory_space<vmem>>, vector<16xi32>,
      %mul3A_47 = arith.constant 16 : i32
      %mul3A_48 = arith.muli %scan3A_40, %mul3A_47 : i32
      %swap3A = arith.index_cast %mul3A_48 : i32 to index
      %swap3A_49 = tpu.vector_load %arg11[%swap3A] {strides = array<i32>} : memref<1744xi32, #tpu.memory_space<vmem>>, vector<16xi32>,
      tpu.vector_store %arg11[%swap3A], %get3A_46 {strides = array<i32>} : memref<1744xi32, #tpu.memory_space<vmem>>, vector<16xi32>,
      %mul3A_50 = arith.constant 16 : i32
      %mul3A_51 = arith.muli %scan3A_40, %mul3A_50 : i32
      %add3A_52 = arith.constant 128 : i32
      %add3A_53 = arith.addi %add3A_52, %mul3A_51 : i32
      %get3A_54 = arith.index_cast %add3A_53 : i32 to index
      %get3A_55 = tpu.vector_load %arg10[%get3A_54] {strides = array<i32>} : memref<1744xi32, #tpu.memory_space<vmem>>, vector<16xi32>,
      %mul3A_56 = arith.constant 16 : i32
      %mul3A_57 = arith.muli %scan3A_40, %mul3A_56 : i32
      %swap3A_58 = arith.index_cast %mul3A_57 : i32 to index
      %swap3A_59 = tpu.vector_load %arg10[%swap3A_58] {strides = array<i32>} : memref<1744xi32, #tpu.memory_space<vmem>>, vector<16xi32>,
      tpu.vector_store %arg10[%swap3A_58], %get3A_55 {strides = array<i32>} : memref<1744xi32, #tpu.memory_space<vmem>>, vector<16xi32>,
      %scan3A_60 = arith.constant 0 : i32
      scf.yield %scan3A_60 : i32
    }
    %scan3A_37 = arith.constant 101 : i32
    %mul3A_38 = arith.constant 100096 : i32
    %mul3A_39 = arith.muli %add3A, %mul3A_38 : i32
    "tpu.region"() ({
      %run_scoped3A = tpu.sem_alloc : memref<!tpu.dma_semaphore, #tpu.memory_space<semaphore_mem>>
      %dma_start3A_40 = arith.constant 0 : i32
      %dma_start3A_41 = tpu.memref_slice %arg7[%dma_start3A_40] : memref<100512xf32, #tpu.memory_space<vmem>> -> memref<100096xf32, #tpu.memory_space<vmem>>
      %dma_start3A_42 = tpu.memref_slice %arg6[%mul3A_39] : memref<3203072xf32, #tpu.memory_space<hbm>> -> memref<100096xf32, #tpu.memory_space<hbm>>
      %dma_start3A_43 = tpu.memref_slice %arg6[%mul3A_39] : memref<3203072xf32, #tpu.memory_space<hbm>> -> memref<100096xf32, #tpu.memory_space<hbm>>
      %dma_start3A_44 = arith.constant 0 : i32
      %dma_start3A_45 = tpu.memref_slice %arg7[%dma_start3A_44] : memref<100512xf32, #tpu.memory_space<vmem>> -> memref<100096xf32, #tpu.memory_space<vmem>>
      tpu.enqueue_dma source(%dma_start3A_45 : memref<100096xf32, #tpu.memory_space<vmem>>) target(%dma_start3A_43 : memref<100096xf32, #tpu.memory_space<hbm>>) target_semaphore(%run_scoped3A : memref<!tpu.dma_semaphore, #tpu.memory_space<semaphore_mem>>)
      %dma_wait3A_46 = arith.constant 0 : i32
      %dma_wait3A_47 = tpu.memref_slice %arg7[%dma_wait3A_46] : memref<100512xf32, #tpu.memory_space<vmem>> -> memref<100096xf32, #tpu.memory_space<vmem>>
      %dma_wait3A_48 = tpu.memref_slice %arg6[%mul3A_39] : memref<3203072xf32, #tpu.memory_space<hbm>> -> memref<100096xf32, #tpu.memory_space<hbm>>
      %dma_wait3A_49 = tpu.memref_slice %arg6[%mul3A_39] : memref<3203072xf32, #tpu.memory_space<hbm>> -> memref<100096xf32, #tpu.memory_space<hbm>>
      %dma_wait3A_50 = arith.constant 0 : i32
      %dma_wait3A_51 = tpu.memref_slice %arg7[%dma_wait3A_50] : memref<100512xf32, #tpu.memory_space<vmem>> -> memref<100096xf32, #tpu.memory_space<vmem>>
      tpu.wait_dma2 semaphore(%run_scoped3A : memref<!tpu.dma_semaphore, #tpu.memory_space<semaphore_mem>>) src(%dma_wait3A_51 : memref<100096xf32, #tpu.memory_space<vmem>>) dst(%dma_wait3A_49 : memref<100096xf32, #tpu.memory_space<hbm>>)
      tpu.yield
    }) : () -> ()
    return
  }
}

#map = affine_map<(d0, d1) -> (0, 0)>
#map1 = affine_map<(d0, d1) -> (0)>
module attributes {stable_mosaic.version = 14 : i64} {
  func.func @_sc_segmax(%arg0: i32, %arg1: i32, %arg2: memref<100000x128xf32, #tpu.memory_space<hbm>>, %arg3: memref<1600000xi32, #tpu.memory_space<hbm>>, %arg4: memref<1600000xi32, #tpu.memory_space<hbm>>, %arg5: memref<100512xf32, #tpu.memory_space<hbm>>, %arg6: memref<3203072xf32, #tpu.memory_space<hbm>>, %arg7: memref<100512xf32, #tpu.memory_space<vmem>>, %arg8: memref<1600xi32, #tpu.memory_space<vmem>>, %arg9: memref<1600xi32, #tpu.memory_space<vmem>>, %arg10: memref<1744xi32, #tpu.memory_space<vmem>>, %arg11: memref<1744xi32, #tpu.memory_space<vmem>>, %arg12: memref<128x128xf32, #tpu.memory_space<vmem>>, %arg13: memref<!tpu.dma_semaphore, #tpu.memory_space<semaphore_mem>>) attributes {dimension_semantics = [#tpu.dimension_semantics<core_parallel>, #tpu.dimension_semantics<subcore_parallel>], iteration_bounds = array<i64: 2, 16>, scalar_prefetch = 0 : i64, scratch_operands = 7 : i64, tpu.core_type = #tpu.core_type<sc_vector_subcore>, window_params = [{transform_indices = #map}, {transform_indices = #map1}, {transform_indices = #map1}, {transform_indices = #map1}, {transform_indices = #map1}]} {
    %mul3A = arith.constant 2 : i32
    %mul3A_0 = arith.muli %arg1, %mul3A : i32
    %add3A = arith.addi %mul3A_0, %arg0 : i32
    %mul3A_1 = arith.constant 3125 : i32
    %mul3A_2 = arith.muli %add3A, %mul3A_1 : i32
    "tpu.region"() ({
      %run_scoped3A = tpu.sem_alloc : memref<!tpu.dma_semaphore, #tpu.memory_space<semaphore_mem>>
      tpu.enqueue_dma source(%arg5 : memref<100512xf32, #tpu.memory_space<hbm>>) target(%arg7 : memref<100512xf32, #tpu.memory_space<vmem>>) target_semaphore(%run_scoped3A : memref<!tpu.dma_semaphore, #tpu.memory_space<semaphore_mem>>)
      tpu.wait_dma2 semaphore(%run_scoped3A : memref<!tpu.dma_semaphore, #tpu.memory_space<semaphore_mem>>) src(%arg5 : memref<100512xf32, #tpu.memory_space<hbm>>) dst(%arg7 : memref<100512xf32, #tpu.memory_space<vmem>>)
      tpu.yield
    }) : () -> ()
    %iota3A = tpu.iota {dimensions = array<i32: 0>} : vector<16xi32>
    %scan3A = arith.constant 0 : i32
    %scan3A_3 = arith.constant 0 : i32
    %scan3A_4 = arith.constant 109 : i32
    %scan3A_5 = arith.addi %scan3A_3, %scan3A_4 : i32
    %scan3A_6 = arith.constant 1 : i32
    %scan3A_7 = scf.for %scan3A_40 = %scan3A_3 to %scan3A_5 step %scan3A_6 iter_args(%scan3A_41 = %scan3A) -> (i32)  : i32 {
      %add3A_42 = arith.constant 3125 : i32
      %add3A_43 = vector.broadcast %add3A_42 : i32 to vector<16xi32>
      %add3A_44 = arith.addi %add3A_43, %iota3A : vector<16xi32>
      %mul3A_45 = arith.constant 16 : i32
      %mul3A_46 = arith.muli %scan3A_40, %mul3A_45 : i32
      %swap3A = arith.index_cast %mul3A_46 : i32 to index
      %swap3A_47 = tpu.vector_load %arg11[%swap3A] {strides = array<i32>} : memref<1744xi32, #tpu.memory_space<vmem>>, vector<16xi32>,
      tpu.vector_store %arg11[%swap3A], %add3A_44 {strides = array<i32>} : memref<1744xi32, #tpu.memory_space<vmem>>, vector<16xi32>,
      %mul3A_48 = arith.constant 512 : i32
      %mul3A_49 = vector.broadcast %mul3A_48 : i32 to vector<16xi32>
      %mul3A_50 = arith.muli %iota3A, %mul3A_49 : vector<16xi32>
      %add3A_51 = vector.broadcast %scan3A_40 : i32 to vector<16xi32>
      %add3A_52 = arith.addi %mul3A_50, %add3A_51 : vector<16xi32>
      %mul3A_53 = arith.constant 16 : i32
      %mul3A_54 = arith.muli %scan3A_40, %mul3A_53 : i32
      %swap3A_55 = arith.index_cast %mul3A_54 : i32 to index
      %swap3A_56 = tpu.vector_load %arg10[%swap3A_55] {strides = array<i32>} : memref<1744xi32, #tpu.memory_space<vmem>>, vector<16xi32>,
      tpu.vector_store %arg10[%swap3A_55], %add3A_52 {strides = array<i32>} : memref<1744xi32, #tpu.memory_space<vmem>>, vector<16xi32>,
      %scan3A_57 = arith.constant 0 : i32
      scf.yield %scan3A_57 : i32
    }
    %scan3A_8 = arith.constant 109 : i32
    %scan3A_9 = arith.constant 0 : i32
    %scan3A_10 = arith.constant 0 : i32
    %scan3A_11 = arith.constant 1000 : i32
    %scan3A_12 = arith.addi %scan3A_10, %scan3A_11 : i32
    %scan3A_13 = arith.constant 1 : i32
    %scan3A_14 = scf.for %scan3A_40 = %scan3A_10 to %scan3A_12 step %scan3A_13 iter_args(%scan3A_41 = %scan3A_9) -> (i32)  : i32 {
      %mul3A_42 = arith.constant 1600 : i32
      %mul3A_43 = arith.muli %scan3A_40, %mul3A_42 : i32
      "tpu.region"() ({
        %run_scoped3A = tpu.sem_alloc : memref<!tpu.dma_semaphore, #tpu.memory_space<semaphore_mem>>
        %dma_start3A_80 = tpu.memref_slice %arg3[%mul3A_43] : memref<1600000xi32, #tpu.memory_space<hbm>> -> memref<1600xi32, #tpu.memory_space<hbm>>
        %dma_start3A_81 = tpu.memref_slice %arg3[%mul3A_43] : memref<1600000xi32, #tpu.memory_space<hbm>> -> memref<1600xi32, #tpu.memory_space<hbm>>
        tpu.enqueue_dma source(%dma_start3A_81 : memref<1600xi32, #tpu.memory_space<hbm>>) target(%arg8 : memref<1600xi32, #tpu.memory_space<vmem>>) target_semaphore(%run_scoped3A : memref<!tpu.dma_semaphore, #tpu.memory_space<semaphore_mem>>)
        %dma_wait3A_82 = tpu.memref_slice %arg3[%mul3A_43] : memref<1600000xi32, #tpu.memory_space<hbm>> -> memref<1600xi32, #tpu.memory_space<hbm>>
        %dma_wait3A_83 = tpu.memref_slice %arg3[%mul3A_43] : memref<1600000xi32, #tpu.memory_space<hbm>> -> memref<1600xi32, #tpu.memory_space<hbm>>
        tpu.wait_dma2 semaphore(%run_scoped3A : memref<!tpu.dma_semaphore, #tpu.memory_space<semaphore_mem>>) src(%dma_wait3A_83 : memref<1600xi32, #tpu.memory_space<hbm>>) dst(%arg8 : memref<1600xi32, #tpu.memory_space<vmem>>)
        tpu.yield
      }) : () -> ()
      "tpu.region"() ({
        %run_scoped3A = tpu.sem_alloc : memref<!tpu.dma_semaphore, #tpu.memory_space<semaphore_mem>>
        %dma_start3A_80 = tpu.memref_slice %arg4[%mul3A_43] : memref<1600000xi32, #tpu.memory_space<hbm>> -> memref<1600xi32, #tpu.memory_space<hbm>>
        %dma_start3A_81 = tpu.memref_slice %arg4[%mul3A_43] : memref<1600000xi32, #tpu.memory_space<hbm>> -> memref<1600xi32, #tpu.memory_space<hbm>>
        tpu.enqueue_dma source(%dma_start3A_81 : memref<1600xi32, #tpu.memory_space<hbm>>) target(%arg9 : memref<1600xi32, #tpu.memory_space<vmem>>) target_semaphore(%run_scoped3A : memref<!tpu.dma_semaphore, #tpu.memory_space<semaphore_mem>>)
        %dma_wait3A_82 = tpu.memref_slice %arg4[%mul3A_43] : memref<1600000xi32, #tpu.memory_space<hbm>> -> memref<1600xi32, #tpu.memory_space<hbm>>
        %dma_wait3A_83 = tpu.memref_slice %arg4[%mul3A_43] : memref<1600000xi32, #tpu.memory_space<hbm>> -> memref<1600xi32, #tpu.memory_space<hbm>>
        tpu.wait_dma2 semaphore(%run_scoped3A : memref<!tpu.dma_semaphore, #tpu.memory_space<semaphore_mem>>) src(%dma_wait3A_83 : memref<1600xi32, #tpu.memory_space<hbm>>) dst(%arg9 : memref<1600xi32, #tpu.memory_space<vmem>>)
        tpu.yield
      }) : () -> ()
      %scan3A_44 = arith.constant 0 : i32
      %scan3A_45 = arith.constant 100 : i32
      %scan3A_46 = arith.addi %scan3A_44, %scan3A_45 : i32
      %scan3A_47 = arith.constant 1 : i32
      %scan3A_48 = scf.for %scan3A_80 = %scan3A_44 to %scan3A_46 step %scan3A_47 iter_args(%scan3A_81 = %scan3A_41) -> (i32)  : i32 {
        %mul3A_82 = arith.constant 16 : i32
        %mul3A_83 = arith.muli %scan3A_80, %mul3A_82 : i32
        %get3A = arith.index_cast %mul3A_83 : i32 to index
        %get3A_84 = tpu.vector_load %arg9[%get3A] {strides = array<i32>} : memref<1600xi32, #tpu.memory_space<vmem>>, vector<16xi32>,
        %mul3A_85 = arith.constant 16 : i32
        %mul3A_86 = arith.muli %scan3A_80, %mul3A_85 : i32
        %get3A_87 = arith.index_cast %mul3A_86 : i32 to index
        %get3A_88 = tpu.vector_load %arg8[%get3A_87] {strides = array<i32>} : memref<1600xi32, #tpu.memory_space<vmem>>, vector<16xi32>,
        %sub3A_89 = vector.broadcast %mul3A_2 : i32 to vector<16xi32>
        %sub3A_90 = arith.subi %get3A_84, %sub3A_89 : vector<16xi32>
        %bitcast3A = vector.bitcast %sub3A_90 : vector<16xi32> to vector<16xi32>
        %lt3A = arith.constant 3125 : i32
        %lt3A_91 = vector.broadcast %lt3A : i32 to vector<16xi32>
        %lt3A_92 = arith.cmpi ult, %bitcast3A, %lt3A_91 : vector<16xi32>
        %jit3A_93 = arith.constant 1 : i32
        %jit3A_94 = arith.constant 0 : i32
        %broadcast_in_dim3A = vector.broadcast %jit3A_93 : i32 to vector<16xi32>
        %broadcast_in_dim3A_95 = vector.broadcast %jit3A_94 : i32 to vector<16xi32>
        %select_n3A_96 = arith.select %lt3A_92, %broadcast_in_dim3A, %broadcast_in_dim3A_95 : vector<16xi1>, vector<16xi32>
        %broadcast_in_dim3A_97 = arith.constant true
        %broadcast_in_dim3A_98 = vector.broadcast %broadcast_in_dim3A_97 : i1 to vector<16xi1>
        %masked_cumsum3A = tpu.scan <sum>, %select_n3A_96 masked %broadcast_in_dim3A_98 : vector<16xi32>, vector<16xi1> -> vector<16xi32>
        %add3A_99 = vector.broadcast %scan3A_81 : i32 to vector<16xi32>
        %add3A_100 = arith.addi %add3A_99, %masked_cumsum3A : vector<16xi32>
        %sub3A_101 = arith.constant 1 : i32
        %sub3A_102 = vector.broadcast %sub3A_101 : i32 to vector<16xi32>
        %sub3A_103 = arith.subi %add3A_100, %sub3A_102 : vector<16xi32>
        %add3A_104 = arith.constant 1728 : i32
        %add3A_105 = vector.broadcast %add3A_104 : i32 to vector<16xi32>
        %add3A_106 = arith.addi %add3A_105, %iota3A : vector<16xi32>
        %select_n3A_107 = arith.select %lt3A_92, %sub3A_103, %add3A_106 : vector<16xi1>, vector<16xi32>
        %jit3A_108 = arith.constant 3125 : i32
        %broadcast_in_dim3A_109 = vector.broadcast %jit3A_108 : i32 to vector<16xi32>
        %select_n3A_110 = arith.select %lt3A_92, %sub3A_90, %broadcast_in_dim3A_109 : vector<16xi1>, vector<16xi32>
        tpu.vector_store_idx %arg11[%select_n3A_107], %select_n3A_110 : memref<1744xi32, #tpu.memory_space<vmem>>[vector<16xi32>], vector<16xi32>,
        %mul3A_111 = arith.constant 97 : i32
        %mul3A_112 = vector.broadcast %mul3A_111 : i32 to vector<16xi32>
        %mul3A_113 = arith.muli %iota3A, %mul3A_112 : vector<16xi32>
        %add3A_114 = arith.constant 8 : i32
        %add3A_115 = vector.broadcast %add3A_114 : i32 to vector<16xi32>
        %add3A_116 = arith.addi %mul3A_113, %add3A_115 : vector<16xi32>
        %select_n3A_117 = arith.select %lt3A_92, %get3A_88, %add3A_116 : vector<16xi1>, vector<16xi32>
        tpu.vector_store_idx %arg10[%select_n3A_107], %select_n3A_117 : memref<1744xi32, #tpu.memory_space<vmem>>[vector<16xi32>], vector<16xi32>,
        %slice3A = vector.extract_strided_slice %masked_cumsum3A {offsets = [15], sizes = [1], strides = [1]} : vector<16xi32> to vector<1xi32>
        %squeeze3A = vector.extract %slice3A[0] : i32 from vector<1xi32>
        %add3A_118 = arith.addi %scan3A_81, %squeeze3A : i32
        scf.yield %add3A_118 : i32
      }
      %scan3A_49 = arith.constant 100 : i32
      %jit3A = arith.constant 128 : i32
      %div3A = arith.divsi %scan3A_48, %jit3A : i32
      %sign3A = arith.constant 0 : i32
      %sign3A_50 = arith.cmpi sgt, %scan3A_48, %sign3A : i32
      %sign3A_51 = arith.extui %sign3A_50 : i1 to i32
      %sign3A_52 = arith.constant 0 : i32
      %sign3A_53 = arith.cmpi slt, %scan3A_48, %sign3A_52 : i32
      %sign3A_54 = arith.extui %sign3A_53 : i1 to i32
      %sign3A_55 = arith.subi %sign3A_51, %sign3A_54 : i32
      %sign3A_56 = arith.constant 0 : i32
      %sign3A_57 = arith.cmpi sgt, %jit3A, %sign3A_56 : i32
      %sign3A_58 = arith.extui %sign3A_57 : i1 to i32
      %sign3A_59 = arith.constant 0 : i32
      %sign3A_60 = arith.cmpi slt, %jit3A, %sign3A_59 : i32
      %sign3A_61 = arith.extui %sign3A_60 : i1 to i32
      %sign3A_62 = arith.subi %sign3A_58, %sign3A_61 : i32
      %ne3A = arith.cmpi ne, %sign3A_55, %sign3A_62 : i32
      %rem3A = arith.remsi %scan3A_48, %jit3A : i32
      %ne3A_63 = arith.constant 0 : i32
      %ne3A_64 = arith.cmpi ne, %rem3A, %ne3A_63 : i32
      %and3A = arith.andi %ne3A, %ne3A_64 : i1
      %sub3A = arith.constant 1 : i32
      %sub3A_65 = arith.subi %div3A, %sub3A : i32
      %select_n3A = arith.select %and3A, %sub3A_65, %div3A : i32
      %while3A = arith.constant 0 : i32
      %while3A_66 = arith.constant 0 : i32
      %while3A_67 = arith.subi %select_n3A, %while3A : i32
      %while3A_68 = arith.addi %while3A, %while3A_67 : i32
      %while3A_69 = arith.constant 1 : i32
      %while3A_70 = arith.divsi %while3A_67, %while3A_69 : i32
      %while3A_71 = arith.muli %while3A_70, %while3A_69 : i32
      %while3A_72 = arith.addi %while3A, %while3A_71 : i32
      %while3A_73 = arith.constant 1 : i32
      %while3A_74 = scf.for %while3A_80 = %while3A to %while3A_72 step %while3A_73 iter_args(%while3A_81 = %while3A_66) -> (i32)  : i32 {
        %dma_start3A_82 = arith.constant 0 : i32
        %dma_start3A_83 = tpu.memref_slice %arg10[%dma_start3A_82] : memref<1744xi32, #tpu.memory_space<vmem>> -> memref<128xi32, #tpu.memory_space<vmem>>
        %dma_start3A_84 = arith.constant 0 : i32
        %dma_start3A_85 = arith.constant 0 : i32
        %dma_start3A_86 = tpu.memref_slice %arg2[%dma_start3A_84, %dma_start3A_85] : memref<100000x128xf32, #tpu.memory_space<hbm>> -> memref<100000x128xf32, #tpu.memory_space<hbm>>
        tpu.enqueue_indirect_dma source(%dma_start3A_86 : memref<100000x128xf32, #tpu.memory_space<hbm>>) target(%arg12 : memref<128x128xf32, #tpu.memory_space<vmem>>) offsets(%dma_start3A_83 : memref<128xi32, #tpu.memory_space<vmem>>) semaphore(%arg13 : memref<!tpu.dma_semaphore, #tpu.memory_space<semaphore_mem>>)
        %dma_wait3A_87 = arith.constant 0 : i32
        %dma_wait3A_88 = tpu.memref_slice %arg10[%dma_wait3A_87] : memref<1744xi32, #tpu.memory_space<vmem>> -> memref<128xi32, #tpu.memory_space<vmem>>
        %dma_wait3A_89 = arith.constant 0 : i32
        %dma_wait3A_90 = arith.constant 0 : i32
        %dma_wait3A_91 = tpu.memref_slice %arg2[%dma_wait3A_89, %dma_wait3A_90] : memref<100000x128xf32, #tpu.memory_space<hbm>> -> memref<100000x128xf32, #tpu.memory_space<hbm>>
        tpu.wait_indirect_dma semaphore(%arg13 : memref<!tpu.dma_semaphore, #tpu.memory_space<semaphore_mem>>) src(%dma_wait3A_91 : memref<100000x128xf32, #tpu.memory_space<hbm>>) dst(%arg12 : memref<128x128xf32, #tpu.memory_space<vmem>>)
        %scan3A_92 = arith.constant 0 : i32
        %scan3A_93 = arith.constant 0 : i32
        %scan3A_94 = arith.constant 128 : i32
        %scan3A_95 = arith.addi %scan3A_93, %scan3A_94 : i32
        %scan3A_96 = arith.constant 1 : i32
        %scan3A_97 = scf.for %scan3A_107 = %scan3A_93 to %scan3A_95 step %scan3A_96 iter_args(%scan3A_108 = %scan3A_92) -> (i32)  : i32 {
          %get3A = arith.index_cast %scan3A_107 : i32 to index
          %get3A_109 = tpu.vector_load %arg11[%get3A] {strides = array<i32>} : memref<1744xi32, #tpu.memory_space<vmem>>, vector<16xi32>,
          %slice3A = vector.extract_strided_slice %get3A_109 {offsets = [0], sizes = [1], strides = [1]} : vector<16xi32> to vector<1xi32>
          %squeeze3A = vector.extract %slice3A[0] : i32 from vector<1xi32>
          %mul3A_110 = arith.constant 32 : i32
          %mul3A_111 = arith.muli %squeeze3A, %mul3A_110 : i32
          %get3A_112 = arith.index_cast %mul3A_111 : i32 to index
          %get3A_113 = tpu.vector_load %arg7[%get3A_112] {strides = array<i32>} : memref<100512xf32, #tpu.memory_space<vmem>>, vector<16xf32>,
          %get3A_114 = arith.index_cast %scan3A_107 : i32 to index
          %get3A_115 = arith.constant 0 : index
          %get3A_116 = tpu.vector_load %arg12[%get3A_114, %get3A_115] {strides = array<i32>} : memref<128x128xf32, #tpu.memory_space<vmem>>, vector<16xf32>,
          %max3A = arith.maximumf %get3A_113, %get3A_116 : vector<16xf32>
          %mul3A_117 = arith.constant 32 : i32
          %mul3A_118 = arith.muli %squeeze3A, %mul3A_117 : i32
          %swap3A = arith.index_cast %mul3A_118 : i32 to index
          %swap3A_119 = tpu.vector_load %arg7[%swap3A] {strides = array<i32>} : memref<100512xf32, #tpu.memory_space<vmem>>, vector<16xf32>,
          tpu.vector_store %arg7[%swap3A], %max3A {strides = array<i32>} : memref<100512xf32, #tpu.memory_space<vmem>>, vector<16xf32>,
          %mul3A_120 = arith.constant 32 : i32
          %mul3A_121 = arith.muli %squeeze3A, %mul3A_120 : i32
          %add3A_122 = arith.constant 16 : i32
          %add3A_123 = arith.addi %mul3A_121, %add3A_122 : i32
          %get3A_124 = arith.index_cast %add3A_123 : i32 to index
          %get3A_125 = tpu.vector_load %arg7[%get3A_124] {strides = array<i32>} : memref<100512xf32, #tpu.memory_space<vmem>>, vector<16xf32>,
          %get3A_126 = arith.index_cast %scan3A_107 : i32 to index
          %get3A_127 = arith.constant 16 : index
          %get3A_128 = tpu.vector_load %arg12[%get3A_126, %get3A_127] {strides = array<i32>} : memref<128x128xf32, #tpu.memory_space<vmem>>, vector<16xf32>,
          %max3A_129 = arith.maximumf %get3A_125, %get3A_128 : vector<16xf32>
          %mul3A_130 = arith.constant 32 : i32
          %mul3A_131 = arith.muli %squeeze3A, %mul3A_130 : i32
          %add3A_132 = arith.constant 16 : i32
          %add3A_133 = arith.addi %mul3A_131, %add3A_132 : i32
          %swap3A_134 = arith.index_cast %add3A_133 : i32 to index
          %swap3A_135 = tpu.vector_load %arg7[%swap3A_134] {strides = array<i32>} : memref<100512xf32, #tpu.memory_space<vmem>>, vector<16xf32>,
          tpu.vector_store %arg7[%swap3A_134], %max3A_129 {strides = array<i32>} : memref<100512xf32, #tpu.memory_space<vmem>>, vector<16xf32>,
          %scan3A_136 = arith.constant 0 : i32
          scf.yield %scan3A_136 : i32
        }
        %scan3A_98 = arith.constant 128 : i32
        %scan3A_99 = arith.constant 0 : i32
        %scan3A_100 = arith.constant 0 : i32
        %scan3A_101 = arith.constant 101 : i32
        %scan3A_102 = arith.addi %scan3A_100, %scan3A_101 : i32
        %scan3A_103 = arith.constant 1 : i32
        %scan3A_104 = scf.for %scan3A_107 = %scan3A_100 to %scan3A_102 step %scan3A_103 iter_args(%scan3A_108 = %scan3A_99) -> (i32)  : i32 {
          %mul3A_109 = arith.constant 16 : i32
          %mul3A_110 = arith.muli %scan3A_107, %mul3A_109 : i32
          %add3A_111 = arith.constant 128 : i32
          %add3A_112 = arith.addi %add3A_111, %mul3A_110 : i32
          %get3A = arith.index_cast %add3A_112 : i32 to index
          %get3A_113 = tpu.vector_load %arg11[%get3A] {strides = array<i32>} : memref<1744xi32, #tpu.memory_space<vmem>>, vector<16xi32>,
          %mul3A_114 = arith.constant 16 : i32
          %mul3A_115 = arith.muli %scan3A_107, %mul3A_114 : i32
          %swap3A = arith.index_cast %mul3A_115 : i32 to index
          %swap3A_116 = tpu.vector_load %arg11[%swap3A] {strides = array<i32>} : memref<1744xi32, #tpu.memory_space<vmem>>, vector<16xi32>,
          tpu.vector_store %arg11[%swap3A], %get3A_113 {strides = array<i32>} : memref<1744xi32, #tpu.memory_space<vmem>>, vector<16xi32>,
          %mul3A_117 = arith.constant 16 : i32
          %mul3A_118 = arith.muli %scan3A_107, %mul3A_117 : i32
          %add3A_119 = arith.constant 128 : i32
          %add3A_120 = arith.addi %add3A_119, %mul3A_118 : i32
          %get3A_121 = arith.index_cast %add3A_120 : i32 to index
          %get3A_122 = tpu.vector_load %arg10[%get3A_121] {strides = array<i32>} : memref<1744xi32, #tpu.memory_space<vmem>>, vector<16xi32>,
          %mul3A_123 = arith.constant 16 : i32
          %mul3A_124 = arith.muli %scan3A_107, %mul3A_123 : i32
          %swap3A_125 = arith.index_cast %mul3A_124 : i32 to index
          %swap3A_126 = tpu.vector_load %arg10[%swap3A_125] {strides = array<i32>} : memref<1744xi32, #tpu.memory_space<vmem>>, vector<16xi32>,
          tpu.vector_store %arg10[%swap3A_125], %get3A_122 {strides = array<i32>} : memref<1744xi32, #tpu.memory_space<vmem>>, vector<16xi32>,
          %scan3A_127 = arith.constant 0 : i32
          scf.yield %scan3A_127 : i32
        }
        %scan3A_105 = arith.constant 101 : i32
        %while3A_106 = arith.constant 0 : i32
        scf.yield %while3A_106 : i32
      }
      %while3A_75 = arith.constant 1 : i32
      %while3A_76 = scf.for %while3A_80 = %while3A_72 to %while3A_68 step %while3A_75 iter_args(%while3A_81 = %while3A_74) -> (i32)  : i32 {
        %dma_start3A_82 = arith.constant 0 : i32
        %dma_start3A_83 = tpu.memref_slice %arg10[%dma_start3A_82] : memref<1744xi32, #tpu.memory_space<vmem>> -> memref<128xi32, #tpu.memory_space<vmem>>
        %dma_start3A_84 = arith.constant 0 : i32
        %dma_start3A_85 = arith.constant 0 : i32
        %dma_start3A_86 = tpu.memref_slice %arg2[%dma_start3A_84, %dma_start3A_85] : memref<100000x128xf32, #tpu.memory_space<hbm>> -> memref<100000x128xf32, #tpu.memory_space<hbm>>
        tpu.enqueue_indirect_dma source(%dma_start3A_86 : memref<100000x128xf32, #tpu.memory_space<hbm>>) target(%arg12 : memref<128x128xf32, #tpu.memory_space<vmem>>) offsets(%dma_start3A_83 : memref<128xi32, #tpu.memory_space<vmem>>) semaphore(%arg13 : memref<!tpu.dma_semaphore, #tpu.memory_space<semaphore_mem>>)
        %dma_wait3A_87 = arith.constant 0 : i32
        %dma_wait3A_88 = tpu.memref_slice %arg10[%dma_wait3A_87] : memref<1744xi32, #tpu.memory_space<vmem>> -> memref<128xi32, #tpu.memory_space<vmem>>
        %dma_wait3A_89 = arith.constant 0 : i32
        %dma_wait3A_90 = arith.constant 0 : i32
        %dma_wait3A_91 = tpu.memref_slice %arg2[%dma_wait3A_89, %dma_wait3A_90] : memref<100000x128xf32, #tpu.memory_space<hbm>> -> memref<100000x128xf32, #tpu.memory_space<hbm>>
        tpu.wait_indirect_dma semaphore(%arg13 : memref<!tpu.dma_semaphore, #tpu.memory_space<semaphore_mem>>) src(%dma_wait3A_91 : memref<100000x128xf32, #tpu.memory_space<hbm>>) dst(%arg12 : memref<128x128xf32, #tpu.memory_space<vmem>>)
        %scan3A_92 = arith.constant 0 : i32
        %scan3A_93 = arith.constant 0 : i32
        %scan3A_94 = arith.constant 128 : i32
        %scan3A_95 = arith.addi %scan3A_93, %scan3A_94 : i32
        %scan3A_96 = arith.constant 1 : i32
        %scan3A_97 = scf.for %scan3A_107 = %scan3A_93 to %scan3A_95 step %scan3A_96 iter_args(%scan3A_108 = %scan3A_92) -> (i32)  : i32 {
          %get3A = arith.index_cast %scan3A_107 : i32 to index
          %get3A_109 = tpu.vector_load %arg11[%get3A] {strides = array<i32>} : memref<1744xi32, #tpu.memory_space<vmem>>, vector<16xi32>,
          %slice3A = vector.extract_strided_slice %get3A_109 {offsets = [0], sizes = [1], strides = [1]} : vector<16xi32> to vector<1xi32>
          %squeeze3A = vector.extract %slice3A[0] : i32 from vector<1xi32>
          %mul3A_110 = arith.constant 32 : i32
          %mul3A_111 = arith.muli %squeeze3A, %mul3A_110 : i32
          %get3A_112 = arith.index_cast %mul3A_111 : i32 to index
          %get3A_113 = tpu.vector_load %arg7[%get3A_112] {strides = array<i32>} : memref<100512xf32, #tpu.memory_space<vmem>>, vector<16xf32>,
          %get3A_114 = arith.index_cast %scan3A_107 : i32 to index
          %get3A_115 = arith.constant 0 : index
          %get3A_116 = tpu.vector_load %arg12[%get3A_114, %get3A_115] {strides = array<i32>} : memref<128x128xf32, #tpu.memory_space<vmem>>, vector<16xf32>,
          %max3A = arith.maximumf %get3A_113, %get3A_116 : vector<16xf32>
          %mul3A_117 = arith.constant 32 : i32
          %mul3A_118 = arith.muli %squeeze3A, %mul3A_117 : i32
          %swap3A = arith.index_cast %mul3A_118 : i32 to index
          %swap3A_119 = tpu.vector_load %arg7[%swap3A] {strides = array<i32>} : memref<100512xf32, #tpu.memory_space<vmem>>, vector<16xf32>,
          tpu.vector_store %arg7[%swap3A], %max3A {strides = array<i32>} : memref<100512xf32, #tpu.memory_space<vmem>>, vector<16xf32>,
          %mul3A_120 = arith.constant 32 : i32
          %mul3A_121 = arith.muli %squeeze3A, %mul3A_120 : i32
          %add3A_122 = arith.constant 16 : i32
          %add3A_123 = arith.addi %mul3A_121, %add3A_122 : i32
          %get3A_124 = arith.index_cast %add3A_123 : i32 to index
          %get3A_125 = tpu.vector_load %arg7[%get3A_124] {strides = array<i32>} : memref<100512xf32, #tpu.memory_space<vmem>>, vector<16xf32>,
          %get3A_126 = arith.index_cast %scan3A_107 : i32 to index
          %get3A_127 = arith.constant 16 : index
          %get3A_128 = tpu.vector_load %arg12[%get3A_126, %get3A_127] {strides = array<i32>} : memref<128x128xf32, #tpu.memory_space<vmem>>, vector<16xf32>,
          %max3A_129 = arith.maximumf %get3A_125, %get3A_128 : vector<16xf32>
          %mul3A_130 = arith.constant 32 : i32
          %mul3A_131 = arith.muli %squeeze3A, %mul3A_130 : i32
          %add3A_132 = arith.constant 16 : i32
          %add3A_133 = arith.addi %mul3A_131, %add3A_132 : i32
          %swap3A_134 = arith.index_cast %add3A_133 : i32 to index
          %swap3A_135 = tpu.vector_load %arg7[%swap3A_134] {strides = array<i32>} : memref<100512xf32, #tpu.memory_space<vmem>>, vector<16xf32>,
          tpu.vector_store %arg7[%swap3A_134], %max3A_129 {strides = array<i32>} : memref<100512xf32, #tpu.memory_space<vmem>>, vector<16xf32>,
          %scan3A_136 = arith.constant 0 : i32
          scf.yield %scan3A_136 : i32
        }
        %scan3A_98 = arith.constant 128 : i32
        %scan3A_99 = arith.constant 0 : i32
        %scan3A_100 = arith.constant 0 : i32
        %scan3A_101 = arith.constant 101 : i32
        %scan3A_102 = arith.addi %scan3A_100, %scan3A_101 : i32
        %scan3A_103 = arith.constant 1 : i32
        %scan3A_104 = scf.for %scan3A_107 = %scan3A_100 to %scan3A_102 step %scan3A_103 iter_args(%scan3A_108 = %scan3A_99) -> (i32)  : i32 {
          %mul3A_109 = arith.constant 16 : i32
          %mul3A_110 = arith.muli %scan3A_107, %mul3A_109 : i32
          %add3A_111 = arith.constant 128 : i32
          %add3A_112 = arith.addi %add3A_111, %mul3A_110 : i32
          %get3A = arith.index_cast %add3A_112 : i32 to index
          %get3A_113 = tpu.vector_load %arg11[%get3A] {strides = array<i32>} : memref<1744xi32, #tpu.memory_space<vmem>>, vector<16xi32>,
          %mul3A_114 = arith.constant 16 : i32
          %mul3A_115 = arith.muli %scan3A_107, %mul3A_114 : i32
          %swap3A = arith.index_cast %mul3A_115 : i32 to index
          %swap3A_116 = tpu.vector_load %arg11[%swap3A] {strides = array<i32>} : memref<1744xi32, #tpu.memory_space<vmem>>, vector<16xi32>,
          tpu.vector_store %arg11[%swap3A], %get3A_113 {strides = array<i32>} : memref<1744xi32, #tpu.memory_space<vmem>>, vector<16xi32>,
          %mul3A_117 = arith.constant 16 : i32
          %mul3A_118 = arith.muli %scan3A_107, %mul3A_117 : i32
          %add3A_119 = arith.constant 128 : i32
          %add3A_120 = arith.addi %add3A_119, %mul3A_118 : i32
          %get3A_121 = arith.index_cast %add3A_120 : i32 to index
          %get3A_122 = tpu.vector_load %arg10[%get3A_121] {strides = array<i32>} : memref<1744xi32, #tpu.memory_space<vmem>>, vector<16xi32>,
          %mul3A_123 = arith.constant 16 : i32
          %mul3A_124 = arith.muli %scan3A_107, %mul3A_123 : i32
          %swap3A_125 = arith.index_cast %mul3A_124 : i32 to index
          %swap3A_126 = tpu.vector_load %arg10[%swap3A_125] {strides = array<i32>} : memref<1744xi32, #tpu.memory_space<vmem>>, vector<16xi32>,
          tpu.vector_store %arg10[%swap3A_125], %get3A_122 {strides = array<i32>} : memref<1744xi32, #tpu.memory_space<vmem>>, vector<16xi32>,
          %scan3A_127 = arith.constant 0 : i32
          scf.yield %scan3A_127 : i32
        }
        %scan3A_105 = arith.constant 101 : i32
        %while3A_106 = arith.constant 0 : i32
        scf.yield %while3A_106 : i32
      }
      %mul3A_77 = arith.constant 128 : i32
      %mul3A_78 = arith.muli %select_n3A, %mul3A_77 : i32
      %sub3A_79 = arith.subi %scan3A_48, %mul3A_78 : i32
      scf.yield %sub3A_79 : i32
    }
    %scan3A_15 = arith.constant 1000 : i32
    %dma_start3A = arith.constant 0 : i32
    %dma_start3A_16 = tpu.memref_slice %arg10[%dma_start3A] : memref<1744xi32, #tpu.memory_space<vmem>> -> memref<128xi32, #tpu.memory_space<vmem>>
    %dma_start3A_17 = arith.constant 0 : i32
    %dma_start3A_18 = arith.constant 0 : i32
    %dma_start3A_19 = tpu.memref_slice %arg2[%dma_start3A_17, %dma_start3A_18] : memref<100000x128xf32, #tpu.memory_space<hbm>> -> memref<100000x128xf32, #tpu.memory_space<hbm>>
    tpu.enqueue_indirect_dma source(%dma_start3A_19 : memref<100000x128xf32, #tpu.memory_space<hbm>>) target(%arg12 : memref<128x128xf32, #tpu.memory_space<vmem>>) offsets(%dma_start3A_16 : memref<128xi32, #tpu.memory_space<vmem>>) semaphore(%arg13 : memref<!tpu.dma_semaphore, #tpu.memory_space<semaphore_mem>>)
    %dma_wait3A = arith.constant 0 : i32
    %dma_wait3A_20 = tpu.memref_slice %arg10[%dma_wait3A] : memref<1744xi32, #tpu.memory_space<vmem>> -> memref<128xi32, #tpu.memory_space<vmem>>
    %dma_wait3A_21 = arith.constant 0 : i32
    %dma_wait3A_22 = arith.constant 0 : i32
    %dma_wait3A_23 = tpu.memref_slice %arg2[%dma_wait3A_21, %dma_wait3A_22] : memref<100000x128xf32, #tpu.memory_space<hbm>> -> memref<100000x128xf32, #tpu.memory_space<hbm>>
    tpu.wait_indirect_dma semaphore(%arg13 : memref<!tpu.dma_semaphore, #tpu.memory_space<semaphore_mem>>) src(%dma_wait3A_23 : memref<100000x128xf32, #tpu.memory_space<hbm>>) dst(%arg12 : memref<128x128xf32, #tpu.memory_space<vmem>>)
    %scan3A_24 = arith.constant 0 : i32
    %scan3A_25 = arith.constant 0 : i32
    %scan3A_26 = arith.constant 128 : i32
    %scan3A_27 = arith.addi %scan3A_25, %scan3A_26 : i32
    %scan3A_28 = arith.constant 1 : i32
    %scan3A_29 = scf.for %scan3A_40 = %scan3A_25 to %scan3A_27 step %scan3A_28 iter_args(%scan3A_41 = %scan3A_24) -> (i32)  : i32 {
      %get3A = arith.index_cast %scan3A_40 : i32 to index
      %get3A_42 = tpu.vector_load %arg11[%get3A] {strides = array<i32>} : memref<1744xi32, #tpu.memory_space<vmem>>, vector<16xi32>,
      %slice3A = vector.extract_strided_slice %get3A_42 {offsets = [0], sizes = [1], strides = [1]} : vector<16xi32> to vector<1xi32>
      %squeeze3A = vector.extract %slice3A[0] : i32 from vector<1xi32>
      %mul3A_43 = arith.constant 32 : i32
      %mul3A_44 = arith.muli %squeeze3A, %mul3A_43 : i32
      %get3A_45 = arith.index_cast %mul3A_44 : i32 to index
      %get3A_46 = tpu.vector_load %arg7[%get3A_45] {strides = array<i32>} : memref<100512xf32, #tpu.memory_space<vmem>>, vector<16xf32>,
      %get3A_47 = arith.index_cast %scan3A_40 : i32 to index
      %get3A_48 = arith.constant 0 : index
      %get3A_49 = tpu.vector_load %arg12[%get3A_47, %get3A_48] {strides = array<i32>} : memref<128x128xf32, #tpu.memory_space<vmem>>, vector<16xf32>,
      %max3A = arith.maximumf %get3A_46, %get3A_49 : vector<16xf32>
      %mul3A_50 = arith.constant 32 : i32
      %mul3A_51 = arith.muli %squeeze3A, %mul3A_50 : i32
      %swap3A = arith.index_cast %mul3A_51 : i32 to index
      %swap3A_52 = tpu.vector_load %arg7[%swap3A] {strides = array<i32>} : memref<100512xf32, #tpu.memory_space<vmem>>, vector<16xf32>,
      tpu.vector_store %arg7[%swap3A], %max3A {strides = array<i32>} : memref<100512xf32, #tpu.memory_space<vmem>>, vector<16xf32>,
      %mul3A_53 = arith.constant 32 : i32
      %mul3A_54 = arith.muli %squeeze3A, %mul3A_53 : i32
      %add3A_55 = arith.constant 16 : i32
      %add3A_56 = arith.addi %mul3A_54, %add3A_55 : i32
      %get3A_57 = arith.index_cast %add3A_56 : i32 to index
      %get3A_58 = tpu.vector_load %arg7[%get3A_57] {strides = array<i32>} : memref<100512xf32, #tpu.memory_space<vmem>>, vector<16xf32>,
      %get3A_59 = arith.index_cast %scan3A_40 : i32 to index
      %get3A_60 = arith.constant 16 : index
      %get3A_61 = tpu.vector_load %arg12[%get3A_59, %get3A_60] {strides = array<i32>} : memref<128x128xf32, #tpu.memory_space<vmem>>, vector<16xf32>,
      %max3A_62 = arith.maximumf %get3A_58, %get3A_61 : vector<16xf32>
      %mul3A_63 = arith.constant 32 : i32
      %mul3A_64 = arith.muli %squeeze3A, %mul3A_63 : i32
      %add3A_65 = arith.constant 16 : i32
      %add3A_66 = arith.addi %mul3A_64, %add3A_65 : i32
      %swap3A_67 = arith.index_cast %add3A_66 : i32 to index
      %swap3A_68 = tpu.vector_load %arg7[%swap3A_67] {strides = array<i32>} : memref<100512xf32, #tpu.memory_space<vmem>>, vector<16xf32>,
      tpu.vector_store %arg7[%swap3A_67], %max3A_62 {strides = array<i32>} : memref<100512xf32, #tpu.memory_space<vmem>>, vector<16xf32>,
      %scan3A_69 = arith.constant 0 : i32
      scf.yield %scan3A_69 : i32
    }
    %scan3A_30 = arith.constant 128 : i32
    %scan3A_31 = arith.constant 0 : i32
    %scan3A_32 = arith.constant 0 : i32
    %scan3A_33 = arith.constant 101 : i32
    %scan3A_34 = arith.addi %scan3A_32, %scan3A_33 : i32
    %scan3A_35 = arith.constant 1 : i32
    %scan3A_36 = scf.for %scan3A_40 = %scan3A_32 to %scan3A_34 step %scan3A_35 iter_args(%scan3A_41 = %scan3A_31) -> (i32)  : i32 {
      %mul3A_42 = arith.constant 16 : i32
      %mul3A_43 = arith.muli %scan3A_40, %mul3A_42 : i32
      %add3A_44 = arith.constant 128 : i32
      %add3A_45 = arith.addi %add3A_44, %mul3A_43 : i32
      %get3A = arith.index_cast %add3A_45 : i32 to index
      %get3A_46 = tpu.vector_load %arg11[%get3A] {strides = array<i32>} : memref<1744xi32, #tpu.memory_space<vmem>>, vector<16xi32>,
      %mul3A_47 = arith.constant 16 : i32
      %mul3A_48 = arith.muli %scan3A_40, %mul3A_47 : i32
      %swap3A = arith.index_cast %mul3A_48 : i32 to index
      %swap3A_49 = tpu.vector_load %arg11[%swap3A] {strides = array<i32>} : memref<1744xi32, #tpu.memory_space<vmem>>, vector<16xi32>,
      tpu.vector_store %arg11[%swap3A], %get3A_46 {strides = array<i32>} : memref<1744xi32, #tpu.memory_space<vmem>>, vector<16xi32>,
      %mul3A_50 = arith.constant 16 : i32
      %mul3A_51 = arith.muli %scan3A_40, %mul3A_50 : i32
      %add3A_52 = arith.constant 128 : i32
      %add3A_53 = arith.addi %add3A_52, %mul3A_51 : i32
      %get3A_54 = arith.index_cast %add3A_53 : i32 to index
      %get3A_55 = tpu.vector_load %arg10[%get3A_54] {strides = array<i32>} : memref<1744xi32, #tpu.memory_space<vmem>>, vector<16xi32>,
      %mul3A_56 = arith.constant 16 : i32
      %mul3A_57 = arith.muli %scan3A_40, %mul3A_56 : i32
      %swap3A_58 = arith.index_cast %mul3A_57 : i32 to index
      %swap3A_59 = tpu.vector_load %arg10[%swap3A_58] {strides = array<i32>} : memref<1744xi32, #tpu.memory_space<vmem>>, vector<16xi32>,
      tpu.vector_store %arg10[%swap3A_58], %get3A_55 {strides = array<i32>} : memref<1744xi32, #tpu.memory_space<vmem>>, vector<16xi32>,
      %scan3A_60 = arith.constant 0 : i32
      scf.yield %scan3A_60 : i32
    }
    %scan3A_37 = arith.constant 101 : i32
    %mul3A_38 = arith.constant 100096 : i32
    %mul3A_39 = arith.muli %add3A, %mul3A_38 : i32
    "tpu.region"() ({
      %run_scoped3A = tpu.sem_alloc : memref<!tpu.dma_semaphore, #tpu.memory_space<semaphore_mem>>
      %dma_start3A_40 = arith.constant 0 : i32
      %dma_start3A_41 = tpu.memref_slice %arg7[%dma_start3A_40] : memref<100512xf32, #tpu.memory_space<vmem>> -> memref<100096xf32, #tpu.memory_space<vmem>>
      %dma_start3A_42 = tpu.memref_slice %arg6[%mul3A_39] : memref<3203072xf32, #tpu.memory_space<hbm>> -> memref<100096xf32, #tpu.memory_space<hbm>>
      %dma_start3A_43 = tpu.memref_slice %arg6[%mul3A_39] : memref<3203072xf32, #tpu.memory_space<hbm>> -> memref<100096xf32, #tpu.memory_space<hbm>>
      %dma_start3A_44 = arith.constant 0 : i32
      %dma_start3A_45 = tpu.memref_slice %arg7[%dma_start3A_44] : memref<100512xf32, #tpu.memory_space<vmem>> -> memref<100096xf32, #tpu.memory_space<vmem>>
      tpu.enqueue_dma source(%dma_start3A_45 : memref<100096xf32, #tpu.memory_space<vmem>>) target(%dma_start3A_43 : memref<100096xf32, #tpu.memory_space<hbm>>) target_semaphore(%run_scoped3A : memref<!tpu.dma_semaphore, #tpu.memory_space<semaphore_mem>>)
      %dma_wait3A_46 = arith.constant 0 : i32
      %dma_wait3A_47 = tpu.memref_slice %arg7[%dma_wait3A_46] : memref<100512xf32, #tpu.memory_space<vmem>> -> memref<100096xf32, #tpu.memory_space<vmem>>
      %dma_wait3A_48 = tpu.memref_slice %arg6[%mul3A_39] : memref<3203072xf32, #tpu.memory_space<hbm>> -> memref<100096xf32, #tpu.memory_space<hbm>>
      %dma_wait3A_49 = tpu.memref_slice %arg6[%mul3A_39] : memref<3203072xf32, #tpu.memory_space<hbm>> -> memref<100096xf32, #tpu.memory_space<hbm>>
      %dma_wait3A_50 = arith.constant 0 : i32
      %dma_wait3A_51 = tpu.memref_slice %arg7[%dma_wait3A_50] : memref<100512xf32, #tpu.memory_space<vmem>> -> memref<100096xf32, #tpu.memory_space<vmem>>
      tpu.wait_dma2 semaphore(%run_scoped3A : memref<!tpu.dma_semaphore, #tpu.memory_space<semaphore_mem>>) src(%dma_wait3A_51 : memref<100096xf32, #tpu.memory_space<vmem>>) dst(%dma_wait3A_49 : memref<100096xf32, #tpu.memory_space<hbm>>)
      tpu.yield
    }) : () -> ()
    return
  }
}

#map = affine_map<(d0, d1) -> (0, 0)>
#map1 = affine_map<(d0, d1) -> (0)>
#map2 = affine_map<(d0, d1) -> (0, 0, 0)>
module attributes {stable_mosaic.version = 14 : i64} {
  func.func @_sc_segsum(%arg0: i32, %arg1: i32, %arg2: memref<100000x128xf32, #tpu.memory_space<hbm>>, %arg3: memref<1600000xi32, #tpu.memory_space<hbm>>, %arg4: memref<1600000xi32, #tpu.memory_space<hbm>>, %arg5: memref<2x50048x32xf32, #tpu.memory_space<hbm>>, %arg6: memref<50048x32xf32, #tpu.memory_space<vmem_shared>>, %arg7: memref<80xi32, #tpu.memory_space<vmem>>, %arg8: memref<80xi32, #tpu.memory_space<vmem>>, %arg9: memref<80xi32, #tpu.memory_space<vmem>>, %arg10: memref<80x128xf32, #tpu.memory_space<vmem>>, %arg11: memref<80x32xf32, #tpu.memory_space<vmem>>, %arg12: memref<16xi32, #tpu.memory_space<vmem>>, %arg13: memref<16x32xf32, #tpu.memory_space<vmem>>, %arg14: memref<!tpu.dma_semaphore, #tpu.memory_space<semaphore_mem>>) attributes {dimension_semantics = [#tpu.dimension_semantics<core_parallel>, #tpu.dimension_semantics<subcore_parallel>], iteration_bounds = array<i64: 2, 16>, scalar_prefetch = 0 : i64, scratch_operands = 9 : i64, tpu.core_type = #tpu.core_type<sc_vector_subcore>, window_params = [{transform_indices = #map}, {transform_indices = #map1}, {transform_indices = #map1}, {transform_indices = #map2}]} {
    %mul3A = arith.constant 50000 : i32
    %mul3A_0 = arith.muli %arg0, %mul3A : i32
    %iota3A = tpu.iota {dimensions = array<i32: 0>} : vector<16xi32>
    %broadcast_in_dim3A = arith.constant 0.000000e+00 : f32
    %broadcast_in_dim3A_1 = vector.broadcast %broadcast_in_dim3A : f32 to vector<16xf32>
    %scan3A = arith.constant 0 : i32
    %scan3A_2 = arith.constant 0 : i32
    %scan3A_3 = arith.constant 80 : i32
    %scan3A_4 = arith.addi %scan3A_2, %scan3A_3 : i32
    %scan3A_5 = arith.constant 1 : i32
    %scan3A_6 = scf.for %scan3A_42 = %scan3A_2 to %scan3A_4 step %scan3A_5 iter_args(%scan3A_43 = %scan3A) -> (i32)  : i32 {
      %swap3A_44 = arith.index_cast %scan3A_42 : i32 to index
      %swap3A_45 = arith.constant 0 : index
      %swap3A_46 = tpu.vector_load %arg11[%swap3A_44, %swap3A_45] {strides = array<i32>} : memref<80x32xf32, #tpu.memory_space<vmem>>, vector<16xf32>,
      tpu.vector_store %arg11[%swap3A_44, %swap3A_45], %broadcast_in_dim3A_1 {strides = array<i32>} : memref<80x32xf32, #tpu.memory_space<vmem>>, vector<16xf32>,
      %swap3A_47 = arith.index_cast %scan3A_42 : i32 to index
      %swap3A_48 = arith.constant 16 : index
      %swap3A_49 = tpu.vector_load %arg11[%swap3A_47, %swap3A_48] {strides = array<i32>} : memref<80x32xf32, #tpu.memory_space<vmem>>, vector<16xf32>,
      tpu.vector_store %arg11[%swap3A_47, %swap3A_48], %broadcast_in_dim3A_1 {strides = array<i32>} : memref<80x32xf32, #tpu.memory_space<vmem>>, vector<16xf32>,
      %scan3A_50 = arith.constant 0 : i32
      scf.yield %scan3A_50 : i32
    }
    %scan3A_7 = arith.constant 80 : i32
    %scan3A_8 = arith.constant 0 : i32
    %scan3A_9 = arith.constant 0 : i32
    %scan3A_10 = arith.constant 40 : i32
    %scan3A_11 = arith.addi %scan3A_9, %scan3A_10 : i32
    %scan3A_12 = arith.constant 1 : i32
    %scan3A_13 = scf.for %scan3A_42 = %scan3A_9 to %scan3A_11 step %scan3A_12 iter_args(%scan3A_43 = %scan3A_8) -> (i32)  : i32 {
      %mul3A_44 = arith.constant 3128 : i32
      %mul3A_45 = arith.muli %arg1, %mul3A_44 : i32
      %mul3A_46 = arith.constant 80 : i32
      %mul3A_47 = arith.muli %scan3A_42, %mul3A_46 : i32
      %add3A_48 = arith.addi %mul3A_45, %mul3A_47 : i32
      %scan3A_49 = arith.constant 0 : i32
      %scan3A_50 = arith.constant 0 : i32
      %scan3A_51 = arith.constant 5 : i32
      %scan3A_52 = arith.addi %scan3A_50, %scan3A_51 : i32
      %scan3A_53 = arith.constant 1 : i32
      %scan3A_54 = scf.for %scan3A_57 = %scan3A_50 to %scan3A_52 step %scan3A_53 iter_args(%scan3A_58 = %scan3A_49) -> (i32)  : i32 {
        %mul3A_59 = arith.constant 16 : i32
        %mul3A_60 = arith.muli %scan3A_57, %mul3A_59 : i32
        %add3A_61 = arith.addi %add3A_48, %mul3A_60 : i32
        %add3A_62 = vector.broadcast %add3A_61 : i32 to vector<16xi32>
        %add3A_63 = arith.addi %add3A_62, %iota3A : vector<16xi32>
        %min3A_64 = arith.constant 50047 : i32
        %min3A_65 = vector.broadcast %min3A_64 : i32 to vector<16xi32>
        %min3A_66 = arith.minsi %add3A_63, %min3A_65 : vector<16xi32>
        %mul3A_67 = arith.constant 16 : i32
        %mul3A_68 = arith.muli %scan3A_57, %mul3A_67 : i32
        %swap3A_69 = arith.index_cast %mul3A_68 : i32 to index
        %swap3A_70 = tpu.vector_load %arg9[%swap3A_69] {strides = array<i32>} : memref<80xi32, #tpu.memory_space<vmem>>, vector<16xi32>,
        tpu.vector_store %arg9[%swap3A_69], %min3A_66 {strides = array<i32>} : memref<80xi32, #tpu.memory_space<vmem>>, vector<16xi32>,
        %scan3A_71 = arith.constant 0 : i32
        scf.yield %scan3A_71 : i32
      }
      %scan3A_55 = arith.constant 5 : i32
      "tpu.region"() ({
        %run_scoped3A = tpu.sem_alloc : memref<!tpu.dma_semaphore, #tpu.memory_space<semaphore_mem>>
        %dma_start3A_57 = arith.constant 0 : i32
        %dma_start3A_58 = arith.constant 0 : i32
        %dma_start3A_59 = tpu.memref_slice %arg6[%dma_start3A_57, %dma_start3A_58] : memref<50048x32xf32, #tpu.memory_space<vmem_shared>> -> memref<50048x32xf32, #tpu.memory_space<vmem_shared>>
        tpu.enqueue_indirect_dma source(%arg11 : memref<80x32xf32, #tpu.memory_space<vmem>>) target(%dma_start3A_59 : memref<50048x32xf32, #tpu.memory_space<vmem_shared>>) offsets(%arg9 : memref<80xi32, #tpu.memory_space<vmem>>) semaphore(%run_scoped3A : memref<!tpu.dma_semaphore, #tpu.memory_space<semaphore_mem>>)
        %dma_wait3A_60 = arith.constant 0 : i32
        %dma_wait3A_61 = arith.constant 0 : i32
        %dma_wait3A_62 = tpu.memref_slice %arg6[%dma_wait3A_60, %dma_wait3A_61] : memref<50048x32xf32, #tpu.memory_space<vmem_shared>> -> memref<50048x32xf32, #tpu.memory_space<vmem_shared>>
        tpu.wait_indirect_dma semaphore(%run_scoped3A : memref<!tpu.dma_semaphore, #tpu.memory_space<semaphore_mem>>) src(%arg11 : memref<80x32xf32, #tpu.memory_space<vmem>>) dst(%dma_wait3A_62 : memref<50048x32xf32, #tpu.memory_space<vmem_shared>>)
        tpu.yield
      }) : () -> ()
      %scan3A_56 = arith.constant 0 : i32
      scf.yield %scan3A_56 : i32
    }
    %scan3A_14 = arith.constant 40 : i32
    %barrier3A = arith.constant 0 : index
    tpu.barrier barrier_id(%barrier3A)
    %scan3A_15 = arith.constant 0 : i32
    %scan3A_16 = arith.constant 0 : i32
    %scan3A_17 = arith.constant 1250 : i32
    %scan3A_18 = arith.addi %scan3A_16, %scan3A_17 : i32
    %scan3A_19 = arith.constant 1 : i32
    %scan3A_20 = scf.for %scan3A_42 = %scan3A_16 to %scan3A_18 step %scan3A_19 iter_args(%scan3A_43 = %scan3A_15) -> (i32)  : i32 {
      %mul3A_44 = arith.constant 100000 : i32
      %mul3A_45 = arith.muli %arg1, %mul3A_44 : i32
      %mul3A_46 = arith.constant 80 : i32
      %mul3A_47 = arith.muli %scan3A_42, %mul3A_46 : i32
      %add3A_48 = arith.addi %mul3A_45, %mul3A_47 : i32
      "tpu.region"() ({
        %run_scoped3A = tpu.sem_alloc : memref<!tpu.dma_semaphore, #tpu.memory_space<semaphore_mem>>
        %dma_start3A_70 = tpu.memref_slice %arg3[%add3A_48] : memref<1600000xi32, #tpu.memory_space<hbm>> -> memref<80xi32, #tpu.memory_space<hbm>>
        %dma_start3A_71 = tpu.memref_slice %arg3[%add3A_48] : memref<1600000xi32, #tpu.memory_space<hbm>> -> memref<80xi32, #tpu.memory_space<hbm>>
        tpu.enqueue_dma source(%dma_start3A_71 : memref<80xi32, #tpu.memory_space<hbm>>) target(%arg7 : memref<80xi32, #tpu.memory_space<vmem>>) target_semaphore(%run_scoped3A : memref<!tpu.dma_semaphore, #tpu.memory_space<semaphore_mem>>)
        %dma_wait3A_72 = tpu.memref_slice %arg3[%add3A_48] : memref<1600000xi32, #tpu.memory_space<hbm>> -> memref<80xi32, #tpu.memory_space<hbm>>
        %dma_wait3A_73 = tpu.memref_slice %arg3[%add3A_48] : memref<1600000xi32, #tpu.memory_space<hbm>> -> memref<80xi32, #tpu.memory_space<hbm>>
        tpu.wait_dma2 semaphore(%run_scoped3A : memref<!tpu.dma_semaphore, #tpu.memory_space<semaphore_mem>>) src(%dma_wait3A_73 : memref<80xi32, #tpu.memory_space<hbm>>) dst(%arg7 : memref<80xi32, #tpu.memory_space<vmem>>)
        tpu.yield
      }) : () -> ()
      "tpu.region"() ({
        %run_scoped3A = tpu.sem_alloc : memref<!tpu.dma_semaphore, #tpu.memory_space<semaphore_mem>>
        %dma_start3A_70 = tpu.memref_slice %arg4[%add3A_48] : memref<1600000xi32, #tpu.memory_space<hbm>> -> memref<80xi32, #tpu.memory_space<hbm>>
        %dma_start3A_71 = tpu.memref_slice %arg4[%add3A_48] : memref<1600000xi32, #tpu.memory_space<hbm>> -> memref<80xi32, #tpu.memory_space<hbm>>
        tpu.enqueue_dma source(%dma_start3A_71 : memref<80xi32, #tpu.memory_space<hbm>>) target(%arg8 : memref<80xi32, #tpu.memory_space<vmem>>) target_semaphore(%run_scoped3A : memref<!tpu.dma_semaphore, #tpu.memory_space<semaphore_mem>>)
        %dma_wait3A_72 = tpu.memref_slice %arg4[%add3A_48] : memref<1600000xi32, #tpu.memory_space<hbm>> -> memref<80xi32, #tpu.memory_space<hbm>>
        %dma_wait3A_73 = tpu.memref_slice %arg4[%add3A_48] : memref<1600000xi32, #tpu.memory_space<hbm>> -> memref<80xi32, #tpu.memory_space<hbm>>
        tpu.wait_dma2 semaphore(%run_scoped3A : memref<!tpu.dma_semaphore, #tpu.memory_space<semaphore_mem>>) src(%dma_wait3A_73 : memref<80xi32, #tpu.memory_space<hbm>>) dst(%arg8 : memref<80xi32, #tpu.memory_space<vmem>>)
        tpu.yield
      }) : () -> ()
      %scan3A_49 = arith.constant 0 : i32
      %scan3A_50 = arith.constant 0 : i32
      %scan3A_51 = arith.constant 5 : i32
      %scan3A_52 = arith.addi %scan3A_50, %scan3A_51 : i32
      %scan3A_53 = arith.constant 1 : i32
      %scan3A_54 = scf.for %scan3A_70 = %scan3A_50 to %scan3A_52 step %scan3A_53 iter_args(%scan3A_71 = %scan3A_49) -> (i32)  : i32 {
        %mul3A_72 = arith.constant 16 : i32
        %mul3A_73 = arith.muli %scan3A_70, %mul3A_72 : i32
        %get3A = arith.index_cast %mul3A_73 : i32 to index
        %get3A_74 = tpu.vector_load %arg8[%get3A] {strides = array<i32>} : memref<80xi32, #tpu.memory_space<vmem>>, vector<16xi32>,
        %sub3A = vector.broadcast %mul3A_0 : i32 to vector<16xi32>
        %sub3A_75 = arith.subi %get3A_74, %sub3A : vector<16xi32>
        %bitcast3A = vector.bitcast %sub3A_75 : vector<16xi32> to vector<16xi32>
        %lt3A = arith.constant 50000 : i32
        %lt3A_76 = vector.broadcast %lt3A : i32 to vector<16xi32>
        %lt3A_77 = arith.cmpi ult, %bitcast3A, %lt3A_76 : vector<16xi32>
        %add3A_78 = arith.constant 50000 : i32
        %add3A_79 = vector.broadcast %add3A_78 : i32 to vector<16xi32>
        %add3A_80 = arith.addi %add3A_79, %iota3A : vector<16xi32>
        %select_n3A = arith.select %lt3A_77, %sub3A_75, %add3A_80 : vector<16xi1>, vector<16xi32>
        %mul3A_81 = arith.constant 16 : i32
        %mul3A_82 = arith.muli %scan3A_70, %mul3A_81 : i32
        %swap3A_83 = arith.index_cast %mul3A_82 : i32 to index
        %swap3A_84 = tpu.vector_load %arg9[%swap3A_83] {strides = array<i32>} : memref<80xi32, #tpu.memory_space<vmem>>, vector<16xi32>,
        tpu.vector_store %arg9[%swap3A_83], %select_n3A {strides = array<i32>} : memref<80xi32, #tpu.memory_space<vmem>>, vector<16xi32>,
        %scan3A_85 = arith.constant 0 : i32
        scf.yield %scan3A_85 : i32
      }
      %scan3A_55 = arith.constant 5 : i32
      %dma_start3A_56 = arith.constant 0 : i32
      %dma_start3A_57 = arith.constant 0 : i32
      %dma_start3A_58 = tpu.memref_slice %arg2[%dma_start3A_56, %dma_start3A_57] : memref<100000x128xf32, #tpu.memory_space<hbm>> -> memref<100000x128xf32, #tpu.memory_space<hbm>>
      tpu.enqueue_indirect_dma source(%dma_start3A_58 : memref<100000x128xf32, #tpu.memory_space<hbm>>) target(%arg10 : memref<80x128xf32, #tpu.memory_space<vmem>>) offsets(%arg7 : memref<80xi32, #tpu.memory_space<vmem>>) semaphore(%arg14 : memref<!tpu.dma_semaphore, #tpu.memory_space<semaphore_mem>>)
      %dma_wait3A_59 = arith.constant 0 : i32
      %dma_wait3A_60 = arith.constant 0 : i32
      %dma_wait3A_61 = tpu.memref_slice %arg2[%dma_wait3A_59, %dma_wait3A_60] : memref<100000x128xf32, #tpu.memory_space<hbm>> -> memref<100000x128xf32, #tpu.memory_space<hbm>>
      tpu.wait_indirect_dma semaphore(%arg14 : memref<!tpu.dma_semaphore, #tpu.memory_space<semaphore_mem>>) src(%dma_wait3A_61 : memref<100000x128xf32, #tpu.memory_space<hbm>>) dst(%arg10 : memref<80x128xf32, #tpu.memory_space<vmem>>)
      %scan3A_62 = arith.constant 0 : i32
      %scan3A_63 = arith.constant 0 : i32
      %scan3A_64 = arith.constant 80 : i32
      %scan3A_65 = arith.addi %scan3A_63, %scan3A_64 : i32
      %scan3A_66 = arith.constant 1 : i32
      %scan3A_67 = scf.for %scan3A_70 = %scan3A_63 to %scan3A_65 step %scan3A_66 iter_args(%scan3A_71 = %scan3A_62) -> (i32)  : i32 {
        %get3A = arith.index_cast %scan3A_70 : i32 to index
        %get3A_72 = arith.constant 0 : index
        %get3A_73 = tpu.vector_load %arg10[%get3A, %get3A_72] {strides = array<i32>} : memref<80x128xf32, #tpu.memory_space<vmem>>, vector<16xf32>,
        %swap3A_74 = arith.index_cast %scan3A_70 : i32 to index
        %swap3A_75 = arith.constant 0 : index
        %swap3A_76 = tpu.vector_load %arg11[%swap3A_74, %swap3A_75] {strides = array<i32>} : memref<80x32xf32, #tpu.memory_space<vmem>>, vector<16xf32>,
        tpu.vector_store %arg11[%swap3A_74, %swap3A_75], %get3A_73 {strides = array<i32>} : memref<80x32xf32, #tpu.memory_space<vmem>>, vector<16xf32>,
        %get3A_77 = arith.index_cast %scan3A_70 : i32 to index
        %get3A_78 = arith.constant 16 : index
        %get3A_79 = tpu.vector_load %arg10[%get3A_77, %get3A_78] {strides = array<i32>} : memref<80x128xf32, #tpu.memory_space<vmem>>, vector<16xf32>,
        %swap3A_80 = arith.index_cast %scan3A_70 : i32 to index
        %swap3A_81 = arith.constant 16 : index
        %swap3A_82 = tpu.vector_load %arg11[%swap3A_80, %swap3A_81] {strides = array<i32>} : memref<80x32xf32, #tpu.memory_space<vmem>>, vector<16xf32>,
        tpu.vector_store %arg11[%swap3A_80, %swap3A_81], %get3A_79 {strides = array<i32>} : memref<80x32xf32, #tpu.memory_space<vmem>>, vector<16xf32>,
        %scan3A_83 = arith.constant 0 : i32
        scf.yield %scan3A_83 : i32
      }
      %scan3A_68 = arith.constant 80 : i32
      "tpu.region"() ({
        %run_scoped3A = tpu.sem_alloc : memref<!tpu.dma_semaphore, #tpu.memory_space<semaphore_mem>>
        %dma_start3A_70 = arith.constant 0 : i32
        %dma_start3A_71 = arith.constant 0 : i32
        %dma_start3A_72 = tpu.memref_slice %arg6[%dma_start3A_70, %dma_start3A_71] : memref<50048x32xf32, #tpu.memory_space<vmem_shared>> -> memref<50048x32xf32, #tpu.memory_space<vmem_shared>>
        tpu.enqueue_indirect_dma source(%arg11 : memref<80x32xf32, #tpu.memory_space<vmem>>) target(%dma_start3A_72 : memref<50048x32xf32, #tpu.memory_space<vmem_shared>>) offsets(%arg9 : memref<80xi32, #tpu.memory_space<vmem>>) semaphore(%run_scoped3A : memref<!tpu.dma_semaphore, #tpu.memory_space<semaphore_mem>>) {add = true}
        %dma_wait3A_73 = arith.constant 0 : i32
        %dma_wait3A_74 = arith.constant 0 : i32
        %dma_wait3A_75 = tpu.memref_slice %arg6[%dma_wait3A_73, %dma_wait3A_74] : memref<50048x32xf32, #tpu.memory_space<vmem_shared>> -> memref<50048x32xf32, #tpu.memory_space<vmem_shared>>
        tpu.wait_indirect_dma semaphore(%run_scoped3A : memref<!tpu.dma_semaphore, #tpu.memory_space<semaphore_mem>>) src(%arg11 : memref<80x32xf32, #tpu.memory_space<vmem>>) dst(%dma_wait3A_75 : memref<50048x32xf32, #tpu.memory_space<vmem_shared>>)
        tpu.yield
      }) : () -> ()
      %scan3A_69 = arith.constant 0 : i32
      scf.yield %scan3A_69 : i32
    }
    %scan3A_21 = arith.constant 1250 : i32
    %barrier3A_22 = arith.constant 0 : index
    tpu.barrier barrier_id(%barrier3A_22)
    %scan3A_23 = arith.constant 0 : i32
    %scan3A_24 = arith.constant 0 : i32
    %scan3A_25 = arith.constant 39 : i32
    %scan3A_26 = arith.addi %scan3A_24, %scan3A_25 : i32
    %scan3A_27 = arith.constant 1 : i32
    %scan3A_28 = scf.for %scan3A_42 = %scan3A_24 to %scan3A_26 step %scan3A_27 iter_args(%scan3A_43 = %scan3A_23) -> (i32)  : i32 {
      %mul3A_44 = arith.constant 3128 : i32
      %mul3A_45 = arith.muli %arg1, %mul3A_44 : i32
      %mul3A_46 = arith.constant 80 : i32
      %mul3A_47 = arith.muli %scan3A_42, %mul3A_46 : i32
      %add3A_48 = arith.addi %mul3A_45, %mul3A_47 : i32
      %scan3A_49 = arith.constant 0 : i32
      %scan3A_50 = arith.constant 0 : i32
      %scan3A_51 = arith.constant 5 : i32
      %scan3A_52 = arith.addi %scan3A_50, %scan3A_51 : i32
      %scan3A_53 = arith.constant 1 : i32
      %scan3A_54 = scf.for %scan3A_68 = %scan3A_50 to %scan3A_52 step %scan3A_53 iter_args(%scan3A_69 = %scan3A_49) -> (i32)  : i32 {
        %mul3A_70 = arith.constant 16 : i32
        %mul3A_71 = arith.muli %scan3A_68, %mul3A_70 : i32
        %add3A_72 = arith.addi %add3A_48, %mul3A_71 : i32
        %add3A_73 = vector.broadcast %add3A_72 : i32 to vector<16xi32>
        %add3A_74 = arith.addi %add3A_73, %iota3A : vector<16xi32>
        %mul3A_75 = arith.constant 16 : i32
        %mul3A_76 = arith.muli %scan3A_68, %mul3A_75 : i32
        %swap3A_77 = arith.index_cast %mul3A_76 : i32 to index
        %swap3A_78 = tpu.vector_load %arg9[%swap3A_77] {strides = array<i32>} : memref<80xi32, #tpu.memory_space<vmem>>, vector<16xi32>,
        tpu.vector_store %arg9[%swap3A_77], %add3A_74 {strides = array<i32>} : memref<80xi32, #tpu.memory_space<vmem>>, vector<16xi32>,
        %scan3A_79 = arith.constant 0 : i32
        scf.yield %scan3A_79 : i32
      }
      %scan3A_55 = arith.constant 5 : i32
      %dma_start3A_56 = arith.constant 0 : i32
      %dma_start3A_57 = arith.constant 0 : i32
      %dma_start3A_58 = tpu.memref_slice %arg6[%dma_start3A_56, %dma_start3A_57] : memref<50048x32xf32, #tpu.memory_space<vmem_shared>> -> memref<50048x32xf32, #tpu.memory_space<vmem_shared>>
      tpu.enqueue_indirect_dma source(%dma_start3A_58 : memref<50048x32xf32, #tpu.memory_space<vmem_shared>>) target(%arg11 : memref<80x32xf32, #tpu.memory_space<vmem>>) offsets(%arg9 : memref<80xi32, #tpu.memory_space<vmem>>) semaphore(%arg14 : memref<!tpu.dma_semaphore, #tpu.memory_space<semaphore_mem>>)
      %dma_wait3A_59 = arith.constant 0 : i32
      %dma_wait3A_60 = arith.constant 0 : i32
      %dma_wait3A_61 = tpu.memref_slice %arg6[%dma_wait3A_59, %dma_wait3A_60] : memref<50048x32xf32, #tpu.memory_space<vmem_shared>> -> memref<50048x32xf32, #tpu.memory_space<vmem_shared>>
      tpu.wait_indirect_dma semaphore(%arg14 : memref<!tpu.dma_semaphore, #tpu.memory_space<semaphore_mem>>) src(%dma_wait3A_61 : memref<50048x32xf32, #tpu.memory_space<vmem_shared>>) dst(%arg11 : memref<80x32xf32, #tpu.memory_space<vmem>>)
      %mul3A_62 = arith.constant 3128 : i32
      %mul3A_63 = arith.muli %arg1, %mul3A_62 : i32
      %mul3A_64 = arith.constant 80 : i32
      %mul3A_65 = arith.muli %scan3A_42, %mul3A_64 : i32
      %add3A_66 = arith.addi %mul3A_63, %mul3A_65 : i32
      "tpu.region"() ({
        %run_scoped3A = tpu.sem_alloc : memref<!tpu.dma_semaphore, #tpu.memory_space<semaphore_mem>>
        %dma_start3A_68 = arith.constant 0 : i32
        %dma_start3A_69 = tpu.memref_slice %arg5[%arg0, %add3A_66, %dma_start3A_68] : memref<2x50048x32xf32, #tpu.memory_space<hbm>> -> memref<1x80x32xf32, #tpu.memory_space<hbm>>
        %dma_start3A_70 = tpu.memref_squeeze %dma_start3A_69 : memref<1x80x32xf32, #tpu.memory_space<hbm>> -> memref<80x32xf32, #tpu.memory_space<hbm>>
        %dma_start3A_71 = arith.constant 0 : i32
        %dma_start3A_72 = tpu.memref_slice %arg5[%arg0, %add3A_66, %dma_start3A_71] : memref<2x50048x32xf32, #tpu.memory_space<hbm>> -> memref<1x80x32xf32, #tpu.memory_space<hbm>>
        %dma_start3A_73 = tpu.memref_squeeze %dma_start3A_72 : memref<1x80x32xf32, #tpu.memory_space<hbm>> -> memref<80x32xf32, #tpu.memory_space<hbm>>
        tpu.enqueue_dma source(%arg11 : memref<80x32xf32, #tpu.memory_space<vmem>>) target(%dma_start3A_73 : memref<80x32xf32, #tpu.memory_space<hbm>>) target_semaphore(%run_scoped3A : memref<!tpu.dma_semaphore, #tpu.memory_space<semaphore_mem>>)
        %dma_wait3A_74 = arith.constant 0 : i32
        %dma_wait3A_75 = tpu.memref_slice %arg5[%arg0, %add3A_66, %dma_wait3A_74] : memref<2x50048x32xf32, #tpu.memory_space<hbm>> -> memref<1x80x32xf32, #tpu.memory_space<hbm>>
        %dma_wait3A_76 = tpu.memref_squeeze %dma_wait3A_75 : memref<1x80x32xf32, #tpu.memory_space<hbm>> -> memref<80x32xf32, #tpu.memory_space<hbm>>
        %dma_wait3A_77 = arith.constant 0 : i32
        %dma_wait3A_78 = tpu.memref_slice %arg5[%arg0, %add3A_66, %dma_wait3A_77] : memref<2x50048x32xf32, #tpu.memory_space<hbm>> -> memref<1x80x32xf32, #tpu.memory_space<hbm>>
        %dma_wait3A_79 = tpu.memref_squeeze %dma_wait3A_78 : memref<1x80x32xf32, #tpu.memory_space<hbm>> -> memref<80x32xf32, #tpu.memory_space<hbm>>
        tpu.wait_dma2 semaphore(%run_scoped3A : memref<!tpu.dma_semaphore, #tpu.memory_space<semaphore_mem>>) src(%arg11 : memref<80x32xf32, #tpu.memory_space<vmem>>) dst(%dma_wait3A_79 : memref<80x32xf32, #tpu.memory_space<hbm>>)
        tpu.yield
      }) : () -> ()
      %scan3A_67 = arith.constant 0 : i32
      scf.yield %scan3A_67 : i32
    }
    %scan3A_29 = arith.constant 39 : i32
    %mul3A_30 = arith.constant 3128 : i32
    %mul3A_31 = arith.muli %arg1, %mul3A_30 : i32
    %add3A = arith.constant 3120 : i32
    %add3A_32 = arith.addi %mul3A_31, %add3A : i32
    %add3A_33 = vector.broadcast %add3A_32 : i32 to vector<16xi32>
    %add3A_34 = arith.addi %add3A_33, %iota3A : vector<16xi32>
    %min3A = arith.constant 50047 : i32
    %min3A_35 = vector.broadcast %min3A : i32 to vector<16xi32>
    %min3A_36 = arith.minsi %add3A_34, %min3A_35 : vector<16xi32>
    %swap3A = arith.constant 0 : index
    %swap3A_37 = tpu.vector_load %arg12[%swap3A] {strides = array<i32>} : memref<16xi32, #tpu.memory_space<vmem>>, vector<16xi32>,
    tpu.vector_store %arg12[%swap3A], %min3A_36 {strides = array<i32>} : memref<16xi32, #tpu.memory_space<vmem>>, vector<16xi32>,
    %dma_start3A = arith.constant 0 : i32
    %dma_start3A_38 = arith.constant 0 : i32
    %dma_start3A_39 = tpu.memref_slice %arg6[%dma_start3A, %dma_start3A_38] : memref<50048x32xf32, #tpu.memory_space<vmem_shared>> -> memref<50048x32xf32, #tpu.memory_space<vmem_shared>>
    tpu.enqueue_indirect_dma source(%dma_start3A_39 : memref<50048x32xf32, #tpu.memory_space<vmem_shared>>) target(%arg13 : memref<16x32xf32, #tpu.memory_space<vmem>>) offsets(%arg12 : memref<16xi32, #tpu.memory_space<vmem>>) semaphore(%arg14 : memref<!tpu.dma_semaphore, #tpu.memory_space<semaphore_mem>>)
    %dma_wait3A = arith.constant 0 : i32
    %dma_wait3A_40 = arith.constant 0 : i32
    %dma_wait3A_41 = tpu.memref_slice %arg6[%dma_wait3A, %dma_wait3A_40] : memref<50048x32xf32, #tpu.memory_space<vmem_shared>> -> memref<50048x32xf32, #tpu.memory_space<vmem_shared>>
    tpu.wait_indirect_dma semaphore(%arg14 : memref<!tpu.dma_semaphore, #tpu.memory_space<semaphore_mem>>) src(%dma_wait3A_41 : memref<50048x32xf32, #tpu.memory_space<vmem_shared>>) dst(%arg13 : memref<16x32xf32, #tpu.memory_space<vmem>>)
    "tpu.region"() ({
      %run_scoped3A = tpu.sem_alloc : memref<!tpu.dma_semaphore, #tpu.memory_space<semaphore_mem>>
      %dma_start3A_42 = arith.constant 0 : i32
      %dma_start3A_43 = arith.constant 0 : i32
      %dma_start3A_44 = tpu.memref_slice %arg13[%dma_start3A_42, %dma_start3A_43] : memref<16x32xf32, #tpu.memory_space<vmem>> -> memref<8x32xf32, #tpu.memory_space<vmem>>
      %dma_start3A_45 = arith.constant 0 : i32
      %dma_start3A_46 = tpu.memref_slice %arg5[%arg0, %add3A_32, %dma_start3A_45] : memref<2x50048x32xf32, #tpu.memory_space<hbm>> -> memref<1x8x32xf32, #tpu.memory_space<hbm>>
      %dma_start3A_47 = tpu.memref_squeeze %dma_start3A_46 : memref<1x8x32xf32, #tpu.memory_space<hbm>> -> memref<8x32xf32, #tpu.memory_space<hbm>>
      %dma_start3A_48 = arith.constant 0 : i32
      %dma_start3A_49 = tpu.memref_slice %arg5[%arg0, %add3A_32, %dma_start3A_48] : memref<2x50048x32xf32, #tpu.memory_space<hbm>> -> memref<1x8x32xf32, #tpu.memory_space<hbm>>
      %dma_start3A_50 = tpu.memref_squeeze %dma_start3A_49 : memref<1x8x32xf32, #tpu.memory_space<hbm>> -> memref<8x32xf32, #tpu.memory_space<hbm>>
      %dma_start3A_51 = arith.constant 0 : i32
      %dma_start3A_52 = arith.constant 0 : i32
      %dma_start3A_53 = tpu.memref_slice %arg13[%dma_start3A_51, %dma_start3A_52] : memref<16x32xf32, #tpu.memory_space<vmem>> -> memref<8x32xf32, #tpu.memory_space<vmem>>
      tpu.enqueue_dma source(%dma_start3A_53 : memref<8x32xf32, #tpu.memory_space<vmem>>) target(%dma_start3A_50 : memref<8x32xf32, #tpu.memory_space<hbm>>) target_semaphore(%run_scoped3A : memref<!tpu.dma_semaphore, #tpu.memory_space<semaphore_mem>>)
      %dma_wait3A_54 = arith.constant 0 : i32
      %dma_wait3A_55 = arith.constant 0 : i32
      %dma_wait3A_56 = tpu.memref_slice %arg13[%dma_wait3A_54, %dma_wait3A_55] : memref<16x32xf32, #tpu.memory_space<vmem>> -> memref<8x32xf32, #tpu.memory_space<vmem>>
      %dma_wait3A_57 = arith.constant 0 : i32
      %dma_wait3A_58 = tpu.memref_slice %arg5[%arg0, %add3A_32, %dma_wait3A_57] : memref<2x50048x32xf32, #tpu.memory_space<hbm>> -> memref<1x8x32xf32, #tpu.memory_space<hbm>>
      %dma_wait3A_59 = tpu.memref_squeeze %dma_wait3A_58 : memref<1x8x32xf32, #tpu.memory_space<hbm>> -> memref<8x32xf32, #tpu.memory_space<hbm>>
      %dma_wait3A_60 = arith.constant 0 : i32
      %dma_wait3A_61 = tpu.memref_slice %arg5[%arg0, %add3A_32, %dma_wait3A_60] : memref<2x50048x32xf32, #tpu.memory_space<hbm>> -> memref<1x8x32xf32, #tpu.memory_space<hbm>>
      %dma_wait3A_62 = tpu.memref_squeeze %dma_wait3A_61 : memref<1x8x32xf32, #tpu.memory_space<hbm>> -> memref<8x32xf32, #tpu.memory_space<hbm>>
      %dma_wait3A_63 = arith.constant 0 : i32
      %dma_wait3A_64 = arith.constant 0 : i32
      %dma_wait3A_65 = tpu.memref_slice %arg13[%dma_wait3A_63, %dma_wait3A_64] : memref<16x32xf32, #tpu.memory_space<vmem>> -> memref<8x32xf32, #tpu.memory_space<vmem>>
      tpu.wait_dma2 semaphore(%run_scoped3A : memref<!tpu.dma_semaphore, #tpu.memory_space<semaphore_mem>>) src(%dma_wait3A_65 : memref<8x32xf32, #tpu.memory_space<vmem>>) dst(%dma_wait3A_62 : memref<8x32xf32, #tpu.memory_space<hbm>>)
      tpu.yield
    }) : () -> ()
    return
  }
}

#map = affine_map<(d0, d1) -> (0, 0)>
#map1 = affine_map<(d0, d1) -> (0)>
#map2 = affine_map<(d0, d1) -> (0, 0, 0)>
module attributes {stable_mosaic.version = 14 : i64} {
  func.func @_sc_segsum(%arg0: i32, %arg1: i32, %arg2: memref<100000x128xf32, #tpu.memory_space<hbm>>, %arg3: memref<1600000xi32, #tpu.memory_space<hbm>>, %arg4: memref<1600000xi32, #tpu.memory_space<hbm>>, %arg5: memref<2x50048x32xf32, #tpu.memory_space<hbm>>, %arg6: memref<50048x32xf32, #tpu.memory_space<vmem_shared>>, %arg7: memref<80xi32, #tpu.memory_space<vmem>>, %arg8: memref<80xi32, #tpu.memory_space<vmem>>, %arg9: memref<80xi32, #tpu.memory_space<vmem>>, %arg10: memref<80x128xf32, #tpu.memory_space<vmem>>, %arg11: memref<80x32xf32, #tpu.memory_space<vmem>>, %arg12: memref<16xi32, #tpu.memory_space<vmem>>, %arg13: memref<16x32xf32, #tpu.memory_space<vmem>>, %arg14: memref<!tpu.dma_semaphore, #tpu.memory_space<semaphore_mem>>) attributes {dimension_semantics = [#tpu.dimension_semantics<core_parallel>, #tpu.dimension_semantics<subcore_parallel>], iteration_bounds = array<i64: 2, 16>, scalar_prefetch = 0 : i64, scratch_operands = 9 : i64, tpu.core_type = #tpu.core_type<sc_vector_subcore>, window_params = [{transform_indices = #map}, {transform_indices = #map1}, {transform_indices = #map1}, {transform_indices = #map2}]} {
    %mul3A = arith.constant 50000 : i32
    %mul3A_0 = arith.muli %arg0, %mul3A : i32
    %iota3A = tpu.iota {dimensions = array<i32: 0>} : vector<16xi32>
    %broadcast_in_dim3A = arith.constant 0.000000e+00 : f32
    %broadcast_in_dim3A_1 = vector.broadcast %broadcast_in_dim3A : f32 to vector<16xf32>
    %scan3A = arith.constant 0 : i32
    %scan3A_2 = arith.constant 0 : i32
    %scan3A_3 = arith.constant 80 : i32
    %scan3A_4 = arith.addi %scan3A_2, %scan3A_3 : i32
    %scan3A_5 = arith.constant 1 : i32
    %scan3A_6 = scf.for %scan3A_42 = %scan3A_2 to %scan3A_4 step %scan3A_5 iter_args(%scan3A_43 = %scan3A) -> (i32)  : i32 {
      %swap3A_44 = arith.index_cast %scan3A_42 : i32 to index
      %swap3A_45 = arith.constant 0 : index
      %swap3A_46 = tpu.vector_load %arg11[%swap3A_44, %swap3A_45] {strides = array<i32>} : memref<80x32xf32, #tpu.memory_space<vmem>>, vector<16xf32>,
      tpu.vector_store %arg11[%swap3A_44, %swap3A_45], %broadcast_in_dim3A_1 {strides = array<i32>} : memref<80x32xf32, #tpu.memory_space<vmem>>, vector<16xf32>,
      %swap3A_47 = arith.index_cast %scan3A_42 : i32 to index
      %swap3A_48 = arith.constant 16 : index
      %swap3A_49 = tpu.vector_load %arg11[%swap3A_47, %swap3A_48] {strides = array<i32>} : memref<80x32xf32, #tpu.memory_space<vmem>>, vector<16xf32>,
      tpu.vector_store %arg11[%swap3A_47, %swap3A_48], %broadcast_in_dim3A_1 {strides = array<i32>} : memref<80x32xf32, #tpu.memory_space<vmem>>, vector<16xf32>,
      %scan3A_50 = arith.constant 0 : i32
      scf.yield %scan3A_50 : i32
    }
    %scan3A_7 = arith.constant 80 : i32
    %scan3A_8 = arith.constant 0 : i32
    %scan3A_9 = arith.constant 0 : i32
    %scan3A_10 = arith.constant 40 : i32
    %scan3A_11 = arith.addi %scan3A_9, %scan3A_10 : i32
    %scan3A_12 = arith.constant 1 : i32
    %scan3A_13 = scf.for %scan3A_42 = %scan3A_9 to %scan3A_11 step %scan3A_12 iter_args(%scan3A_43 = %scan3A_8) -> (i32)  : i32 {
      %mul3A_44 = arith.constant 3128 : i32
      %mul3A_45 = arith.muli %arg1, %mul3A_44 : i32
      %mul3A_46 = arith.constant 80 : i32
      %mul3A_47 = arith.muli %scan3A_42, %mul3A_46 : i32
      %add3A_48 = arith.addi %mul3A_45, %mul3A_47 : i32
      %scan3A_49 = arith.constant 0 : i32
      %scan3A_50 = arith.constant 0 : i32
      %scan3A_51 = arith.constant 5 : i32
      %scan3A_52 = arith.addi %scan3A_50, %scan3A_51 : i32
      %scan3A_53 = arith.constant 1 : i32
      %scan3A_54 = scf.for %scan3A_57 = %scan3A_50 to %scan3A_52 step %scan3A_53 iter_args(%scan3A_58 = %scan3A_49) -> (i32)  : i32 {
        %mul3A_59 = arith.constant 16 : i32
        %mul3A_60 = arith.muli %scan3A_57, %mul3A_59 : i32
        %add3A_61 = arith.addi %add3A_48, %mul3A_60 : i32
        %add3A_62 = vector.broadcast %add3A_61 : i32 to vector<16xi32>
        %add3A_63 = arith.addi %add3A_62, %iota3A : vector<16xi32>
        %min3A_64 = arith.constant 50047 : i32
        %min3A_65 = vector.broadcast %min3A_64 : i32 to vector<16xi32>
        %min3A_66 = arith.minsi %add3A_63, %min3A_65 : vector<16xi32>
        %mul3A_67 = arith.constant 16 : i32
        %mul3A_68 = arith.muli %scan3A_57, %mul3A_67 : i32
        %swap3A_69 = arith.index_cast %mul3A_68 : i32 to index
        %swap3A_70 = tpu.vector_load %arg9[%swap3A_69] {strides = array<i32>} : memref<80xi32, #tpu.memory_space<vmem>>, vector<16xi32>,
        tpu.vector_store %arg9[%swap3A_69], %min3A_66 {strides = array<i32>} : memref<80xi32, #tpu.memory_space<vmem>>, vector<16xi32>,
        %scan3A_71 = arith.constant 0 : i32
        scf.yield %scan3A_71 : i32
      }
      %scan3A_55 = arith.constant 5 : i32
      "tpu.region"() ({
        %run_scoped3A = tpu.sem_alloc : memref<!tpu.dma_semaphore, #tpu.memory_space<semaphore_mem>>
        %dma_start3A_57 = arith.constant 0 : i32
        %dma_start3A_58 = arith.constant 0 : i32
        %dma_start3A_59 = tpu.memref_slice %arg6[%dma_start3A_57, %dma_start3A_58] : memref<50048x32xf32, #tpu.memory_space<vmem_shared>> -> memref<50048x32xf32, #tpu.memory_space<vmem_shared>>
        tpu.enqueue_indirect_dma source(%arg11 : memref<80x32xf32, #tpu.memory_space<vmem>>) target(%dma_start3A_59 : memref<50048x32xf32, #tpu.memory_space<vmem_shared>>) offsets(%arg9 : memref<80xi32, #tpu.memory_space<vmem>>) semaphore(%run_scoped3A : memref<!tpu.dma_semaphore, #tpu.memory_space<semaphore_mem>>)
        %dma_wait3A_60 = arith.constant 0 : i32
        %dma_wait3A_61 = arith.constant 0 : i32
        %dma_wait3A_62 = tpu.memref_slice %arg6[%dma_wait3A_60, %dma_wait3A_61] : memref<50048x32xf32, #tpu.memory_space<vmem_shared>> -> memref<50048x32xf32, #tpu.memory_space<vmem_shared>>
        tpu.wait_indirect_dma semaphore(%run_scoped3A : memref<!tpu.dma_semaphore, #tpu.memory_space<semaphore_mem>>) src(%arg11 : memref<80x32xf32, #tpu.memory_space<vmem>>) dst(%dma_wait3A_62 : memref<50048x32xf32, #tpu.memory_space<vmem_shared>>)
        tpu.yield
      }) : () -> ()
      %scan3A_56 = arith.constant 0 : i32
      scf.yield %scan3A_56 : i32
    }
    %scan3A_14 = arith.constant 40 : i32
    %barrier3A = arith.constant 0 : index
    tpu.barrier barrier_id(%barrier3A)
    %scan3A_15 = arith.constant 0 : i32
    %scan3A_16 = arith.constant 0 : i32
    %scan3A_17 = arith.constant 1250 : i32
    %scan3A_18 = arith.addi %scan3A_16, %scan3A_17 : i32
    %scan3A_19 = arith.constant 1 : i32
    %scan3A_20 = scf.for %scan3A_42 = %scan3A_16 to %scan3A_18 step %scan3A_19 iter_args(%scan3A_43 = %scan3A_15) -> (i32)  : i32 {
      %mul3A_44 = arith.constant 100000 : i32
      %mul3A_45 = arith.muli %arg1, %mul3A_44 : i32
      %mul3A_46 = arith.constant 80 : i32
      %mul3A_47 = arith.muli %scan3A_42, %mul3A_46 : i32
      %add3A_48 = arith.addi %mul3A_45, %mul3A_47 : i32
      "tpu.region"() ({
        %run_scoped3A = tpu.sem_alloc : memref<!tpu.dma_semaphore, #tpu.memory_space<semaphore_mem>>
        %dma_start3A_70 = tpu.memref_slice %arg3[%add3A_48] : memref<1600000xi32, #tpu.memory_space<hbm>> -> memref<80xi32, #tpu.memory_space<hbm>>
        %dma_start3A_71 = tpu.memref_slice %arg3[%add3A_48] : memref<1600000xi32, #tpu.memory_space<hbm>> -> memref<80xi32, #tpu.memory_space<hbm>>
        tpu.enqueue_dma source(%dma_start3A_71 : memref<80xi32, #tpu.memory_space<hbm>>) target(%arg7 : memref<80xi32, #tpu.memory_space<vmem>>) target_semaphore(%run_scoped3A : memref<!tpu.dma_semaphore, #tpu.memory_space<semaphore_mem>>)
        %dma_wait3A_72 = tpu.memref_slice %arg3[%add3A_48] : memref<1600000xi32, #tpu.memory_space<hbm>> -> memref<80xi32, #tpu.memory_space<hbm>>
        %dma_wait3A_73 = tpu.memref_slice %arg3[%add3A_48] : memref<1600000xi32, #tpu.memory_space<hbm>> -> memref<80xi32, #tpu.memory_space<hbm>>
        tpu.wait_dma2 semaphore(%run_scoped3A : memref<!tpu.dma_semaphore, #tpu.memory_space<semaphore_mem>>) src(%dma_wait3A_73 : memref<80xi32, #tpu.memory_space<hbm>>) dst(%arg7 : memref<80xi32, #tpu.memory_space<vmem>>)
        tpu.yield
      }) : () -> ()
      "tpu.region"() ({
        %run_scoped3A = tpu.sem_alloc : memref<!tpu.dma_semaphore, #tpu.memory_space<semaphore_mem>>
        %dma_start3A_70 = tpu.memref_slice %arg4[%add3A_48] : memref<1600000xi32, #tpu.memory_space<hbm>> -> memref<80xi32, #tpu.memory_space<hbm>>
        %dma_start3A_71 = tpu.memref_slice %arg4[%add3A_48] : memref<1600000xi32, #tpu.memory_space<hbm>> -> memref<80xi32, #tpu.memory_space<hbm>>
        tpu.enqueue_dma source(%dma_start3A_71 : memref<80xi32, #tpu.memory_space<hbm>>) target(%arg8 : memref<80xi32, #tpu.memory_space<vmem>>) target_semaphore(%run_scoped3A : memref<!tpu.dma_semaphore, #tpu.memory_space<semaphore_mem>>)
        %dma_wait3A_72 = tpu.memref_slice %arg4[%add3A_48] : memref<1600000xi32, #tpu.memory_space<hbm>> -> memref<80xi32, #tpu.memory_space<hbm>>
        %dma_wait3A_73 = tpu.memref_slice %arg4[%add3A_48] : memref<1600000xi32, #tpu.memory_space<hbm>> -> memref<80xi32, #tpu.memory_space<hbm>>
        tpu.wait_dma2 semaphore(%run_scoped3A : memref<!tpu.dma_semaphore, #tpu.memory_space<semaphore_mem>>) src(%dma_wait3A_73 : memref<80xi32, #tpu.memory_space<hbm>>) dst(%arg8 : memref<80xi32, #tpu.memory_space<vmem>>)
        tpu.yield
      }) : () -> ()
      %scan3A_49 = arith.constant 0 : i32
      %scan3A_50 = arith.constant 0 : i32
      %scan3A_51 = arith.constant 5 : i32
      %scan3A_52 = arith.addi %scan3A_50, %scan3A_51 : i32
      %scan3A_53 = arith.constant 1 : i32
      %scan3A_54 = scf.for %scan3A_70 = %scan3A_50 to %scan3A_52 step %scan3A_53 iter_args(%scan3A_71 = %scan3A_49) -> (i32)  : i32 {
        %mul3A_72 = arith.constant 16 : i32
        %mul3A_73 = arith.muli %scan3A_70, %mul3A_72 : i32
        %get3A = arith.index_cast %mul3A_73 : i32 to index
        %get3A_74 = tpu.vector_load %arg8[%get3A] {strides = array<i32>} : memref<80xi32, #tpu.memory_space<vmem>>, vector<16xi32>,
        %sub3A = vector.broadcast %mul3A_0 : i32 to vector<16xi32>
        %sub3A_75 = arith.subi %get3A_74, %sub3A : vector<16xi32>
        %bitcast3A = vector.bitcast %sub3A_75 : vector<16xi32> to vector<16xi32>
        %lt3A = arith.constant 50000 : i32
        %lt3A_76 = vector.broadcast %lt3A : i32 to vector<16xi32>
        %lt3A_77 = arith.cmpi ult, %bitcast3A, %lt3A_76 : vector<16xi32>
        %add3A_78 = arith.constant 50000 : i32
        %add3A_79 = vector.broadcast %add3A_78 : i32 to vector<16xi32>
        %add3A_80 = arith.addi %add3A_79, %iota3A : vector<16xi32>
        %select_n3A = arith.select %lt3A_77, %sub3A_75, %add3A_80 : vector<16xi1>, vector<16xi32>
        %mul3A_81 = arith.constant 16 : i32
        %mul3A_82 = arith.muli %scan3A_70, %mul3A_81 : i32
        %swap3A_83 = arith.index_cast %mul3A_82 : i32 to index
        %swap3A_84 = tpu.vector_load %arg9[%swap3A_83] {strides = array<i32>} : memref<80xi32, #tpu.memory_space<vmem>>, vector<16xi32>,
        tpu.vector_store %arg9[%swap3A_83], %select_n3A {strides = array<i32>} : memref<80xi32, #tpu.memory_space<vmem>>, vector<16xi32>,
        %scan3A_85 = arith.constant 0 : i32
        scf.yield %scan3A_85 : i32
      }
      %scan3A_55 = arith.constant 5 : i32
      %dma_start3A_56 = arith.constant 0 : i32
      %dma_start3A_57 = arith.constant 0 : i32
      %dma_start3A_58 = tpu.memref_slice %arg2[%dma_start3A_56, %dma_start3A_57] : memref<100000x128xf32, #tpu.memory_space<hbm>> -> memref<100000x128xf32, #tpu.memory_space<hbm>>
      tpu.enqueue_indirect_dma source(%dma_start3A_58 : memref<100000x128xf32, #tpu.memory_space<hbm>>) target(%arg10 : memref<80x128xf32, #tpu.memory_space<vmem>>) offsets(%arg7 : memref<80xi32, #tpu.memory_space<vmem>>) semaphore(%arg14 : memref<!tpu.dma_semaphore, #tpu.memory_space<semaphore_mem>>)
      %dma_wait3A_59 = arith.constant 0 : i32
      %dma_wait3A_60 = arith.constant 0 : i32
      %dma_wait3A_61 = tpu.memref_slice %arg2[%dma_wait3A_59, %dma_wait3A_60] : memref<100000x128xf32, #tpu.memory_space<hbm>> -> memref<100000x128xf32, #tpu.memory_space<hbm>>
      tpu.wait_indirect_dma semaphore(%arg14 : memref<!tpu.dma_semaphore, #tpu.memory_space<semaphore_mem>>) src(%dma_wait3A_61 : memref<100000x128xf32, #tpu.memory_space<hbm>>) dst(%arg10 : memref<80x128xf32, #tpu.memory_space<vmem>>)
      %scan3A_62 = arith.constant 0 : i32
      %scan3A_63 = arith.constant 0 : i32
      %scan3A_64 = arith.constant 80 : i32
      %scan3A_65 = arith.addi %scan3A_63, %scan3A_64 : i32
      %scan3A_66 = arith.constant 1 : i32
      %scan3A_67 = scf.for %scan3A_70 = %scan3A_63 to %scan3A_65 step %scan3A_66 iter_args(%scan3A_71 = %scan3A_62) -> (i32)  : i32 {
        %get3A = arith.index_cast %scan3A_70 : i32 to index
        %get3A_72 = arith.constant 0 : index
        %get3A_73 = tpu.vector_load %arg10[%get3A, %get3A_72] {strides = array<i32>} : memref<80x128xf32, #tpu.memory_space<vmem>>, vector<16xf32>,
        %swap3A_74 = arith.index_cast %scan3A_70 : i32 to index
        %swap3A_75 = arith.constant 0 : index
        %swap3A_76 = tpu.vector_load %arg11[%swap3A_74, %swap3A_75] {strides = array<i32>} : memref<80x32xf32, #tpu.memory_space<vmem>>, vector<16xf32>,
        tpu.vector_store %arg11[%swap3A_74, %swap3A_75], %get3A_73 {strides = array<i32>} : memref<80x32xf32, #tpu.memory_space<vmem>>, vector<16xf32>,
        %get3A_77 = arith.index_cast %scan3A_70 : i32 to index
        %get3A_78 = arith.constant 16 : index
        %get3A_79 = tpu.vector_load %arg10[%get3A_77, %get3A_78] {strides = array<i32>} : memref<80x128xf32, #tpu.memory_space<vmem>>, vector<16xf32>,
        %swap3A_80 = arith.index_cast %scan3A_70 : i32 to index
        %swap3A_81 = arith.constant 16 : index
        %swap3A_82 = tpu.vector_load %arg11[%swap3A_80, %swap3A_81] {strides = array<i32>} : memref<80x32xf32, #tpu.memory_space<vmem>>, vector<16xf32>,
        tpu.vector_store %arg11[%swap3A_80, %swap3A_81], %get3A_79 {strides = array<i32>} : memref<80x32xf32, #tpu.memory_space<vmem>>, vector<16xf32>,
        %scan3A_83 = arith.constant 0 : i32
        scf.yield %scan3A_83 : i32
      }
      %scan3A_68 = arith.constant 80 : i32
      "tpu.region"() ({
        %run_scoped3A = tpu.sem_alloc : memref<!tpu.dma_semaphore, #tpu.memory_space<semaphore_mem>>
        %dma_start3A_70 = arith.constant 0 : i32
        %dma_start3A_71 = arith.constant 0 : i32
        %dma_start3A_72 = tpu.memref_slice %arg6[%dma_start3A_70, %dma_start3A_71] : memref<50048x32xf32, #tpu.memory_space<vmem_shared>> -> memref<50048x32xf32, #tpu.memory_space<vmem_shared>>
        tpu.enqueue_indirect_dma source(%arg11 : memref<80x32xf32, #tpu.memory_space<vmem>>) target(%dma_start3A_72 : memref<50048x32xf32, #tpu.memory_space<vmem_shared>>) offsets(%arg9 : memref<80xi32, #tpu.memory_space<vmem>>) semaphore(%run_scoped3A : memref<!tpu.dma_semaphore, #tpu.memory_space<semaphore_mem>>) {add = true}
        %dma_wait3A_73 = arith.constant 0 : i32
        %dma_wait3A_74 = arith.constant 0 : i32
        %dma_wait3A_75 = tpu.memref_slice %arg6[%dma_wait3A_73, %dma_wait3A_74] : memref<50048x32xf32, #tpu.memory_space<vmem_shared>> -> memref<50048x32xf32, #tpu.memory_space<vmem_shared>>
        tpu.wait_indirect_dma semaphore(%run_scoped3A : memref<!tpu.dma_semaphore, #tpu.memory_space<semaphore_mem>>) src(%arg11 : memref<80x32xf32, #tpu.memory_space<vmem>>) dst(%dma_wait3A_75 : memref<50048x32xf32, #tpu.memory_space<vmem_shared>>)
        tpu.yield
      }) : () -> ()
      %scan3A_69 = arith.constant 0 : i32
      scf.yield %scan3A_69 : i32
    }
    %scan3A_21 = arith.constant 1250 : i32
    %barrier3A_22 = arith.constant 0 : index
    tpu.barrier barrier_id(%barrier3A_22)
    %scan3A_23 = arith.constant 0 : i32
    %scan3A_24 = arith.constant 0 : i32
    %scan3A_25 = arith.constant 39 : i32
    %scan3A_26 = arith.addi %scan3A_24, %scan3A_25 : i32
    %scan3A_27 = arith.constant 1 : i32
    %scan3A_28 = scf.for %scan3A_42 = %scan3A_24 to %scan3A_26 step %scan3A_27 iter_args(%scan3A_43 = %scan3A_23) -> (i32)  : i32 {
      %mul3A_44 = arith.constant 3128 : i32
      %mul3A_45 = arith.muli %arg1, %mul3A_44 : i32
      %mul3A_46 = arith.constant 80 : i32
      %mul3A_47 = arith.muli %scan3A_42, %mul3A_46 : i32
      %add3A_48 = arith.addi %mul3A_45, %mul3A_47 : i32
      %scan3A_49 = arith.constant 0 : i32
      %scan3A_50 = arith.constant 0 : i32
      %scan3A_51 = arith.constant 5 : i32
      %scan3A_52 = arith.addi %scan3A_50, %scan3A_51 : i32
      %scan3A_53 = arith.constant 1 : i32
      %scan3A_54 = scf.for %scan3A_68 = %scan3A_50 to %scan3A_52 step %scan3A_53 iter_args(%scan3A_69 = %scan3A_49) -> (i32)  : i32 {
        %mul3A_70 = arith.constant 16 : i32
        %mul3A_71 = arith.muli %scan3A_68, %mul3A_70 : i32
        %add3A_72 = arith.addi %add3A_48, %mul3A_71 : i32
        %add3A_73 = vector.broadcast %add3A_72 : i32 to vector<16xi32>
        %add3A_74 = arith.addi %add3A_73, %iota3A : vector<16xi32>
        %mul3A_75 = arith.constant 16 : i32
        %mul3A_76 = arith.muli %scan3A_68, %mul3A_75 : i32
        %swap3A_77 = arith.index_cast %mul3A_76 : i32 to index
        %swap3A_78 = tpu.vector_load %arg9[%swap3A_77] {strides = array<i32>} : memref<80xi32, #tpu.memory_space<vmem>>, vector<16xi32>,
        tpu.vector_store %arg9[%swap3A_77], %add3A_74 {strides = array<i32>} : memref<80xi32, #tpu.memory_space<vmem>>, vector<16xi32>,
        %scan3A_79 = arith.constant 0 : i32
        scf.yield %scan3A_79 : i32
      }
      %scan3A_55 = arith.constant 5 : i32
      %dma_start3A_56 = arith.constant 0 : i32
      %dma_start3A_57 = arith.constant 0 : i32
      %dma_start3A_58 = tpu.memref_slice %arg6[%dma_start3A_56, %dma_start3A_57] : memref<50048x32xf32, #tpu.memory_space<vmem_shared>> -> memref<50048x32xf32, #tpu.memory_space<vmem_shared>>
      tpu.enqueue_indirect_dma source(%dma_start3A_58 : memref<50048x32xf32, #tpu.memory_space<vmem_shared>>) target(%arg11 : memref<80x32xf32, #tpu.memory_space<vmem>>) offsets(%arg9 : memref<80xi32, #tpu.memory_space<vmem>>) semaphore(%arg14 : memref<!tpu.dma_semaphore, #tpu.memory_space<semaphore_mem>>)
      %dma_wait3A_59 = arith.constant 0 : i32
      %dma_wait3A_60 = arith.constant 0 : i32
      %dma_wait3A_61 = tpu.memref_slice %arg6[%dma_wait3A_59, %dma_wait3A_60] : memref<50048x32xf32, #tpu.memory_space<vmem_shared>> -> memref<50048x32xf32, #tpu.memory_space<vmem_shared>>
      tpu.wait_indirect_dma semaphore(%arg14 : memref<!tpu.dma_semaphore, #tpu.memory_space<semaphore_mem>>) src(%dma_wait3A_61 : memref<50048x32xf32, #tpu.memory_space<vmem_shared>>) dst(%arg11 : memref<80x32xf32, #tpu.memory_space<vmem>>)
      %mul3A_62 = arith.constant 3128 : i32
      %mul3A_63 = arith.muli %arg1, %mul3A_62 : i32
      %mul3A_64 = arith.constant 80 : i32
      %mul3A_65 = arith.muli %scan3A_42, %mul3A_64 : i32
      %add3A_66 = arith.addi %mul3A_63, %mul3A_65 : i32
      "tpu.region"() ({
        %run_scoped3A = tpu.sem_alloc : memref<!tpu.dma_semaphore, #tpu.memory_space<semaphore_mem>>
        %dma_start3A_68 = arith.constant 0 : i32
        %dma_start3A_69 = tpu.memref_slice %arg5[%arg0, %add3A_66, %dma_start3A_68] : memref<2x50048x32xf32, #tpu.memory_space<hbm>> -> memref<1x80x32xf32, #tpu.memory_space<hbm>>
        %dma_start3A_70 = tpu.memref_squeeze %dma_start3A_69 : memref<1x80x32xf32, #tpu.memory_space<hbm>> -> memref<80x32xf32, #tpu.memory_space<hbm>>
        %dma_start3A_71 = arith.constant 0 : i32
        %dma_start3A_72 = tpu.memref_slice %arg5[%arg0, %add3A_66, %dma_start3A_71] : memref<2x50048x32xf32, #tpu.memory_space<hbm>> -> memref<1x80x32xf32, #tpu.memory_space<hbm>>
        %dma_start3A_73 = tpu.memref_squeeze %dma_start3A_72 : memref<1x80x32xf32, #tpu.memory_space<hbm>> -> memref<80x32xf32, #tpu.memory_space<hbm>>
        tpu.enqueue_dma source(%arg11 : memref<80x32xf32, #tpu.memory_space<vmem>>) target(%dma_start3A_73 : memref<80x32xf32, #tpu.memory_space<hbm>>) target_semaphore(%run_scoped3A : memref<!tpu.dma_semaphore, #tpu.memory_space<semaphore_mem>>)
        %dma_wait3A_74 = arith.constant 0 : i32
        %dma_wait3A_75 = tpu.memref_slice %arg5[%arg0, %add3A_66, %dma_wait3A_74] : memref<2x50048x32xf32, #tpu.memory_space<hbm>> -> memref<1x80x32xf32, #tpu.memory_space<hbm>>
        %dma_wait3A_76 = tpu.memref_squeeze %dma_wait3A_75 : memref<1x80x32xf32, #tpu.memory_space<hbm>> -> memref<80x32xf32, #tpu.memory_space<hbm>>
        %dma_wait3A_77 = arith.constant 0 : i32
        %dma_wait3A_78 = tpu.memref_slice %arg5[%arg0, %add3A_66, %dma_wait3A_77] : memref<2x50048x32xf32, #tpu.memory_space<hbm>> -> memref<1x80x32xf32, #tpu.memory_space<hbm>>
        %dma_wait3A_79 = tpu.memref_squeeze %dma_wait3A_78 : memref<1x80x32xf32, #tpu.memory_space<hbm>> -> memref<80x32xf32, #tpu.memory_space<hbm>>
        tpu.wait_dma2 semaphore(%run_scoped3A : memref<!tpu.dma_semaphore, #tpu.memory_space<semaphore_mem>>) src(%arg11 : memref<80x32xf32, #tpu.memory_space<vmem>>) dst(%dma_wait3A_79 : memref<80x32xf32, #tpu.memory_space<hbm>>)
        tpu.yield
      }) : () -> ()
      %scan3A_67 = arith.constant 0 : i32
      scf.yield %scan3A_67 : i32
    }
    %scan3A_29 = arith.constant 39 : i32
    %mul3A_30 = arith.constant 3128 : i32
    %mul3A_31 = arith.muli %arg1, %mul3A_30 : i32
    %add3A = arith.constant 3120 : i32
    %add3A_32 = arith.addi %mul3A_31, %add3A : i32
    %add3A_33 = vector.broadcast %add3A_32 : i32 to vector<16xi32>
    %add3A_34 = arith.addi %add3A_33, %iota3A : vector<16xi32>
    %min3A = arith.constant 50047 : i32
    %min3A_35 = vector.broadcast %min3A : i32 to vector<16xi32>
    %min3A_36 = arith.minsi %add3A_34, %min3A_35 : vector<16xi32>
    %swap3A = arith.constant 0 : index
    %swap3A_37 = tpu.vector_load %arg12[%swap3A] {strides = array<i32>} : memref<16xi32, #tpu.memory_space<vmem>>, vector<16xi32>,
    tpu.vector_store %arg12[%swap3A], %min3A_36 {strides = array<i32>} : memref<16xi32, #tpu.memory_space<vmem>>, vector<16xi32>,
    %dma_start3A = arith.constant 0 : i32
    %dma_start3A_38 = arith.constant 0 : i32
    %dma_start3A_39 = tpu.memref_slice %arg6[%dma_start3A, %dma_start3A_38] : memref<50048x32xf32, #tpu.memory_space<vmem_shared>> -> memref<50048x32xf32, #tpu.memory_space<vmem_shared>>
    tpu.enqueue_indirect_dma source(%dma_start3A_39 : memref<50048x32xf32, #tpu.memory_space<vmem_shared>>) target(%arg13 : memref<16x32xf32, #tpu.memory_space<vmem>>) offsets(%arg12 : memref<16xi32, #tpu.memory_space<vmem>>) semaphore(%arg14 : memref<!tpu.dma_semaphore, #tpu.memory_space<semaphore_mem>>)
    %dma_wait3A = arith.constant 0 : i32
    %dma_wait3A_40 = arith.constant 0 : i32
    %dma_wait3A_41 = tpu.memref_slice %arg6[%dma_wait3A, %dma_wait3A_40] : memref<50048x32xf32, #tpu.memory_space<vmem_shared>> -> memref<50048x32xf32, #tpu.memory_space<vmem_shared>>
    tpu.wait_indirect_dma semaphore(%arg14 : memref<!tpu.dma_semaphore, #tpu.memory_space<semaphore_mem>>) src(%dma_wait3A_41 : memref<50048x32xf32, #tpu.memory_space<vmem_shared>>) dst(%arg13 : memref<16x32xf32, #tpu.memory_space<vmem>>)
    "tpu.region"() ({
      %run_scoped3A = tpu.sem_alloc : memref<!tpu.dma_semaphore, #tpu.memory_space<semaphore_mem>>
      %dma_start3A_42 = arith.constant 0 : i32
      %dma_start3A_43 = arith.constant 0 : i32
      %dma_start3A_44 = tpu.memref_slice %arg13[%dma_start3A_42, %dma_start3A_43] : memref<16x32xf32, #tpu.memory_space<vmem>> -> memref<8x32xf32, #tpu.memory_space<vmem>>
      %dma_start3A_45 = arith.constant 0 : i32
      %dma_start3A_46 = tpu.memref_slice %arg5[%arg0, %add3A_32, %dma_start3A_45] : memref<2x50048x32xf32, #tpu.memory_space<hbm>> -> memref<1x8x32xf32, #tpu.memory_space<hbm>>
      %dma_start3A_47 = tpu.memref_squeeze %dma_start3A_46 : memref<1x8x32xf32, #tpu.memory_space<hbm>> -> memref<8x32xf32, #tpu.memory_space<hbm>>
      %dma_start3A_48 = arith.constant 0 : i32
      %dma_start3A_49 = tpu.memref_slice %arg5[%arg0, %add3A_32, %dma_start3A_48] : memref<2x50048x32xf32, #tpu.memory_space<hbm>> -> memref<1x8x32xf32, #tpu.memory_space<hbm>>
      %dma_start3A_50 = tpu.memref_squeeze %dma_start3A_49 : memref<1x8x32xf32, #tpu.memory_space<hbm>> -> memref<8x32xf32, #tpu.memory_space<hbm>>
      %dma_start3A_51 = arith.constant 0 : i32
      %dma_start3A_52 = arith.constant 0 : i32
      %dma_start3A_53 = tpu.memref_slice %arg13[%dma_start3A_51, %dma_start3A_52] : memref<16x32xf32, #tpu.memory_space<vmem>> -> memref<8x32xf32, #tpu.memory_space<vmem>>
      tpu.enqueue_dma source(%dma_start3A_53 : memref<8x32xf32, #tpu.memory_space<vmem>>) target(%dma_start3A_50 : memref<8x32xf32, #tpu.memory_space<hbm>>) target_semaphore(%run_scoped3A : memref<!tpu.dma_semaphore, #tpu.memory_space<semaphore_mem>>)
      %dma_wait3A_54 = arith.constant 0 : i32
      %dma_wait3A_55 = arith.constant 0 : i32
      %dma_wait3A_56 = tpu.memref_slice %arg13[%dma_wait3A_54, %dma_wait3A_55] : memref<16x32xf32, #tpu.memory_space<vmem>> -> memref<8x32xf32, #tpu.memory_space<vmem>>
      %dma_wait3A_57 = arith.constant 0 : i32
      %dma_wait3A_58 = tpu.memref_slice %arg5[%arg0, %add3A_32, %dma_wait3A_57] : memref<2x50048x32xf32, #tpu.memory_space<hbm>> -> memref<1x8x32xf32, #tpu.memory_space<hbm>>
      %dma_wait3A_59 = tpu.memref_squeeze %dma_wait3A_58 : memref<1x8x32xf32, #tpu.memory_space<hbm>> -> memref<8x32xf32, #tpu.memory_space<hbm>>
      %dma_wait3A_60 = arith.constant 0 : i32
      %dma_wait3A_61 = tpu.memref_slice %arg5[%arg0, %add3A_32, %dma_wait3A_60] : memref<2x50048x32xf32, #tpu.memory_space<hbm>> -> memref<1x8x32xf32, #tpu.memory_space<hbm>>
      %dma_wait3A_62 = tpu.memref_squeeze %dma_wait3A_61 : memref<1x8x32xf32, #tpu.memory_space<hbm>> -> memref<8x32xf32, #tpu.memory_space<hbm>>
      %dma_wait3A_63 = arith.constant 0 : i32
      %dma_wait3A_64 = arith.constant 0 : i32
      %dma_wait3A_65 = tpu.memref_slice %arg13[%dma_wait3A_63, %dma_wait3A_64] : memref<16x32xf32, #tpu.memory_space<vmem>> -> memref<8x32xf32, #tpu.memory_space<vmem>>
      tpu.wait_dma2 semaphore(%run_scoped3A : memref<!tpu.dma_semaphore, #tpu.memory_space<semaphore_mem>>) src(%dma_wait3A_65 : memref<8x32xf32, #tpu.memory_space<vmem>>) dst(%dma_wait3A_62 : memref<8x32xf32, #tpu.memory_space<hbm>>)
      tpu.yield
    }) : () -> ()
    return
  }
}

module attributes {stable_mosaic.version = 14 : i64} {
  func.func @_prep_body(%arg0: i32, %arg1: memref<2000x32xf32, #tpu.memory_space<vmem>>, %arg2: memref<2000x1xi32, #tpu.memory_space<vmem>>, %arg3: memref<32x32xf32, #tpu.memory_space<vmem>>, %arg4: memref<32x32xf32, #tpu.memory_space<vmem>>, %arg5: memref<2000x32xf32, #tpu.memory_space<vmem>>, %arg6: memref<2000x128xf32, #tpu.memory_space<vmem>>, %arg7: memref<2000x128xf32, #tpu.memory_space<vmem>>, %arg8: memref<2000x128xf32, #tpu.memory_space<vmem>>) attributes {dimension_semantics = [#tpu.dimension_semantics<arbitrary>], iteration_bounds = array<i64: 50>, scalar_prefetch = 0 : i64, scratch_operands = 0 : i64, tpu.core_type = #tpu.core_type<tc>, window_params = [{transform_indices = @transform_0, window_bounds = array<i64: 2000, 32>}, {transform_indices = @transform_1, window_bounds = array<i64: 2000, 1>}, {pipeline_mode = #tpu.pipeline_mode<synchronous>, transform_indices = @transform_2, window_bounds = array<i64: 32, 32>}, {pipeline_mode = #tpu.pipeline_mode<synchronous>, transform_indices = @transform_3, window_bounds = array<i64: 32, 32>}, {transform_indices = @transform_4, window_bounds = array<i64: 2000, 32>}, {transform_indices = @transform_5, window_bounds = array<i64: 2000, 128>}, {transform_indices = @transform_6, window_bounds = array<i64: 2000, 128>}, {transform_indices = @transform_7, window_bounds = array<i64: 2000, 128>}]} {
    %get3A = arith.constant 0 : index
    %get3A_0 = arith.constant 0 : index
    %get3A_1 = vector.load %arg1[%get3A, %get3A_0] : memref<2000x32xf32, #tpu.memory_space<vmem>>, vector<2000x32xf32>
    %get3A_2 = arith.constant 0 : index
    %get3A_3 = arith.constant 0 : index
    %get3A_4 = vector.load %arg2[%get3A_2, %get3A_3] : memref<2000x1xi32, #tpu.memory_space<vmem>>, vector<2000x1xi32>
    %convert_element_type3A = arith.sitofp %get3A_4 : vector<2000x1xi32> to vector<2000x1xf32>
    %add3A = arith.constant 1.000000e+00 : f32
    %add3A_5 = vector.broadcast %add3A : f32 to vector<2000x1xf32>
    %add3A_6 = arith.addf %add3A_5, %convert_element_type3A : vector<2000x1xf32>
    %mul3A = vector.broadcast %add3A_6 : vector<2000x1xf32> to vector<2000x32xf32>
    %mul3A_7 = arith.mulf %get3A_1, %mul3A : vector<2000x32xf32>
    %swap3A = arith.constant 0 : index
    %swap3A_8 = arith.constant 0 : index
    %swap3A_9 = vector.load %arg5[%swap3A, %swap3A_8] : memref<2000x32xf32, #tpu.memory_space<vmem>>, vector<2000x32xf32>
    tpu.vector_store %arg5[%swap3A, %swap3A_8], %mul3A_7 {strides = array<i32>} : memref<2000x32xf32, #tpu.memory_space<vmem>>, vector<2000x32xf32>,
    %broadcast_in_dim3A = arith.constant 0.000000e+00 : f32
    %broadcast_in_dim3A_10 = vector.broadcast %broadcast_in_dim3A : f32 to vector<2000x96xf32>
    %concatenate3A = tpu.concatenate %mul3A_7, %broadcast_in_dim3A_10 in 1 : vector<2000x32xf32>, vector<2000x96xf32> -> vector<2000x128xf32>
    %swap3A_11 = arith.constant 0 : index
    %swap3A_12 = arith.constant 0 : index
    %swap3A_13 = vector.load %arg6[%swap3A_11, %swap3A_12] : memref<2000x128xf32, #tpu.memory_space<vmem>>, vector<2000x128xf32>
    tpu.vector_store %arg6[%swap3A_11, %swap3A_12], %concatenate3A {strides = array<i32>} : memref<2000x128xf32, #tpu.memory_space<vmem>>, vector<2000x128xf32>,
    %get3A_14 = arith.constant 0 : index
    %get3A_15 = arith.constant 0 : index
    %get3A_16 = vector.load %arg3[%get3A_14, %get3A_15] : memref<32x32xf32, #tpu.memory_space<vmem>>, vector<32x32xf32>
    %dot_general3A = arith.constant dense<0.000000e+00> : vector<2000x32xf32>
    %dot_general3A_17 = tpu.matmul %mul3A_7, %get3A_16, %dot_general3A {dimension_numbers = #tpu.dot_dimension_numbers<[1], [0], [0], [1], [0, 0, 1, 1], [], []>, transpose_lhs_hint = false} : vector<2000x32xf32>, vector<32x32xf32>, vector<2000x32xf32> -> vector<2000x32xf32>
    %get3A_18 = arith.constant 0 : index
    %get3A_19 = arith.constant 0 : index
    %get3A_20 = vector.load %arg4[%get3A_18, %get3A_19] : memref<32x32xf32, #tpu.memory_space<vmem>>, vector<32x32xf32>
    %dot_general3A_21 = arith.constant dense<0.000000e+00> : vector<2000x32xf32>
    %dot_general3A_22 = tpu.matmul %mul3A_7, %get3A_20, %dot_general3A_21 {dimension_numbers = #tpu.dot_dimension_numbers<[1], [0], [0], [1], [0, 0, 1, 1], [], []>, transpose_lhs_hint = false} : vector<2000x32xf32>, vector<32x32xf32>, vector<2000x32xf32> -> vector<2000x32xf32>
    %concatenate3A_23 = tpu.concatenate %dot_general3A_17, %broadcast_in_dim3A_10 in 1 : vector<2000x32xf32>, vector<2000x96xf32> -> vector<2000x128xf32>
    %swap3A_24 = arith.constant 0 : index
    %swap3A_25 = arith.constant 0 : index
    %swap3A_26 = vector.load %arg7[%swap3A_24, %swap3A_25] : memref<2000x128xf32, #tpu.memory_space<vmem>>, vector<2000x128xf32>
    tpu.vector_store %arg7[%swap3A_24, %swap3A_25], %concatenate3A_23 {strides = array<i32>} : memref<2000x128xf32, #tpu.memory_space<vmem>>, vector<2000x128xf32>,
    %concatenate3A_27 = tpu.concatenate %dot_general3A_22, %broadcast_in_dim3A_10 in 1 : vector<2000x32xf32>, vector<2000x96xf32> -> vector<2000x128xf32>
    %swap3A_28 = arith.constant 0 : index
    %swap3A_29 = arith.constant 0 : index
    %swap3A_30 = vector.load %arg8[%swap3A_28, %swap3A_29] : memref<2000x128xf32, #tpu.memory_space<vmem>>, vector<2000x128xf32>
    tpu.vector_store %arg8[%swap3A_28, %swap3A_29], %concatenate3A_27 {strides = array<i32>} : memref<2000x128xf32, #tpu.memory_space<vmem>>, vector<2000x128xf32>,
    return
  }
  func.func @transform_0(%arg0: i32) -> (i32, i32) {
    %c0_i32 = arith.constant 0 : i32
    %c0_i32_0 = arith.constant 0 : i32
    return %arg0, %c0_i32 : i32, i32
  }
  func.func @transform_1(%arg0: i32) -> (i32, i32) {
    %c0_i32 = arith.constant 0 : i32
    %c0_i32_0 = arith.constant 0 : i32
    return %arg0, %c0_i32 : i32, i32
  }
  func.func @transform_2(%arg0: i32) -> (i32, i32) {
    %c0_i32 = arith.constant 0 : i32
    %c0_i32_0 = arith.constant 0 : i32
    %c0_i32_1 = arith.constant 0 : i32
    return %c0_i32, %c0_i32_0 : i32, i32
  }
  func.func @transform_3(%arg0: i32) -> (i32, i32) {
    %c0_i32 = arith.constant 0 : i32
    %c0_i32_0 = arith.constant 0 : i32
    %c0_i32_1 = arith.constant 0 : i32
    return %c0_i32, %c0_i32_0 : i32, i32
  }
  func.func @transform_4(%arg0: i32) -> (i32, i32) {
    %c0_i32 = arith.constant 0 : i32
    %c0_i32_0 = arith.constant 0 : i32
    return %arg0, %c0_i32 : i32, i32
  }
  func.func @transform_5(%arg0: i32) -> (i32, i32) {
    %c0_i32 = arith.constant 0 : i32
    %c0_i32_0 = arith.constant 0 : i32
    return %arg0, %c0_i32 : i32, i32
  }
  func.func @transform_6(%arg0: i32) -> (i32, i32) {
    %c0_i32 = arith.constant 0 : i32
    %c0_i32_0 = arith.constant 0 : i32
    return %arg0, %c0_i32 : i32, i32
  }
  func.func @transform_7(%arg0: i32) -> (i32, i32) {
    %c0_i32 = arith.constant 0 : i32
    %c0_i32_0 = arith.constant 0 : i32
    return %arg0, %c0_i32 : i32, i32
  }
}

module attributes {stable_mosaic.version = 14 : i64} {
  func.func @_finish_body(%arg0: i32, %arg1: memref<2000x32xf32, #tpu.memory_space<vmem>>, %arg2: memref<2000x32xf32, #tpu.memory_space<vmem>>, %arg3: memref<2000x32xf32, #tpu.memory_space<vmem>>, %arg4: memref<2000x32xf32, #tpu.memory_space<vmem>>, %arg5: memref<2000x16xf32, #tpu.memory_space<vmem>>, %arg6: memref<2000x16xf32, #tpu.memory_space<vmem>>, %arg7: memref<2000x32xf32, #tpu.memory_space<vmem>>, %arg8: memref<2000x32xf32, #tpu.memory_space<vmem>>, %arg9: memref<32x32xf32, #tpu.memory_space<vmem>>, %arg10: memref<32x32xf32, #tpu.memory_space<vmem>>, %arg11: memref<32x32xf32, #tpu.memory_space<vmem>>, %arg12: memref<32x64xf32, #tpu.memory_space<vmem>>, %arg13: memref<1x64xf32, #tpu.memory_space<vmem>>, %arg14: memref<64x64xf32, #tpu.memory_space<vmem>>, %arg15: memref<1x64xf32, #tpu.memory_space<vmem>>, %arg16: memref<64x1xf32, #tpu.memory_space<vmem>>, %arg17: memref<1x1xf32, #tpu.memory_space<vmem>>, %arg18: memref<2000x1xf32, #tpu.memory_space<vmem>>) attributes {dimension_semantics = [#tpu.dimension_semantics<arbitrary>], iteration_bounds = array<i64: 50>, scalar_prefetch = 0 : i64, scratch_operands = 0 : i64, tpu.core_type = #tpu.core_type<tc>, window_params = [{transform_indices = @transform_0, window_bounds = array<i64: 2000, 32>}, {transform_indices = @transform_1, window_bounds = array<i64: 2000, 32>}, {transform_indices = @transform_2, window_bounds = array<i64: 2000, 32>}, {transform_indices = @transform_3, window_bounds = array<i64: 2000, 32>}, {transform_indices = @transform_4, window_bounds = array<i64: 2000, 16>}, {transform_indices = @transform_5, window_bounds = array<i64: 2000, 16>}, {transform_indices = @transform_6, window_bounds = array<i64: 2000, 32>}, {transform_indices = @transform_7, window_bounds = array<i64: 2000, 32>}, {pipeline_mode = #tpu.pipeline_mode<synchronous>, transform_indices = @transform_8, window_bounds = array<i64: 32, 32>}, {pipeline_mode = #tpu.pipeline_mode<synchronous>, transform_indices = @transform_9, window_bounds = array<i64: 32, 32>}, {pipeline_mode = #tpu.pipeline_mode<synchronous>, transform_indices = @transform_10, window_bounds = array<i64: 32, 32>}, {pipeline_mode = #tpu.pipeline_mode<synchronous>, transform_indices = @transform_11, window_bounds = array<i64: 32, 64>}, {pipeline_mode = #tpu.pipeline_mode<synchronous>, transform_indices = @transform_12, window_bounds = array<i64: 1, 64>}, {pipeline_mode = #tpu.pipeline_mode<synchronous>, transform_indices = @transform_13, window_bounds = array<i64: 64, 64>}, {pipeline_mode = #tpu.pipeline_mode<synchronous>, transform_indices = @transform_14, window_bounds = array<i64: 1, 64>}, {pipeline_mode = #tpu.pipeline_mode<synchronous>, transform_indices = @transform_15, window_bounds = array<i64: 64, 1>}, {pipeline_mode = #tpu.pipeline_mode<synchronous>, transform_indices = @transform_16, window_bounds = array<i64: 1, 1>}, {transform_indices = @transform_17, window_bounds = array<i64: 2000, 1>}]} {
    %get3A = arith.constant 0 : index
    %get3A_0 = arith.constant 0 : index
    %get3A_1 = vector.load %arg5[%get3A, %get3A_0] : memref<2000x16xf32, #tpu.memory_space<vmem>>, vector<2000x16xf32>
    %slice3A = vector.extract_strided_slice %get3A_1 {offsets = [0, 0], sizes = [2000, 1], strides = [1, 1]} : vector<2000x16xf32> to vector<2000x1xf32>
    %jit3A = arith.constant 1.000000e+00 : f32
    %max3A = vector.broadcast %jit3A : f32 to vector<2000x1xf32>
    %max3A_2 = arith.maximumf %max3A, %slice3A : vector<2000x1xf32>
    %get3A_3 = arith.constant 0 : index
    %get3A_4 = arith.constant 0 : index
    %get3A_5 = vector.load %arg6[%get3A_3, %get3A_4] : memref<2000x16xf32, #tpu.memory_space<vmem>>, vector<2000x16xf32>
    %slice3A_6 = vector.extract_strided_slice %get3A_5 {offsets = [0, 0], sizes = [2000, 1], strides = [1, 1]} : vector<2000x16xf32> to vector<2000x1xf32>
    %jit3A_7 = arith.constant 1.000000e+00 : f32
    %max3A_8 = vector.broadcast %jit3A_7 : f32 to vector<2000x1xf32>
    %max3A_9 = arith.maximumf %max3A_8, %slice3A_6 : vector<2000x1xf32>
    %get3A_10 = arith.constant 0 : index
    %get3A_11 = arith.constant 0 : index
    %get3A_12 = vector.load %arg7[%get3A_10, %get3A_11] : memref<2000x32xf32, #tpu.memory_space<vmem>>, vector<2000x32xf32>
    %is_finite3A = tpu.weird %get3A_12 : vector<2000x32xf32> -> vector<2000x32xi1>
    %is_finite3A_13 = arith.constant dense<true> : vector<2000x32xi1>
    %is_finite3A_14 = arith.xori %is_finite3A, %is_finite3A_13 : vector<2000x32xi1>
    %jit3A_15 = arith.constant 0.000000e+00 : f32
    %broadcast_in_dim3A = vector.broadcast %jit3A_15 : f32 to vector<2000x32xf32>
    %select_n3A = arith.select %is_finite3A_14, %get3A_12, %broadcast_in_dim3A : vector<2000x32xi1>, vector<2000x32xf32>
    %get3A_16 = arith.constant 0 : index
    %get3A_17 = arith.constant 0 : index
    %get3A_18 = vector.load %arg8[%get3A_16, %get3A_17] : memref<2000x32xf32, #tpu.memory_space<vmem>>, vector<2000x32xf32>
    %is_finite3A_19 = tpu.weird %get3A_18 : vector<2000x32xf32> -> vector<2000x32xi1>
    %is_finite3A_20 = arith.constant dense<true> : vector<2000x32xi1>
    %is_finite3A_21 = arith.xori %is_finite3A_19, %is_finite3A_20 : vector<2000x32xi1>
    %jit3A_22 = arith.constant 0.000000e+00 : f32
    %broadcast_in_dim3A_23 = vector.broadcast %jit3A_22 : f32 to vector<2000x32xf32>
    %select_n3A_24 = arith.select %is_finite3A_21, %get3A_18, %broadcast_in_dim3A_23 : vector<2000x32xi1>, vector<2000x32xf32>
    %get3A_25 = arith.constant 0 : index
    %get3A_26 = arith.constant 0 : index
    %get3A_27 = vector.load %arg1[%get3A_25, %get3A_26] : memref<2000x32xf32, #tpu.memory_space<vmem>>, vector<2000x32xf32>
    %get3A_28 = arith.constant 0 : index
    %get3A_29 = arith.constant 0 : index
    %get3A_30 = vector.load %arg2[%get3A_28, %get3A_29] : memref<2000x32xf32, #tpu.memory_space<vmem>>, vector<2000x32xf32>
    %get3A_31 = arith.constant 0 : index
    %get3A_32 = arith.constant 0 : index
    %get3A_33 = vector.load %arg9[%get3A_31, %get3A_32] : memref<32x32xf32, #tpu.memory_space<vmem>>, vector<32x32xf32>
    %dot_general3A = arith.constant dense<0.000000e+00> : vector<2000x32xf32>
    %dot_general3A_34 = tpu.matmul %get3A_30, %get3A_33, %dot_general3A {dimension_numbers = #tpu.dot_dimension_numbers<[1], [0], [0], [1], [0, 0, 1, 1], [], []>, transpose_lhs_hint = false} : vector<2000x32xf32>, vector<32x32xf32>, vector<2000x32xf32> -> vector<2000x32xf32>
    %div3A = vector.broadcast %max3A_2 : vector<2000x1xf32> to vector<2000x32xf32>
    %div3A_35 = arith.divf %dot_general3A_34, %div3A : vector<2000x32xf32>
    %add3A = arith.addf %get3A_27, %div3A_35 : vector<2000x32xf32>
    %get3A_36 = arith.constant 0 : index
    %get3A_37 = arith.constant 0 : index
    %get3A_38 = vector.load %arg3[%get3A_36, %get3A_37] : memref<2000x32xf32, #tpu.memory_space<vmem>>, vector<2000x32xf32>
    %get3A_39 = arith.constant 0 : index
    %get3A_40 = arith.constant 0 : index
    %get3A_41 = vector.load %arg10[%get3A_39, %get3A_40] : memref<32x32xf32, #tpu.memory_space<vmem>>, vector<32x32xf32>
    %dot_general3A_42 = arith.constant dense<0.000000e+00> : vector<2000x32xf32>
    %dot_general3A_43 = tpu.matmul %get3A_38, %get3A_41, %dot_general3A_42 {dimension_numbers = #tpu.dot_dimension_numbers<[1], [0], [0], [1], [0, 0, 1, 1], [], []>, transpose_lhs_hint = false} : vector<2000x32xf32>, vector<32x32xf32>, vector<2000x32xf32> -> vector<2000x32xf32>
    %add3A_44 = arith.addf %add3A, %dot_general3A_43 : vector<2000x32xf32>
    %get3A_45 = arith.constant 0 : index
    %get3A_46 = arith.constant 0 : index
    %get3A_47 = vector.load %arg4[%get3A_45, %get3A_46] : memref<2000x32xf32, #tpu.memory_space<vmem>>, vector<2000x32xf32>
    %get3A_48 = arith.constant 0 : index
    %get3A_49 = arith.constant 0 : index
    %get3A_50 = vector.load %arg11[%get3A_48, %get3A_49] : memref<32x32xf32, #tpu.memory_space<vmem>>, vector<32x32xf32>
    %dot_general3A_51 = arith.constant dense<0.000000e+00> : vector<2000x32xf32>
    %dot_general3A_52 = tpu.matmul %get3A_47, %get3A_50, %dot_general3A_51 {dimension_numbers = #tpu.dot_dimension_numbers<[1], [0], [0], [1], [0, 0, 1, 1], [], []>, transpose_lhs_hint = false} : vector<2000x32xf32>, vector<32x32xf32>, vector<2000x32xf32> -> vector<2000x32xf32>
    %div3A_53 = vector.broadcast %max3A_9 : vector<2000x1xf32> to vector<2000x32xf32>
    %div3A_54 = arith.divf %dot_general3A_52, %div3A_53 : vector<2000x32xf32>
    %add3A_55 = arith.addf %add3A_44, %div3A_54 : vector<2000x32xf32>
    %add3A_56 = arith.addf %add3A_55, %select_n3A : vector<2000x32xf32>
    %add3A_57 = arith.addf %add3A_56, %select_n3A_24 : vector<2000x32xf32>
    %max3A_58 = arith.constant 0.000000e+00 : f32
    %max3A_59 = vector.broadcast %max3A_58 : f32 to vector<2000x32xf32>
    %max3A_60 = arith.maximumf %add3A_57, %max3A_59 : vector<2000x32xf32>
    %get3A_61 = arith.constant 0 : index
    %get3A_62 = arith.constant 0 : index
    %get3A_63 = vector.load %arg12[%get3A_61, %get3A_62] : memref<32x64xf32, #tpu.memory_space<vmem>>, vector<32x64xf32>
    %dot_general3A_64 = arith.constant dense<0.000000e+00> : vector<2000x64xf32>
    %dot_general3A_65 = tpu.matmul %max3A_60, %get3A_63, %dot_general3A_64 {dimension_numbers = #tpu.dot_dimension_numbers<[1], [0], [0], [1], [0, 0, 1, 1], [], []>, transpose_lhs_hint = false} : vector<2000x32xf32>, vector<32x64xf32>, vector<2000x64xf32> -> vector<2000x64xf32>
    %get3A_66 = arith.constant 0 : index
    %get3A_67 = arith.constant 0 : index
    %get3A_68 = vector.load %arg13[%get3A_66, %get3A_67] : memref<1x64xf32, #tpu.memory_space<vmem>>, vector<1x64xf32>
    %add3A_69 = vector.broadcast %get3A_68 : vector<1x64xf32> to vector<2000x64xf32>
    %add3A_70 = arith.addf %dot_general3A_65, %add3A_69 : vector<2000x64xf32>
    %get3A_71 = arith.constant 0 : index
    %get3A_72 = arith.constant 0 : index
    %get3A_73 = vector.load %arg14[%get3A_71, %get3A_72] : memref<64x64xf32, #tpu.memory_space<vmem>>, vector<64x64xf32>
    %dot_general3A_74 = arith.constant dense<0.000000e+00> : vector<2000x64xf32>
    %dot_general3A_75 = tpu.matmul %add3A_70, %get3A_73, %dot_general3A_74 {dimension_numbers = #tpu.dot_dimension_numbers<[1], [0], [0], [1], [0, 0, 1, 1], [], []>, transpose_lhs_hint = false} : vector<2000x64xf32>, vector<64x64xf32>, vector<2000x64xf32> -> vector<2000x64xf32>
    %get3A_76 = arith.constant 0 : index
    %get3A_77 = arith.constant 0 : index
    %get3A_78 = vector.load %arg15[%get3A_76, %get3A_77] : memref<1x64xf32, #tpu.memory_space<vmem>>, vector<1x64xf32>
    %add3A_79 = vector.broadcast %get3A_78 : vector<1x64xf32> to vector<2000x64xf32>
    %add3A_80 = arith.addf %dot_general3A_75, %add3A_79 : vector<2000x64xf32>
    %max3A_81 = arith.constant 0.000000e+00 : f32
    %max3A_82 = vector.broadcast %max3A_81 : f32 to vector<2000x64xf32>
    %max3A_83 = arith.maximumf %add3A_80, %max3A_82 : vector<2000x64xf32>
    %get3A_84 = arith.constant 0 : index
    %get3A_85 = arith.constant 0 : index
    %get3A_86 = vector.load %arg16[%get3A_84, %get3A_85] : memref<64x1xf32, #tpu.memory_space<vmem>>, vector<64x1xf32>
    %dot_general3A_87 = arith.constant dense<0.000000e+00> : vector<2000x1xf32>
    %dot_general3A_88 = tpu.matmul %max3A_83, %get3A_86, %dot_general3A_87 {dimension_numbers = #tpu.dot_dimension_numbers<[1], [0], [0], [1], [0, 0, 1, 1], [], []>, transpose_lhs_hint = false} : vector<2000x64xf32>, vector<64x1xf32>, vector<2000x1xf32> -> vector<2000x1xf32>
    %get3A_89 = arith.constant 0 : index
    %get3A_90 = arith.constant 0 : index
    %get3A_91 = vector.load %arg17[%get3A_89, %get3A_90] : memref<1x1xf32, #tpu.memory_space<vmem>>, vector<1x1xf32>
    %add3A_92 = vector.broadcast %get3A_91 : vector<1x1xf32> to vector<2000x1xf32>
    %add3A_93 = arith.addf %dot_general3A_88, %add3A_92 : vector<2000x1xf32>
    %logistic3A = arith.negf %add3A_93 : vector<2000x1xf32>
    %logistic3A_94 = math.exp %logistic3A : vector<2000x1xf32>
    %logistic3A_95 = arith.constant 1.000000e+00 : f32
    %logistic3A_96 = vector.broadcast %logistic3A_95 : f32 to vector<2000x1xf32>
    %logistic3A_97 = arith.addf %logistic3A_96, %logistic3A_94 : vector<2000x1xf32>
    %logistic3A_98 = arith.divf %logistic3A_96, %logistic3A_97 : vector<2000x1xf32>
    %swap3A = arith.constant 0 : index
    %swap3A_99 = arith.constant 0 : index
    %swap3A_100 = vector.load %arg18[%swap3A, %swap3A_99] : memref<2000x1xf32, #tpu.memory_space<vmem>>, vector<2000x1xf32>
    tpu.vector_store %arg18[%swap3A, %swap3A_99], %logistic3A_98 {strides = array<i32>} : memref<2000x1xf32, #tpu.memory_space<vmem>>, vector<2000x1xf32>,
    return
  }
  func.func @transform_0(%arg0: i32) -> (i32, i32) {
    %c0_i32 = arith.constant 0 : i32
    %c0_i32_0 = arith.constant 0 : i32
    return %arg0, %c0_i32 : i32, i32
  }
  func.func @transform_1(%arg0: i32) -> (i32, i32) {
    %c0_i32 = arith.constant 0 : i32
    %c0_i32_0 = arith.constant 0 : i32
    return %arg0, %c0_i32 : i32, i32
  }
  func.func @transform_2(%arg0: i32) -> (i32, i32) {
    %c0_i32 = arith.constant 0 : i32
    %c0_i32_0 = arith.constant 0 : i32
    return %arg0, %c0_i32 : i32, i32
  }
  func.func @transform_3(%arg0: i32) -> (i32, i32) {
    %c0_i32 = arith.constant 0 : i32
    %c0_i32_0 = arith.constant 0 : i32
    return %arg0, %c0_i32 : i32, i32
  }
  func.func @transform_4(%arg0: i32) -> (i32, i32) {
    %c0_i32 = arith.constant 0 : i32
    %c0_i32_0 = arith.constant 0 : i32
    return %arg0, %c0_i32 : i32, i32
  }
  func.func @transform_5(%arg0: i32) -> (i32, i32) {
    %c0_i32 = arith.constant 0 : i32
    %c0_i32_0 = arith.constant 0 : i32
    return %arg0, %c0_i32 : i32, i32
  }
  func.func @transform_6(%arg0: i32) -> (i32, i32) {
    %c0_i32 = arith.constant 0 : i32
    %c0_i32_0 = arith.constant 0 : i32
    return %arg0, %c0_i32 : i32, i32
  }
  func.func @transform_7(%arg0: i32) -> (i32, i32) {
    %c0_i32 = arith.constant 0 : i32
    %c0_i32_0 = arith.constant 0 : i32
    return %arg0, %c0_i32 : i32, i32
  }
  func.func @transform_8(%arg0: i32) -> (i32, i32) {
    %c0_i32 = arith.constant 0 : i32
    %c0_i32_0 = arith.constant 0 : i32
    %c0_i32_1 = arith.constant 0 : i32
    return %c0_i32, %c0_i32_0 : i32, i32
  }
  func.func @transform_9(%arg0: i32) -> (i32, i32) {
    %c0_i32 = arith.constant 0 : i32
    %c0_i32_0 = arith.constant 0 : i32
    %c0_i32_1 = arith.constant 0 : i32
    return %c0_i32, %c0_i32_0 : i32, i32
  }
  func.func @transform_10(%arg0: i32) -> (i32, i32) {
    %c0_i32 = arith.constant 0 : i32
    %c0_i32_0 = arith.constant 0 : i32
    %c0_i32_1 = arith.constant 0 : i32
    return %c0_i32, %c0_i32_0 : i32, i32
  }
  func.func @transform_11(%arg0: i32) -> (i32, i32) {
    %c0_i32 = arith.constant 0 : i32
    %c0_i32_0 = arith.constant 0 : i32
    %c0_i32_1 = arith.constant 0 : i32
    return %c0_i32, %c0_i32_0 : i32, i32
  }
  func.func @transform_12(%arg0: i32) -> (i32, i32) {
    %c0_i32 = arith.constant 0 : i32
    %c0_i32_0 = arith.constant 0 : i32
    %c0_i32_1 = arith.constant 0 : i32
    return %c0_i32, %c0_i32_0 : i32, i32
  }
  func.func @transform_13(%arg0: i32) -> (i32, i32) {
    %c0_i32 = arith.constant 0 : i32
    %c0_i32_0 = arith.constant 0 : i32
    %c0_i32_1 = arith.constant 0 : i32
    return %c0_i32, %c0_i32_0 : i32, i32
  }
  func.func @transform_14(%arg0: i32) -> (i32, i32) {
    %c0_i32 = arith.constant 0 : i32
    %c0_i32_0 = arith.constant 0 : i32
    %c0_i32_1 = arith.constant 0 : i32
    return %c0_i32, %c0_i32_0 : i32, i32
  }
  func.func @transform_15(%arg0: i32) -> (i32, i32) {
    %c0_i32 = arith.constant 0 : i32
    %c0_i32_0 = arith.constant 0 : i32
    %c0_i32_1 = arith.constant 0 : i32
    return %c0_i32, %c0_i32_0 : i32, i32
  }
  func.func @transform_16(%arg0: i32) -> (i32, i32) {
    %c0_i32 = arith.constant 0 : i32
    %c0_i32_0 = arith.constant 0 : i32
    %c0_i32_1 = arith.constant 0 : i32
    return %c0_i32, %c0_i32_0 : i32, i32
  }
  func.func @transform_17(%arg0: i32) -> (i32, i32) {
    %c0_i32 = arith.constant 0 : i32
    %c0_i32_0 = arith.constant 0 : i32
    return %arg0, %c0_i32 : i32, i32
  }
}

</mosaic_0001>

<sc_bundles>
// kernel: kernel.10.cloned.1.call-start
scs
__scs_entry_jumppad:
0x0: {  	(pc) =	sbr.rel $0x88, $3  }
0x1: {  	(tag) =	ssettag $0x0;
	lr =	simm.s32 $0x1  }
0x2: {  	[smem:$0x3F8F] =	sst lr;
	_ =	strace $0xD0000000  }
0x3: {  	_ = 	snop  }
0x4: {  	_ = 	snop  }
0x5: {  	_ = 	snop  }
0x6: {  	_ = 	snop  }
0x7: {  	_ = 	snop  }
__scs_overlays_trampoline_lowered:
0x8: {  	[smem:$0x3F9E] =	sst s0  }
0x9: {  	[smem:$0x3F9F] =	sst s1  }
0xa: {  	[smem:$0x3FA0] =	sst s2  }
0xb: {  	[smem:$0x3FA1] =	sst s3  }
0xc: {  	[smem:$0x3FA2] =	sst s4  }
0xd: {  	[smem:$0x3FA3] =	sst s5  }
0xe: {  	[smem:$0x3FA4] =	sst s6  }
0xf: {  	[smem:$0x3FA5] =	sst s7  }
0x10: {  	[smem:$0x3FA6] =	sst s8  }
0x11: {  	[smem:$0x3FA7] =	sst s9;
	s0 =	simm.s32 @!p0 $0x0  }
0x12: {  	s1 =	sld [smem:$0x3F8D];
	s0 =	simm.s32 @p0 $0x1  }
0x13: {  	[smem:$0x3FA8] =	sst s0;
	s0 =	simm.s32 @!p1 $0x0  }
0x14: {  	s2 =	sld [smem:$0x3F8C];
	s0 =	simm.s32 @p1 $0x1  }
0x15: {  	[smem:$0x3FA9] =	sst s0;
	s0 =	simm.s32 @!p2 $0x0  }
0x16: {  	s3 =	sld [smem:$0x3FDB];
	s0 =	simm.s32 @p2 $0x1  }
0x17: {  	s4 =	simm.s32 $0x1BF5;
	[smem:$0x3FAB] =	sst s0  }
0x18: {  	s0 =	sld [smem:$0x3F8E];
	_ =	swait.ge [sflag:s4], $0x0  }
0x19: {  	s7 =	sld [smem:$0x3F8F]  }
0x1a: {  	s8 =	sadd.s32 $0xFFFFE003, lr  }
0x1b: {  	s9 =	sadd.s32 $0xFFFFFEF7, lr;
	s5 =	simm.s32 $0xFFFFFFFF;
	p2 =	slt.u32 s8, $0xFFFFF086  }
0x1c: {  	p1 =	slt.u32 s9, $0xF7A;
	s5 =	simm.s32 @!p2 $0x0  }
0x1d: {  	s5 =	simm.s32 @p1 $0x1;
	p0 =	seq.s32 s7, s2  }
0x1e: {  	s7 =	smul.u32 @!p0 $0xF7A, s2;
	p2 =	seq.s32 @!p0 s5, $0x0  }
0x1f: {  	s9 =	smul.u32 $0xF7A, s1;
	s8 =	simm.s32 @!p0 $0x1BF5;
	p2 =	por !p2, p0  }
0x20: {  	[sflag:s8] =	ssyncset.s32 @!p0 $0xFFFFF086;
	s6 =	sadd.s32 @!p0 s3, s7;
	s7 =	simm.s32 @!p0 $0x108  }
0x21: {  	s3 =	sadd.s32 s3, s9;
	s6 =	sadd.s32 @!p0 $0x88, s6;
	s7 =	simm.s32 @p2 $0x1082  }
0x22: {  	[simem:s7], [sflag:s8] =	dma.local @!p0 [hbm:s6], $0xF7A  }
0x23: {  	s9 =	sor.u32 $0xD0000000, s2;
	s6 =	simm.s32 $0x108;
	_ =	swait.ge @!p0 [sflag:s8], $0x0  }
0x24: {  	s3 =	sadd.s32 $0x88, s3;
	s6 =	simm.s32 @!p1 $0x1082;
	[sflag:s4] =	ssyncset.s32 $0xFFFFF086  }
0x25: {  	[simem:s6], [sflag:s4] =	dma.local [hbm:s3], $0xF7A  }
0x26: {  	[smem:$0x3F8F] =	sst s1;
	(tag) =	ssettag s2;
	_ =	strace s9  }
0x27: {  	s1 =	sld [smem:$0x3F9F]  }
0x28: {  	s2 =	sld [smem:$0x3FA0]  }
0x29: {  	s4 =	sld [smem:$0x3FA2]  }
0x2a: {  	p0 =	seq.s32 s5, $0x0;
	s5 =	sld [smem:$0x3FA3]  }
0x2b: {  	s6 =	sld [smem:$0x3FA4]  }
0x2c: {  	s7 =	sld [smem:$0x3FA5]  }
0x2d: {  	s3 =	simm.s32 $0x108;
	s8 =	sld [smem:$0x3FA6]  }
0x2e: {  	s3 =	simm.s32 @!p0 $0x1082;
	s9 =	sld [smem:$0x3FA7]  }
0x2f: {  	lr =	sadd.s32 s0, s3;
	s0 =	sld [smem:$0x3F9E]  }
0x30: {  	s3 =	sld [smem:$0x3FA1]  }
0x31: {  	[smem:$0x3FAA] =	sst s10  }
0x32: {  	s10 =	sld [smem:$0x3FA8];
	_ =	sdelay $0x3  }
0x33: {  	p0 =	seq.s32 s10, $0x1;
	s10 =	sld [smem:$0x3FAA];
	_ =	sdelay $0x3  }
0x34: {  	[smem:$0x3FAA] =	sst s10  }
0x35: {  	s10 =	sld [smem:$0x3FA9];
	_ =	sdelay $0x3  }
0x36: {  	p1 =	seq.s32 s10, $0x1;
	s10 =	sld [smem:$0x3FAA];
	_ =	sdelay $0x3  }
0x37: {  	[smem:$0x3FAA] =	sst s10  }
0x38: {  	s10 =	sld [smem:$0x3FAB]  }
0x39: {  	_ = 	snop;
	(pc) =	sbr.ind lr, $3  }
0x3a: {  	_ = 	snop  }
0x3b: {  	_ = 	snop  }
0x3c: {  	p2 =	seq.s32 s10, $0x1;
	s10 =	sld [smem:$0x3FAA]  }
0x3d: {  	_ =	shalt  }
0x3e: {  	_ =	shalt  }
0x3f: {  	_ =	shalt  }
0x40: {  	_ =	shalt  }
0x41: {  	_ =	shalt  }
0x42: {  	_ =	shalt  }
0x43: {  	_ =	shalt  }
0x44: {  	_ =	shalt  }
0x45: {  	_ =	shalt  }
0x46: {  	_ =	shalt  }
0x47: {  	_ =	shalt  }
0x48: {  	_ =	shalt  }
0x49: {  	_ =	shalt  }
0x4a: {  	_ =	shalt  }
0x4b: {  	_ =	shalt  }
0x4c: {  	_ =	shalt  }
0x4d: {  	_ =	shalt  }
0x4e: {  	_ =	shalt  }
0x4f: {  	_ =	shalt  }
0x50: {  	_ =	shalt  }
0x51: {  	_ =	shalt  }
0x52: {  	_ =	shalt  }
0x53: {  	_ =	shalt  }
0x54: {  	_ =	shalt  }
0x55: {  	_ =	shalt  }
0x56: {  	_ =	shalt  }
0x57: {  	_ =	shalt  }
0x58: {  	_ =	shalt  }
0x59: {  	_ =	shalt  }
0x5a: {  	_ =	shalt  }
0x5b: {  	_ =	shalt  }
0x5c: {  	_ =	shalt  }
0x5d: {  	_ =	shalt  }
0x5e: {  	_ =	shalt  }
0x5f: {  	_ =	shalt  }
0x60: {  	_ =	shalt  }
0x61: {  	_ =	shalt  }
0x62: {  	_ =	shalt  }
0x63: {  	_ =	shalt  }
0x64: {  	_ =	shalt  }
0x65: {  	_ =	shalt  }
0x66: {  	_ =	shalt  }
0x67: {  	_ =	shalt  }
0x68: {  	_ =	shalt  }
0x69: {  	_ =	shalt  }
0x6a: {  	_ =	shalt  }
0x6b: {  	_ =	shalt  }
0x6c: {  	_ =	shalt  }
0x6d: {  	_ =	shalt  }
0x6e: {  	_ =	shalt  }
0x6f: {  	_ =	shalt  }
0x70: {  	_ =	shalt  }
0x71: {  	_ =	shalt  }
0x72: {  	_ =	shalt  }
0x73: {  	_ =	shalt  }
0x74: {  	_ =	shalt  }
0x75: {  	_ =	shalt  }
0x76: {  	_ =	shalt  }
0x77: {  	_ =	shalt  }
0x78: {  	_ =	shalt  }
0x79: {  	_ =	shalt  }
0x7a: {  	_ =	shalt  }
0x7b: {  	_ =	shalt  }
0x7c: {  	_ =	shalt  }
0x7d: {  	_ =	shalt  }
0x7e: {  	_ =	shalt  }
0x7f: {  	_ =	shalt  }
0x80: {  	_ =	shalt  }
0x81: {  	_ =	shalt  }
0x82: {  	_ =	shalt  }
0x83: {  	_ =	shalt  }
0x84: {  	_ =	shalt  }
0x85: {  	_ =	shalt  }
0x86: {  	_ =	shalt  }
0x87: {  	_ =	shalt  }
.Lfunc_end0:
.L_simem_size_0:
called_computation_lowered:
.L_overlay_start_0:
0x88: {  	s2 =	sld [smem:$0x3FD9]  }
0x89: {  	s3 =	sld [smem:$0x3FFE];
	_ =	sdelay $0x1  }
0x8a: {  	s1 =	srdreg.scid  }
0x8b: {  	s0 =	sand.u32 $0x1, s1  }
0x8c: {  	s17 =	sshll.u32 s0, $0xA;
	s2 =	sadd.s32 s3, s2  }
0x8d: {  	s2 =	sadd.s32 s2, s17  }
0x8e: {  	[smem:$0x3FB6] =	sst s2  }
0x8f: {  	_ = 	snop  }
0x90: {  	(tm) =	ssettm $0x1  }
0x91: {  	s18 =	sld [smem:$0x3FFB];
	_ =	sdelay $0x3  }
0x92: {  	_ =	strace s18  }
0x93: {  	s2 =	sld [smem:$0x3FFC];
	_ =	sdelay $0x3  }
0x94: {  	_ =	strace s2  }
0x95: {  	s2 =	sld [smem:$0x3FFD];
	_ =	sdelay $0x3  }
0x96: {  	_ =	strace s2  }
0x97: {  	_ =	strace $0x8FFFFFFF  }
0x98: {  	s19 =	sld [smem:$0x3FDB];
	_ =	sdelay $0x1  }
0x99: {  	s20 =	simm.s32 $_scs_section_size  }
0x9a: {  	s4 =	simm.s32 $_size__tile_overlayer_lowered;
	s5 =	simm.s32 $_tile_overlayer_lowered  }
0x9b: {  	s6 =	simm.s32 $0x1BFF;
	s21 =	sshll.u32 s5, $0x1;
	s3 =	sadd.s32 s20, s19  }
0x9c: {  	s22 =	simm.s32 $0x0;
	s4 =	sshll.u32 s4, $0x1;
	s5 =	sadd.s32 s21, s3  }
0x9d: {  	[timem:s22], [sflag:s6] =	dma.local [hbm:s5], s4  }
0x9e: {  	_ =	swait.ge [sflag:s6], s4  }
0x9f: {  	s4 =	ssub.s32 $0x0, s4;
	[sflag:s6] =	ssyncset.done $0x0  }
0xa0: {  	[sflag:s6] =	ssyncadd.s32 s4;
	_ =	sdelay $0x1  }
0xa1: {  	s23 =	simm.s32 $0x1B8B  }
0xa2: {  	_ =	swait.ge [sflag:s23], $0x1  }
0xa3: {  	[sflag:s23] =	ssyncset.done $0x0  }
0xa4: {  	[sflag:s23] =	ssyncadd.s32 $0xFFFFFFFF  }
0xa5: {  	s4 =	sld [smem:$0x0]  }
0xa6: {  	s5 =	sand.u32 $0xFFFFFFFE, s1  }
0xa7: {  	p0 =	sne.s32 s1, s5  }
0xa8: {  	s5 =	sshll.u32 @p0 s5, $0xE  }
0xa9: {  	s5 =	sadd.s32 @p0 $0x11B8D, s5;
	s6 =	sshll.u32 @p0 s4, $0x11  }
0xaa: {  	s5 =	sor.u32 @p0 s6, s5  }
0xab: {  	[sflag:s5] =	ssyncadd.remote.s32 @p0 $0x1;
	_ =	sdelay $0x1  }
0xac: {  	s5 =	simm.s32 @p0 $0x1B8D  }
0xad: {  	_ =	swait.eq @p0 [sflag:s5], $0x1  }
0xae: {  	[sflag:s5] =	ssyncadd.s32 @p0 $0xFFFFFFFF  }
0xaf: {  	s6 =	sshll.u32 @!p0 s1, $0xE  }
0xb0: {  	s6 =	sor.u32 @!p0 $0x4000, s6;
	s5 =	simm.s32 @!p0 $0x1B8D  }
0xb1: {  	s4 =	sshll.u32 @!p0 s4, $0x11;
	s6 =	sadd.s32 @!p0 $0x11B8D, s6;
	_ =	swait.eq @!p0 [sflag:s5], $0x1  }
0xb2: {  	s4 =	sor.u32 @!p0 s4, s6;
	[sflag:s5] =	ssyncadd.s32 @!p0 $0xFFFFFFFF  }
0xb3: {  	s25 =	simm.s32 $0x1B8E;
	s24 =	sld [smem:$0x3FFE];
	[sflag:s4] =	ssyncadd.remote.s32 @!p0 $0x1  }
0xb4: {  	s26 =	simm.s32 $execute0_lowered;
	[smem:$0x3FD2] =	sst s25  }
0xb5: {  	s5 =	sshll.u32 s26, $0x1;
	_ =	strace $0x80000055;
	[dreg:$0x1] =	wrdreg $0xFFFFFFFF  }
0xb6: {  	s28 =	simm.s32 $_size_execute0_lowered;
	s3 =	sadd.s32 s3, s5;
	[dreg:$0x0] =	wrdreg $0x0  }
0xb7: {  	s5 =	sshll.u32 s28, $0x1;
	[dreg:$0x2] =	wrdreg s3  }
0xb8: {  	[dreg:$0x3] =	wrdreg s5  }
0xb9: {  	[dreg:$0x4] =	wrdreg $0xC0  }
0xba: {  	_ =	task [dreg:s22], $0x5FFFF  }
0xbb: {  	[dreg:$0x1] =	wrdreg $0xFFFFFFFF  }
0xbc: {  	[dreg:$0x0] =	wrdreg $0x60  }
0xbd: {  	[dreg:$0x2] =	wrdreg s24  }
0xbe: {  	[dreg:$0x3] =	wrdreg $0x0  }
0xbf: {  	[dreg:$0x4] =	wrdreg $0x9  }
0xc0: {  	_ =	task.clear_ibuf [dreg:s22], $0x5FFFF;
	_ =	strace $0x90000055  }
0xc1: {  	s29 =	simm.s32 $0x9;
	_ =	strace $0x80000057  }
0xc2: {  	_ =	swait.ge [sflag:s29], $0x1  }
0xc3: {  	[sflag:s29] =	ssyncadd.s32 $0xFFFFFFFF  }
0xc4: {  	_ =	strace $0x90000057  }
0xc5: {  	_ =	sfence  }
0xc6: {  	s30 =	sld [smem:$0x0];
	_ =	sdelay $0x2  }
0xc7: {  	s31 =	sshll.u32 s1, $0xD;
	s1 =	sshrl.u32 s1, $0x2  }
0xc8: {  	s4 =	sand.u32 $0x4000, s31;
	s1 =	sadd.s32 s1, s30  }
0xc9: {  	s0 =	sor.u32 s4, s0;
	s1 =	sshll.u32 s1, $0x11  }
0xca: {  	s0 =	sor.u32 s1, s0  }
0xcb: {  	s0 =	sadd.s32 $0x8F2B, s0  }
0xcc: {  	[sflag:s0] =	ssyncadd.remote.s32 $0x1  }
0xcd: {  	_ =	sfence.sel $0xFFFF  }
0xce: {  	[dreg:$0x0] =	wrdreg $0xFFFFFFFF;
	(pc) =	sbr.abs _section_cstart, $3  }
0xcf: {  	[dreg:$0x1] =	wrdreg $0xFFFFFFFF  }
0xd0: {  	_ =	task.clear_ibuf [dreg:s22], $0x2FFFF;
	_ =	strace $0x9FFFFFFF  }
0xd1: {  	(tm) =	ssettm $0x7FFFFFFF  }
tec
execute0_lowered:
.L_overlay_start_1:
0x0: {  	(tag) =	ssettag $0x1  }
0x1: {  	s8 =	rddreg [dreg:$0x0]  }
0x2: {  	s1 =	rddreg [dreg:$0x1]  }
0x3: {  	s0 =	rddreg [dreg:$0x2]  }
0x4: {  	s2 =	simm.s32 $0x0;
	s6 =	srdreg.scid;
	s3 =	stileid.u32  }
0x5: {  	s15 =	simm.s32 $0x2;
	s16 =	simm.s32 $0x18700;
	s17 =	simm.s32 $0x18780  }
0x6: {  	s20 =	simm.s32 $0x10;
	s21 =	simm.s32 $0x1D880;
	s22 =	simm.s32 $0x1D900  }
0x7: {  	s23 =	simm.s32 $0x0;
	s4 =	sadd.s32 $0x680A00, s8;
	s5 =	sadd.s32 $0x1F0400, s8  }
0x8: {  	s9 =	sand.u32 $0x1, s6;
	s6 =	smul.u32 $0xC38, s3;
	s7 =	sadd.s32 $0x221200, s8  }
0x9: {  	[smem:$0x7FF] =	sst s2;
	s13 =	smul.u32 $0x61C00, s3;
	s14 =	sadd.s32 $0xFA9E00, s8  }
0xa: {  	s8 =	smul.u32 $0x186A0, s3;
	_ =	strace $0x80000056;
	s10 =	ssub.s32 $0x2, s9  }
0xb: {  	s19 =	smul.u32 $0xFFFF3CB0, s9;
	s12 =	sshrl.u32 s10, $0x1;
	s18 =	sadd.s32 $0xC30, s6  }
0xc: {  	v0 =	vlaneseq.u32;
	s11 =	smul.u32 $0x61C000, s9;
	s10 =	ssub.s32 s10, s12;
	s30 =	sshll.u32 s18, $0x7  }
0xd: {  	s12 =	simm.s32 $0x50;
	v1 =	vmov s19;
	v2 =	vadd.s32 s18, v0;
	s18 =	simm.s32 $0x18880;
	s19 =	simm.s32 $0x1  }
0xe: {  	s31 =	sadd.s32 s11, s30;
	s11 =	sadd.s32 s13, s11;
	s10 =	smax.u32 s10, $0x1  }
0xf: {  	s13 =	simm.s32 $0x18800;
	s9 =	sshrl.u32 s31, $0x3;
	s11 =	sshrl.u32 s11, $0x3  }
0x10: {  	v3 =	vimm.f32 $0.0e+00;
	v4 =	vor.u32 $0xC350, v0;
	v2 =	vmin.u32 v2, $0xC37F;
	s9 =	sadd.s32 s14, s9;
	s11 =	sadd.s32 s11, s14;
	s14 =	simm.s32 $0x1B080  }
.LBB2_1:
0x11: {  	s24 =	simm.s32 $0x0  }
.LBB2_2:
0x12: {  	p0 =	sne.s32 s24, $0x9E00  }
.Ltmp0:
0x13: {  	_ = 	snop;
	(pc) =	sbr.rel @p0 .LBB2_2-.Ltmp0, $4  }
0x14: {  	_ = 	snop  }
0x15: {  	s25 =	sshra.s32 s24, $0x2  }
0x16: {  	[tilespmem:s25+$0x1B080] =	vst v3  }
0x17: {  	s24 =	sadd.s32 $0x200, s24;
	[tilespmem:s25+$0x1B090] =	vst v3  }
0x18: {  	s24 =	sadd.s32 $0x0, s6  }
0x19: {  	v5 =	vadd.s32 s24, v0;
	s25 =	sadd.s32 $0x40, s24  }
0x1a: {  	s26 =	sadd.s32 $0x30, s24;
	vm0 =	vlt.s32 v5, $0xC37F;
	v7 =	vadd.s32 s25, v0  }
0x1b: {  	s28 =	sadd.s32 $0x20, s24;
	v6 =	vnsel vm0, $0xC37F, v5;
	v5 =	vadd.s32 s26, v0;
	vm1 =	vlt.s32 v7, $0xC37F  }
0x1c: {  	s25 =	sadd.s32 $0x10, s24;
	s24 =	simm.s32 $0x50;
	[tilespmem:$0x18800] =	vst v6;
	v6 =	vadd.s32 s28, v0;
	vm0 =	vlt.s32 v5, $0xC37F;
	v7 =	vnsel vm1, $0xC37F, v7  }
.LBB2_4:
0x1d: {  	p0 =	sne.s32 s24, $0xC30;
	v8 =	vadd.s32 s25, v0;
	vm1 =	vlt.s32 v6, $0xC37F;
	v5 =	vnsel vm0, $0xC37F, v5;
	[tilespmem:$0x18840] =	vst v7  }
0x1e: {  	vm0 =	vlt.s32 v8, $0xC37F;
	v6 =	vnsel vm1, $0xC37F, v6;
	[tilespmem:$0x18830] =	vst v5  }
0x1f: {  	s25 =	sadd.s32 s24, s6;
	v5 =	vnsel vm0, $0xC37F, v8;
	[tilespmem:$0x18820] =	vst v6  }
0x20: {  	[tilespmem:$0x18810] =	vst v5;
	[spmem:s1] =	stream.indirect.scatter [tilespmem:s14], [sflag:$0x2], $0x20, s13, s12, $0xb8  }
.Ltmp1:
0x21: {  	_ = 	snop;
	(pc) =	sbr.rel @p0 .LBB2_4-.Ltmp1, $4  }
0x22: {  	s26 =	sadd.s32 $0x40, s25;
	v5 =	vadd.s32 s25, v0;
	_ =	swait.ge [sflag:s15], $0xA00  }
0x23: {  	s28 =	sadd.s32 $0x30, s25;
	v7 =	vadd.s32 s26, v0;
	vm0 =	vlt.s32 v5, $0xC37F;
	[sflag:s15] =	ssyncset.done $0x0  }
0x24: {  	s26 =	sadd.s32 $0x20, s25;
	vm1 =	vlt.s32 v7, $0xC37F;
	v6 =	vnsel vm0, $0xC37F, v5;
	v5 =	vadd.s32 s28, v0;
	[sflag:s15] =	ssyncadd.s32 $0xFFFFF600  }
0x25: {  	s24 =	sadd.s32 $0x50, s24;
	s25 =	sadd.s32 $0x10, s25;
	v7 =	vnsel vm1, $0xC37F, v7;
	vm0 =	vlt.s32 v5, $0xC37F;
	[tilespmem:$0x18800] =	vst v6;
	v6 =	vadd.s32 s26, v0  }
0x26: {  	v8 =	vadd.s32 s25, v0;
	vm1 =	vlt.s32 v6, $0xC37F;
	v5 =	vnsel vm0, $0xC37F, v5;
	[tilespmem:$0x18840] =	vst v7  }
0x27: {  	vm15 =	vlt.s32 v8, $0xC37F;
	v6 =	vnsel vm1, $0xC37F, v6;
	[tilespmem:$0x18830] =	vst v5  }
0x28: {  	v5 =	vnsel vm15, $0xC37F, v8;
	[tilespmem:$0x18820] =	vst v6  }
0x29: {  	[tilespmem:$0x18810] =	vst v5  }
0x2a: {  	[spmem:s1] =	stream.indirect.scatter [tilespmem:s14], [sflag:$0x2], $0x20, s13, s12, $0xb8;
	[tilespmem:$0x1E100] =	vst v63  }
0x2b: {  	_ =	swait.ge [sflag:s15], $0xA00  }
0x2c: {  	[sflag:s15] =	ssyncset.done $0x0  }
0x2d: {  	[sflag:s15] =	ssyncadd.s32 $0xFFFFF600  }
0x2e: {  	s24 =	simm.s32 $0x0;
	s25 =	simm.s32 $0x0;
	[bflag:$0x0] =	sbarrier.arrive $0xFFFF  }
.LBB2_6:
0x2f: {  	s26 =	smul.u32 $0x50, s25;
	_ =	sdelay $0x1  }
0x30: {  	s26 =	sadd.s32 s8, s26  }
0x31: {  	s26 =	sshrl.u32 s26, $0x3  }
0x32: {  	s28 =	sadd.s32 s5, s26  }
0x33: {  	[tilespmem:s16], [sflag:$0x2] =	stream.linear.gather [hbm4b:s28+s24], $0x50, $0x38;
	[tilespmem:$0x1E100] =	vst v63  }
0x34: {  	_ =	swait.ge [sflag:s15], $0x50  }
0x35: {  	[sflag:s15] =	ssyncset.done $0x0  }
0x36: {  	s26 =	sadd.s32 s7, s26;
	[sflag:s15] =	ssyncadd.s32 $0xFFFFFFB0  }
0x37: {  	[tilespmem:s17], [sflag:$0x2] =	stream.linear.gather [hbm4b:s26+s24], $0x50, $0x38;
	[tilespmem:$0x1E100] =	vst v63  }
0x38: {  	_ =	swait.ge [sflag:s15], $0x50  }
0x39: {  	[sflag:s15] =	ssyncset.done $0x0  }
0x3a: {  	[sflag:s15] =	ssyncadd.s32 $0xFFFFFFB0  }
0x3b: {  	v5 =	vld [tilespmem:$0x18780]  }
0x3c: {  	v6 =	vld [tilespmem:$0x18790]  }
0x3d: {  	v7 =	vld [tilespmem:$0x187A0]  }
0x3e: {  	v8 =	vld [tilespmem:$0x187B0]  }
0x3f: {  	v9 =	vld [tilespmem:$0x187C0]  }
0x40: {  	v5 =	vadd.s32 v1, v5  }
0x41: {  	v6 =	vadd.s32 v1, v6;
	vm0 =	vlt.u32 v5, $0xC350  }
0x42: {  	v7 =	vadd.s32 v1, v7;
	vm12 =	vlt.u32 v6, $0xC350;
	v5 =	vsel vm0, v5, v4  }
0x43: {  	vm13 =	vlt.u32 v7, $0xC350;
	[tilespmem:$0x18800] =	vst v5;
	v5 =	vsel vm12, v6, v4;
	v6 =	vadd.s32 v1, v8  }
0x44: {  	[tilespmem:$0x18810] =	vst v5;
	v5 =	vsel vm13, v7, v4;
	vm14 =	vlt.u32 v6, $0xC350;
	v7 =	vadd.s32 v1, v9  }
0x45: {  	[tilespmem:$0x18820] =	vst v5;
	v5 =	vsel vm14, v6, v4;
	vm15 =	vlt.u32 v7, $0xC350  }
0x46: {  	[tilespmem:$0x18830] =	vst v5;
	v5 =	vsel vm15, v7, v4  }
0x47: {  	[tilespmem:$0x18840] =	vst v5  }
0x48: {  	[tilespmem:s18], [sflag:$0x1] =	stream.indirect.gather [hbm4b:s4+s12], $0x80, s16, s12, $0xb8;
	[tilespmem:$0x1E100] =	vst v63  }
0x49: {  	_ =	swait.ge [sflag:s19], $0x2800  }
0x4a: {  	[sflag:s19] =	ssyncset.done $0x0  }
0x4b: {  	s26 =	simm.s32 $0x0;
	[sflag:s19] =	ssyncadd.s32 $0xFFFFD800  }
0x4c: {  	v5 =	vld [tilespmem:s26+$0x18890]  }
0x4d: {  	s28 =	simm.s32 $0x200;
	v6 =	vld [tilespmem:s26+$0x18880]  }
.LBB2_7:
0x4e: {  	p0 =	sne.s32 s28, $0x9E00  }
.Ltmp2:
0x4f: {  	_ = 	snop;
	(pc) =	sbr.rel @p0 .LBB2_7-.Ltmp2, $4  }
0x50: {  	_ = 	snop  }
0x51: {  	s29 =	sshra.s32 s28, $0x2;
	s28 =	sadd.s32 $0x200, s28;
	[tilespmem:s26+$0x1B090] =	vst v5  }
0x52: {  	v5 =	vld [tilespmem:s29+$0x18890];
	[tilespmem:s26+$0x1B080] =	vst v6;
	s26 =	smov.u32 s29  }
0x53: {  	v6 =	vld [tilespmem:s26+$0x18880]  }
0x54: {  	_ =	sdelay $0x1  }
0x55: {  	s25 =	sadd.s32 $0x1, s25  }
0x56: {  	p0 =	sne.s32 s25, $0x4E2;
	[tilespmem:s26+$0x1B090] =	vst v5  }
.Ltmp3:
0x57: {  	[tilespmem:s26+$0x1B080] =	vst v6;
	(pc) =	sbr.rel @p0 .LBB2_6-.Ltmp3, $4  }
0x58: {  	[spmem:s1] =	stream.indirect.scatter.add.f32 [tilespmem:s14], [sflag:$0x2], $0x20, s13, s12, $0xb8;
	[tilespmem:$0x1E100] =	vst v63  }
0x59: {  	_ =	swait.ge [sflag:s15], $0xA00  }
0x5a: {  	[sflag:s15] =	ssyncset.done $0x0  }
0x5b: {  	[sflag:s15] =	ssyncadd.s32 $0xFFFFF600  }
0x5c: {  	s24 =	sadd.s32 $0x0, s6  }
0x5d: {  	[bflag:$0x0] =	sbarrier.arrive $0xFFFF;
	v5 =	vadd.s32 s24, v0;
	s25 =	sadd.s32 $0x10, s24  }
0x5e: {  	s26 =	sadd.s32 $0x40, s24;
	[tilespmem:$0x18800] =	vst v5;
	v5 =	vadd.s32 s25, v0  }
0x5f: {  	s31 =	sadd.s32 $0x30, s24;
	v6 =	vadd.s32 s26, v0;
	[tilespmem:$0x18810] =	vst v5  }
0x60: {  	s24 =	sadd.s32 $0x20, s24;
	v5 =	vadd.s32 s31, v0;
	[tilespmem:$0x18840] =	vst v6  }
0x61: {  	[tilespmem:$0x18830] =	vst v5;
	v5 =	vadd.s32 s24, v0  }
0x62: {  	[tilespmem:$0x18820] =	vst v5  }
0x63: {  	[tilespmem:s14], [sflag:$0x1] =	stream.indirect.gather [spmem:s1], $0x20, s13, s12, $0xb8;
	[tilespmem:$0x1E100] =	vst v63  }
0x64: {  	_ =	swait.ge [sflag:s19], $0xA00  }
0x65: {  	s25 =	sadd.s32 $0x500, s11;
	[sflag:s19] =	ssyncset.done $0x0  }
0x66: {  	s26 =	smov.u32 s11;
	s24 =	simm.s32 $0x50;
	[sflag:s19] =	ssyncadd.s32 $0xFFFFF600  }
.LBB2_10:
0x67: {  	[hbm4b:s26+s2] =	stream.linear.scatter [tilespmem:s14], [sflag:$0x2], $0x2800, $0x38;
	[tilespmem:$0x1E100] =	vst v63  }
0x68: {  	s28 =	smov.u32 s24;
	s26 =	smov.u32 s25  }
0x69: {  	p0 =	sne.s32 s24, $0xBE0;
	s24 =	sadd.s32 $0x50, s24;
	_ =	swait.ge [sflag:s15], $0x2800  }
0x6a: {  	s28 =	sadd.s32 s28, s6;
	[sflag:s15] =	ssyncset.done $0x0  }
0x6b: {  	v5 =	vadd.s32 s28, v0;
	s29 =	sadd.s32 $0x10, s28;
	s30 =	sadd.s32 $0x20, s28;
	[sflag:s15] =	ssyncadd.s32 $0xFFFFD800  }
0x6c: {  	v6 =	vadd.s32 s30, v0;
	[tilespmem:$0x18800] =	vst v5;
	v5 =	vadd.s32 s29, v0;
	s29 =	sadd.s32 $0x30, s28;
	s28 =	sadd.s32 $0x40, s28  }
0x6d: {  	[tilespmem:$0x18810] =	vst v5;
	v5 =	vadd.s32 s29, v0;
	v7 =	vadd.s32 s28, v0  }
0x6e: {  	[tilespmem:$0x18830] =	vst v5  }
0x6f: {  	[tilespmem:$0x18840] =	vst v7  }
.Ltmp4:
0x70: {  	[tilespmem:$0x18820] =	vst v6;
	(pc) =	sbr.rel @p0 .LBB2_10-.Ltmp4, $4  }
0x71: {  	[tilespmem:s14], [sflag:$0x1] =	stream.indirect.gather [spmem:s1], $0x20, s13, s12, $0xb8;
	[tilespmem:$0x1E100] =	vst v63  }
0x72: {  	_ =	swait.ge [sflag:s19], $0xA00  }
0x73: {  	[sflag:s19] =	ssyncset.done $0x0  }
0x74: {  	s25 =	sadd.s32 $0x500, s25;
	[sflag:s19] =	ssyncadd.s32 $0xFFFFF600  }
0x75: {  	[hbm4b:s26+s2] =	stream.linear.scatter [tilespmem:s14], [sflag:$0x2], $0x2800, $0x38;
	[tilespmem:$0x1E100] =	vst v63  }
0x76: {  	_ =	swait.ge [sflag:s15], $0x2800  }
0x77: {  	[sflag:s15] =	ssyncset.done $0x0  }
0x78: {  	[sflag:s15] =	ssyncadd.s32 $0xFFFFD800  }
0x79: {  	[tilespmem:$0x1D880] =	vst v2  }
0x7a: {  	[tilespmem:s22], [sflag:$0x1] =	stream.indirect.gather [spmem:s1], $0x20, s21, s20, $0xb8;
	[tilespmem:$0x1E100] =	vst v63  }
0x7b: {  	s23 =	sadd.s32 $0x1, s23;
	_ =	swait.ge [sflag:s19], $0x200  }
0x7c: {  	p0 =	sne.s32 s23, s10;
	[sflag:s19] =	ssyncset.done $0x0  }
.Ltmp5:
0x7d: {  	[sflag:s19] =	ssyncadd.s32 $0xFFFFFE00;
	(pc) =	sbr.rel @p0 .LBB2_1-.Ltmp5, $4  }
0x7e: {  	[hbm4b:s9+s2] =	stream.linear.scatter [tilespmem:s22], [sflag:$0x2], $0x400, $0x38;
	[tilespmem:$0x1E100] =	vst v63  }
0x7f: {  	_ =	swait.ge [sflag:s15], $0x400  }
0x80: {  	[sflag:s15] =	ssyncset.done $0x0  }
0x81: {  	[sflag:s15] =	ssyncadd.s32 $0xFFFFFC00  }
0x82: {  	_ =	sfence.sel $0x180000  }
0x83: {  	[bflag:$0x0] =	sbarrier.arrive $0xFFFF  }
0x84: {  	p0 =	sne.s32 s3, $0x0;
	_ =	strace $0x90000056  }
0x85: {  	s0 =	sadd.s32 @!p0 $0x100000, s0;
	[bflag:$0x2] =	sbarrier.arrive $0xFFFF  }
0x86: {  	[sflag:s0] =	ssyncadd.tile.s32 @!p0 $0x1;
	_ =	shalt  }
.Lfunc_end2:
_tile_overlayer_lowered:
.L_overlay_start_2:
0x87: {  	(tag) =	ssettag $0x2  }
0x88: {  	s0 =	rddreg [dreg:$0x0];
	s2 =	stileid.u32  }
0x89: {  	s1 =	rddreg [dreg:$0x1];
	p0 =	sne.s32 s2, $0x0  }
0x8a: {  	s3 =	rddreg [dreg:$0x2];
	[bflag:$0x3] =	sbarrier.arrive $0xFFFF;
	s2 =	simm.s32 @!p0 $0x1C02  }
0x8b: {  	[timem:s3], [sflag:s2] =	dma.local @!p0 [hbm:s0], s1  }
0x8c: {  	s0 =	simm.s32 @!p0 $0x2  }
0x8d: {  	_ =	swait.ge @!p0 [sflag:s0], s1  }
0x8e: {  	s1 =	ssub.s32 @!p0 $0x0, s1;
	[sflag:s0] =	ssyncset.done @!p0 $0x0  }
0x8f: {  	[sflag:s0] =	ssyncadd.s32 @!p0 s1  }
0x90: {  	[bflag:$0x3] =	sbarrier.arrive $0xFFFF  }
0x91: {  	_ =	shalt  }

// kernel: kernel.13.cloned.1.call-start
scs
__scs_entry_jumppad:
0x0: {  	(pc) =	sbr.rel $0x88, $3  }
0x1: {  	(tag) =	ssettag $0x0;
	lr =	simm.s32 $0x1  }
0x2: {  	[smem:$0x3F8F] =	sst lr;
	_ =	strace $0xD0000000  }
0x3: {  	_ = 	snop  }
0x4: {  	_ = 	snop  }
0x5: {  	_ = 	snop  }
0x6: {  	_ = 	snop  }
0x7: {  	_ = 	snop  }
__scs_overlays_trampoline_lowered:
0x8: {  	[smem:$0x3F9E] =	sst s0  }
0x9: {  	[smem:$0x3F9F] =	sst s1  }
0xa: {  	[smem:$0x3FA0] =	sst s2  }
0xb: {  	[smem:$0x3FA1] =	sst s3  }
0xc: {  	[smem:$0x3FA2] =	sst s4  }
0xd: {  	[smem:$0x3FA3] =	sst s5  }
0xe: {  	[smem:$0x3FA4] =	sst s6  }
0xf: {  	[smem:$0x3FA5] =	sst s7  }
0x10: {  	[smem:$0x3FA6] =	sst s8  }
0x11: {  	[smem:$0x3FA7] =	sst s9;
	s0 =	simm.s32 @!p0 $0x0  }
0x12: {  	s1 =	sld [smem:$0x3F8D];
	s0 =	simm.s32 @p0 $0x1  }
0x13: {  	[smem:$0x3FA8] =	sst s0;
	s0 =	simm.s32 @!p1 $0x0  }
0x14: {  	s2 =	sld [smem:$0x3F8C];
	s0 =	simm.s32 @p1 $0x1  }
0x15: {  	[smem:$0x3FA9] =	sst s0;
	s0 =	simm.s32 @!p2 $0x0  }
0x16: {  	s3 =	sld [smem:$0x3FDB];
	s0 =	simm.s32 @p2 $0x1  }
0x17: {  	s4 =	simm.s32 $0x1BF5;
	[smem:$0x3FAB] =	sst s0  }
0x18: {  	s0 =	sld [smem:$0x3F8E];
	_ =	swait.ge [sflag:s4], $0x0  }
0x19: {  	s7 =	sld [smem:$0x3F8F]  }
0x1a: {  	s8 =	sadd.s32 $0xFFFFE003, lr  }
0x1b: {  	s9 =	sadd.s32 $0xFFFFFEF7, lr;
	s5 =	simm.s32 $0xFFFFFFFF;
	p2 =	slt.u32 s8, $0xFFFFF086  }
0x1c: {  	p1 =	slt.u32 s9, $0xF7A;
	s5 =	simm.s32 @!p2 $0x0  }
0x1d: {  	s5 =	simm.s32 @p1 $0x1;
	p0 =	seq.s32 s7, s2  }
0x1e: {  	s7 =	smul.u32 @!p0 $0xF7A, s2;
	p2 =	seq.s32 @!p0 s5, $0x0  }
0x1f: {  	s9 =	smul.u32 $0xF7A, s1;
	s8 =	simm.s32 @!p0 $0x1BF5;
	p2 =	por !p2, p0  }
0x20: {  	[sflag:s8] =	ssyncset.s32 @!p0 $0xFFFFF086;
	s6 =	sadd.s32 @!p0 s3, s7;
	s7 =	simm.s32 @!p0 $0x108  }
0x21: {  	s3 =	sadd.s32 s3, s9;
	s6 =	sadd.s32 @!p0 $0x88, s6;
	s7 =	simm.s32 @p2 $0x1082  }
0x22: {  	[simem:s7], [sflag:s8] =	dma.local @!p0 [hbm:s6], $0xF7A  }
0x23: {  	s9 =	sor.u32 $0xD0000000, s2;
	s6 =	simm.s32 $0x108;
	_ =	swait.ge @!p0 [sflag:s8], $0x0  }
0x24: {  	s3 =	sadd.s32 $0x88, s3;
	s6 =	simm.s32 @!p1 $0x1082;
	[sflag:s4] =	ssyncset.s32 $0xFFFFF086  }
0x25: {  	[simem:s6], [sflag:s4] =	dma.local [hbm:s3], $0xF7A  }
0x26: {  	[smem:$0x3F8F] =	sst s1;
	(tag) =	ssettag s2;
	_ =	strace s9  }
0x27: {  	s1 =	sld [smem:$0x3F9F]  }
0x28: {  	s2 =	sld [smem:$0x3FA0]  }
0x29: {  	s4 =	sld [smem:$0x3FA2]  }
0x2a: {  	p0 =	seq.s32 s5, $0x0;
	s5 =	sld [smem:$0x3FA3]  }
0x2b: {  	s6 =	sld [smem:$0x3FA4]  }
0x2c: {  	s7 =	sld [smem:$0x3FA5]  }
0x2d: {  	s3 =	simm.s32 $0x108;
	s8 =	sld [smem:$0x3FA6]  }
0x2e: {  	s3 =	simm.s32 @!p0 $0x1082;
	s9 =	sld [smem:$0x3FA7]  }
0x2f: {  	lr =	sadd.s32 s0, s3;
	s0 =	sld [smem:$0x3F9E]  }
0x30: {  	s3 =	sld [smem:$0x3FA1]  }
0x31: {  	[smem:$0x3FAA] =	sst s10  }
0x32: {  	s10 =	sld [smem:$0x3FA8];
	_ =	sdelay $0x3  }
0x33: {  	p0 =	seq.s32 s10, $0x1;
	s10 =	sld [smem:$0x3FAA];
	_ =	sdelay $0x3  }
0x34: {  	[smem:$0x3FAA] =	sst s10  }
0x35: {  	s10 =	sld [smem:$0x3FA9];
	_ =	sdelay $0x3  }
0x36: {  	p1 =	seq.s32 s10, $0x1;
	s10 =	sld [smem:$0x3FAA];
	_ =	sdelay $0x3  }
0x37: {  	[smem:$0x3FAA] =	sst s10  }
0x38: {  	s10 =	sld [smem:$0x3FAB]  }
0x39: {  	_ = 	snop;
	(pc) =	sbr.ind lr, $3  }
0x3a: {  	_ = 	snop  }
0x3b: {  	_ = 	snop  }
0x3c: {  	p2 =	seq.s32 s10, $0x1;
	s10 =	sld [smem:$0x3FAA]  }
0x3d: {  	_ =	shalt  }
0x3e: {  	_ =	shalt  }
0x3f: {  	_ =	shalt  }
0x40: {  	_ =	shalt  }
0x41: {  	_ =	shalt  }
0x42: {  	_ =	shalt  }
0x43: {  	_ =	shalt  }
0x44: {  	_ =	shalt  }
0x45: {  	_ =	shalt  }
0x46: {  	_ =	shalt  }
0x47: {  	_ =	shalt  }
0x48: {  	_ =	shalt  }
0x49: {  	_ =	shalt  }
0x4a: {  	_ =	shalt  }
0x4b: {  	_ =	shalt  }
0x4c: {  	_ =	shalt  }
0x4d: {  	_ =	shalt  }
0x4e: {  	_ =	shalt  }
0x4f: {  	_ =	shalt  }
0x50: {  	_ =	shalt  }
0x51: {  	_ =	shalt  }
0x52: {  	_ =	shalt  }
0x53: {  	_ =	shalt  }
0x54: {  	_ =	shalt  }
0x55: {  	_ =	shalt  }
0x56: {  	_ =	shalt  }
0x57: {  	_ =	shalt  }
0x58: {  	_ =	shalt  }
0x59: {  	_ =	shalt  }
0x5a: {  	_ =	shalt  }
0x5b: {  	_ =	shalt  }
0x5c: {  	_ =	shalt  }
0x5d: {  	_ =	shalt  }
0x5e: {  	_ =	shalt  }
0x5f: {  	_ =	shalt  }
0x60: {  	_ =	shalt  }
0x61: {  	_ =	shalt  }
0x62: {  	_ =	shalt  }
0x63: {  	_ =	shalt  }
0x64: {  	_ =	shalt  }
0x65: {  	_ =	shalt  }
0x66: {  	_ =	shalt  }
0x67: {  	_ =	shalt  }
0x68: {  	_ =	shalt  }
0x69: {  	_ =	shalt  }
0x6a: {  	_ =	shalt  }
0x6b: {  	_ =	shalt  }
0x6c: {  	_ =	shalt  }
0x6d: {  	_ =	shalt  }
0x6e: {  	_ =	shalt  }
0x6f: {  	_ =	shalt  }
0x70: {  	_ =	shalt  }
0x71: {  	_ =	shalt  }
0x72: {  	_ =	shalt  }
0x73: {  	_ =	shalt  }
0x74: {  	_ =	shalt  }
0x75: {  	_ =	shalt  }
0x76: {  	_ =	shalt  }
0x77: {  	_ =	shalt  }
0x78: {  	_ =	shalt  }
0x79: {  	_ =	shalt  }
0x7a: {  	_ =	shalt  }
0x7b: {  	_ =	shalt  }
0x7c: {  	_ =	shalt  }
0x7d: {  	_ =	shalt  }
0x7e: {  	_ =	shalt  }
0x7f: {  	_ =	shalt  }
0x80: {  	_ =	shalt  }
0x81: {  	_ =	shalt  }
0x82: {  	_ =	shalt  }
0x83: {  	_ =	shalt  }
0x84: {  	_ =	shalt  }
0x85: {  	_ =	shalt  }
0x86: {  	_ =	shalt  }
0x87: {  	_ =	shalt  }
.Lfunc_end0:
.L_simem_size_0:
called_computation.1_lowered:
.L_overlay_start_0:
0x88: {  	s2 =	sld [smem:$0x3FD9]  }
0x89: {  	s3 =	sld [smem:$0x3FFE];
	_ =	sdelay $0x1  }
0x8a: {  	s1 =	srdreg.scid  }
0x8b: {  	s0 =	sand.u32 $0x1, s1  }
0x8c: {  	s17 =	sshll.u32 s0, $0xA;
	s2 =	sadd.s32 s3, s2  }
0x8d: {  	s2 =	sadd.s32 s2, s17  }
0x8e: {  	[smem:$0x3FB6] =	sst s2  }
0x8f: {  	_ = 	snop  }
0x90: {  	(tm) =	ssettm $0x1  }
0x91: {  	s18 =	sld [smem:$0x3FFB];
	_ =	sdelay $0x3  }
0x92: {  	_ =	strace s18  }
0x93: {  	s2 =	sld [smem:$0x3FFC];
	_ =	sdelay $0x3  }
0x94: {  	_ =	strace s2  }
0x95: {  	s2 =	sld [smem:$0x3FFD];
	_ =	sdelay $0x3  }
0x96: {  	_ =	strace s2  }
0x97: {  	_ =	strace $0x8FFFFFFF  }
0x98: {  	s19 =	sld [smem:$0x3FDB];
	_ =	sdelay $0x1  }
0x99: {  	s20 =	simm.s32 $_scs_section_size  }
0x9a: {  	s4 =	simm.s32 $_size__tile_overlayer_lowered;
	s5 =	simm.s32 $_tile_overlayer_lowered  }
0x9b: {  	s6 =	simm.s32 $0x1BFF;
	s21 =	sshll.u32 s5, $0x1;
	s3 =	sadd.s32 s20, s19  }
0x9c: {  	s22 =	simm.s32 $0x0;
	s4 =	sshll.u32 s4, $0x1;
	s5 =	sadd.s32 s21, s3  }
0x9d: {  	[timem:s22], [sflag:s6] =	dma.local [hbm:s5], s4  }
0x9e: {  	_ =	swait.ge [sflag:s6], s4  }
0x9f: {  	s4 =	ssub.s32 $0x0, s4;
	[sflag:s6] =	ssyncset.done $0x0  }
0xa0: {  	[sflag:s6] =	ssyncadd.s32 s4;
	_ =	sdelay $0x1  }
0xa1: {  	s23 =	simm.s32 $0x1B8B  }
0xa2: {  	_ =	swait.ge [sflag:s23], $0x1  }
0xa3: {  	[sflag:s23] =	ssyncset.done $0x0  }
0xa4: {  	[sflag:s23] =	ssyncadd.s32 $0xFFFFFFFF  }
0xa5: {  	s4 =	sld [smem:$0x0]  }
0xa6: {  	s5 =	sand.u32 $0xFFFFFFFE, s1  }
0xa7: {  	p0 =	sne.s32 s1, s5  }
0xa8: {  	s5 =	sshll.u32 @p0 s5, $0xE  }
0xa9: {  	s5 =	sadd.s32 @p0 $0x11B8D, s5;
	s6 =	sshll.u32 @p0 s4, $0x11  }
0xaa: {  	s5 =	sor.u32 @p0 s6, s5  }
0xab: {  	[sflag:s5] =	ssyncadd.remote.s32 @p0 $0x1;
	_ =	sdelay $0x1  }
0xac: {  	s5 =	simm.s32 @p0 $0x1B8D  }
0xad: {  	_ =	swait.eq @p0 [sflag:s5], $0x1  }
0xae: {  	[sflag:s5] =	ssyncadd.s32 @p0 $0xFFFFFFFF  }
0xaf: {  	s6 =	sshll.u32 @!p0 s1, $0xE  }
0xb0: {  	s6 =	sor.u32 @!p0 $0x4000, s6;
	s5 =	simm.s32 @!p0 $0x1B8D  }
0xb1: {  	s4 =	sshll.u32 @!p0 s4, $0x11;
	s6 =	sadd.s32 @!p0 $0x11B8D, s6;
	_ =	swait.eq @!p0 [sflag:s5], $0x1  }
0xb2: {  	s4 =	sor.u32 @!p0 s4, s6;
	[sflag:s5] =	ssyncadd.s32 @!p0 $0xFFFFFFFF  }
0xb3: {  	s25 =	simm.s32 $0x1B8E;
	s24 =	sld [smem:$0x3FFE];
	[sflag:s4] =	ssyncadd.remote.s32 @!p0 $0x1  }
0xb4: {  	s26 =	simm.s32 $execute0_lowered;
	[smem:$0x3FD2] =	sst s25  }
0xb5: {  	s5 =	sshll.u32 s26, $0x1;
	_ =	strace $0x80000052;
	[dreg:$0x1] =	wrdreg $0xFFFFFFFF  }
0xb6: {  	s28 =	simm.s32 $_size_execute0_lowered;
	s3 =	sadd.s32 s3, s5;
	[dreg:$0x0] =	wrdreg $0x0  }
0xb7: {  	s5 =	sshll.u32 s28, $0x1;
	[dreg:$0x2] =	wrdreg s3  }
0xb8: {  	[dreg:$0x3] =	wrdreg s5  }
0xb9: {  	[dreg:$0x4] =	wrdreg $0xC0  }
0xba: {  	_ =	task [dreg:s22], $0x5FFFF  }
0xbb: {  	[dreg:$0x1] =	wrdreg $0xFFFFFFFF  }
0xbc: {  	[dreg:$0x0] =	wrdreg $0x60  }
0xbd: {  	[dreg:$0x2] =	wrdreg s24  }
0xbe: {  	[dreg:$0x3] =	wrdreg $0x0  }
0xbf: {  	[dreg:$0x4] =	wrdreg $0xA  }
0xc0: {  	_ =	task.clear_ibuf [dreg:s22], $0x5FFFF;
	_ =	strace $0x90000052  }
0xc1: {  	s29 =	simm.s32 $0xA;
	_ =	strace $0x80000054  }
0xc2: {  	_ =	swait.ge [sflag:s29], $0x1  }
0xc3: {  	[sflag:s29] =	ssyncadd.s32 $0xFFFFFFFF  }
0xc4: {  	_ =	strace $0x90000054  }
0xc5: {  	_ =	sfence  }
0xc6: {  	s30 =	sld [smem:$0x0];
	_ =	sdelay $0x2  }
0xc7: {  	s31 =	sshll.u32 s1, $0xD;
	s1 =	sshrl.u32 s1, $0x2  }
0xc8: {  	s4 =	sand.u32 $0x4000, s31;
	s1 =	sadd.s32 s1, s30  }
0xc9: {  	s0 =	sor.u32 s4, s0;
	s1 =	sshll.u32 s1, $0x11  }
0xca: {  	s0 =	sor.u32 s1, s0  }
0xcb: {  	s0 =	sadd.s32 $0x8F2B, s0  }
0xcc: {  	[sflag:s0] =	ssyncadd.remote.s32 $0x1  }
0xcd: {  	_ =	sfence.sel $0xFFFF  }
0xce: {  	[dreg:$0x0] =	wrdreg $0xFFFFFFFF;
	(pc) =	sbr.abs _section_cstart, $3  }
0xcf: {  	[dreg:$0x1] =	wrdreg $0xFFFFFFFF  }
0xd0: {  	_ =	task.clear_ibuf [dreg:s22], $0x2FFFF;
	_ =	strace $0x9FFFFFFF  }
0xd1: {  	(tm) =	ssettm $0x7FFFFFFF  }
tec
execute0_lowered:
.L_overlay_start_1:
0x0: {  	(tag) =	ssettag $0x1  }
0x1: {  	s8 =	rddreg [dreg:$0x0]  }
0x2: {  	s1 =	rddreg [dreg:$0x1]  }
0x3: {  	s0 =	rddreg [dreg:$0x2]  }
0x4: {  	s2 =	simm.s32 $0x0;
	s6 =	srdreg.scid;
	s3 =	stileid.u32  }
0x5: {  	s15 =	simm.s32 $0x2;
	s16 =	simm.s32 $0x18700;
	s17 =	simm.s32 $0x18780  }
0x6: {  	s20 =	simm.s32 $0x10;
	s21 =	simm.s32 $0x1D880;
	s22 =	simm.s32 $0x1D900  }
0x7: {  	s23 =	simm.s32 $0x0;
	[smem:$0x7FF] =	sst s2;
	s4 =	sadd.s32 $0x680A00, s8  }
0x8: {  	s5 =	sadd.s32 $0x282E00, s8;
	s9 =	sand.u32 $0x1, s6;
	s6 =	smul.u32 $0xC38, s3  }
0x9: {  	s7 =	sadd.s32 $0x252000, s8;
	s13 =	smul.u32 $0x61C00, s3;
	s14 =	sadd.s32 $0xE22E00, s8  }
0xa: {  	s8 =	smul.u32 $0x186A0, s3;
	_ =	strace $0x80000053;
	s10 =	ssub.s32 $0x2, s9  }
0xb: {  	s19 =	smul.u32 $0xFFFF3CB0, s9;
	s12 =	sshrl.u32 s10, $0x1;
	s18 =	sadd.s32 $0xC30, s6  }
0xc: {  	v0 =	vlaneseq.u32;
	s11 =	smul.u32 $0x61C000, s9;
	s10 =	ssub.s32 s10, s12;
	s30 =	sshll.u32 s18, $0x7  }
0xd: {  	s12 =	simm.s32 $0x50;
	v1 =	vmov s19;
	v2 =	vadd.s32 s18, v0;
	s18 =	simm.s32 $0x18880;
	s19 =	simm.s32 $0x1  }
0xe: {  	s31 =	sadd.s32 s11, s30;
	s11 =	sadd.s32 s13, s11;
	s10 =	smax.u32 s10, $0x1  }
0xf: {  	s13 =	simm.s32 $0x18800;
	s9 =	sshrl.u32 s31, $0x3;
	s11 =	sshrl.u32 s11, $0x3  }
0x10: {  	v3 =	vimm.f32 $0.0e+00;
	v4 =	vor.u32 $0xC350, v0;
	v2 =	vmin.u32 v2, $0xC37F;
	s9 =	sadd.s32 s14, s9;
	s11 =	sadd.s32 s11, s14;
	s14 =	simm.s32 $0x1B080  }
.LBB2_1:
0x11: {  	s24 =	simm.s32 $0x0  }
.LBB2_2:
0x12: {  	p0 =	sne.s32 s24, $0x9E00  }
.Ltmp0:
0x13: {  	_ = 	snop;
	(pc) =	sbr.rel @p0 .LBB2_2-.Ltmp0, $4  }
0x14: {  	_ = 	snop  }
0x15: {  	s25 =	sshra.s32 s24, $0x2  }
0x16: {  	[tilespmem:s25+$0x1B080] =	vst v3  }
0x17: {  	s24 =	sadd.s32 $0x200, s24;
	[tilespmem:s25+$0x1B090] =	vst v3  }
0x18: {  	s24 =	sadd.s32 $0x0, s6  }
0x19: {  	v5 =	vadd.s32 s24, v0;
	s25 =	sadd.s32 $0x40, s24  }
0x1a: {  	s26 =	sadd.s32 $0x30, s24;
	vm0 =	vlt.s32 v5, $0xC37F;
	v7 =	vadd.s32 s25, v0  }
0x1b: {  	s28 =	sadd.s32 $0x20, s24;
	v6 =	vnsel vm0, $0xC37F, v5;
	v5 =	vadd.s32 s26, v0;
	vm1 =	vlt.s32 v7, $0xC37F  }
0x1c: {  	s25 =	sadd.s32 $0x10, s24;
	s24 =	simm.s32 $0x50;
	[tilespmem:$0x18800] =	vst v6;
	v6 =	vadd.s32 s28, v0;
	vm0 =	vlt.s32 v5, $0xC37F;
	v7 =	vnsel vm1, $0xC37F, v7  }
.LBB2_4:
0x1d: {  	p0 =	sne.s32 s24, $0xC30;
	v8 =	vadd.s32 s25, v0;
	vm1 =	vlt.s32 v6, $0xC37F;
	v5 =	vnsel vm0, $0xC37F, v5;
	[tilespmem:$0x18840] =	vst v7  }
0x1e: {  	vm0 =	vlt.s32 v8, $0xC37F;
	v6 =	vnsel vm1, $0xC37F, v6;
	[tilespmem:$0x18830] =	vst v5  }
0x1f: {  	s25 =	sadd.s32 s24, s6;
	v5 =	vnsel vm0, $0xC37F, v8;
	[tilespmem:$0x18820] =	vst v6  }
0x20: {  	[tilespmem:$0x18810] =	vst v5;
	[spmem:s1] =	stream.indirect.scatter [tilespmem:s14], [sflag:$0x2], $0x20, s13, s12, $0xb8  }
.Ltmp1:
0x21: {  	_ = 	snop;
	(pc) =	sbr.rel @p0 .LBB2_4-.Ltmp1, $4  }
0x22: {  	s26 =	sadd.s32 $0x40, s25;
	v5 =	vadd.s32 s25, v0;
	_ =	swait.ge [sflag:s15], $0xA00  }
0x23: {  	s28 =	sadd.s32 $0x30, s25;
	v7 =	vadd.s32 s26, v0;
	vm0 =	vlt.s32 v5, $0xC37F;
	[sflag:s15] =	ssyncset.done $0x0  }
0x24: {  	s26 =	sadd.s32 $0x20, s25;
	vm1 =	vlt.s32 v7, $0xC37F;
	v6 =	vnsel vm0, $0xC37F, v5;
	v5 =	vadd.s32 s28, v0;
	[sflag:s15] =	ssyncadd.s32 $0xFFFFF600  }
0x25: {  	s24 =	sadd.s32 $0x50, s24;
	s25 =	sadd.s32 $0x10, s25;
	v7 =	vnsel vm1, $0xC37F, v7;
	vm0 =	vlt.s32 v5, $0xC37F;
	[tilespmem:$0x18800] =	vst v6;
	v6 =	vadd.s32 s26, v0  }
0x26: {  	v8 =	vadd.s32 s25, v0;
	vm1 =	vlt.s32 v6, $0xC37F;
	v5 =	vnsel vm0, $0xC37F, v5;
	[tilespmem:$0x18840] =	vst v7  }
0x27: {  	vm15 =	vlt.s32 v8, $0xC37F;
	v6 =	vnsel vm1, $0xC37F, v6;
	[tilespmem:$0x18830] =	vst v5  }
0x28: {  	v5 =	vnsel vm15, $0xC37F, v8;
	[tilespmem:$0x18820] =	vst v6  }
0x29: {  	[tilespmem:$0x18810] =	vst v5  }
0x2a: {  	[spmem:s1] =	stream.indirect.scatter [tilespmem:s14], [sflag:$0x2], $0x20, s13, s12, $0xb8;
	[tilespmem:$0x1E100] =	vst v63  }
0x2b: {  	_ =	swait.ge [sflag:s15], $0xA00  }
0x2c: {  	[sflag:s15] =	ssyncset.done $0x0  }
0x2d: {  	[sflag:s15] =	ssyncadd.s32 $0xFFFFF600  }
0x2e: {  	s24 =	simm.s32 $0x0;
	s25 =	simm.s32 $0x0;
	[bflag:$0x0] =	sbarrier.arrive $0xFFFF  }
.LBB2_6:
0x2f: {  	s26 =	smul.u32 $0x50, s25;
	_ =	sdelay $0x1  }
0x30: {  	s26 =	sadd.s32 s8, s26  }
0x31: {  	s26 =	sshrl.u32 s26, $0x3  }
0x32: {  	s28 =	sadd.s32 s5, s26  }
0x33: {  	[tilespmem:s16], [sflag:$0x2] =	stream.linear.gather [hbm4b:s28+s24], $0x50, $0x38;
	[tilespmem:$0x1E100] =	vst v63  }
0x34: {  	_ =	swait.ge [sflag:s15], $0x50  }
0x35: {  	[sflag:s15] =	ssyncset.done $0x0  }
0x36: {  	s26 =	sadd.s32 s7, s26;
	[sflag:s15] =	ssyncadd.s32 $0xFFFFFFB0  }
0x37: {  	[tilespmem:s17], [sflag:$0x2] =	stream.linear.gather [hbm4b:s26+s24], $0x50, $0x38;
	[tilespmem:$0x1E100] =	vst v63  }
0x38: {  	_ =	swait.ge [sflag:s15], $0x50  }
0x39: {  	[sflag:s15] =	ssyncset.done $0x0  }
0x3a: {  	[sflag:s15] =	ssyncadd.s32 $0xFFFFFFB0  }
0x3b: {  	v5 =	vld [tilespmem:$0x18780]  }
0x3c: {  	v6 =	vld [tilespmem:$0x18790]  }
0x3d: {  	v7 =	vld [tilespmem:$0x187A0]  }
0x3e: {  	v8 =	vld [tilespmem:$0x187B0]  }
0x3f: {  	v9 =	vld [tilespmem:$0x187C0]  }
0x40: {  	v5 =	vadd.s32 v1, v5  }
0x41: {  	v6 =	vadd.s32 v1, v6;
	vm0 =	vlt.u32 v5, $0xC350  }
0x42: {  	v7 =	vadd.s32 v1, v7;
	vm12 =	vlt.u32 v6, $0xC350;
	v5 =	vsel vm0, v5, v4  }
0x43: {  	vm13 =	vlt.u32 v7, $0xC350;
	[tilespmem:$0x18800] =	vst v5;
	v5 =	vsel vm12, v6, v4;
	v6 =	vadd.s32 v1, v8  }
0x44: {  	[tilespmem:$0x18810] =	vst v5;
	v5 =	vsel vm13, v7, v4;
	vm14 =	vlt.u32 v6, $0xC350;
	v7 =	vadd.s32 v1, v9  }
0x45: {  	[tilespmem:$0x18820] =	vst v5;
	v5 =	vsel vm14, v6, v4;
	vm15 =	vlt.u32 v7, $0xC350  }
0x46: {  	[tilespmem:$0x18830] =	vst v5;
	v5 =	vsel vm15, v7, v4  }
0x47: {  	[tilespmem:$0x18840] =	vst v5  }
0x48: {  	[tilespmem:s18], [sflag:$0x1] =	stream.indirect.gather [hbm4b:s4+s12], $0x80, s16, s12, $0xb8;
	[tilespmem:$0x1E100] =	vst v63  }
0x49: {  	_ =	swait.ge [sflag:s19], $0x2800  }
0x4a: {  	[sflag:s19] =	ssyncset.done $0x0  }
0x4b: {  	s26 =	simm.s32 $0x0;
	[sflag:s19] =	ssyncadd.s32 $0xFFFFD800  }
0x4c: {  	v5 =	vld [tilespmem:s26+$0x18890]  }
0x4d: {  	s28 =	simm.s32 $0x200;
	v6 =	vld [tilespmem:s26+$0x18880]  }
.LBB2_7:
0x4e: {  	p0 =	sne.s32 s28, $0x9E00  }
.Ltmp2:
0x4f: {  	_ = 	snop;
	(pc) =	sbr.rel @p0 .LBB2_7-.Ltmp2, $4  }
0x50: {  	_ = 	snop  }
0x51: {  	s29 =	sshra.s32 s28, $0x2;
	s28 =	sadd.s32 $0x200, s28;
	[tilespmem:s26+$0x1B090] =	vst v5  }
0x52: {  	v5 =	vld [tilespmem:s29+$0x18890];
	[tilespmem:s26+$0x1B080] =	vst v6;
	s26 =	smov.u32 s29  }
0x53: {  	v6 =	vld [tilespmem:s26+$0x18880]  }
0x54: {  	_ =	sdelay $0x1  }
0x55: {  	s25 =	sadd.s32 $0x1, s25  }
0x56: {  	p0 =	sne.s32 s25, $0x4E2;
	[tilespmem:s26+$0x1B090] =	vst v5  }
.Ltmp3:
0x57: {  	[tilespmem:s26+$0x1B080] =	vst v6;
	(pc) =	sbr.rel @p0 .LBB2_6-.Ltmp3, $4  }
0x58: {  	[spmem:s1] =	stream.indirect.scatter.add.f32 [tilespmem:s14], [sflag:$0x2], $0x20, s13, s12, $0xb8;
	[tilespmem:$0x1E100] =	vst v63  }
0x59: {  	_ =	swait.ge [sflag:s15], $0xA00  }
0x5a: {  	[sflag:s15] =	ssyncset.done $0x0  }
0x5b: {  	[sflag:s15] =	ssyncadd.s32 $0xFFFFF600  }
0x5c: {  	s24 =	sadd.s32 $0x0, s6  }
0x5d: {  	[bflag:$0x0] =	sbarrier.arrive $0xFFFF;
	v5 =	vadd.s32 s24, v0;
	s25 =	sadd.s32 $0x10, s24  }
0x5e: {  	s26 =	sadd.s32 $0x40, s24;
	[tilespmem:$0x18800] =	vst v5;
	v5 =	vadd.s32 s25, v0  }
0x5f: {  	s31 =	sadd.s32 $0x30, s24;
	v6 =	vadd.s32 s26, v0;
	[tilespmem:$0x18810] =	vst v5  }
0x60: {  	s24 =	sadd.s32 $0x20, s24;
	v5 =	vadd.s32 s31, v0;
	[tilespmem:$0x18840] =	vst v6  }
0x61: {  	[tilespmem:$0x18830] =	vst v5;
	v5 =	vadd.s32 s24, v0  }
0x62: {  	[tilespmem:$0x18820] =	vst v5  }
0x63: {  	[tilespmem:s14], [sflag:$0x1] =	stream.indirect.gather [spmem:s1], $0x20, s13, s12, $0xb8;
	[tilespmem:$0x1E100] =	vst v63  }
0x64: {  	_ =	swait.ge [sflag:s19], $0xA00  }
0x65: {  	s25 =	sadd.s32 $0x500, s11;
	[sflag:s19] =	ssyncset.done $0x0  }
0x66: {  	s26 =	smov.u32 s11;
	s24 =	simm.s32 $0x50;
	[sflag:s19] =	ssyncadd.s32 $0xFFFFF600  }
.LBB2_10:
0x67: {  	[hbm4b:s26+s2] =	stream.linear.scatter [tilespmem:s14], [sflag:$0x2], $0x2800, $0x38;
	[tilespmem:$0x1E100] =	vst v63  }
0x68: {  	s28 =	smov.u32 s24;
	s26 =	smov.u32 s25  }
0x69: {  	p0 =	sne.s32 s24, $0xBE0;
	s24 =	sadd.s32 $0x50, s24;
	_ =	swait.ge [sflag:s15], $0x2800  }
0x6a: {  	s28 =	sadd.s32 s28, s6;
	[sflag:s15] =	ssyncset.done $0x0  }
0x6b: {  	v5 =	vadd.s32 s28, v0;
	s29 =	sadd.s32 $0x10, s28;
	s30 =	sadd.s32 $0x20, s28;
	[sflag:s15] =	ssyncadd.s32 $0xFFFFD800  }
0x6c: {  	v6 =	vadd.s32 s30, v0;
	[tilespmem:$0x18800] =	vst v5;
	v5 =	vadd.s32 s29, v0;
	s29 =	sadd.s32 $0x30, s28;
	s28 =	sadd.s32 $0x40, s28  }
0x6d: {  	[tilespmem:$0x18810] =	vst v5;
	v5 =	vadd.s32 s29, v0;
	v7 =	vadd.s32 s28, v0  }
0x6e: {  	[tilespmem:$0x18830] =	vst v5  }
0x6f: {  	[tilespmem:$0x18840] =	vst v7  }
.Ltmp4:
0x70: {  	[tilespmem:$0x18820] =	vst v6;
	(pc) =	sbr.rel @p0 .LBB2_10-.Ltmp4, $4  }
0x71: {  	[tilespmem:s14], [sflag:$0x1] =	stream.indirect.gather [spmem:s1], $0x20, s13, s12, $0xb8;
	[tilespmem:$0x1E100] =	vst v63  }
0x72: {  	_ =	swait.ge [sflag:s19], $0xA00  }
0x73: {  	[sflag:s19] =	ssyncset.done $0x0  }
0x74: {  	s25 =	sadd.s32 $0x500, s25;
	[sflag:s19] =	ssyncadd.s32 $0xFFFFF600  }
0x75: {  	[hbm4b:s26+s2] =	stream.linear.scatter [tilespmem:s14], [sflag:$0x2], $0x2800, $0x38;
	[tilespmem:$0x1E100] =	vst v63  }
0x76: {  	_ =	swait.ge [sflag:s15], $0x2800  }
0x77: {  	[sflag:s15] =	ssyncset.done $0x0  }
0x78: {  	[sflag:s15] =	ssyncadd.s32 $0xFFFFD800  }
0x79: {  	[tilespmem:$0x1D880] =	vst v2  }
0x7a: {  	[tilespmem:s22], [sflag:$0x1] =	stream.indirect.gather [spmem:s1], $0x20, s21, s20, $0xb8;
	[tilespmem:$0x1E100] =	vst v63  }
0x7b: {  	s23 =	sadd.s32 $0x1, s23;
	_ =	swait.ge [sflag:s19], $0x200  }
0x7c: {  	p0 =	sne.s32 s23, s10;
	[sflag:s19] =	ssyncset.done $0x0  }
.Ltmp5:
0x7d: {  	[sflag:s19] =	ssyncadd.s32 $0xFFFFFE00;
	(pc) =	sbr.rel @p0 .LBB2_1-.Ltmp5, $4  }
0x7e: {  	[hbm4b:s9+s2] =	stream.linear.scatter [tilespmem:s22], [sflag:$0x2], $0x400, $0x38;
	[tilespmem:$0x1E100] =	vst v63  }
0x7f: {  	_ =	swait.ge [sflag:s15], $0x400  }
0x80: {  	[sflag:s15] =	ssyncset.done $0x0  }
0x81: {  	[sflag:s15] =	ssyncadd.s32 $0xFFFFFC00  }
0x82: {  	_ =	sfence.sel $0x180000  }
0x83: {  	[bflag:$0x0] =	sbarrier.arrive $0xFFFF  }
0x84: {  	p0 =	sne.s32 s3, $0x0;
	_ =	strace $0x90000053  }
0x85: {  	s0 =	sadd.s32 @!p0 $0x100000, s0;
	[bflag:$0x2] =	sbarrier.arrive $0xFFFF  }
0x86: {  	[sflag:s0] =	ssyncadd.tile.s32 @!p0 $0x1;
	_ =	shalt  }
.Lfunc_end2:
_tile_overlayer_lowered:
.L_overlay_start_2:
0x87: {  	(tag) =	ssettag $0x2  }
0x88: {  	s0 =	rddreg [dreg:$0x0];
	s2 =	stileid.u32  }
0x89: {  	s1 =	rddreg [dreg:$0x1];
	p0 =	sne.s32 s2, $0x0  }
0x8a: {  	s3 =	rddreg [dreg:$0x2];
	[bflag:$0x3] =	sbarrier.arrive $0xFFFF;
	s2 =	simm.s32 @!p0 $0x1C02  }
0x8b: {  	[timem:s3], [sflag:s2] =	dma.local @!p0 [hbm:s0], s1  }
0x8c: {  	s0 =	simm.s32 @!p0 $0x2  }
0x8d: {  	_ =	swait.ge @!p0 [sflag:s0], s1  }
0x8e: {  	s1 =	ssub.s32 @!p0 $0x0, s1;
	[sflag:s0] =	ssyncset.done @!p0 $0x0  }
0x8f: {  	[sflag:s0] =	ssyncadd.s32 @!p0 s1  }
0x90: {  	[bflag:$0x3] =	sbarrier.arrive $0xFFFF  }
0x91: {  	_ =	shalt  }

// kernel: kernel.16.cloned.1.call-start
scs
__scs_entry_jumppad:
0x0: {  	(pc) =	sbr.rel $0x88, $3  }
0x1: {  	(tag) =	ssettag $0x0;
	lr =	simm.s32 $0x1  }
0x2: {  	[smem:$0x3F8F] =	sst lr;
	_ =	strace $0xD0000000  }
0x3: {  	_ = 	snop  }
0x4: {  	_ = 	snop  }
0x5: {  	_ = 	snop  }
0x6: {  	_ = 	snop  }
0x7: {  	_ = 	snop  }
__scs_overlays_trampoline_lowered:
0x8: {  	[smem:$0x3F9E] =	sst s0  }
0x9: {  	[smem:$0x3F9F] =	sst s1  }
0xa: {  	[smem:$0x3FA0] =	sst s2  }
0xb: {  	[smem:$0x3FA1] =	sst s3  }
0xc: {  	[smem:$0x3FA2] =	sst s4  }
0xd: {  	[smem:$0x3FA3] =	sst s5  }
0xe: {  	[smem:$0x3FA4] =	sst s6  }
0xf: {  	[smem:$0x3FA5] =	sst s7  }
0x10: {  	[smem:$0x3FA6] =	sst s8  }
0x11: {  	[smem:$0x3FA7] =	sst s9;
	s0 =	simm.s32 @!p0 $0x0  }
0x12: {  	s1 =	sld [smem:$0x3F8D];
	s0 =	simm.s32 @p0 $0x1  }
0x13: {  	[smem:$0x3FA8] =	sst s0;
	s0 =	simm.s32 @!p1 $0x0  }
0x14: {  	s2 =	sld [smem:$0x3F8C];
	s0 =	simm.s32 @p1 $0x1  }
0x15: {  	[smem:$0x3FA9] =	sst s0;
	s0 =	simm.s32 @!p2 $0x0  }
0x16: {  	s3 =	sld [smem:$0x3FDB];
	s0 =	simm.s32 @p2 $0x1  }
0x17: {  	s4 =	simm.s32 $0x1BF5;
	[smem:$0x3FAB] =	sst s0  }
0x18: {  	s0 =	sld [smem:$0x3F8E];
	_ =	swait.ge [sflag:s4], $0x0  }
0x19: {  	s7 =	sld [smem:$0x3F8F]  }
0x1a: {  	s8 =	sadd.s32 $0xFFFFE003, lr  }
0x1b: {  	s9 =	sadd.s32 $0xFFFFFEF7, lr;
	s5 =	simm.s32 $0xFFFFFFFF;
	p2 =	slt.u32 s8, $0xFFFFF086  }
0x1c: {  	p1 =	slt.u32 s9, $0xF7A;
	s5 =	simm.s32 @!p2 $0x0  }
0x1d: {  	s5 =	simm.s32 @p1 $0x1;
	p0 =	seq.s32 s7, s2  }
0x1e: {  	s7 =	smul.u32 @!p0 $0xF7A, s2;
	p2 =	seq.s32 @!p0 s5, $0x0  }
0x1f: {  	s9 =	smul.u32 $0xF7A, s1;
	s8 =	simm.s32 @!p0 $0x1BF5;
	p2 =	por !p2, p0  }
0x20: {  	[sflag:s8] =	ssyncset.s32 @!p0 $0xFFFFF086;
	s6 =	sadd.s32 @!p0 s3, s7;
	s7 =	simm.s32 @!p0 $0x108  }
0x21: {  	s3 =	sadd.s32 s3, s9;
	s6 =	sadd.s32 @!p0 $0x88, s6;
	s7 =	simm.s32 @p2 $0x1082  }
0x22: {  	[simem:s7], [sflag:s8] =	dma.local @!p0 [hbm:s6], $0xF7A  }
0x23: {  	s9 =	sor.u32 $0xD0000000, s2;
	s6 =	simm.s32 $0x108;
	_ =	swait.ge @!p0 [sflag:s8], $0x0  }
0x24: {  	s3 =	sadd.s32 $0x88, s3;
	s6 =	simm.s32 @!p1 $0x1082;
	[sflag:s4] =	ssyncset.s32 $0xFFFFF086  }
0x25: {  	[simem:s6], [sflag:s4] =	dma.local [hbm:s3], $0xF7A  }
0x26: {  	[smem:$0x3F8F] =	sst s1;
	(tag) =	ssettag s2;
	_ =	strace s9  }
0x27: {  	s1 =	sld [smem:$0x3F9F]  }
0x28: {  	s2 =	sld [smem:$0x3FA0]  }
0x29: {  	s4 =	sld [smem:$0x3FA2]  }
0x2a: {  	p0 =	seq.s32 s5, $0x0;
	s5 =	sld [smem:$0x3FA3]  }
0x2b: {  	s6 =	sld [smem:$0x3FA4]  }
0x2c: {  	s7 =	sld [smem:$0x3FA5]  }
0x2d: {  	s3 =	simm.s32 $0x108;
	s8 =	sld [smem:$0x3FA6]  }
0x2e: {  	s3 =	simm.s32 @!p0 $0x1082;
	s9 =	sld [smem:$0x3FA7]  }
0x2f: {  	lr =	sadd.s32 s0, s3;
	s0 =	sld [smem:$0x3F9E]  }
0x30: {  	s3 =	sld [smem:$0x3FA1]  }
0x31: {  	[smem:$0x3FAA] =	sst s10  }
0x32: {  	s10 =	sld [smem:$0x3FA8];
	_ =	sdelay $0x3  }
0x33: {  	p0 =	seq.s32 s10, $0x1;
	s10 =	sld [smem:$0x3FAA];
	_ =	sdelay $0x3  }
0x34: {  	[smem:$0x3FAA] =	sst s10  }
0x35: {  	s10 =	sld [smem:$0x3FA9];
	_ =	sdelay $0x3  }
0x36: {  	p1 =	seq.s32 s10, $0x1;
	s10 =	sld [smem:$0x3FAA];
	_ =	sdelay $0x3  }
0x37: {  	[smem:$0x3FAA] =	sst s10  }
0x38: {  	s10 =	sld [smem:$0x3FAB]  }
0x39: {  	_ = 	snop;
	(pc) =	sbr.ind lr, $3  }
0x3a: {  	_ = 	snop  }
0x3b: {  	_ = 	snop  }
0x3c: {  	p2 =	seq.s32 s10, $0x1;
	s10 =	sld [smem:$0x3FAA]  }
0x3d: {  	_ =	shalt  }
0x3e: {  	_ =	shalt  }
0x3f: {  	_ =	shalt  }
0x40: {  	_ =	shalt  }
0x41: {  	_ =	shalt  }
0x42: {  	_ =	shalt  }
0x43: {  	_ =	shalt  }
0x44: {  	_ =	shalt  }
0x45: {  	_ =	shalt  }
0x46: {  	_ =	shalt  }
0x47: {  	_ =	shalt  }
0x48: {  	_ =	shalt  }
0x49: {  	_ =	shalt  }
0x4a: {  	_ =	shalt  }
0x4b: {  	_ =	shalt  }
0x4c: {  	_ =	shalt  }
0x4d: {  	_ =	shalt  }
0x4e: {  	_ =	shalt  }
0x4f: {  	_ =	shalt  }
0x50: {  	_ =	shalt  }
0x51: {  	_ =	shalt  }
0x52: {  	_ =	shalt  }
0x53: {  	_ =	shalt  }
0x54: {  	_ =	shalt  }
0x55: {  	_ =	shalt  }
0x56: {  	_ =	shalt  }
0x57: {  	_ =	shalt  }
0x58: {  	_ =	shalt  }
0x59: {  	_ =	shalt  }
0x5a: {  	_ =	shalt  }
0x5b: {  	_ =	shalt  }
0x5c: {  	_ =	shalt  }
0x5d: {  	_ =	shalt  }
0x5e: {  	_ =	shalt  }
0x5f: {  	_ =	shalt  }
0x60: {  	_ =	shalt  }
0x61: {  	_ =	shalt  }
0x62: {  	_ =	shalt  }
0x63: {  	_ =	shalt  }
0x64: {  	_ =	shalt  }
0x65: {  	_ =	shalt  }
0x66: {  	_ =	shalt  }
0x67: {  	_ =	shalt  }
0x68: {  	_ =	shalt  }
0x69: {  	_ =	shalt  }
0x6a: {  	_ =	shalt  }
0x6b: {  	_ =	shalt  }
0x6c: {  	_ =	shalt  }
0x6d: {  	_ =	shalt  }
0x6e: {  	_ =	shalt  }
0x6f: {  	_ =	shalt  }
0x70: {  	_ =	shalt  }
0x71: {  	_ =	shalt  }
0x72: {  	_ =	shalt  }
0x73: {  	_ =	shalt  }
0x74: {  	_ =	shalt  }
0x75: {  	_ =	shalt  }
0x76: {  	_ =	shalt  }
0x77: {  	_ =	shalt  }
0x78: {  	_ =	shalt  }
0x79: {  	_ =	shalt  }
0x7a: {  	_ =	shalt  }
0x7b: {  	_ =	shalt  }
0x7c: {  	_ =	shalt  }
0x7d: {  	_ =	shalt  }
0x7e: {  	_ =	shalt  }
0x7f: {  	_ =	shalt  }
0x80: {  	_ =	shalt  }
0x81: {  	_ =	shalt  }
0x82: {  	_ =	shalt  }
0x83: {  	_ =	shalt  }
0x84: {  	_ =	shalt  }
0x85: {  	_ =	shalt  }
0x86: {  	_ =	shalt  }
0x87: {  	_ =	shalt  }
.Lfunc_end0:
.L_simem_size_0:
called_computation.2_lowered:
.L_overlay_start_0:
0x88: {  	s2 =	sld [smem:$0x3FD9]  }
0x89: {  	s3 =	sld [smem:$0x3FFE];
	_ =	sdelay $0x1  }
0x8a: {  	s1 =	srdreg.scid  }
0x8b: {  	s0 =	sand.u32 $0x1, s1  }
0x8c: {  	s17 =	sshll.u32 s0, $0xA;
	s2 =	sadd.s32 s3, s2  }
0x8d: {  	s2 =	sadd.s32 s2, s17  }
0x8e: {  	[smem:$0x3FB6] =	sst s2  }
0x8f: {  	_ = 	snop  }
0x90: {  	(tm) =	ssettm $0x1  }
0x91: {  	s18 =	sld [smem:$0x3FFB];
	_ =	sdelay $0x3  }
0x92: {  	_ =	strace s18  }
0x93: {  	s2 =	sld [smem:$0x3FFC];
	_ =	sdelay $0x3  }
0x94: {  	_ =	strace s2  }
0x95: {  	s2 =	sld [smem:$0x3FFD];
	_ =	sdelay $0x3  }
0x96: {  	_ =	strace s2  }
0x97: {  	_ =	strace $0x8FFFFFFF  }
0x98: {  	s19 =	sld [smem:$0x3FDB];
	_ =	sdelay $0x1  }
0x99: {  	s20 =	simm.s32 $_scs_section_size  }
0x9a: {  	s4 =	simm.s32 $_size__tile_overlayer_lowered;
	s5 =	simm.s32 $_tile_overlayer_lowered  }
0x9b: {  	s6 =	simm.s32 $0x1BFF;
	s21 =	sshll.u32 s5, $0x1;
	s3 =	sadd.s32 s20, s19  }
0x9c: {  	s22 =	simm.s32 $0x0;
	s4 =	sshll.u32 s4, $0x1;
	s5 =	sadd.s32 s21, s3  }
0x9d: {  	[timem:s22], [sflag:s6] =	dma.local [hbm:s5], s4  }
0x9e: {  	_ =	swait.ge [sflag:s6], s4  }
0x9f: {  	s4 =	ssub.s32 $0x0, s4;
	[sflag:s6] =	ssyncset.done $0x0  }
0xa0: {  	[sflag:s6] =	ssyncadd.s32 s4;
	_ =	sdelay $0x1  }
0xa1: {  	s23 =	simm.s32 $0x1B8B  }
0xa2: {  	_ =	swait.ge [sflag:s23], $0x1  }
0xa3: {  	[sflag:s23] =	ssyncset.done $0x0  }
0xa4: {  	[sflag:s23] =	ssyncadd.s32 $0xFFFFFFFF  }
0xa5: {  	s4 =	sld [smem:$0x0]  }
0xa6: {  	s5 =	sand.u32 $0xFFFFFFFE, s1  }
0xa7: {  	p0 =	sne.s32 s1, s5  }
0xa8: {  	s5 =	sshll.u32 @p0 s5, $0xE  }
0xa9: {  	s5 =	sadd.s32 @p0 $0x11B8D, s5;
	s6 =	sshll.u32 @p0 s4, $0x11  }
0xaa: {  	s5 =	sor.u32 @p0 s6, s5  }
0xab: {  	[sflag:s5] =	ssyncadd.remote.s32 @p0 $0x1;
	_ =	sdelay $0x1  }
0xac: {  	s5 =	simm.s32 @p0 $0x1B8D  }
0xad: {  	_ =	swait.eq @p0 [sflag:s5], $0x1  }
0xae: {  	[sflag:s5] =	ssyncadd.s32 @p0 $0xFFFFFFFF  }
0xaf: {  	s6 =	sshll.u32 @!p0 s1, $0xE  }
0xb0: {  	s6 =	sor.u32 @!p0 $0x4000, s6;
	s5 =	simm.s32 @!p0 $0x1B8D  }
0xb1: {  	s4 =	sshll.u32 @!p0 s4, $0x11;
	s6 =	sadd.s32 @!p0 $0x11B8D, s6;
	_ =	swait.eq @!p0 [sflag:s5], $0x1  }
0xb2: {  	s4 =	sor.u32 @!p0 s4, s6;
	[sflag:s5] =	ssyncadd.s32 @!p0 $0xFFFFFFFF  }
0xb3: {  	s25 =	simm.s32 $0x1B8E;
	s24 =	sld [smem:$0x3FFE];
	[sflag:s4] =	ssyncadd.remote.s32 @!p0 $0x1  }
0xb4: {  	s26 =	simm.s32 $execute0_lowered;
	[smem:$0x3FD2] =	sst s25  }
0xb5: {  	s5 =	sshll.u32 s26, $0x1;
	_ =	strace $0x8000004F;
	[dreg:$0x1] =	wrdreg $0xFFFFFFFF  }
0xb6: {  	s28 =	simm.s32 $_size_execute0_lowered;
	s3 =	sadd.s32 s3, s5;
	[dreg:$0x0] =	wrdreg $0x0  }
0xb7: {  	s5 =	sshll.u32 s28, $0x1;
	[dreg:$0x2] =	wrdreg s3  }
0xb8: {  	[dreg:$0x3] =	wrdreg s5  }
0xb9: {  	[dreg:$0x4] =	wrdreg $0xC0  }
0xba: {  	_ =	task [dreg:s22], $0x5FFFF  }
0xbb: {  	[dreg:$0x1] =	wrdreg $0xFFFFFFFF  }
0xbc: {  	[dreg:$0x0] =	wrdreg $0x60  }
0xbd: {  	[dreg:$0x2] =	wrdreg s24  }
0xbe: {  	[dreg:$0x3] =	wrdreg $0x0  }
0xbf: {  	[dreg:$0x4] =	wrdreg $0xB  }
0xc0: {  	_ =	task.clear_ibuf [dreg:s22], $0x5FFFF;
	_ =	strace $0x9000004F  }
0xc1: {  	s29 =	simm.s32 $0xB;
	_ =	strace $0x80000051  }
0xc2: {  	_ =	swait.ge [sflag:s29], $0x1  }
0xc3: {  	[sflag:s29] =	ssyncadd.s32 $0xFFFFFFFF  }
0xc4: {  	_ =	strace $0x90000051  }
0xc5: {  	_ =	sfence  }
0xc6: {  	s30 =	sld [smem:$0x0];
	_ =	sdelay $0x2  }
0xc7: {  	s31 =	sshll.u32 s1, $0xD;
	s1 =	sshrl.u32 s1, $0x2  }
0xc8: {  	s4 =	sand.u32 $0x4000, s31;
	s1 =	sadd.s32 s1, s30  }
0xc9: {  	s0 =	sor.u32 s4, s0;
	s1 =	sshll.u32 s1, $0x11  }
0xca: {  	s0 =	sor.u32 s1, s0  }
0xcb: {  	s0 =	sadd.s32 $0x8F2B, s0  }
0xcc: {  	[sflag:s0] =	ssyncadd.remote.s32 $0x1  }
0xcd: {  	_ =	sfence.sel $0xFFFF  }
0xce: {  	[dreg:$0x0] =	wrdreg $0xFFFFFFFF;
	(pc) =	sbr.abs _section_cstart, $3  }
0xcf: {  	[dreg:$0x1] =	wrdreg $0xFFFFFFFF  }
0xd0: {  	_ =	task.clear_ibuf [dreg:s22], $0x2FFFF;
	_ =	strace $0x9FFFFFFF  }
0xd1: {  	(tm) =	ssettm $0x7FFFFFFF  }
tec
execute0_lowered:
.L_overlay_start_1:
0x0: {  	(tag) =	ssettag $0x1  }
0x1: {  	s8 =	rddreg [dreg:$0x0]  }
0x2: {  	s1 =	rddreg [dreg:$0x1]  }
0x3: {  	s0 =	rddreg [dreg:$0x2]  }
0x4: {  	s2 =	simm.s32 $0x0;
	s6 =	srdreg.scid;
	s3 =	stileid.u32  }
0x5: {  	s15 =	simm.s32 $0x2;
	s16 =	simm.s32 $0x18700;
	s17 =	simm.s32 $0x18780  }
0x6: {  	s20 =	simm.s32 $0x10;
	s21 =	simm.s32 $0x1D880;
	s22 =	simm.s32 $0x1D900  }
0x7: {  	s23 =	simm.s32 $0x0;
	s4 =	sadd.s32 $0x680A00, s8;
	s5 =	sadd.s32 $0x1BF600, s8  }
0x8: {  	s9 =	sand.u32 $0x1, s6;
	s6 =	smul.u32 $0xC38, s3;
	s7 =	sadd.s32 $0x18E800, s8  }
0x9: {  	[smem:$0x7FF] =	sst s2;
	s13 =	smul.u32 $0x61C00, s3;
	s14 =	sadd.s32 $0xC9BE00, s8  }
0xa: {  	s8 =	smul.u32 $0x186A0, s3;
	_ =	strace $0x80000050;
	s10 =	ssub.s32 $0x2, s9  }
0xb: {  	s19 =	smul.u32 $0xFFFF3CB0, s9;
	s12 =	sshrl.u32 s10, $0x1;
	s18 =	sadd.s32 $0xC30, s6  }
0xc: {  	v0 =	vlaneseq.u32;
	s11 =	smul.u32 $0x61C000, s9;
	s10 =	ssub.s32 s10, s12;
	s30 =	sshll.u32 s18, $0x7  }
0xd: {  	s12 =	simm.s32 $0x50;
	v1 =	vmov s19;
	v2 =	vadd.s32 s18, v0;
	s18 =	simm.s32 $0x18880;
	s19 =	simm.s32 $0x1  }
0xe: {  	s31 =	sadd.s32 s11, s30;
	s11 =	sadd.s32 s13, s11;
	s10 =	smax.u32 s10, $0x1  }
0xf: {  	s13 =	simm.s32 $0x18800;
	s9 =	sshrl.u32 s31, $0x3;
	s11 =	sshrl.u32 s11, $0x3  }
0x10: {  	v3 =	vimm.f32 $0.0e+00;
	v4 =	vor.u32 $0xC350, v0;
	v2 =	vmin.u32 v2, $0xC37F;
	s9 =	sadd.s32 s14, s9;
	s11 =	sadd.s32 s11, s14;
	s14 =	simm.s32 $0x1B080  }
.LBB2_1:
0x11: {  	s24 =	simm.s32 $0x0  }
.LBB2_2:
0x12: {  	p0 =	sne.s32 s24, $0x9E00  }
.Ltmp0:
0x13: {  	_ = 	snop;
	(pc) =	sbr.rel @p0 .LBB2_2-.Ltmp0, $4  }
0x14: {  	_ = 	snop  }
0x15: {  	s25 =	sshra.s32 s24, $0x2  }
0x16: {  	[tilespmem:s25+$0x1B080] =	vst v3  }
0x17: {  	s24 =	sadd.s32 $0x200, s24;
	[tilespmem:s25+$0x1B090] =	vst v3  }
0x18: {  	s24 =	sadd.s32 $0x0, s6  }
0x19: {  	v5 =	vadd.s32 s24, v0;
	s25 =	sadd.s32 $0x40, s24  }
0x1a: {  	s26 =	sadd.s32 $0x30, s24;
	vm0 =	vlt.s32 v5, $0xC37F;
	v7 =	vadd.s32 s25, v0  }
0x1b: {  	s28 =	sadd.s32 $0x20, s24;
	v6 =	vnsel vm0, $0xC37F, v5;
	v5 =	vadd.s32 s26, v0;
	vm1 =	vlt.s32 v7, $0xC37F  }
0x1c: {  	s25 =	sadd.s32 $0x10, s24;
	s24 =	simm.s32 $0x50;
	[tilespmem:$0x18800] =	vst v6;
	v6 =	vadd.s32 s28, v0;
	vm0 =	vlt.s32 v5, $0xC37F;
	v7 =	vnsel vm1, $0xC37F, v7  }
.LBB2_4:
0x1d: {  	p0 =	sne.s32 s24, $0xC30;
	v8 =	vadd.s32 s25, v0;
	vm1 =	vlt.s32 v6, $0xC37F;
	v5 =	vnsel vm0, $0xC37F, v5;
	[tilespmem:$0x18840] =	vst v7  }
0x1e: {  	vm0 =	vlt.s32 v8, $0xC37F;
	v6 =	vnsel vm1, $0xC37F, v6;
	[tilespmem:$0x18830] =	vst v5  }
0x1f: {  	s25 =	sadd.s32 s24, s6;
	v5 =	vnsel vm0, $0xC37F, v8;
	[tilespmem:$0x18820] =	vst v6  }
0x20: {  	[tilespmem:$0x18810] =	vst v5;
	[spmem:s1] =	stream.indirect.scatter [tilespmem:s14], [sflag:$0x2], $0x20, s13, s12, $0xb8  }
.Ltmp1:
0x21: {  	_ = 	snop;
	(pc) =	sbr.rel @p0 .LBB2_4-.Ltmp1, $4  }
0x22: {  	s26 =	sadd.s32 $0x40, s25;
	v5 =	vadd.s32 s25, v0;
	_ =	swait.ge [sflag:s15], $0xA00  }
0x23: {  	s28 =	sadd.s32 $0x30, s25;
	v7 =	vadd.s32 s26, v0;
	vm0 =	vlt.s32 v5, $0xC37F;
	[sflag:s15] =	ssyncset.done $0x0  }
0x24: {  	s26 =	sadd.s32 $0x20, s25;
	vm1 =	vlt.s32 v7, $0xC37F;
	v6 =	vnsel vm0, $0xC37F, v5;
	v5 =	vadd.s32 s28, v0;
	[sflag:s15] =	ssyncadd.s32 $0xFFFFF600  }
0x25: {  	s24 =	sadd.s32 $0x50, s24;
	s25 =	sadd.s32 $0x10, s25;
	v7 =	vnsel vm1, $0xC37F, v7;
	vm0 =	vlt.s32 v5, $0xC37F;
	[tilespmem:$0x18800] =	vst v6;
	v6 =	vadd.s32 s26, v0  }
0x26: {  	v8 =	vadd.s32 s25, v0;
	vm1 =	vlt.s32 v6, $0xC37F;
	v5 =	vnsel vm0, $0xC37F, v5;
	[tilespmem:$0x18840] =	vst v7  }
0x27: {  	vm15 =	vlt.s32 v8, $0xC37F;
	v6 =	vnsel vm1, $0xC37F, v6;
	[tilespmem:$0x18830] =	vst v5  }
0x28: {  	v5 =	vnsel vm15, $0xC37F, v8;
	[tilespmem:$0x18820] =	vst v6  }
0x29: {  	[tilespmem:$0x18810] =	vst v5  }
0x2a: {  	[spmem:s1] =	stream.indirect.scatter [tilespmem:s14], [sflag:$0x2], $0x20, s13, s12, $0xb8;
	[tilespmem:$0x1E100] =	vst v63  }
0x2b: {  	_ =	swait.ge [sflag:s15], $0xA00  }
0x2c: {  	[sflag:s15] =	ssyncset.done $0x0  }
0x2d: {  	[sflag:s15] =	ssyncadd.s32 $0xFFFFF600  }
0x2e: {  	s24 =	simm.s32 $0x0;
	s25 =	simm.s32 $0x0;
	[bflag:$0x0] =	sbarrier.arrive $0xFFFF  }
.LBB2_6:
0x2f: {  	s26 =	smul.u32 $0x50, s25;
	_ =	sdelay $0x1  }
0x30: {  	s26 =	sadd.s32 s8, s26  }
0x31: {  	s26 =	sshrl.u32 s26, $0x3  }
0x32: {  	s28 =	sadd.s32 s5, s26  }
0x33: {  	[tilespmem:s16], [sflag:$0x2] =	stream.linear.gather [hbm4b:s28+s24], $0x50, $0x38;
	[tilespmem:$0x1E100] =	vst v63  }
0x34: {  	_ =	swait.ge [sflag:s15], $0x50  }
0x35: {  	[sflag:s15] =	ssyncset.done $0x0  }
0x36: {  	s26 =	sadd.s32 s7, s26;
	[sflag:s15] =	ssyncadd.s32 $0xFFFFFFB0  }
0x37: {  	[tilespmem:s17], [sflag:$0x2] =	stream.linear.gather [hbm4b:s26+s24], $0x50, $0x38;
	[tilespmem:$0x1E100] =	vst v63  }
0x38: {  	_ =	swait.ge [sflag:s15], $0x50  }
0x39: {  	[sflag:s15] =	ssyncset.done $0x0  }
0x3a: {  	[sflag:s15] =	ssyncadd.s32 $0xFFFFFFB0  }
0x3b: {  	v5 =	vld [tilespmem:$0x18780]  }
0x3c: {  	v6 =	vld [tilespmem:$0x18790]  }
0x3d: {  	v7 =	vld [tilespmem:$0x187A0]  }
0x3e: {  	v8 =	vld [tilespmem:$0x187B0]  }
0x3f: {  	v9 =	vld [tilespmem:$0x187C0]  }
0x40: {  	v5 =	vadd.s32 v1, v5  }
0x41: {  	v6 =	vadd.s32 v1, v6;
	vm0 =	vlt.u32 v5, $0xC350  }
0x42: {  	v7 =	vadd.s32 v1, v7;
	vm12 =	vlt.u32 v6, $0xC350;
	v5 =	vsel vm0, v5, v4  }
0x43: {  	vm13 =	vlt.u32 v7, $0xC350;
	[tilespmem:$0x18800] =	vst v5;
	v5 =	vsel vm12, v6, v4;
	v6 =	vadd.s32 v1, v8  }
0x44: {  	[tilespmem:$0x18810] =	vst v5;
	v5 =	vsel vm13, v7, v4;
	vm14 =	vlt.u32 v6, $0xC350;
	v7 =	vadd.s32 v1, v9  }
0x45: {  	[tilespmem:$0x18820] =	vst v5;
	v5 =	vsel vm14, v6, v4;
	vm15 =	vlt.u32 v7, $0xC350  }
0x46: {  	[tilespmem:$0x18830] =	vst v5;
	v5 =	vsel vm15, v7, v4  }
0x47: {  	[tilespmem:$0x18840] =	vst v5  }
0x48: {  	[tilespmem:s18], [sflag:$0x1] =	stream.indirect.gather [hbm4b:s4+s12], $0x80, s16, s12, $0xb8;
	[tilespmem:$0x1E100] =	vst v63  }
0x49: {  	_ =	swait.ge [sflag:s19], $0x2800  }
0x4a: {  	[sflag:s19] =	ssyncset.done $0x0  }
0x4b: {  	s26 =	simm.s32 $0x0;
	[sflag:s19] =	ssyncadd.s32 $0xFFFFD800  }
0x4c: {  	v5 =	vld [tilespmem:s26+$0x18890]  }
0x4d: {  	s28 =	simm.s32 $0x200;
	v6 =	vld [tilespmem:s26+$0x18880]  }
.LBB2_7:
0x4e: {  	p0 =	sne.s32 s28, $0x9E00  }
.Ltmp2:
0x4f: {  	_ = 	snop;
	(pc) =	sbr.rel @p0 .LBB2_7-.Ltmp2, $4  }
0x50: {  	_ = 	snop  }
0x51: {  	s29 =	sshra.s32 s28, $0x2;
	s28 =	sadd.s32 $0x200, s28;
	[tilespmem:s26+$0x1B090] =	vst v5  }
0x52: {  	v5 =	vld [tilespmem:s29+$0x18890];
	[tilespmem:s26+$0x1B080] =	vst v6;
	s26 =	smov.u32 s29  }
0x53: {  	v6 =	vld [tilespmem:s26+$0x18880]  }
0x54: {  	_ =	sdelay $0x1  }
0x55: {  	s25 =	sadd.s32 $0x1, s25  }
0x56: {  	p0 =	sne.s32 s25, $0x4E2;
	[tilespmem:s26+$0x1B090] =	vst v5  }
.Ltmp3:
0x57: {  	[tilespmem:s26+$0x1B080] =	vst v6;
	(pc) =	sbr.rel @p0 .LBB2_6-.Ltmp3, $4  }
0x58: {  	[spmem:s1] =	stream.indirect.scatter.add.f32 [tilespmem:s14], [sflag:$0x2], $0x20, s13, s12, $0xb8;
	[tilespmem:$0x1E100] =	vst v63  }
0x59: {  	_ =	swait.ge [sflag:s15], $0xA00  }
0x5a: {  	[sflag:s15] =	ssyncset.done $0x0  }
0x5b: {  	[sflag:s15] =	ssyncadd.s32 $0xFFFFF600  }
0x5c: {  	s24 =	sadd.s32 $0x0, s6  }
0x5d: {  	[bflag:$0x0] =	sbarrier.arrive $0xFFFF;
	v5 =	vadd.s32 s24, v0;
	s25 =	sadd.s32 $0x10, s24  }
0x5e: {  	s26 =	sadd.s32 $0x40, s24;
	[tilespmem:$0x18800] =	vst v5;
	v5 =	vadd.s32 s25, v0  }
0x5f: {  	s31 =	sadd.s32 $0x30, s24;
	v6 =	vadd.s32 s26, v0;
	[tilespmem:$0x18810] =	vst v5  }
0x60: {  	s24 =	sadd.s32 $0x20, s24;
	v5 =	vadd.s32 s31, v0;
	[tilespmem:$0x18840] =	vst v6  }
0x61: {  	[tilespmem:$0x18830] =	vst v5;
	v5 =	vadd.s32 s24, v0  }
0x62: {  	[tilespmem:$0x18820] =	vst v5  }
0x63: {  	[tilespmem:s14], [sflag:$0x1] =	stream.indirect.gather [spmem:s1], $0x20, s13, s12, $0xb8;
	[tilespmem:$0x1E100] =	vst v63  }
0x64: {  	_ =	swait.ge [sflag:s19], $0xA00  }
0x65: {  	s25 =	sadd.s32 $0x500, s11;
	[sflag:s19] =	ssyncset.done $0x0  }
0x66: {  	s26 =	smov.u32 s11;
	s24 =	simm.s32 $0x50;
	[sflag:s19] =	ssyncadd.s32 $0xFFFFF600  }
.LBB2_10:
0x67: {  	[hbm4b:s26+s2] =	stream.linear.scatter [tilespmem:s14], [sflag:$0x2], $0x2800, $0x38;
	[tilespmem:$0x1E100] =	vst v63  }
0x68: {  	s28 =	smov.u32 s24;
	s26 =	smov.u32 s25  }
0x69: {  	p0 =	sne.s32 s24, $0xBE0;
	s24 =	sadd.s32 $0x50, s24;
	_ =	swait.ge [sflag:s15], $0x2800  }
0x6a: {  	s28 =	sadd.s32 s28, s6;
	[sflag:s15] =	ssyncset.done $0x0  }
0x6b: {  	v5 =	vadd.s32 s28, v0;
	s29 =	sadd.s32 $0x10, s28;
	s30 =	sadd.s32 $0x20, s28;
	[sflag:s15] =	ssyncadd.s32 $0xFFFFD800  }
0x6c: {  	v6 =	vadd.s32 s30, v0;
	[tilespmem:$0x18800] =	vst v5;
	v5 =	vadd.s32 s29, v0;
	s29 =	sadd.s32 $0x30, s28;
	s28 =	sadd.s32 $0x40, s28  }
0x6d: {  	[tilespmem:$0x18810] =	vst v5;
	v5 =	vadd.s32 s29, v0;
	v7 =	vadd.s32 s28, v0  }
0x6e: {  	[tilespmem:$0x18830] =	vst v5  }
0x6f: {  	[tilespmem:$0x18840] =	vst v7  }
.Ltmp4:
0x70: {  	[tilespmem:$0x18820] =	vst v6;
	(pc) =	sbr.rel @p0 .LBB2_10-.Ltmp4, $4  }
0x71: {  	[tilespmem:s14], [sflag:$0x1] =	stream.indirect.gather [spmem:s1], $0x20, s13, s12, $0xb8;
	[tilespmem:$0x1E100] =	vst v63  }
0x72: {  	_ =	swait.ge [sflag:s19], $0xA00  }
0x73: {  	[sflag:s19] =	ssyncset.done $0x0  }
0x74: {  	s25 =	sadd.s32 $0x500, s25;
	[sflag:s19] =	ssyncadd.s32 $0xFFFFF600  }
0x75: {  	[hbm4b:s26+s2] =	stream.linear.scatter [tilespmem:s14], [sflag:$0x2], $0x2800, $0x38;
	[tilespmem:$0x1E100] =	vst v63  }
0x76: {  	_ =	swait.ge [sflag:s15], $0x2800  }
0x77: {  	[sflag:s15] =	ssyncset.done $0x0  }
0x78: {  	[sflag:s15] =	ssyncadd.s32 $0xFFFFD800  }
0x79: {  	[tilespmem:$0x1D880] =	vst v2  }
0x7a: {  	[tilespmem:s22], [sflag:$0x1] =	stream.indirect.gather [spmem:s1], $0x20, s21, s20, $0xb8;
	[tilespmem:$0x1E100] =	vst v63  }
0x7b: {  	s23 =	sadd.s32 $0x1, s23;
	_ =	swait.ge [sflag:s19], $0x200  }
0x7c: {  	p0 =	sne.s32 s23, s10;
	[sflag:s19] =	ssyncset.done $0x0  }
.Ltmp5:
0x7d: {  	[sflag:s19] =	ssyncadd.s32 $0xFFFFFE00;
	(pc) =	sbr.rel @p0 .LBB2_1-.Ltmp5, $4  }
0x7e: {  	[hbm4b:s9+s2] =	stream.linear.scatter [tilespmem:s22], [sflag:$0x2], $0x400, $0x38;
	[tilespmem:$0x1E100] =	vst v63  }
0x7f: {  	_ =	swait.ge [sflag:s15], $0x400  }
0x80: {  	[sflag:s15] =	ssyncset.done $0x0  }
0x81: {  	[sflag:s15] =	ssyncadd.s32 $0xFFFFFC00  }
0x82: {  	_ =	sfence.sel $0x180000  }
0x83: {  	[bflag:$0x0] =	sbarrier.arrive $0xFFFF  }
0x84: {  	p0 =	sne.s32 s3, $0x0;
	_ =	strace $0x90000050  }
0x85: {  	s0 =	sadd.s32 @!p0 $0x100000, s0;
	[bflag:$0x2] =	sbarrier.arrive $0xFFFF  }
0x86: {  	[sflag:s0] =	ssyncadd.tile.s32 @!p0 $0x1;
	_ =	shalt  }
.Lfunc_end2:
_tile_overlayer_lowered:
.L_overlay_start_2:
0x87: {  	(tag) =	ssettag $0x2  }
0x88: {  	s0 =	rddreg [dreg:$0x0];
	s2 =	stileid.u32  }
0x89: {  	s1 =	rddreg [dreg:$0x1];
	p0 =	sne.s32 s2, $0x0  }
0x8a: {  	s3 =	rddreg [dreg:$0x2];
	[bflag:$0x3] =	sbarrier.arrive $0xFFFF;
	s2 =	simm.s32 @!p0 $0x1C02  }
0x8b: {  	[timem:s3], [sflag:s2] =	dma.local @!p0 [hbm:s0], s1  }
0x8c: {  	s0 =	simm.s32 @!p0 $0x2  }
0x8d: {  	_ =	swait.ge @!p0 [sflag:s0], s1  }
0x8e: {  	s1 =	ssub.s32 @!p0 $0x0, s1;
	[sflag:s0] =	ssyncset.done @!p0 $0x0  }
0x8f: {  	[sflag:s0] =	ssyncadd.s32 @!p0 s1  }
0x90: {  	[bflag:$0x3] =	sbarrier.arrive $0xFFFF  }
0x91: {  	_ =	shalt  }

// kernel: kernel.19.cloned.1.call-start
scs
__scs_entry_jumppad:
0x0: {  	(pc) =	sbr.rel $0x88, $3  }
0x1: {  	(tag) =	ssettag $0x0;
	lr =	simm.s32 $0x1  }
0x2: {  	[smem:$0x3F8F] =	sst lr;
	_ =	strace $0xD0000000  }
0x3: {  	_ = 	snop  }
0x4: {  	_ = 	snop  }
0x5: {  	_ = 	snop  }
0x6: {  	_ = 	snop  }
0x7: {  	_ = 	snop  }
__scs_overlays_trampoline_lowered:
0x8: {  	[smem:$0x3F9E] =	sst s0  }
0x9: {  	[smem:$0x3F9F] =	sst s1  }
0xa: {  	[smem:$0x3FA0] =	sst s2  }
0xb: {  	[smem:$0x3FA1] =	sst s3  }
0xc: {  	[smem:$0x3FA2] =	sst s4  }
0xd: {  	[smem:$0x3FA3] =	sst s5  }
0xe: {  	[smem:$0x3FA4] =	sst s6  }
0xf: {  	[smem:$0x3FA5] =	sst s7  }
0x10: {  	[smem:$0x3FA6] =	sst s8  }
0x11: {  	[smem:$0x3FA7] =	sst s9;
	s0 =	simm.s32 @!p0 $0x0  }
0x12: {  	s1 =	sld [smem:$0x3F8D];
	s0 =	simm.s32 @p0 $0x1  }
0x13: {  	[smem:$0x3FA8] =	sst s0;
	s0 =	simm.s32 @!p1 $0x0  }
0x14: {  	s2 =	sld [smem:$0x3F8C];
	s0 =	simm.s32 @p1 $0x1  }
0x15: {  	[smem:$0x3FA9] =	sst s0;
	s0 =	simm.s32 @!p2 $0x0  }
0x16: {  	s3 =	sld [smem:$0x3FDB];
	s0 =	simm.s32 @p2 $0x1  }
0x17: {  	s4 =	simm.s32 $0x1BF5;
	[smem:$0x3FAB] =	sst s0  }
0x18: {  	s0 =	sld [smem:$0x3F8E];
	_ =	swait.ge [sflag:s4], $0x0  }
0x19: {  	s7 =	sld [smem:$0x3F8F]  }
0x1a: {  	s8 =	sadd.s32 $0xFFFFE003, lr  }
0x1b: {  	s9 =	sadd.s32 $0xFFFFFEF7, lr;
	s5 =	simm.s32 $0xFFFFFFFF;
	p2 =	slt.u32 s8, $0xFFFFF086  }
0x1c: {  	p1 =	slt.u32 s9, $0xF7A;
	s5 =	simm.s32 @!p2 $0x0  }
0x1d: {  	s5 =	simm.s32 @p1 $0x1;
	p0 =	seq.s32 s7, s2  }
0x1e: {  	s7 =	smul.u32 @!p0 $0xF7A, s2;
	p2 =	seq.s32 @!p0 s5, $0x0  }
0x1f: {  	s9 =	smul.u32 $0xF7A, s1;
	s8 =	simm.s32 @!p0 $0x1BF5;
	p2 =	por !p2, p0  }
0x20: {  	[sflag:s8] =	ssyncset.s32 @!p0 $0xFFFFF086;
	s6 =	sadd.s32 @!p0 s3, s7;
	s7 =	simm.s32 @!p0 $0x108  }
0x21: {  	s3 =	sadd.s32 s3, s9;
	s6 =	sadd.s32 @!p0 $0x88, s6;
	s7 =	simm.s32 @p2 $0x1082  }
0x22: {  	[simem:s7], [sflag:s8] =	dma.local @!p0 [hbm:s6], $0xF7A  }
0x23: {  	s9 =	sor.u32 $0xD0000000, s2;
	s6 =	simm.s32 $0x108;
	_ =	swait.ge @!p0 [sflag:s8], $0x0  }
0x24: {  	s3 =	sadd.s32 $0x88, s3;
	s6 =	simm.s32 @!p1 $0x1082;
	[sflag:s4] =	ssyncset.s32 $0xFFFFF086  }
0x25: {  	[simem:s6], [sflag:s4] =	dma.local [hbm:s3], $0xF7A  }
0x26: {  	[smem:$0x3F8F] =	sst s1;
	(tag) =	ssettag s2;
	_ =	strace s9  }
0x27: {  	s1 =	sld [smem:$0x3F9F]  }
0x28: {  	s2 =	sld [smem:$0x3FA0]  }
0x29: {  	s4 =	sld [smem:$0x3FA2]  }
0x2a: {  	p0 =	seq.s32 s5, $0x0;
	s5 =	sld [smem:$0x3FA3]  }
0x2b: {  	s6 =	sld [smem:$0x3FA4]  }
0x2c: {  	s7 =	sld [smem:$0x3FA5]  }
0x2d: {  	s3 =	simm.s32 $0x108;
	s8 =	sld [smem:$0x3FA6]  }
0x2e: {  	s3 =	simm.s32 @!p0 $0x1082;
	s9 =	sld [smem:$0x3FA7]  }
0x2f: {  	lr =	sadd.s32 s0, s3;
	s0 =	sld [smem:$0x3F9E]  }
0x30: {  	s3 =	sld [smem:$0x3FA1]  }
0x31: {  	[smem:$0x3FAA] =	sst s10  }
0x32: {  	s10 =	sld [smem:$0x3FA8];
	_ =	sdelay $0x3  }
0x33: {  	p0 =	seq.s32 s10, $0x1;
	s10 =	sld [smem:$0x3FAA];
	_ =	sdelay $0x3  }
0x34: {  	[smem:$0x3FAA] =	sst s10  }
0x35: {  	s10 =	sld [smem:$0x3FA9];
	_ =	sdelay $0x3  }
0x36: {  	p1 =	seq.s32 s10, $0x1;
	s10 =	sld [smem:$0x3FAA];
	_ =	sdelay $0x3  }
0x37: {  	[smem:$0x3FAA] =	sst s10  }
0x38: {  	s10 =	sld [smem:$0x3FAB]  }
0x39: {  	_ = 	snop;
	(pc) =	sbr.ind lr, $3  }
0x3a: {  	_ = 	snop  }
0x3b: {  	_ = 	snop  }
0x3c: {  	p2 =	seq.s32 s10, $0x1;
	s10 =	sld [smem:$0x3FAA]  }
0x3d: {  	_ =	shalt  }
0x3e: {  	_ =	shalt  }
0x3f: {  	_ =	shalt  }
0x40: {  	_ =	shalt  }
0x41: {  	_ =	shalt  }
0x42: {  	_ =	shalt  }
0x43: {  	_ =	shalt  }
0x44: {  	_ =	shalt  }
0x45: {  	_ =	shalt  }
0x46: {  	_ =	shalt  }
0x47: {  	_ =	shalt  }
0x48: {  	_ =	shalt  }
0x49: {  	_ =	shalt  }
0x4a: {  	_ =	shalt  }
0x4b: {  	_ =	shalt  }
0x4c: {  	_ =	shalt  }
0x4d: {  	_ =	shalt  }
0x4e: {  	_ =	shalt  }
0x4f: {  	_ =	shalt  }
0x50: {  	_ =	shalt  }
0x51: {  	_ =	shalt  }
0x52: {  	_ =	shalt  }
0x53: {  	_ =	shalt  }
0x54: {  	_ =	shalt  }
0x55: {  	_ =	shalt  }
0x56: {  	_ =	shalt  }
0x57: {  	_ =	shalt  }
0x58: {  	_ =	shalt  }
0x59: {  	_ =	shalt  }
0x5a: {  	_ =	shalt  }
0x5b: {  	_ =	shalt  }
0x5c: {  	_ =	shalt  }
0x5d: {  	_ =	shalt  }
0x5e: {  	_ =	shalt  }
0x5f: {  	_ =	shalt  }
0x60: {  	_ =	shalt  }
0x61: {  	_ =	shalt  }
0x62: {  	_ =	shalt  }
0x63: {  	_ =	shalt  }
0x64: {  	_ =	shalt  }
0x65: {  	_ =	shalt  }
0x66: {  	_ =	shalt  }
0x67: {  	_ =	shalt  }
0x68: {  	_ =	shalt  }
0x69: {  	_ =	shalt  }
0x6a: {  	_ =	shalt  }
0x6b: {  	_ =	shalt  }
0x6c: {  	_ =	shalt  }
0x6d: {  	_ =	shalt  }
0x6e: {  	_ =	shalt  }
0x6f: {  	_ =	shalt  }
0x70: {  	_ =	shalt  }
0x71: {  	_ =	shalt  }
0x72: {  	_ =	shalt  }
0x73: {  	_ =	shalt  }
0x74: {  	_ =	shalt  }
0x75: {  	_ =	shalt  }
0x76: {  	_ =	shalt  }
0x77: {  	_ =	shalt  }
0x78: {  	_ =	shalt  }
0x79: {  	_ =	shalt  }
0x7a: {  	_ =	shalt  }
0x7b: {  	_ =	shalt  }
0x7c: {  	_ =	shalt  }
0x7d: {  	_ =	shalt  }
0x7e: {  	_ =	shalt  }
0x7f: {  	_ =	shalt  }
0x80: {  	_ =	shalt  }
0x81: {  	_ =	shalt  }
0x82: {  	_ =	shalt  }
0x83: {  	_ =	shalt  }
0x84: {  	_ =	shalt  }
0x85: {  	_ =	shalt  }
0x86: {  	_ =	shalt  }
0x87: {  	_ =	shalt  }
.Lfunc_end0:
.L_simem_size_0:
called_computation.3_lowered:
.L_overlay_start_0:
0x88: {  	s2 =	sld [smem:$0x3FD9]  }
0x89: {  	s3 =	sld [smem:$0x3FFE];
	_ =	sdelay $0x1  }
0x8a: {  	s1 =	srdreg.scid  }
0x8b: {  	s0 =	sand.u32 $0x1, s1  }
0x8c: {  	s17 =	sshll.u32 s0, $0xA;
	s2 =	sadd.s32 s3, s2  }
0x8d: {  	s2 =	sadd.s32 s2, s17  }
0x8e: {  	[smem:$0x3FB6] =	sst s2  }
0x8f: {  	_ = 	snop  }
0x90: {  	(tm) =	ssettm $0x1  }
0x91: {  	s18 =	sld [smem:$0x3FFB];
	_ =	sdelay $0x3  }
0x92: {  	_ =	strace s18  }
0x93: {  	s2 =	sld [smem:$0x3FFC];
	_ =	sdelay $0x3  }
0x94: {  	_ =	strace s2  }
0x95: {  	s2 =	sld [smem:$0x3FFD];
	_ =	sdelay $0x3  }
0x96: {  	_ =	strace s2  }
0x97: {  	_ =	strace $0x8FFFFFFF  }
0x98: {  	s19 =	sld [smem:$0x3FDB];
	_ =	sdelay $0x1  }
0x99: {  	s20 =	simm.s32 $_scs_section_size  }
0x9a: {  	s4 =	simm.s32 $_size__tile_overlayer_lowered;
	s5 =	simm.s32 $_tile_overlayer_lowered  }
0x9b: {  	s6 =	simm.s32 $0x1BFF;
	s21 =	sshll.u32 s5, $0x1;
	s3 =	sadd.s32 s20, s19  }
0x9c: {  	s22 =	simm.s32 $0x0;
	s4 =	sshll.u32 s4, $0x1;
	s5 =	sadd.s32 s21, s3  }
0x9d: {  	[timem:s22], [sflag:s6] =	dma.local [hbm:s5], s4  }
0x9e: {  	_ =	swait.ge [sflag:s6], s4  }
0x9f: {  	s4 =	ssub.s32 $0x0, s4;
	[sflag:s6] =	ssyncset.done $0x0  }
0xa0: {  	[sflag:s6] =	ssyncadd.s32 s4;
	_ =	sdelay $0x1  }
0xa1: {  	s23 =	simm.s32 $0x1B8B  }
0xa2: {  	_ =	swait.ge [sflag:s23], $0x1  }
0xa3: {  	[sflag:s23] =	ssyncset.done $0x0  }
0xa4: {  	[sflag:s23] =	ssyncadd.s32 $0xFFFFFFFF  }
0xa5: {  	s4 =	sld [smem:$0x0]  }
0xa6: {  	s5 =	sand.u32 $0xFFFFFFFE, s1  }
0xa7: {  	p0 =	sne.s32 s1, s5  }
0xa8: {  	s5 =	sshll.u32 @p0 s5, $0xE  }
0xa9: {  	s5 =	sadd.s32 @p0 $0x11B8D, s5;
	s6 =	sshll.u32 @p0 s4, $0x11  }
0xaa: {  	s5 =	sor.u32 @p0 s6, s5  }
0xab: {  	[sflag:s5] =	ssyncadd.remote.s32 @p0 $0x1;
	_ =	sdelay $0x1  }
0xac: {  	s5 =	simm.s32 @p0 $0x1B8D  }
0xad: {  	_ =	swait.eq @p0 [sflag:s5], $0x1  }
0xae: {  	[sflag:s5] =	ssyncadd.s32 @p0 $0xFFFFFFFF  }
0xaf: {  	s6 =	sshll.u32 @!p0 s1, $0xE  }
0xb0: {  	s6 =	sor.u32 @!p0 $0x4000, s6;
	s5 =	simm.s32 @!p0 $0x1B8D  }
0xb1: {  	s4 =	sshll.u32 @!p0 s4, $0x11;
	s6 =	sadd.s32 @!p0 $0x11B8D, s6;
	_ =	swait.eq @!p0 [sflag:s5], $0x1  }
0xb2: {  	s4 =	sor.u32 @!p0 s4, s6;
	[sflag:s5] =	ssyncadd.s32 @!p0 $0xFFFFFFFF  }
0xb3: {  	s25 =	simm.s32 $0x1B8E;
	s24 =	sld [smem:$0x3FFE];
	[sflag:s4] =	ssyncadd.remote.s32 @!p0 $0x1  }
0xb4: {  	s26 =	simm.s32 $execute0_lowered;
	[smem:$0x3FD2] =	sst s25  }
0xb5: {  	s5 =	sshll.u32 s26, $0x1;
	_ =	strace $0x8000004C;
	[dreg:$0x1] =	wrdreg $0xFFFFFFFF  }
0xb6: {  	s28 =	simm.s32 $_size_execute0_lowered;
	s3 =	sadd.s32 s3, s5;
	[dreg:$0x0] =	wrdreg $0x0  }
0xb7: {  	s5 =	sshll.u32 s28, $0x1;
	[dreg:$0x2] =	wrdreg s3  }
0xb8: {  	[dreg:$0x3] =	wrdreg s5  }
0xb9: {  	[dreg:$0x4] =	wrdreg $0xC0  }
0xba: {  	_ =	task [dreg:s22], $0x5FFFF  }
0xbb: {  	[dreg:$0x1] =	wrdreg $0xFFFFFFFF  }
0xbc: {  	[dreg:$0x0] =	wrdreg $0x60  }
0xbd: {  	[dreg:$0x2] =	wrdreg s24  }
0xbe: {  	[dreg:$0x3] =	wrdreg $0x0  }
0xbf: {  	[dreg:$0x4] =	wrdreg $0xC3800  }
0xc0: {  	[dreg:$0x5] =	wrdreg $0xC  }
0xc1: {  	_ =	task.clear_ibuf [dreg:s22], $0x6FFFF;
	_ =	strace $0x9000004C  }
0xc2: {  	s29 =	simm.s32 $0xC;
	_ =	strace $0x8000004E  }
0xc3: {  	_ =	swait.ge [sflag:s29], $0x1  }
0xc4: {  	[sflag:s29] =	ssyncadd.s32 $0xFFFFFFFF  }
0xc5: {  	_ =	strace $0x9000004E  }
0xc6: {  	_ =	sfence  }
0xc7: {  	s30 =	sld [smem:$0x0];
	_ =	sdelay $0x2  }
0xc8: {  	s31 =	sshll.u32 s1, $0xD;
	s1 =	sshrl.u32 s1, $0x2  }
0xc9: {  	s4 =	sand.u32 $0x4000, s31;
	s1 =	sadd.s32 s1, s30  }
0xca: {  	s0 =	sor.u32 s4, s0;
	s1 =	sshll.u32 s1, $0x11  }
0xcb: {  	s0 =	sor.u32 s1, s0  }
0xcc: {  	s0 =	sadd.s32 $0x8F2B, s0  }
0xcd: {  	[sflag:s0] =	ssyncadd.remote.s32 $0x1  }
0xce: {  	_ =	sfence.sel $0xFFFF  }
0xcf: {  	[dreg:$0x0] =	wrdreg $0xFFFFFFFF;
	(pc) =	sbr.abs _section_cstart, $3  }
0xd0: {  	[dreg:$0x1] =	wrdreg $0xFFFFFFFF  }
0xd1: {  	_ =	task.clear_ibuf [dreg:s22], $0x2FFFF;
	_ =	strace $0x9FFFFFFF  }
0xd2: {  	(tm) =	ssettm $0x7FFFFFFF  }
0xd3: {  	_ =	shalt  }
tec
execute0_lowered:
.L_overlay_start_1:
0x0: {  	(tag) =	ssettag $0x1  }
0x1: {  	s6 =	rddreg [dreg:$0x0]  }
0x2: {  	s2 =	rddreg [dreg:$0x1]  }
0x3: {  	s3 =	rddreg [dreg:$0x2]  }
0x4: {  	s0 =	rddreg [dreg:$0x3];
	s4 =	simm.s32 $0x0;
	s1 =	stileid.u32  }
0x5: {  	s8 =	srdreg.scid;
	s17 =	simm.s32 $0x18700;
	s19 =	simm.s32 $0x1  }
0x6: {  	s20 =	simm.s32 $0x10;
	s21 =	simm.s32 $0x1D800;
	s7 =	smul.u32 $0x30D4, s1  }
0x7: {  	s22 =	simm.s32 $0x1D880;
	s23 =	simm.s32 $0x0;
	s5 =	smul.u32 $0xC38, s1  }
0x8: {  	s8 =	sand.u32 $0x1, s8;
	s11 =	sadd.s32 $0x98DE00, s6;
	s14 =	smul.u32 $0x61C00, s1  }
0x9: {  	[smem:$0x7FF] =	sst s4;
	s16 =	sadd.s32 $0xB14E00, s6;
	s29 =	smul.u32 $0x61C000, s8  }
0xa: {  	_ =	strace $0x8000004D;
	s9 =	ssub.s32 $0x2, s8;
	s18 =	smul.u32 $0xC350, s8  }
0xb: {  	s10 =	sadd.s32 s7, s6;
	s15 =	sadd.s32 $0xC30, s5;
	s13 =	sshrl.u32 s9, $0x1  }
0xc: {  	v0 =	vlaneseq.u32;
	s12 =	sshll.u32 s15, $0x7;
	s9 =	ssub.s32 s9, s13;
	s30 =	sadd.s32 s14, s29  }
0xd: {  	s13 =	simm.s32 $0x50;
	s14 =	simm.s32 $0x18780;
	v2 =	vadd.s32 s15, v0;
	s15 =	simm.s32 $0x1B000  }
0xe: {  	v1 =	vmov s18;
	s18 =	simm.s32 $0x18800;
	s12 =	sadd.s32 s29, s12;
	s8 =	smax.u32 s9, $0x1  }
0xf: {  	s31 =	sshrl.u32 s30, $0x3;
	s9 =	sadd.s32 $0x221200, s10;
	s12 =	sshrl.u32 s12, $0x3  }
0x10: {  	v3 =	vimm.f32 $1.000000000e+00;
	s10 =	sadd.s32 $0x18E800, s10;
	s6 =	sadd.s32 s11, s12;
	s7 =	sadd.s32 s16, s12  }
0x11: {  	v4 =	vimm.f32 $0.0e+00;
	v5 =	vor.u32 $0xC350, v0;
	v2 =	vmin.u32 v2, $0xC37F;
	s11 =	sadd.s32 s31, s11;
	s12 =	sadd.s32 s31, s16;
	s16 =	simm.s32 $0x2  }
.LBB2_1:
0x12: {  	s24 =	simm.s32 $0x200;
	s26 =	simm.s32 $0x0  }
.LBB2_2:
0x13: {  	p0 =	sne.s32 s24, $0x9E00;
	[tilespmem:s26+$0x18800] =	vst v3;
	s25 =	smov.u32 s24;
	s24 =	sadd.s32 $0x200, s24  }
.Ltmp0:
0x14: {  	[tilespmem:s26+$0x1B000] =	vst v4;
	(pc) =	sbr.rel @p0 .LBB2_2-.Ltmp0, $2  }
0x15: {  	_ =	sdelay $0x2  }
0x16: {  	s26 =	sshra.s32 s25, $0x2  }
0x17: {  	s24 =	sadd.s32 $0x0, s5  }
0x18: {  	v7 =	vadd.s32 s24, v0;
	s28 =	sadd.s32 $0x40, s24  }
0x19: {  	[tilespmem:s26+$0x18800] =	vst v3;
	s25 =	sadd.s32 $0x30, s24;
	vm0 =	vlt.s32 v7, $0xC37F;
	v6 =	vadd.s32 s28, v0  }
0x1a: {  	[tilespmem:s26+$0x1B000] =	vst v4;
	s26 =	sadd.s32 $0x20, s24;
	v8 =	vadd.s32 s25, v0;
	v7 =	vnsel vm0, $0xC37F, v7;
	vm0 =	vlt.s32 v6, $0xC37F  }
0x1b: {  	s29 =	sadd.s32 $0x10, s24;
	v9 =	vadd.s32 s26, v0;
	s28 =	simm.s32 $0x50;
	vm1 =	vlt.s32 v8, $0xC37F;
	[tilespmem:$0x18780] =	vst v7;
	v10 =	vnsel vm0, $0xC37F, v6  }
.LBB2_4:
0x1c: {  	p0 =	sne.s32 s28, $0xC30;
	v11 =	vadd.s32 s29, v0;
	vm2 =	vlt.s32 v9, $0xC37F;
	v8 =	vnsel vm1, $0xC37F, v8;
	[tilespmem:$0x187C0] =	vst v10  }
0x1d: {  	vm1 =	vlt.s32 v11, $0xC37F;
	v9 =	vnsel vm2, $0xC37F, v9;
	[tilespmem:$0x187B0] =	vst v8  }
0x1e: {  	s29 =	sadd.s32 s28, s5;
	v8 =	vnsel vm1, $0xC37F, v11;
	[tilespmem:$0x187A0] =	vst v9  }
0x1f: {  	[tilespmem:$0x18790] =	vst v8;
	[spmem:s2] =	stream.indirect.scatter [tilespmem:s15], [sflag:$0x2], $0x10, s14, s13, $0xb8  }
.Ltmp1:
0x20: {  	_ = 	snop;
	(pc) =	sbr.rel @p0 .LBB2_4-.Ltmp1, $4  }
0x21: {  	s30 =	sadd.s32 $0x40, s29;
	v8 =	vadd.s32 s29, v0;
	_ =	swait.ge [sflag:s16], $0x500  }
0x22: {  	s31 =	sadd.s32 $0x30, s29;
	v10 =	vadd.s32 s30, v0;
	vm1 =	vlt.s32 v8, $0xC37F;
	[sflag:s16] =	ssyncset.done $0x0  }
0x23: {  	s30 =	sadd.s32 $0x20, s29;
	vm2 =	vlt.s32 v10, $0xC37F;
	v9 =	vnsel vm1, $0xC37F, v8;
	v8 =	vadd.s32 s31, v0;
	[sflag:s16] =	ssyncadd.s32 $0xFFFFFB00  }
0x24: {  	s28 =	sadd.s32 $0x50, s28;
	s29 =	sadd.s32 $0x10, s29;
	v10 =	vnsel vm2, $0xC37F, v10;
	vm1 =	vlt.s32 v8, $0xC37F;
	[tilespmem:$0x18780] =	vst v9;
	v9 =	vadd.s32 s30, v0  }
0x25: {  	v11 =	vadd.s32 s29, v0;
	vm2 =	vlt.s32 v9, $0xC37F;
	v8 =	vnsel vm1, $0xC37F, v8;
	[tilespmem:$0x187C0] =	vst v10  }
0x26: {  	vm1 =	vlt.s32 v11, $0xC37F;
	v9 =	vnsel vm2, $0xC37F, v9;
	[tilespmem:$0x187B0] =	vst v8  }
0x27: {  	v8 =	vnsel vm1, $0xC37F, v11;
	[tilespmem:$0x187A0] =	vst v9  }
0x28: {  	[tilespmem:$0x18790] =	vst v8  }
0x29: {  	[spmem:s2] =	stream.indirect.scatter [tilespmem:s15], [sflag:$0x2], $0x10, s14, s13, $0xb8;
	[tilespmem:$0x1E080] =	vst v63  }
0x2a: {  	_ =	swait.ge [sflag:s16], $0x500  }
0x2b: {  	[sflag:s16] =	ssyncset.done $0x0  }
0x2c: {  	v8 =	vadd.s32 s25, v0;
	[sflag:s16] =	ssyncadd.s32 $0xFFFFFB00  }
0x2d: {  	v6 =	vnsel vm0, $0xC37F, v6;
	s25 =	sadd.s32 $0x10, s24;
	s24 =	simm.s32 $0x50;
	vm1 =	vlt.s32 v8, $0xC37F;
	[tilespmem:$0x18780] =	vst v7;
	v7 =	vadd.s32 s26, v0  }
.LBB2_6:
0x2e: {  	p0 =	sne.s32 s24, $0xC30;
	v9 =	vadd.s32 s25, v0;
	vm0 =	vlt.s32 v7, $0xC37F;
	v8 =	vnsel vm1, $0xC37F, v8;
	[tilespmem:$0x187C0] =	vst v6  }
0x2f: {  	vm1 =	vlt.s32 v9, $0xC37F;
	v6 =	vnsel vm0, $0xC37F, v7;
	[tilespmem:$0x187B0] =	vst v8  }
0x30: {  	s25 =	sadd.s32 s24, s5;
	v7 =	vnsel vm1, $0xC37F, v9;
	[tilespmem:$0x187A0] =	vst v6  }
0x31: {  	[tilespmem:$0x18790] =	vst v7;
	[spmem:s3] =	stream.indirect.scatter [tilespmem:s15], [sflag:$0x2], $0x10, s14, s13, $0xb8  }
.Ltmp2:
0x32: {  	_ = 	snop;
	(pc) =	sbr.rel @p0 .LBB2_6-.Ltmp2, $4  }
0x33: {  	s26 =	sadd.s32 $0x40, s25;
	v6 =	vadd.s32 s25, v0;
	_ =	swait.ge [sflag:s16], $0x500  }
0x34: {  	s28 =	sadd.s32 $0x30, s25;
	v9 =	vadd.s32 s26, v0;
	vm0 =	vlt.s32 v6, $0xC37F;
	[sflag:s16] =	ssyncset.done $0x0  }
0x35: {  	s26 =	sadd.s32 $0x20, s25;
	v8 =	vadd.s32 s28, v0;
	v6 =	vnsel vm0, $0xC37F, v6;
	vm0 =	vlt.s32 v9, $0xC37F;
	[sflag:s16] =	ssyncadd.s32 $0xFFFFFB00  }
0x36: {  	s24 =	sadd.s32 $0x50, s24;
	s25 =	sadd.s32 $0x10, s25;
	v7 =	vadd.s32 s26, v0;
	vm1 =	vlt.s32 v8, $0xC37F;
	[tilespmem:$0x18780] =	vst v6;
	v6 =	vnsel vm0, $0xC37F, v9  }
0x37: {  	v9 =	vadd.s32 s25, v0;
	vm0 =	vlt.s32 v7, $0xC37F;
	v8 =	vnsel vm1, $0xC37F, v8;
	[tilespmem:$0x187C0] =	vst v6  }
0x38: {  	vm10 =	vlt.s32 v9, $0xC37F;
	v6 =	vnsel vm0, $0xC37F, v7;
	[tilespmem:$0x187B0] =	vst v8  }
0x39: {  	v7 =	vnsel vm10, $0xC37F, v9;
	[tilespmem:$0x187A0] =	vst v6  }
0x3a: {  	[tilespmem:$0x18790] =	vst v7  }
0x3b: {  	[spmem:s3] =	stream.indirect.scatter [tilespmem:s15], [sflag:$0x2], $0x10, s14, s13, $0xb8;
	[tilespmem:$0x1E080] =	vst v63  }
0x3c: {  	_ =	swait.ge [sflag:s16], $0x500  }
0x3d: {  	[sflag:s16] =	ssyncset.done $0x0  }
0x3e: {  	[sflag:s16] =	ssyncadd.s32 $0xFFFFFB00  }
0x3f: {  	s24 =	simm.s32 $0x0;
	s31 =	sadd.s32 $0x0, s9;
	[bflag:$0x0] =	sbarrier.arrive $0xFFFF  }
0x40: {  	[tilespmem:s17], [sflag:$0x2] =	stream.linear.gather [hbm4b:s31+s24], $0x50, $0x38;
	[tilespmem:$0x1E080] =	vst v63  }
0x41: {  	_ =	swait.ge [sflag:s16], $0x50  }
0x42: {  	[sflag:s16] =	ssyncset.done $0x0  }
0x43: {  	[sflag:s16] =	ssyncadd.s32 $0xFFFFFFB0  }
0x44: {  	v6 =	vld [tilespmem:$0x18740]  }
0x45: {  	v7 =	vld [tilespmem:$0x18730]  }
0x46: {  	v8 =	vld [tilespmem:$0x18720]  }
0x47: {  	v63 =	vld [tilespmem:$0x18710]  }
0x48: {  	v10 =	vld [tilespmem:$0x18700]  }
0x49: {  	v6 =	vsub.s32 v6, v1  }
0x4a: {  	v7 =	vsub.s32 v7, v1;
	vm11 =	vlt.u32 v6, $0xC350  }
0x4b: {  	v8 =	vsub.s32 v8, v1;
	vm12 =	vlt.u32 v7, $0xC350;
	v6 =	vsel vm11, v6, v5  }
0x4c: {  	v9 =	vsub.s32 v63, v1;
	vm13 =	vlt.u32 v8, $0xC350;
	v7 =	vsel vm12, v7, v5;
	[tilespmem:$0x187C0] =	vst v6  }
0x4d: {  	vm14 =	vlt.u32 v9, $0xC350;
	v8 =	vsel vm13, v8, v5;
	v6 =	vsub.s32 v10, v1;
	[tilespmem:$0x187B0] =	vst v7  }
0x4e: {  	v7 =	vsel vm14, v9, v5;
	[tilespmem:$0x187A0] =	vst v8;
	vm15 =	vlt.u32 v6, $0xC350  }
0x4f: {  	s25 =	simm.s32 $0xA;
	[tilespmem:$0x18790] =	vst v7;
	v6 =	vsel vm15, v6, v5  }
.LBB2_8:
0x50: {  	p0 =	sne.s32 s25, $0x30CA;
	[tilespmem:$0x18780] =	vst v6;
	s26 =	smov.u32 s25;
	s25 =	sadd.s32 $0xA, s25  }
0x51: {  	[spmem:s2] =	stream.indirect.scatter.add.f32 [tilespmem:s18], [sflag:$0x2], $0x10, s14, s13, $0xb8;
	[tilespmem:$0x1E080] =	vst v63  }
0x52: {  	_ =	swait.ge [sflag:s16], $0x500  }
0x53: {  	[sflag:s16] =	ssyncset.done $0x0  }
0x54: {  	s26 =	sadd.s32 s26, s9;
	[sflag:s16] =	ssyncadd.s32 $0xFFFFFB00  }
0x55: {  	[tilespmem:s17], [sflag:$0x2] =	stream.linear.gather [hbm4b:s26+s24], $0x50, $0x38;
	[tilespmem:$0x1E080] =	vst v63  }
0x56: {  	_ =	swait.ge [sflag:s16], $0x50  }
0x57: {  	[sflag:s16] =	ssyncset.done $0x0  }
0x58: {  	[sflag:s16] =	ssyncadd.s32 $0xFFFFFFB0  }
0x59: {  	v6 =	vld [tilespmem:$0x18740]  }
0x5a: {  	v7 =	vld [tilespmem:$0x18730]  }
0x5b: {  	v8 =	vld [tilespmem:$0x18720]  }
0x5c: {  	v9 =	vld [tilespmem:$0x18710]  }
0x5d: {  	v10 =	vld [tilespmem:$0x18700]  }
0x5e: {  	v6 =	vsub.s32 v6, v1  }
0x5f: {  	v7 =	vsub.s32 v7, v1;
	vm0 =	vlt.u32 v6, $0xC350  }
.Ltmp3:
0x60: {  	v8 =	vsub.s32 v8, v1;
	vm1 =	vlt.u32 v7, $0xC350;
	v6 =	vsel vm0, v6, v5;
	(pc) =	sbr.rel @p0 .LBB2_8-.Ltmp3, $4  }
0x61: {  	v9 =	vsub.s32 v9, v1;
	vm0 =	vlt.u32 v8, $0xC350;
	v7 =	vsel vm1, v7, v5;
	[tilespmem:$0x187C0] =	vst v6  }
0x62: {  	v6 =	vsub.s32 v10, v1;
	vm1 =	vlt.u32 v9, $0xC350;
	v8 =	vsel vm0, v8, v5;
	[tilespmem:$0x187B0] =	vst v7  }
0x63: {  	vm0 =	vlt.u32 v6, $0xC350;
	v7 =	vsel vm1, v9, v5;
	[tilespmem:$0x187A0] =	vst v8  }
0x64: {  	v6 =	vsel vm0, v6, v5;
	[tilespmem:$0x18790] =	vst v7  }
0x65: {  	[tilespmem:$0x18780] =	vst v6  }
0x66: {  	[spmem:s2] =	stream.indirect.scatter.add.f32 [tilespmem:s18], [sflag:$0x2], $0x10, s14, s13, $0xb8;
	[tilespmem:$0x1E080] =	vst v63  }
0x67: {  	_ =	swait.ge [sflag:s16], $0x500  }
0x68: {  	[sflag:s16] =	ssyncset.done $0x0  }
0x69: {  	s24 =	sadd.s32 $0x0, s10;
	[sflag:s16] =	ssyncadd.s32 $0xFFFFFB00  }
0x6a: {  	[tilespmem:s17], [sflag:$0x2] =	stream.linear.gather [hbm4b:s24+s4], $0x50, $0x38;
	[tilespmem:$0x1E080] =	vst v63  }
0x6b: {  	_ =	swait.ge [sflag:s16], $0x50  }
0x6c: {  	[sflag:s16] =	ssyncset.done $0x0  }
0x6d: {  	[sflag:s16] =	ssyncadd.s32 $0xFFFFFFB0  }
0x6e: {  	v6 =	vld [tilespmem:$0x18740]  }
0x6f: {  	v7 =	vld [tilespmem:$0x18730]  }
0x70: {  	v8 =	vld [tilespmem:$0x18720]  }
0x71: {  	v9 =	vld [tilespmem:$0x18710]  }
0x72: {  	v10 =	vld [tilespmem:$0x18700]  }
0x73: {  	v6 =	vsub.s32 v6, v1  }
0x74: {  	v7 =	vsub.s32 v7, v1;
	vm0 =	vlt.u32 v6, $0xC350  }
0x75: {  	v8 =	vsub.s32 v8, v1;
	vm1 =	vlt.u32 v7, $0xC350;
	v6 =	vsel vm0, v6, v5  }
0x76: {  	v9 =	vsub.s32 v9, v1;
	vm13 =	vlt.u32 v8, $0xC350;
	v7 =	vsel vm1, v7, v5;
	[tilespmem:$0x187C0] =	vst v6  }
0x77: {  	vm14 =	vlt.u32 v9, $0xC350;
	v8 =	vsel vm13, v8, v5;
	v6 =	vsub.s32 v10, v1;
	[tilespmem:$0x187B0] =	vst v7  }
0x78: {  	v7 =	vsel vm14, v9, v5;
	[tilespmem:$0x187A0] =	vst v8;
	vm15 =	vlt.u32 v6, $0xC350  }
0x79: {  	s24 =	simm.s32 $0xA;
	[tilespmem:$0x18790] =	vst v7;
	v6 =	vsel vm15, v6, v5  }
.LBB2_10:
0x7a: {  	p0 =	sne.s32 s24, $0x30CA;
	[tilespmem:$0x18780] =	vst v6;
	s25 =	smov.u32 s24;
	s24 =	sadd.s32 $0xA, s24  }
0x7b: {  	[spmem:s3] =	stream.indirect.scatter.add.f32 [tilespmem:s18], [sflag:$0x2], $0x10, s14, s13, $0xb8;
	[tilespmem:$0x1E080] =	vst v63  }
0x7c: {  	_ =	swait.ge [sflag:s16], $0x500  }
0x7d: {  	[sflag:s16] =	ssyncset.done $0x0  }
0x7e: {  	s25 =	sadd.s32 s25, s10;
	[sflag:s16] =	ssyncadd.s32 $0xFFFFFB00  }
0x7f: {  	[tilespmem:s17], [sflag:$0x2] =	stream.linear.gather [hbm4b:s25+s4], $0x50, $0x38;
	[tilespmem:$0x1E080] =	vst v63  }
0x80: {  	_ =	swait.ge [sflag:s16], $0x50  }
0x81: {  	[sflag:s16] =	ssyncset.done $0x0  }
0x82: {  	[sflag:s16] =	ssyncadd.s32 $0xFFFFFFB0  }
0x83: {  	v6 =	vld [tilespmem:$0x18740]  }
0x84: {  	v7 =	vld [tilespmem:$0x18730]  }
0x85: {  	v8 =	vld [tilespmem:$0x18720]  }
0x86: {  	v9 =	vld [tilespmem:$0x18710]  }
0x87: {  	v10 =	vld [tilespmem:$0x18700]  }
0x88: {  	v6 =	vsub.s32 v6, v1  }
0x89: {  	v7 =	vsub.s32 v7, v1;
	vm0 =	vlt.u32 v6, $0xC350  }
.Ltmp4:
0x8a: {  	v8 =	vsub.s32 v8, v1;
	vm1 =	vlt.u32 v7, $0xC350;
	v6 =	vsel vm0, v6, v5;
	(pc) =	sbr.rel @p0 .LBB2_10-.Ltmp4, $4  }
0x8b: {  	v9 =	vsub.s32 v9, v1;
	vm0 =	vlt.u32 v8, $0xC350;
	v7 =	vsel vm1, v7, v5;
	[tilespmem:$0x187C0] =	vst v6  }
0x8c: {  	v6 =	vsub.s32 v10, v1;
	vm1 =	vlt.u32 v9, $0xC350;
	v8 =	vsel vm0, v8, v5;
	[tilespmem:$0x187B0] =	vst v7  }
0x8d: {  	vm0 =	vlt.u32 v6, $0xC350;
	v7 =	vsel vm1, v9, v5;
	[tilespmem:$0x187A0] =	vst v8  }
0x8e: {  	v6 =	vsel vm0, v6, v5;
	[tilespmem:$0x18790] =	vst v7  }
0x8f: {  	[tilespmem:$0x18780] =	vst v6  }
0x90: {  	[spmem:s3] =	stream.indirect.scatter.add.f32 [tilespmem:s18], [sflag:$0x2], $0x10, s14, s13, $0xb8;
	[tilespmem:$0x1E080] =	vst v63  }
0x91: {  	_ =	swait.ge [sflag:s16], $0x500  }
0x92: {  	[sflag:s16] =	ssyncset.done $0x0  }
0x93: {  	s24 =	sadd.s32 $0x0, s5;
	[sflag:s16] =	ssyncadd.s32 $0xFFFFFB00  }
0x94: {  	v6 =	vadd.s32 s24, v0;
	s26 =	sadd.s32 $0x40, s24;
	[bflag:$0x0] =	sbarrier.arrive $0xFFFF  }
0x95: {  	s25 =	sadd.s32 $0x10, s24;
	v7 =	vadd.s32 s26, v0;
	[tilespmem:$0x18780] =	vst v6  }
0x96: {  	s31 =	sadd.s32 $0x30, s24;
	v6 =	vadd.s32 s25, v0;
	[tilespmem:$0x187C0] =	vst v7  }
0x97: {  	s24 =	sadd.s32 $0x20, s24;
	[tilespmem:$0x18790] =	vst v6;
	v6 =	vadd.s32 s31, v0  }
0x98: {  	[tilespmem:$0x187B0] =	vst v6;
	v6 =	vadd.s32 s24, v0  }
0x99: {  	[tilespmem:$0x187A0] =	vst v6  }
0x9a: {  	[tilespmem:s15], [sflag:$0x1] =	stream.indirect.gather [spmem:s2], $0x10, s14, s13, $0xb8;
	[tilespmem:$0x1E080] =	vst v63  }
0x9b: {  	_ =	swait.ge [sflag:s19], $0x500  }
0x9c: {  	s26 =	smov.u32 s11;
	[sflag:s19] =	ssyncset.done $0x0  }
0x9d: {  	s25 =	sadd.s32 $0x500, s11;
	s24 =	simm.s32 $0x50;
	[sflag:s19] =	ssyncadd.s32 $0xFFFFFB00  }
.LBB2_12:
0x9e: {  	[hbm4b:s26+s4] =	stream.linear.scatter [tilespmem:s15], [sflag:$0x2], $0x2800, $0x38;
	[tilespmem:$0x1E080] =	vst v63  }
0x9f: {  	s28 =	smov.u32 s24;
	s26 =	smov.u32 s25  }
0xa0: {  	p0 =	sne.s32 s24, $0xBE0;
	s24 =	sadd.s32 $0x50, s24;
	_ =	swait.ge [sflag:s16], $0x2800  }
0xa1: {  	s28 =	sadd.s32 s28, s5;
	[sflag:s16] =	ssyncset.done $0x0  }
0xa2: {  	v6 =	vadd.s32 s28, v0;
	s29 =	sadd.s32 $0x10, s28;
	s30 =	sadd.s32 $0x20, s28;
	[sflag:s16] =	ssyncadd.s32 $0xFFFFD800  }
0xa3: {  	v7 =	vadd.s32 s30, v0;
	[tilespmem:$0x18780] =	vst v6;
	v6 =	vadd.s32 s29, v0;
	s29 =	sadd.s32 $0x30, s28;
	s28 =	sadd.s32 $0x40, s28  }
0xa4: {  	[tilespmem:$0x18790] =	vst v6;
	v6 =	vadd.s32 s29, v0;
	v8 =	vadd.s32 s28, v0  }
0xa5: {  	[tilespmem:$0x187B0] =	vst v6  }
0xa6: {  	[tilespmem:$0x187C0] =	vst v8  }
.Ltmp5:
0xa7: {  	[tilespmem:$0x187A0] =	vst v7;
	(pc) =	sbr.rel @p0 .LBB2_12-.Ltmp5, $4  }
0xa8: {  	[tilespmem:s15], [sflag:$0x1] =	stream.indirect.gather [spmem:s2], $0x10, s14, s13, $0xb8;
	[tilespmem:$0x1E080] =	vst v63  }
0xa9: {  	_ =	swait.ge [sflag:s19], $0x500  }
0xaa: {  	[sflag:s19] =	ssyncset.done $0x0  }
0xab: {  	s25 =	sadd.s32 $0x500, s25;
	[sflag:s19] =	ssyncadd.s32 $0xFFFFFB00  }
0xac: {  	[hbm4b:s26+s4] =	stream.linear.scatter [tilespmem:s15], [sflag:$0x2], $0x2800, $0x38;
	[tilespmem:$0x1E080] =	vst v63  }
0xad: {  	_ =	swait.ge [sflag:s16], $0x2800  }
0xae: {  	[sflag:s16] =	ssyncset.done $0x0  }
0xaf: {  	[sflag:s16] =	ssyncadd.s32 $0xFFFFD800  }
0xb0: {  	[tilespmem:$0x1D800] =	vst v2  }
0xb1: {  	[tilespmem:s22], [sflag:$0x1] =	stream.indirect.gather [spmem:s2], $0x10, s21, s20, $0xb8;
	[tilespmem:$0x1E080] =	vst v63  }
0xb2: {  	_ =	swait.ge [sflag:s19], $0x100  }
0xb3: {  	[sflag:s19] =	ssyncset.done $0x0  }
0xb4: {  	s24 =	simm.s32 $0x0;
	[sflag:s19] =	ssyncadd.s32 $0xFFFFFF00  }
0xb5: {  	[hbm4b:s6+s24] =	stream.linear.scatter [tilespmem:s22], [sflag:$0x2], $0x400, $0x38;
	[tilespmem:$0x1E080] =	vst v63  }
0xb6: {  	_ =	swait.ge [sflag:s16], $0x400  }
0xb7: {  	s29 =	sadd.s32 $0x0, s5;
	[sflag:s16] =	ssyncset.done $0x0  }
0xb8: {  	v6 =	vadd.s32 s29, v0;
	s31 =	sadd.s32 $0x40, s29;
	[sflag:s16] =	ssyncadd.s32 $0xFFFFFC00  }
0xb9: {  	s25 =	sadd.s32 $0x10, s29;
	v7 =	vadd.s32 s31, v0;
	[tilespmem:$0x18780] =	vst v6  }
0xba: {  	s30 =	sadd.s32 $0x30, s29;
	v6 =	vadd.s32 s25, v0;
	[tilespmem:$0x187C0] =	vst v7  }
0xbb: {  	s24 =	sadd.s32 $0x20, s29;
	[tilespmem:$0x18790] =	vst v6;
	v6 =	vadd.s32 s30, v0  }
0xbc: {  	[tilespmem:$0x187B0] =	vst v6;
	v6 =	vadd.s32 s24, v0  }
0xbd: {  	[tilespmem:$0x187A0] =	vst v6  }
0xbe: {  	[tilespmem:s15], [sflag:$0x1] =	stream.indirect.gather [spmem:s3], $0x10, s14, s13, $0xb8;
	[tilespmem:$0x1E080] =	vst v63  }
0xbf: {  	_ =	swait.ge [sflag:s19], $0x500  }
0xc0: {  	s26 =	smov.u32 s12;
	[sflag:s19] =	ssyncset.done $0x0  }
0xc1: {  	s25 =	sadd.s32 $0x500, s12;
	s24 =	simm.s32 $0x50;
	[sflag:s19] =	ssyncadd.s32 $0xFFFFFB00  }
.LBB2_14:
0xc2: {  	[hbm4b:s26+s4] =	stream.linear.scatter [tilespmem:s15], [sflag:$0x2], $0x2800, $0x38;
	[tilespmem:$0x1E080] =	vst v63  }
0xc3: {  	s28 =	smov.u32 s24;
	s26 =	smov.u32 s25  }
0xc4: {  	p0 =	sne.s32 s24, $0xBE0;
	s24 =	sadd.s32 $0x50, s24;
	_ =	swait.ge [sflag:s16], $0x2800  }
0xc5: {  	s28 =	sadd.s32 s28, s5;
	[sflag:s16] =	ssyncset.done $0x0  }
0xc6: {  	v6 =	vadd.s32 s28, v0;
	s29 =	sadd.s32 $0x10, s28;
	s30 =	sadd.s32 $0x20, s28;
	[sflag:s16] =	ssyncadd.s32 $0xFFFFD800  }
0xc7: {  	v7 =	vadd.s32 s30, v0;
	[tilespmem:$0x18780] =	vst v6;
	v6 =	vadd.s32 s29, v0;
	s29 =	sadd.s32 $0x30, s28;
	s28 =	sadd.s32 $0x40, s28  }
0xc8: {  	[tilespmem:$0x18790] =	vst v6;
	v6 =	vadd.s32 s29, v0;
	v8 =	vadd.s32 s28, v0  }
0xc9: {  	[tilespmem:$0x187B0] =	vst v6  }
0xca: {  	[tilespmem:$0x187C0] =	vst v8  }
.Ltmp6:
0xcb: {  	[tilespmem:$0x187A0] =	vst v7;
	(pc) =	sbr.rel @p0 .LBB2_14-.Ltmp6, $4  }
0xcc: {  	[tilespmem:s15], [sflag:$0x1] =	stream.indirect.gather [spmem:s3], $0x10, s14, s13, $0xb8;
	[tilespmem:$0x1E080] =	vst v63  }
0xcd: {  	_ =	swait.ge [sflag:s19], $0x500  }
0xce: {  	[sflag:s19] =	ssyncset.done $0x0  }
0xcf: {  	s25 =	sadd.s32 $0x500, s25;
	[sflag:s19] =	ssyncadd.s32 $0xFFFFFB00  }
0xd0: {  	[hbm4b:s26+s4] =	stream.linear.scatter [tilespmem:s15], [sflag:$0x2], $0x2800, $0x38;
	[tilespmem:$0x1E080] =	vst v63  }
0xd1: {  	_ =	swait.ge [sflag:s16], $0x2800  }
0xd2: {  	[sflag:s16] =	ssyncset.done $0x0  }
0xd3: {  	[sflag:s16] =	ssyncadd.s32 $0xFFFFD800  }
0xd4: {  	[tilespmem:$0x1D800] =	vst v2  }
0xd5: {  	[tilespmem:s22], [sflag:$0x1] =	stream.indirect.gather [spmem:s3], $0x10, s21, s20, $0xb8;
	[tilespmem:$0x1E080] =	vst v63  }
0xd6: {  	s23 =	sadd.s32 $0x1, s23;
	_ =	swait.ge [sflag:s19], $0x100  }
0xd7: {  	p0 =	sne.s32 s23, s8;
	[sflag:s19] =	ssyncset.done $0x0  }
.Ltmp7:
0xd8: {  	[sflag:s19] =	ssyncadd.s32 $0xFFFFFF00;
	(pc) =	sbr.rel @p0 .LBB2_1-.Ltmp7, $4  }
0xd9: {  	[hbm4b:s7+s4] =	stream.linear.scatter [tilespmem:s22], [sflag:$0x2], $0x400, $0x38;
	[tilespmem:$0x1E080] =	vst v63  }
0xda: {  	_ =	swait.ge [sflag:s16], $0x400  }
0xdb: {  	[sflag:s16] =	ssyncset.done $0x0  }
0xdc: {  	[sflag:s16] =	ssyncadd.s32 $0xFFFFFC00  }
0xdd: {  	_ =	sfence.sel $0x180000  }
0xde: {  	[bflag:$0x0] =	sbarrier.arrive $0xFFFF  }
0xdf: {  	p0 =	sne.s32 s1, $0x0;
	_ =	strace $0x9000004D  }
0xe0: {  	s0 =	sadd.s32 @!p0 $0x100000, s0;
	[bflag:$0x2] =	sbarrier.arrive $0xFFFF  }
0xe1: {  	[sflag:s0] =	ssyncadd.tile.s32 @!p0 $0x1;
	_ =	shalt  }
.Lfunc_end2:
_tile_overlayer_lowered:
.L_overlay_start_2:
0xe2: {  	(tag) =	ssettag $0x2  }
0xe3: {  	s0 =	rddreg [dreg:$0x0];
	s2 =	stileid.u32  }
0xe4: {  	s1 =	rddreg [dreg:$0x1];
	p0 =	sne.s32 s2, $0x0  }
0xe5: {  	s3 =	rddreg [dreg:$0x2];
	[bflag:$0x3] =	sbarrier.arrive $0xFFFF;
	s2 =	simm.s32 @!p0 $0x1C02  }
0xe6: {  	[timem:s3], [sflag:s2] =	dma.local @!p0 [hbm:s0], s1  }
0xe7: {  	s0 =	simm.s32 @!p0 $0x2  }
0xe8: {  	_ =	swait.ge @!p0 [sflag:s0], s1  }
0xe9: {  	s1 =	ssub.s32 @!p0 $0x0, s1;
	[sflag:s0] =	ssyncset.done @!p0 $0x0  }
0xea: {  	[sflag:s0] =	ssyncadd.s32 @!p0 s1  }
0xeb: {  	[bflag:$0x3] =	sbarrier.arrive $0xFFFF  }
0xec: {  	_ =	shalt  }

// kernel: kernel.22.cloned.1.call-start
scs
__scs_entry_jumppad:
0x0: {  	(pc) =	sbr.rel $0x88, $3  }
0x1: {  	(tag) =	ssettag $0x0;
	lr =	simm.s32 $0x1  }
0x2: {  	[smem:$0x3F8F] =	sst lr;
	_ =	strace $0xD0000000  }
0x3: {  	_ = 	snop  }
0x4: {  	_ = 	snop  }
0x5: {  	_ = 	snop  }
0x6: {  	_ = 	snop  }
0x7: {  	_ = 	snop  }
__scs_overlays_trampoline_lowered:
0x8: {  	[smem:$0x3F9E] =	sst s0  }
0x9: {  	[smem:$0x3F9F] =	sst s1  }
0xa: {  	[smem:$0x3FA0] =	sst s2  }
0xb: {  	[smem:$0x3FA1] =	sst s3  }
0xc: {  	[smem:$0x3FA2] =	sst s4  }
0xd: {  	[smem:$0x3FA3] =	sst s5  }
0xe: {  	[smem:$0x3FA4] =	sst s6  }
0xf: {  	[smem:$0x3FA5] =	sst s7  }
0x10: {  	[smem:$0x3FA6] =	sst s8  }
0x11: {  	[smem:$0x3FA7] =	sst s9;
	s0 =	simm.s32 @!p0 $0x0  }
0x12: {  	s1 =	sld [smem:$0x3F8D];
	s0 =	simm.s32 @p0 $0x1  }
0x13: {  	[smem:$0x3FA8] =	sst s0;
	s0 =	simm.s32 @!p1 $0x0  }
0x14: {  	s2 =	sld [smem:$0x3F8C];
	s0 =	simm.s32 @p1 $0x1  }
0x15: {  	[smem:$0x3FA9] =	sst s0;
	s0 =	simm.s32 @!p2 $0x0  }
0x16: {  	s3 =	sld [smem:$0x3FDB];
	s0 =	simm.s32 @p2 $0x1  }
0x17: {  	s4 =	simm.s32 $0x1BF5;
	[smem:$0x3FAB] =	sst s0  }
0x18: {  	s0 =	sld [smem:$0x3F8E];
	_ =	swait.ge [sflag:s4], $0x0  }
0x19: {  	s7 =	sld [smem:$0x3F8F]  }
0x1a: {  	s8 =	sadd.s32 $0xFFFFE003, lr  }
0x1b: {  	s9 =	sadd.s32 $0xFFFFFEF7, lr;
	s5 =	simm.s32 $0xFFFFFFFF;
	p2 =	slt.u32 s8, $0xFFFFF086  }
0x1c: {  	p1 =	slt.u32 s9, $0xF7A;
	s5 =	simm.s32 @!p2 $0x0  }
0x1d: {  	s5 =	simm.s32 @p1 $0x1;
	p0 =	seq.s32 s7, s2  }
0x1e: {  	s7 =	smul.u32 @!p0 $0xF7A, s2;
	p2 =	seq.s32 @!p0 s5, $0x0  }
0x1f: {  	s9 =	smul.u32 $0xF7A, s1;
	s8 =	simm.s32 @!p0 $0x1BF5;
	p2 =	por !p2, p0  }
0x20: {  	[sflag:s8] =	ssyncset.s32 @!p0 $0xFFFFF086;
	s6 =	sadd.s32 @!p0 s3, s7;
	s7 =	simm.s32 @!p0 $0x108  }
0x21: {  	s3 =	sadd.s32 s3, s9;
	s6 =	sadd.s32 @!p0 $0x88, s6;
	s7 =	simm.s32 @p2 $0x1082  }
0x22: {  	[simem:s7], [sflag:s8] =	dma.local @!p0 [hbm:s6], $0xF7A  }
0x23: {  	s9 =	sor.u32 $0xD0000000, s2;
	s6 =	simm.s32 $0x108;
	_ =	swait.ge @!p0 [sflag:s8], $0x0  }
0x24: {  	s3 =	sadd.s32 $0x88, s3;
	s6 =	simm.s32 @!p1 $0x1082;
	[sflag:s4] =	ssyncset.s32 $0xFFFFF086  }
0x25: {  	[simem:s6], [sflag:s4] =	dma.local [hbm:s3], $0xF7A  }
0x26: {  	[smem:$0x3F8F] =	sst s1;
	(tag) =	ssettag s2;
	_ =	strace s9  }
0x27: {  	s1 =	sld [smem:$0x3F9F]  }
0x28: {  	s2 =	sld [smem:$0x3FA0]  }
0x29: {  	s4 =	sld [smem:$0x3FA2]  }
0x2a: {  	p0 =	seq.s32 s5, $0x0;
	s5 =	sld [smem:$0x3FA3]  }
0x2b: {  	s6 =	sld [smem:$0x3FA4]  }
0x2c: {  	s7 =	sld [smem:$0x3FA5]  }
0x2d: {  	s3 =	simm.s32 $0x108;
	s8 =	sld [smem:$0x3FA6]  }
0x2e: {  	s3 =	simm.s32 @!p0 $0x1082;
	s9 =	sld [smem:$0x3FA7]  }
0x2f: {  	lr =	sadd.s32 s0, s3;
	s0 =	sld [smem:$0x3F9E]  }
0x30: {  	s3 =	sld [smem:$0x3FA1]  }
0x31: {  	[smem:$0x3FAA] =	sst s10  }
0x32: {  	s10 =	sld [smem:$0x3FA8];
	_ =	sdelay $0x3  }
0x33: {  	p0 =	seq.s32 s10, $0x1;
	s10 =	sld [smem:$0x3FAA];
	_ =	sdelay $0x3  }
0x34: {  	[smem:$0x3FAA] =	sst s10  }
0x35: {  	s10 =	sld [smem:$0x3FA9];
	_ =	sdelay $0x3  }
0x36: {  	p1 =	seq.s32 s10, $0x1;
	s10 =	sld [smem:$0x3FAA];
	_ =	sdelay $0x3  }
0x37: {  	[smem:$0x3FAA] =	sst s10  }
0x38: {  	s10 =	sld [smem:$0x3FAB]  }
0x39: {  	_ = 	snop;
	(pc) =	sbr.ind lr, $3  }
0x3a: {  	_ = 	snop  }
0x3b: {  	_ = 	snop  }
0x3c: {  	p2 =	seq.s32 s10, $0x1;
	s10 =	sld [smem:$0x3FAA]  }
0x3d: {  	_ =	shalt  }
0x3e: {  	_ =	shalt  }
0x3f: {  	_ =	shalt  }
0x40: {  	_ =	shalt  }
0x41: {  	_ =	shalt  }
0x42: {  	_ =	shalt  }
0x43: {  	_ =	shalt  }
0x44: {  	_ =	shalt  }
0x45: {  	_ =	shalt  }
0x46: {  	_ =	shalt  }
0x47: {  	_ =	shalt  }
0x48: {  	_ =	shalt  }
0x49: {  	_ =	shalt  }
0x4a: {  	_ =	shalt  }
0x4b: {  	_ =	shalt  }
0x4c: {  	_ =	shalt  }
0x4d: {  	_ =	shalt  }
0x4e: {  	_ =	shalt  }
0x4f: {  	_ =	shalt  }
0x50: {  	_ =	shalt  }
0x51: {  	_ =	shalt  }
0x52: {  	_ =	shalt  }
0x53: {  	_ =	shalt  }
0x54: {  	_ =	shalt  }
0x55: {  	_ =	shalt  }
0x56: {  	_ =	shalt  }
0x57: {  	_ =	shalt  }
0x58: {  	_ =	shalt  }
0x59: {  	_ =	shalt  }
0x5a: {  	_ =	shalt  }
0x5b: {  	_ =	shalt  }
0x5c: {  	_ =	shalt  }
0x5d: {  	_ =	shalt  }
0x5e: {  	_ =	shalt  }
0x5f: {  	_ =	shalt  }
0x60: {  	_ =	shalt  }
0x61: {  	_ =	shalt  }
0x62: {  	_ =	shalt  }
0x63: {  	_ =	shalt  }
0x64: {  	_ =	shalt  }
0x65: {  	_ =	shalt  }
0x66: {  	_ =	shalt  }
0x67: {  	_ =	shalt  }
0x68: {  	_ =	shalt  }
0x69: {  	_ =	shalt  }
0x6a: {  	_ =	shalt  }
0x6b: {  	_ =	shalt  }
0x6c: {  	_ =	shalt  }
0x6d: {  	_ =	shalt  }
0x6e: {  	_ =	shalt  }
0x6f: {  	_ =	shalt  }
0x70: {  	_ =	shalt  }
0x71: {  	_ =	shalt  }
0x72: {  	_ =	shalt  }
0x73: {  	_ =	shalt  }
0x74: {  	_ =	shalt  }
0x75: {  	_ =	shalt  }
0x76: {  	_ =	shalt  }
0x77: {  	_ =	shalt  }
0x78: {  	_ =	shalt  }
0x79: {  	_ =	shalt  }
0x7a: {  	_ =	shalt  }
0x7b: {  	_ =	shalt  }
0x7c: {  	_ =	shalt  }
0x7d: {  	_ =	shalt  }
0x7e: {  	_ =	shalt  }
0x7f: {  	_ =	shalt  }
0x80: {  	_ =	shalt  }
0x81: {  	_ =	shalt  }
0x82: {  	_ =	shalt  }
0x83: {  	_ =	shalt  }
0x84: {  	_ =	shalt  }
0x85: {  	_ =	shalt  }
0x86: {  	_ =	shalt  }
0x87: {  	_ =	shalt  }
.Lfunc_end0:
.L_simem_size_0:
called_computation.4_lowered:
.L_overlay_start_0:
0x88: {  	s2 =	sld [smem:$0x3FD9]  }
0x89: {  	s3 =	sld [smem:$0x3FFE];
	_ =	sdelay $0x1  }
0x8a: {  	s1 =	srdreg.scid  }
0x8b: {  	s0 =	sand.u32 $0x1, s1  }
0x8c: {  	s17 =	sshll.u32 s0, $0xA;
	s2 =	sadd.s32 s3, s2  }
0x8d: {  	s2 =	sadd.s32 s2, s17  }
0x8e: {  	[smem:$0x3FB6] =	sst s2  }
0x8f: {  	_ = 	snop  }
0x90: {  	(tm) =	ssettm $0x1  }
0x91: {  	s18 =	sld [smem:$0x3FFB];
	_ =	sdelay $0x3  }
0x92: {  	_ =	strace s18  }
0x93: {  	s2 =	sld [smem:$0x3FFC];
	_ =	sdelay $0x3  }
0x94: {  	_ =	strace s2  }
0x95: {  	s2 =	sld [smem:$0x3FFD];
	_ =	sdelay $0x3  }
0x96: {  	_ =	strace s2  }
0x97: {  	_ =	strace $0x8FFFFFFF  }
0x98: {  	s19 =	sld [smem:$0x3FDB];
	_ =	sdelay $0x1  }
0x99: {  	s20 =	simm.s32 $_scs_section_size  }
0x9a: {  	s4 =	simm.s32 $_size__tile_overlayer_lowered;
	s5 =	simm.s32 $_tile_overlayer_lowered  }
0x9b: {  	s6 =	simm.s32 $0x1BFF;
	s21 =	sshll.u32 s5, $0x1;
	s3 =	sadd.s32 s20, s19  }
0x9c: {  	s22 =	simm.s32 $0x0;
	s4 =	sshll.u32 s4, $0x1;
	s5 =	sadd.s32 s21, s3  }
0x9d: {  	[timem:s22], [sflag:s6] =	dma.local [hbm:s5], s4  }
0x9e: {  	_ =	swait.ge [sflag:s6], s4  }
0x9f: {  	s4 =	ssub.s32 $0x0, s4;
	[sflag:s6] =	ssyncset.done $0x0  }
0xa0: {  	[sflag:s6] =	ssyncadd.s32 s4;
	_ =	sdelay $0x1  }
0xa1: {  	s23 =	simm.s32 $0x1B8B  }
0xa2: {  	_ =	swait.ge [sflag:s23], $0x1  }
0xa3: {  	[sflag:s23] =	ssyncset.done $0x0  }
0xa4: {  	[sflag:s23] =	ssyncadd.s32 $0xFFFFFFFF  }
0xa5: {  	s4 =	sld [smem:$0x0]  }
0xa6: {  	s5 =	sand.u32 $0xFFFFFFFE, s1  }
0xa7: {  	p0 =	sne.s32 s1, s5  }
0xa8: {  	s5 =	sshll.u32 @p0 s5, $0xE  }
0xa9: {  	s5 =	sadd.s32 @p0 $0x11B8D, s5;
	s6 =	sshll.u32 @p0 s4, $0x11  }
0xaa: {  	s5 =	sor.u32 @p0 s6, s5  }
0xab: {  	[sflag:s5] =	ssyncadd.remote.s32 @p0 $0x1;
	_ =	sdelay $0x1  }
0xac: {  	s5 =	simm.s32 @p0 $0x1B8D  }
0xad: {  	_ =	swait.eq @p0 [sflag:s5], $0x1  }
0xae: {  	[sflag:s5] =	ssyncadd.s32 @p0 $0xFFFFFFFF  }
0xaf: {  	s6 =	sshll.u32 @!p0 s1, $0xE  }
0xb0: {  	s6 =	sor.u32 @!p0 $0x4000, s6;
	s5 =	simm.s32 @!p0 $0x1B8D  }
0xb1: {  	s4 =	sshll.u32 @!p0 s4, $0x11;
	s6 =	sadd.s32 @!p0 $0x11B8D, s6;
	_ =	swait.eq @!p0 [sflag:s5], $0x1  }
0xb2: {  	s4 =	sor.u32 @!p0 s4, s6;
	[sflag:s5] =	ssyncadd.s32 @!p0 $0xFFFFFFFF  }
0xb3: {  	s25 =	simm.s32 $0x1B8E;
	s24 =	sld [smem:$0x3FFE];
	[sflag:s4] =	ssyncadd.remote.s32 @!p0 $0x1  }
0xb4: {  	s26 =	simm.s32 $execute0_lowered;
	[smem:$0x3FD2] =	sst s25  }
0xb5: {  	s5 =	sshll.u32 s26, $0x1;
	_ =	strace $0x80000049;
	[dreg:$0x1] =	wrdreg $0xFFFFFFFF  }
0xb6: {  	s28 =	simm.s32 $_size_execute0_lowered;
	s3 =	sadd.s32 s3, s5;
	[dreg:$0x0] =	wrdreg $0x0  }
0xb7: {  	s5 =	sshll.u32 s28, $0x1;
	[dreg:$0x2] =	wrdreg s3  }
0xb8: {  	[dreg:$0x3] =	wrdreg s5  }
0xb9: {  	[dreg:$0x4] =	wrdreg $0xC0  }
0xba: {  	_ =	task [dreg:s22], $0x5FFFF  }
0xbb: {  	[dreg:$0x1] =	wrdreg $0xFFFFFFFF  }
0xbc: {  	[dreg:$0x0] =	wrdreg $0x60  }
0xbd: {  	[dreg:$0x2] =	wrdreg s24  }
0xbe: {  	[dreg:$0x3] =	wrdreg $0xD  }
0xbf: {  	_ =	task.clear_ibuf [dreg:s22], $0x4FFFF;
	_ =	strace $0x90000049  }
0xc0: {  	s29 =	simm.s32 $0xD;
	_ =	strace $0x8000004B  }
0xc1: {  	_ =	swait.ge [sflag:s29], $0x1  }
0xc2: {  	[sflag:s29] =	ssyncadd.s32 $0xFFFFFFFF  }
0xc3: {  	_ =	strace $0x9000004B  }
0xc4: {  	_ =	sfence  }
0xc5: {  	s30 =	sld [smem:$0x0];
	_ =	sdelay $0x2  }
0xc6: {  	s31 =	sshll.u32 s1, $0xD;
	s1 =	sshrl.u32 s1, $0x2  }
0xc7: {  	s4 =	sand.u32 $0x4000, s31;
	s1 =	sadd.s32 s1, s30  }
0xc8: {  	s0 =	sor.u32 s4, s0;
	s1 =	sshll.u32 s1, $0x11  }
0xc9: {  	s0 =	sor.u32 s1, s0  }
0xca: {  	s0 =	sadd.s32 $0x8F2B, s0  }
0xcb: {  	[sflag:s0] =	ssyncadd.remote.s32 $0x1  }
0xcc: {  	_ =	sfence.sel $0xFFFF  }
0xcd: {  	[dreg:$0x0] =	wrdreg $0xFFFFFFFF;
	(pc) =	sbr.abs _section_cstart, $3  }
0xce: {  	[dreg:$0x1] =	wrdreg $0xFFFFFFFF  }
0xcf: {  	_ =	task.clear_ibuf [dreg:s22], $0x2FFFF;
	_ =	strace $0x9FFFFFFF  }
0xd0: {  	(tm) =	ssettm $0x7FFFFFFF  }
0xd1: {  	_ =	shalt  }
tec
execute0_lowered:
.L_overlay_start_1:
0x0: {  	(tag) =	ssettag $0x1  }
0x1: {  	s7 =	rddreg [dreg:$0x0]  }
0x2: {  	s0 =	rddreg [dreg:$0x1];
	s2 =	simm.s32 $0x0;
	s3 =	srdreg.scid  }
0x3: {  	s1 =	stileid.u32;
	s13 =	simm.s32 $0x19600;
	s14 =	simm.s32 $0x1  }
0x4: {  	s15 =	simm.s32 $0x80;
	s16 =	simm.s32 $0x1A400;
	s17 =	simm.s32 $0x0  }
0x5: {  	[smem:$0x7FF] =	sst s2;
	s4 =	sand.u32 $0x1, s3;
	s30 =	sshll.u32 s1, $0x1  }
0x6: {  	s3 =	sadd.s32 $0x4FA000, s7;
	s5 =	sadd.s32 $0xCB000, s7;
	s6 =	sadd.s32 $0x66200, s7  }
0x7: {  	_ =	strace $0x8000004A;
	s8 =	sor.u32 s4, s30;
	s10 =	ssub.s32 $0x2, s4  }
0x8: {  	v4 =	vlaneseq.u32;
	s4 =	sadd.s32 $0xFBE00, s7;
	s9 =	smul.u32 $0x30E0, s8;
	s11 =	sshrl.u32 s10, $0x1  }
0x9: {  	v5 =	vmul.u32 $0x61, v4;
	s12 =	smul.u32 $0xFFFFF3CB, s8;
	s31 =	ssub.s32 s10, s11;
	s10 =	simm.s32 $0x18900  }
0xa: {  	v3 =	vimm.s32 $0x0;
	v1 =	vadd.s32 $0xC35, v4;
	v2 =	vmul.u32 $0x200, v4;
	s11 =	simm.s32 $0x18F80;
	s7 =	sadd.s32 s9, s7;
	s8 =	smax.u32 s31, $0x1  }
0xb: {  	v4 =	vor.u32 $0x6C0, v4;
	v5 =	vadd.s32 $0x8, v5;
	s9 =	simm.s32 $0x2;
	v0 =	vmov s12;
	s12 =	simm.s32 $0x19D00;
	s7 =	sadd.s32 $0x12CC00, s7  }
.LBB2_1:
0xc: {  	[tilespmem:s2], [sflag:$0x2] =	stream.linear.gather [hbm4b:s6+s2], $0x18900, $0x38;
	[tilespmem:$0x1E400] =	vst v63  }
0xd: {  	_ =	swait.ge [sflag:s9], $0x18900  }
0xe: {  	[sflag:s9] =	ssyncset.done $0x0  }
0xf: {  	[sflag:s9] =	ssyncadd.s32 $0xFFFE7700  }
0x10: {  	v6 =	vor.u32 s2, v2;
	[tilespmem:s12+$0x0] =	vst v1  }
0x11: {  	s19 =	simm.s32 $0x1;
	s20 =	simm.s32 $0x19D10;
	s21 =	simm.s32 $0x19600;
	[tilespmem:s13+$0x0] =	vst v6  }
.LBB2_2:
0x12: {  	[tilespmem:s20+$0x0] =	vst v1;
	v6 =	vor.u32 s19, v2;
	p0 =	sne.s32 s19, $0x6C;
	s19 =	sadd.s32 $0x1, s19;
	s21 =	sadd.s32 $0x10, s21  }
.Ltmp0:
0x13: {  	s18 =	simm.s32 $0x0;
	[tilespmem:s21+$0x0] =	vst v6;
	(pc) =	sbr.rel @p0 .LBB2_2-.Ltmp0, $2  }
0x14: {  	_ =	sdelay $0x2  }
0x15: {  	s20 =	sadd.s32 $0x10, s20  }
.Ltmp1:
0x16: {  	(pc) =	sbr.rel .LBB2_4-.Ltmp1, $2  }
0x17: {  	_ =	sdelay $0x2  }
0x18: {  	s20 =	simm.s32 $0x0;
	s19 =	simm.s32 $0x0  }
.LBB2_12:
0x19: {  	s19 =	sadd.s32 $0x1, s19  }
0x1a: {  	p0 =	sne.s32 s19, $0x3E8  }
.Ltmp2:
0x1b: {  	_ = 	snop;
	(pc) =	sbr.rel @!p0 .LBB2_13-.Ltmp2, $3  }
0x1c: {  	_ =	sdelay $0x1  }
0x1d: {  	s21 =	sshll.u32 s21, $0x7  }
0x1e: {  	s20 =	ssub.s32 s20, s21  }
.LBB2_4:
0x1f: {  	s21 =	smul.u32 $0xC8, s19;
	_ =	sdelay $0x1  }
0x20: {  	s22 =	sadd.s32 s4, s21  }
0x21: {  	[tilespmem:s10], [sflag:$0x2] =	stream.linear.gather [hbm4b:s22+s18], $0x640, $0x38;
	[tilespmem:$0x1E400] =	vst v63  }
0x22: {  	_ =	swait.ge [sflag:s9], $0x640  }
0x23: {  	[sflag:s9] =	ssyncset.done $0x0  }
0x24: {  	s21 =	sadd.s32 s5, s21;
	[sflag:s9] =	ssyncadd.s32 $0xFFFFF9C0  }
0x25: {  	[tilespmem:s11], [sflag:$0x2] =	stream.linear.gather [hbm4b:s21+s18], $0x640, $0x38;
	[tilespmem:$0x1E400] =	vst v63  }
0x26: {  	_ =	swait.ge [sflag:s9], $0x640  }
0x27: {  	[sflag:s9] =	ssyncset.done $0x0  }
0x28: {  	s31 =	simm.s32 $0x0;
	[sflag:s9] =	ssyncadd.s32 $0xFFFFF9C0  }
0x29: {  	v6 =	vld [tilespmem:s31+$0x18F80];
	_ =	sdelay $0x4  }
0x2a: {  	v6 =	vadd.s32 v0, v6  }
0x2b: {  	vm0 =	vlt.u32 v6, $0xC35  }
0x2c: {  	v7 =	vsel vm0, $0x1, v3  }
0x2d: {  	(xrf0) =	vadd.scan.msk.s32 $0xffff, v7;
	_ =	sdelay $0x2  }
0x2e: {  	v7 =	vmov s20  }
0x2f: {  	v7 =	vadd.s32 $0xFFFFFFFF, v7  }
0x30: {  	v7 =	vbroadcast v7, $0x0  }
0x31: {  	v8, _, _ =	vpop (xrf0)  }
0x32: {  	v7 =	vadd.s32 v8, v7;
	(v2sf) =	vpush v8, $0xF  }
0x33: {  	v9 =	vld [tilespmem:s31+$0x18900];
	v7 =	vsel vm0, v7, v4;
	_ =	sdelay $0x3  }
0x34: {  	v6 =	vmin.u32 v6, $0xC35  }
0x35: {  	v9 =	vsel vm0, v9, v5;
	[tilespmem:v7+s12+$0x0] =	vst.idx.msk $0xffff, v6  }
0x36: {  	s22 =	simm.s32 $0x10;
	s21 =	simm.s32 $0x80;
	[tilespmem:v7+s13+$0x0] =	vst.idx.msk $0xffff, v9  }
.LBB2_5:
0x37: {  	p0 =	sne.s32 s21, $0x18C0;
	v6 =	vld [tilespmem:s22+$0x18F80];
	_ =	sdelay $0x1  }
0x38: {  	v7 =	vld [tilespmem:s22+$0x18900];
	_ =	sdelay $0x2  }
0x39: {  	v6 =	vadd.s32 v0, v6  }
0x3a: {  	vm0 =	vlt.u32 v6, $0xC35;
	v6 =	vmin.u32 v6, $0xC35  }
0x3b: {  	v8 =	vsel vm0, $0x1, v3;
	v7 =	vsel vm0, v7, v5;
	s22 =	spop (v2sf)  }
0x3c: {  	(xrf0) =	vadd.scan.msk.s32 $0xffff, v8;
	s20 =	sadd.s32 s20, s22  }
0x3d: {  	v8 =	vmov s20  }
0x3e: {  	v8 =	vadd.s32 $0xFFFFFFFF, v8  }
0x3f: {  	v8 =	vbroadcast v8, $0x0;
	_ =	sdelay $0x2  }
0x40: {  	v9, _, _ =	vpop (xrf0)  }
0x41: {  	v8 =	vadd.s32 v9, v8;
	(v2sf) =	vpush v9, $0xF  }
0x42: {  	v8 =	vsel vm0, v8, v4;
	_ =	sdelay $0x1  }
.Ltmp3:
0x43: {  	(pc) =	sbr.rel @p0 .LBB2_5-.Ltmp3, $3  }
0x44: {  	_ =	sdelay $0x1  }
0x45: {  	[tilespmem:v8+s12+$0x0] =	vst.idx.msk $0xffff, v6  }
0x46: {  	s22 =	sshra.s32 s21, $0x2;
	s21 =	sadd.s32 $0x40, s21;
	[tilespmem:v8+s13+$0x0] =	vst.idx.msk $0xffff, v7  }
0x47: {  	v6 =	vld [tilespmem:s22+$0x18F80];
	_ =	sdelay $0x4  }
0x48: {  	v6 =	vadd.s32 v0, v6  }
0x49: {  	vm0 =	vlt.u32 v6, $0xC35  }
0x4a: {  	v7 =	vsel vm0, $0x1, v3  }
0x4b: {  	(xrf0) =	vadd.scan.msk.s32 $0xffff, v7;
	_ =	sdelay $0x5  }
0x4c: {  	v7, _, _ =	vpop (xrf0)  }
0x4d: {  	(v2sf) =	vpush v7, $0xF;
	_ =	sdelay $0xd  }
0x4e: {  	s21 =	spop (v2sf)  }
0x4f: {  	s20 =	sadd.s32 s20, s21;
	s29 =	spop (v2sf)  }
0x50: {  	v8 =	vmov s20;
	s20 =	sadd.s32 s20, s29  }
0x51: {  	s21 =	sand.u32 $0x7F, s20  }
0x52: {  	v8 =	vadd.s32 $0xFFFFFFFF, v8;
	s30 =	sshra.s32 s20, $0x1F;
	p0 =	slt.s32 s20, $0x1;
	p1 =	sne.s32 s21, $0x0  }
0x53: {  	v8 =	vbroadcast v8, $0x0;
	s31 =	sshrl.u32 s30, $0x19;
	p0 =	por !p0, !p1  }
0x54: {  	v63 =	vld [tilespmem:s22+$0x18900];
	s22 =	simm.s32 $0x1;
	s21 =	sadd.s32 s31, s20;
	p0 =	por !p0, !p0  }
0x55: {  	v7 =	vadd.s32 v7, v8;
	s21 =	sshra.s32 s21, $0x7;
	s22 =	simm.s32 @!p0 $0x0  }
0x56: {  	v7 =	vsel vm0, v7, v4;
	s21 =	ssub.s32 s21, s22  }
0x57: {  	p0 =	slt.s32 s21, $0x1  }
.Ltmp4:
0x58: {  	_ = 	snop;
	(pc) =	sbr.rel @p0 .LBB2_12-.Ltmp4, $4  }
0x59: {  	_ = 	snop  }
0x5a: {  	v6 =	vmin.u32 v6, $0xC35  }
0x5b: {  	v8 =	vsel vm0, v63, v5;
	[tilespmem:v7+s12+$0x0] =	vst.idx.msk $0xffff, v6  }
0x5c: {  	[tilespmem:v7+s13+$0x0] =	vst.idx.msk $0xffff, v8;
	s22 =	simm.s32 $0x0  }
.LBB2_7:
0x5d: {  	[tilespmem:s16], [sflag:$0x1] =	stream.indirect.gather [hbm4b:s3+s15], $0x80, s13, s15, $0xb8;
	[tilespmem:$0x1E400] =	vst v63  }
0x5e: {  	_ =	swait.ge [sflag:s14], $0x4000  }
0x5f: {  	[sflag:s14] =	ssyncset.done $0x0  }
0x60: {  	s23 =	simm.s32 $0x0;
	[sflag:s14] =	ssyncadd.s32 $0xFFFFC000  }
0x61: {  	v6 =	vld [tilespmem:s23+$0x19D00];
	_ =	sdelay $0x4  }
0x62: {  	(v2sf) =	vpush v6, $0x0;
	_ =	sdelay $0xe  }
0x63: {  	s24 =	spop (v2sf)  }
0x64: {  	s23 =	simm.s32 $0x1A410;
	s24 =	sshll.u32 s24, $0x7  }
0x65: {  	v6 =	vld [tilespmem:s23+$0xFFFFFFF0];
	s25 =	sshra.s32 s24, $0x2  }
0x66: {  	v7 =	vld [tilespmem:s25+$0x0];
	_ =	sdelay $0x4  }
0x67: {  	v6 =	vmax.f32 v7, v6  }
0x68: {  	[tilespmem:s25+$0x0] =	vst v6;
	v6 =	vld [tilespmem:s25+$0x10]  }
0x69: {  	v7 =	vld [tilespmem:s23+$0x0];
	_ =	sdelay $0x4  }
0x6a: {  	s26 =	simm.s32 $0x8;
	s24 =	simm.s32 $0x4;
	v6 =	vmax.f32 v6, v7  }
.LBB2_8:
0x6b: {  	s28 =	sshra.s32 s24, $0x2  }
0x6c: {  	[tilespmem:s25+$0x10] =	vst v6;
	s23 =	sadd.s32 $0x80, s23;
	s24 =	smov.u32 s26;
	s29 =	sadd.s32 $0x4, s26  }
0x6d: {  	p0 =	sne.s32 s26, $0x1FC;
	v6 =	vld [tilespmem:s28+$0x19D00];
	_ =	sdelay $0x4  }
0x6e: {  	(v2sf) =	vpush v6, $0x0;
	_ =	sdelay $0xe  }
0x6f: {  	s25 =	spop (v2sf)  }
0x70: {  	s25 =	sshll.u32 s25, $0x7  }
0x71: {  	s25 =	sshra.s32 s25, $0x2;
	v6 =	vld [tilespmem:s23+$0xFFFFFFF0]  }
0x72: {  	v7 =	vld [tilespmem:s25+$0x0];
	_ =	sdelay $0x4  }
0x73: {  	v6 =	vmax.f32 v7, v6  }
0x74: {  	[tilespmem:s25+$0x0] =	vst v6;
	v6 =	vld [tilespmem:s25+$0x10]  }
0x75: {  	v7 =	vld [tilespmem:s23+$0x0]  }
.Ltmp5:
0x76: {  	(pc) =	sbr.rel @p0 .LBB2_8-.Ltmp5, $2  }
0x77: {  	_ =	sdelay $0x2  }
0x78: {  	s26 =	smov.u32 s29;
	v6 =	vmax.f32 v6, v7  }
0x79: {  	s24 =	sshra.s32 s24, $0x2;
	[tilespmem:s25+$0x10] =	vst v6  }
0x7a: {  	v6 =	vld [tilespmem:s24+$0x19D00];
	_ =	sdelay $0x4  }
0x7b: {  	(v2sf) =	vpush v6, $0x0;
	_ =	sdelay $0xe  }
0x7c: {  	s29 =	spop (v2sf)  }
0x7d: {  	s23 =	sadd.s32 $0x80, s23;
	s24 =	sshll.u32 s29, $0x7  }
0x7e: {  	v6 =	vld [tilespmem:s23+$0xFFFFFFF0];
	s24 =	sshra.s32 s24, $0x2  }
0x7f: {  	v7 =	vld [tilespmem:s24+$0x0];
	_ =	sdelay $0x4  }
0x80: {  	v6 =	vmax.f32 v7, v6  }
0x81: {  	[tilespmem:s24+$0x0] =	vst v6;
	v6 =	vld [tilespmem:s24+$0x10]  }
0x82: {  	v7 =	vld [tilespmem:s23+$0x0];
	_ =	sdelay $0x4  }
0x83: {  	s30 =	simm.s32 $0x0;
	v6 =	vmax.f32 v6, v7  }
0x84: {  	s23 =	sand.u32 $0x7F0, s30;
	[tilespmem:s24+$0x10] =	vst v6  }
0x85: {  	v6 =	vld [tilespmem:s23+$0x19D80];
	_ =	sdelay $0x3  }
0x86: {  	s24 =	simm.s32 $0x19D00  }
0x87: {  	[tilespmem:s24+$0x0] =	vst v6  }
0x88: {  	v6 =	vld [tilespmem:s23+$0x19680];
	_ =	sdelay $0x3  }
0x89: {  	s31 =	simm.s32 $0x10;
	s23 =	simm.s32 $0x19600  }
0x8a: {  	s25 =	simm.s32 $0x20;
	s26 =	sand.u32 $0x7F0, s31;
	[tilespmem:s23+$0x0] =	vst v6  }
.LBB2_10:
0x8b: {  	p0 =	sne.s32 s25, $0x640;
	v6 =	vld [tilespmem:s26+$0x19D80];
	_ =	sdelay $0x3  }
0x8c: {  	s24 =	sadd.s32 $0x10, s24  }
0x8d: {  	[tilespmem:s24+$0x0] =	vst v6  }
0x8e: {  	v6 =	vld [tilespmem:s26+$0x19680]  }
.Ltmp6:
0x8f: {  	(pc) =	sbr.rel @p0 .LBB2_10-.Ltmp6, $3  }
0x90: {  	_ =	sdelay $0x1  }
0x91: {  	s23 =	sadd.s32 $0x10, s23  }
0x92: {  	s26 =	sand.u32 $0x7F0, s25;
	s25 =	sadd.s32 $0x10, s25;
	[tilespmem:s23+$0x0] =	vst v6  }
0x93: {  	v6 =	vld [tilespmem:s26+$0x19D80];
	_ =	sdelay $0x3  }
0x94: {  	s24 =	sadd.s32 $0x10, s24  }
0x95: {  	s22 =	sadd.s32 $0x1, s22;
	[tilespmem:s24+$0x0] =	vst v6  }
0x96: {  	p0 =	sne.s32 s22, s21;
	v6 =	vld [tilespmem:s26+$0x19680]  }
.Ltmp7:
0x97: {  	_ = 	snop;
	(pc) =	sbr.rel @p0 .LBB2_7-.Ltmp7, $4  }
.Ltmp8:
0x98: {  	_ = 	snop;
	(pc) =	sbr.rel @!p0 .LBB2_12-.Ltmp8, $4  }
0x99: {  	_ = 	snop  }
0x9a: {  	s23 =	sadd.s32 $0x10, s23  }
0x9b: {  	[tilespmem:s23+$0x0] =	vst v6  }
0x9c: {  	_ = 	snop  }
.LBB2_13:
0x9d: {  	[tilespmem:s16], [sflag:$0x1] =	stream.indirect.gather [hbm4b:s3+s15], $0x80, s13, s15, $0xb8;
	[tilespmem:$0x1E400] =	vst v63  }
0x9e: {  	_ =	swait.ge [sflag:s14], $0x4000  }
0x9f: {  	[sflag:s14] =	ssyncset.done $0x0  }
0xa0: {  	s18 =	simm.s32 $0x0;
	[sflag:s14] =	ssyncadd.s32 $0xFFFFC000  }
0xa1: {  	v6 =	vld [tilespmem:s18+$0x19D00];
	_ =	sdelay $0x4  }
0xa2: {  	(v2sf) =	vpush v6, $0x0;
	_ =	sdelay $0xe  }
0xa3: {  	s31 =	spop (v2sf)  }
0xa4: {  	s19 =	simm.s32 $0x1A410;
	s18 =	sshll.u32 s31, $0x7  }
0xa5: {  	v6 =	vld [tilespmem:s19+$0xFFFFFFF0];
	s21 =	sshra.s32 s18, $0x2  }
0xa6: {  	v7 =	vld [tilespmem:s21+$0x0];
	_ =	sdelay $0x4  }
0xa7: {  	v6 =	vmax.f32 v7, v6  }
0xa8: {  	[tilespmem:s21+$0x0] =	vst v6;
	v6 =	vld [tilespmem:s21+$0x10]  }
0xa9: {  	v7 =	vld [tilespmem:s19+$0x0];
	_ =	sdelay $0x4  }
0xaa: {  	s20 =	simm.s32 $0x4;
	s22 =	simm.s32 $0x8;
	s18 =	simm.s32 $0x0;
	v6 =	vmax.f32 v6, v7  }
.LBB2_14:
0xab: {  	s23 =	sshra.s32 s20, $0x2  }
0xac: {  	[tilespmem:s21+$0x10] =	vst v6;
	s19 =	sadd.s32 $0x80, s19;
	s20 =	smov.u32 s22;
	s24 =	sadd.s32 $0x4, s22  }
0xad: {  	p0 =	sne.s32 s22, $0x1FC;
	v6 =	vld [tilespmem:s23+$0x19D00];
	_ =	sdelay $0x4  }
0xae: {  	(v2sf) =	vpush v6, $0x0;
	_ =	sdelay $0xe  }
0xaf: {  	s21 =	spop (v2sf)  }
0xb0: {  	s21 =	sshll.u32 s21, $0x7  }
0xb1: {  	s21 =	sshra.s32 s21, $0x2;
	v6 =	vld [tilespmem:s19+$0xFFFFFFF0]  }
0xb2: {  	v7 =	vld [tilespmem:s21+$0x0];
	_ =	sdelay $0x4  }
0xb3: {  	v6 =	vmax.f32 v7, v6  }
0xb4: {  	[tilespmem:s21+$0x0] =	vst v6;
	v6 =	vld [tilespmem:s21+$0x10]  }
0xb5: {  	v7 =	vld [tilespmem:s19+$0x0]  }
.Ltmp9:
0xb6: {  	(pc) =	sbr.rel @p0 .LBB2_14-.Ltmp9, $2  }
0xb7: {  	_ =	sdelay $0x2  }
0xb8: {  	s22 =	smov.u32 s24;
	v6 =	vmax.f32 v6, v7  }
0xb9: {  	s20 =	sshra.s32 s20, $0x2;
	[tilespmem:s21+$0x10] =	vst v6  }
0xba: {  	v6 =	vld [tilespmem:s20+$0x19D00];
	_ =	sdelay $0x4  }
0xbb: {  	(v2sf) =	vpush v6, $0x0;
	_ =	sdelay $0xe  }
0xbc: {  	s29 =	spop (v2sf)  }
0xbd: {  	s19 =	sadd.s32 $0x80, s19;
	s20 =	sshll.u32 s29, $0x7  }
0xbe: {  	v6 =	vld [tilespmem:s19+$0xFFFFFFF0];
	s20 =	sshra.s32 s20, $0x2  }
0xbf: {  	v7 =	vld [tilespmem:s20+$0x0];
	_ =	sdelay $0x4  }
0xc0: {  	v6 =	vmax.f32 v7, v6  }
0xc1: {  	[tilespmem:s20+$0x0] =	vst v6;
	v6 =	vld [tilespmem:s20+$0x10]  }
0xc2: {  	v7 =	vld [tilespmem:s19+$0x0];
	_ =	sdelay $0x4  }
0xc3: {  	v6 =	vmax.f32 v6, v7  }
0xc4: {  	s30 =	sand.u32 $0x7F0, s18;
	[tilespmem:s20+$0x10] =	vst v6  }
0xc5: {  	v6 =	vld [tilespmem:s30+$0x19D80];
	_ =	sdelay $0x3  }
0xc6: {  	s18 =	simm.s32 $0x19D00  }
0xc7: {  	[tilespmem:s18+$0x0] =	vst v6  }
0xc8: {  	v6 =	vld [tilespmem:s30+$0x19680];
	_ =	sdelay $0x3  }
0xc9: {  	s31 =	simm.s32 $0x10;
	s19 =	simm.s32 $0x19600  }
0xca: {  	s21 =	sand.u32 $0x7F0, s31;
	s20 =	simm.s32 $0x20;
	[tilespmem:s19+$0x0] =	vst v6  }
.LBB2_16:
0xcb: {  	p0 =	sne.s32 s20, $0x640;
	v6 =	vld [tilespmem:s21+$0x19D80];
	_ =	sdelay $0x3  }
0xcc: {  	s18 =	sadd.s32 $0x10, s18  }
0xcd: {  	[tilespmem:s18+$0x0] =	vst v6  }
0xce: {  	v6 =	vld [tilespmem:s21+$0x19680]  }
.Ltmp10:
0xcf: {  	(pc) =	sbr.rel @p0 .LBB2_16-.Ltmp10, $3  }
0xd0: {  	_ =	sdelay $0x1  }
0xd1: {  	s19 =	sadd.s32 $0x10, s19  }
0xd2: {  	s21 =	sand.u32 $0x7F0, s20;
	s20 =	sadd.s32 $0x10, s20;
	[tilespmem:s19+$0x0] =	vst v6  }
0xd3: {  	v6 =	vld [tilespmem:s21+$0x19D80];
	_ =	sdelay $0x3  }
0xd4: {  	s18 =	sadd.s32 $0x10, s18  }
0xd5: {  	[tilespmem:s18+$0x0] =	vst v6  }
0xd6: {  	v6 =	vld [tilespmem:s21+$0x19680];
	_ =	sdelay $0x2  }
0xd7: {  	s17 =	sadd.s32 $0x1, s17  }
0xd8: {  	s31 =	sadd.s32 $0x10, s19;
	p0 =	sne.s32 s17, s8  }
.Ltmp11:
0xd9: {  	[tilespmem:s31+$0x0] =	vst v6;
	(pc) =	sbr.rel @p0 .LBB2_1-.Ltmp11, $4  }
0xda: {  	[hbm4b:s7+s2] =	stream.linear.scatter [tilespmem:s2], [sflag:$0x2], $0x18700, $0x38;
	[tilespmem:$0x1E400] =	vst v63  }
0xdb: {  	_ =	swait.ge [sflag:s9], $0x18700  }
0xdc: {  	[sflag:s9] =	ssyncset.done $0x0  }
0xdd: {  	[sflag:s9] =	ssyncadd.s32 $0xFFFE7900  }
0xde: {  	_ =	sfence.sel $0x180000  }
0xdf: {  	[bflag:$0x0] =	sbarrier.arrive $0xFFFF  }
0xe0: {  	p0 =	sne.s32 s1, $0x0;
	_ =	strace $0x9000004A  }
0xe1: {  	s0 =	sadd.s32 @!p0 $0x100000, s0;
	[bflag:$0x2] =	sbarrier.arrive $0xFFFF  }
0xe2: {  	[sflag:s0] =	ssyncadd.tile.s32 @!p0 $0x1;
	_ =	shalt  }
.Lfunc_end2:
_tile_overlayer_lowered:
.L_overlay_start_2:
0xe3: {  	(tag) =	ssettag $0x2  }
0xe4: {  	s0 =	rddreg [dreg:$0x0];
	s2 =	stileid.u32  }
0xe5: {  	s1 =	rddreg [dreg:$0x1];
	p0 =	sne.s32 s2, $0x0  }
0xe6: {  	s3 =	rddreg [dreg:$0x2];
	[bflag:$0x3] =	sbarrier.arrive $0xFFFF;
	s2 =	simm.s32 @!p0 $0x1C02  }
0xe7: {  	[timem:s3], [sflag:s2] =	dma.local @!p0 [hbm:s0], s1  }
0xe8: {  	s0 =	simm.s32 @!p0 $0x2  }
0xe9: {  	_ =	swait.ge @!p0 [sflag:s0], s1  }
0xea: {  	s1 =	ssub.s32 @!p0 $0x0, s1;
	[sflag:s0] =	ssyncset.done @!p0 $0x0  }
0xeb: {  	[sflag:s0] =	ssyncadd.s32 @!p0 s1  }
0xec: {  	[bflag:$0x3] =	sbarrier.arrive $0xFFFF  }
0xed: {  	_ =	shalt  }

// kernel: kernel.25.cloned.1.call-start
scs
__scs_entry_jumppad:
0x0: {  	(pc) =	sbr.rel $0x88, $3  }
0x1: {  	(tag) =	ssettag $0x0;
	lr =	simm.s32 $0x1  }
0x2: {  	[smem:$0x3F8F] =	sst lr;
	_ =	strace $0xD0000000  }
0x3: {  	_ = 	snop  }
0x4: {  	_ = 	snop  }
0x5: {  	_ = 	snop  }
0x6: {  	_ = 	snop  }
0x7: {  	_ = 	snop  }
__scs_overlays_trampoline_lowered:
0x8: {  	[smem:$0x3F9E] =	sst s0  }
0x9: {  	[smem:$0x3F9F] =	sst s1  }
0xa: {  	[smem:$0x3FA0] =	sst s2  }
0xb: {  	[smem:$0x3FA1] =	sst s3  }
0xc: {  	[smem:$0x3FA2] =	sst s4  }
0xd: {  	[smem:$0x3FA3] =	sst s5  }
0xe: {  	[smem:$0x3FA4] =	sst s6  }
0xf: {  	[smem:$0x3FA5] =	sst s7  }
0x10: {  	[smem:$0x3FA6] =	sst s8  }
0x11: {  	[smem:$0x3FA7] =	sst s9;
	s0 =	simm.s32 @!p0 $0x0  }
0x12: {  	s1 =	sld [smem:$0x3F8D];
	s0 =	simm.s32 @p0 $0x1  }
0x13: {  	[smem:$0x3FA8] =	sst s0;
	s0 =	simm.s32 @!p1 $0x0  }
0x14: {  	s2 =	sld [smem:$0x3F8C];
	s0 =	simm.s32 @p1 $0x1  }
0x15: {  	[smem:$0x3FA9] =	sst s0;
	s0 =	simm.s32 @!p2 $0x0  }
0x16: {  	s3 =	sld [smem:$0x3FDB];
	s0 =	simm.s32 @p2 $0x1  }
0x17: {  	s4 =	simm.s32 $0x1BF5;
	[smem:$0x3FAB] =	sst s0  }
0x18: {  	s0 =	sld [smem:$0x3F8E];
	_ =	swait.ge [sflag:s4], $0x0  }
0x19: {  	s7 =	sld [smem:$0x3F8F]  }
0x1a: {  	s8 =	sadd.s32 $0xFFFFE003, lr  }
0x1b: {  	s9 =	sadd.s32 $0xFFFFFEF7, lr;
	s5 =	simm.s32 $0xFFFFFFFF;
	p2 =	slt.u32 s8, $0xFFFFF086  }
0x1c: {  	p1 =	slt.u32 s9, $0xF7A;
	s5 =	simm.s32 @!p2 $0x0  }
0x1d: {  	s5 =	simm.s32 @p1 $0x1;
	p0 =	seq.s32 s7, s2  }
0x1e: {  	s7 =	smul.u32 @!p0 $0xF7A, s2;
	p2 =	seq.s32 @!p0 s5, $0x0  }
0x1f: {  	s9 =	smul.u32 $0xF7A, s1;
	s8 =	simm.s32 @!p0 $0x1BF5;
	p2 =	por !p2, p0  }
0x20: {  	[sflag:s8] =	ssyncset.s32 @!p0 $0xFFFFF086;
	s6 =	sadd.s32 @!p0 s3, s7;
	s7 =	simm.s32 @!p0 $0x108  }
0x21: {  	s3 =	sadd.s32 s3, s9;
	s6 =	sadd.s32 @!p0 $0x88, s6;
	s7 =	simm.s32 @p2 $0x1082  }
0x22: {  	[simem:s7], [sflag:s8] =	dma.local @!p0 [hbm:s6], $0xF7A  }
0x23: {  	s9 =	sor.u32 $0xD0000000, s2;
	s6 =	simm.s32 $0x108;
	_ =	swait.ge @!p0 [sflag:s8], $0x0  }
0x24: {  	s3 =	sadd.s32 $0x88, s3;
	s6 =	simm.s32 @!p1 $0x1082;
	[sflag:s4] =	ssyncset.s32 $0xFFFFF086  }
0x25: {  	[simem:s6], [sflag:s4] =	dma.local [hbm:s3], $0xF7A  }
0x26: {  	[smem:$0x3F8F] =	sst s1;
	(tag) =	ssettag s2;
	_ =	strace s9  }
0x27: {  	s1 =	sld [smem:$0x3F9F]  }
0x28: {  	s2 =	sld [smem:$0x3FA0]  }
0x29: {  	s4 =	sld [smem:$0x3FA2]  }
0x2a: {  	p0 =	seq.s32 s5, $0x0;
	s5 =	sld [smem:$0x3FA3]  }
0x2b: {  	s6 =	sld [smem:$0x3FA4]  }
0x2c: {  	s7 =	sld [smem:$0x3FA5]  }
0x2d: {  	s3 =	simm.s32 $0x108;
	s8 =	sld [smem:$0x3FA6]  }
0x2e: {  	s3 =	simm.s32 @!p0 $0x1082;
	s9 =	sld [smem:$0x3FA7]  }
0x2f: {  	lr =	sadd.s32 s0, s3;
	s0 =	sld [smem:$0x3F9E]  }
0x30: {  	s3 =	sld [smem:$0x3FA1]  }
0x31: {  	[smem:$0x3FAA] =	sst s10  }
0x32: {  	s10 =	sld [smem:$0x3FA8];
	_ =	sdelay $0x3  }
0x33: {  	p0 =	seq.s32 s10, $0x1;
	s10 =	sld [smem:$0x3FAA];
	_ =	sdelay $0x3  }
0x34: {  	[smem:$0x3FAA] =	sst s10  }
0x35: {  	s10 =	sld [smem:$0x3FA9];
	_ =	sdelay $0x3  }
0x36: {  	p1 =	seq.s32 s10, $0x1;
	s10 =	sld [smem:$0x3FAA];
	_ =	sdelay $0x3  }
0x37: {  	[smem:$0x3FAA] =	sst s10  }
0x38: {  	s10 =	sld [smem:$0x3FAB]  }
0x39: {  	_ = 	snop;
	(pc) =	sbr.ind lr, $3  }
0x3a: {  	_ = 	snop  }
0x3b: {  	_ = 	snop  }
0x3c: {  	p2 =	seq.s32 s10, $0x1;
	s10 =	sld [smem:$0x3FAA]  }
0x3d: {  	_ =	shalt  }
0x3e: {  	_ =	shalt  }
0x3f: {  	_ =	shalt  }
0x40: {  	_ =	shalt  }
0x41: {  	_ =	shalt  }
0x42: {  	_ =	shalt  }
0x43: {  	_ =	shalt  }
0x44: {  	_ =	shalt  }
0x45: {  	_ =	shalt  }
0x46: {  	_ =	shalt  }
0x47: {  	_ =	shalt  }
0x48: {  	_ =	shalt  }
0x49: {  	_ =	shalt  }
0x4a: {  	_ =	shalt  }
0x4b: {  	_ =	shalt  }
0x4c: {  	_ =	shalt  }
0x4d: {  	_ =	shalt  }
0x4e: {  	_ =	shalt  }
0x4f: {  	_ =	shalt  }
0x50: {  	_ =	shalt  }
0x51: {  	_ =	shalt  }
0x52: {  	_ =	shalt  }
0x53: {  	_ =	shalt  }
0x54: {  	_ =	shalt  }
0x55: {  	_ =	shalt  }
0x56: {  	_ =	shalt  }
0x57: {  	_ =	shalt  }
0x58: {  	_ =	shalt  }
0x59: {  	_ =	shalt  }
0x5a: {  	_ =	shalt  }
0x5b: {  	_ =	shalt  }
0x5c: {  	_ =	shalt  }
0x5d: {  	_ =	shalt  }
0x5e: {  	_ =	shalt  }
0x5f: {  	_ =	shalt  }
0x60: {  	_ =	shalt  }
0x61: {  	_ =	shalt  }
0x62: {  	_ =	shalt  }
0x63: {  	_ =	shalt  }
0x64: {  	_ =	shalt  }
0x65: {  	_ =	shalt  }
0x66: {  	_ =	shalt  }
0x67: {  	_ =	shalt  }
0x68: {  	_ =	shalt  }
0x69: {  	_ =	shalt  }
0x6a: {  	_ =	shalt  }
0x6b: {  	_ =	shalt  }
0x6c: {  	_ =	shalt  }
0x6d: {  	_ =	shalt  }
0x6e: {  	_ =	shalt  }
0x6f: {  	_ =	shalt  }
0x70: {  	_ =	shalt  }
0x71: {  	_ =	shalt  }
0x72: {  	_ =	shalt  }
0x73: {  	_ =	shalt  }
0x74: {  	_ =	shalt  }
0x75: {  	_ =	shalt  }
0x76: {  	_ =	shalt  }
0x77: {  	_ =	shalt  }
0x78: {  	_ =	shalt  }
0x79: {  	_ =	shalt  }
0x7a: {  	_ =	shalt  }
0x7b: {  	_ =	shalt  }
0x7c: {  	_ =	shalt  }
0x7d: {  	_ =	shalt  }
0x7e: {  	_ =	shalt  }
0x7f: {  	_ =	shalt  }
0x80: {  	_ =	shalt  }
0x81: {  	_ =	shalt  }
0x82: {  	_ =	shalt  }
0x83: {  	_ =	shalt  }
0x84: {  	_ =	shalt  }
0x85: {  	_ =	shalt  }
0x86: {  	_ =	shalt  }
0x87: {  	_ =	shalt  }
.Lfunc_end0:
.L_simem_size_0:
called_computation.5_lowered:
.L_overlay_start_0:
0x88: {  	s2 =	sld [smem:$0x3FD9]  }
0x89: {  	s3 =	sld [smem:$0x3FFE];
	_ =	sdelay $0x1  }
0x8a: {  	s1 =	srdreg.scid  }
0x8b: {  	s0 =	sand.u32 $0x1, s1  }
0x8c: {  	s16 =	sshll.u32 s0, $0xA;
	s2 =	sadd.s32 s3, s2  }
0x8d: {  	s2 =	sadd.s32 s2, s16  }
0x8e: {  	[smem:$0x3FB6] =	sst s2  }
0x8f: {  	_ = 	snop  }
0x90: {  	(tm) =	ssettm $0x1  }
0x91: {  	s17 =	sld [smem:$0x3FFB];
	_ =	sdelay $0x3  }
0x92: {  	_ =	strace s17  }
0x93: {  	s2 =	sld [smem:$0x3FFC];
	_ =	sdelay $0x3  }
0x94: {  	_ =	strace s2  }
0x95: {  	s2 =	sld [smem:$0x3FFD];
	_ =	sdelay $0x3  }
0x96: {  	_ =	strace s2  }
0x97: {  	_ =	strace $0x8FFFFFFF  }
0x98: {  	s18 =	sld [smem:$0x3FDB];
	_ =	sdelay $0x1  }
0x99: {  	s19 =	simm.s32 $_scs_section_size  }
0x9a: {  	s4 =	simm.s32 $_size__tile_overlayer_lowered;
	s5 =	simm.s32 $_tile_overlayer_lowered  }
0x9b: {  	s22 =	simm.s32 $0x1BFF;
	s21 =	sshll.u32 s5, $0x1;
	s2 =	sadd.s32 s19, s18  }
0x9c: {  	s6 =	simm.s32 $0x0;
	s20 =	sshll.u32 s4, $0x1;
	s4 =	sadd.s32 s21, s2  }
0x9d: {  	[timem:s6], [sflag:s22] =	dma.local [hbm:s4], s20  }
0x9e: {  	_ =	swait.ge [sflag:s22], s20  }
0x9f: {  	s3 =	ssub.s32 $0x0, s20;
	[sflag:s22] =	ssyncset.done $0x0  }
0xa0: {  	[sflag:s22] =	ssyncadd.s32 s3;
	_ =	sdelay $0x1  }
0xa1: {  	s23 =	simm.s32 $0x1B8B  }
0xa2: {  	_ =	swait.ge [sflag:s23], $0x1  }
0xa3: {  	[sflag:s23] =	ssyncset.done $0x0  }
0xa4: {  	s25 =	simm.s32 $0x1B8E;
	s24 =	sld [smem:$0x3FFE];
	[sflag:s23] =	ssyncadd.s32 $0xFFFFFFFF  }
0xa5: {  	s26 =	simm.s32 $execute0_lowered;
	[smem:$0x3FD2] =	sst s25  }
0xa6: {  	s4 =	sshll.u32 s26, $0x1;
	_ =	strace $0x80000046;
	[dreg:$0x1] =	wrdreg $0xFFFFFFFF  }
0xa7: {  	s28 =	simm.s32 $_size_execute0_lowered;
	s2 =	sadd.s32 s2, s4;
	[dreg:$0x0] =	wrdreg $0x0  }
0xa8: {  	s4 =	sshll.u32 s28, $0x1;
	[dreg:$0x2] =	wrdreg s2  }
0xa9: {  	[dreg:$0x3] =	wrdreg s4  }
0xaa: {  	[dreg:$0x4] =	wrdreg $0xC0  }
0xab: {  	_ =	task [dreg:s6], $0x5FFFF  }
0xac: {  	[dreg:$0x1] =	wrdreg $0xFFFFFFFF  }
0xad: {  	[dreg:$0x0] =	wrdreg $0x60  }
0xae: {  	[dreg:$0x2] =	wrdreg s24  }
0xaf: {  	[dreg:$0x3] =	wrdreg $0xE  }
0xb0: {  	_ =	task.clear_ibuf [dreg:s6], $0x4FFFF;
	_ =	strace $0x90000046  }
0xb1: {  	s29 =	simm.s32 $0xE;
	_ =	strace $0x80000048  }
0xb2: {  	_ =	swait.ge [sflag:s29], $0x1  }
0xb3: {  	[sflag:s29] =	ssyncadd.s32 $0xFFFFFFFF  }
0xb4: {  	_ =	strace $0x90000048  }
0xb5: {  	_ =	sfence  }
0xb6: {  	s30 =	sld [smem:$0x0];
	_ =	sdelay $0x2  }
0xb7: {  	s31 =	sshll.u32 s1, $0xD;
	s1 =	sshrl.u32 s1, $0x2  }
0xb8: {  	s3 =	sand.u32 $0x4000, s31;
	s1 =	sadd.s32 s1, s30  }
0xb9: {  	s0 =	sor.u32 s3, s0;
	s1 =	sshll.u32 s1, $0x11  }
0xba: {  	s0 =	sor.u32 s1, s0  }
0xbb: {  	s0 =	sadd.s32 $0x8F2B, s0  }
0xbc: {  	[sflag:s0] =	ssyncadd.remote.s32 $0x1  }
0xbd: {  	_ =	sfence.sel $0xFFFF  }
0xbe: {  	[dreg:$0x0] =	wrdreg $0xFFFFFFFF;
	(pc) =	sbr.abs _section_cstart, $3  }
0xbf: {  	[dreg:$0x1] =	wrdreg $0xFFFFFFFF  }
0xc0: {  	_ =	task.clear_ibuf [dreg:s6], $0x2FFFF;
	_ =	strace $0x9FFFFFFF  }
0xc1: {  	(tm) =	ssettm $0x7FFFFFFF  }
tec
execute0_lowered:
.L_overlay_start_1:
0x0: {  	(tag) =	ssettag $0x1  }
0x1: {  	s7 =	rddreg [dreg:$0x0]  }
0x2: {  	s0 =	rddreg [dreg:$0x1];
	s2 =	simm.s32 $0x0;
	s3 =	srdreg.scid  }
0x3: {  	s1 =	stileid.u32;
	s13 =	simm.s32 $0x19600;
	s14 =	simm.s32 $0x1  }
0x4: {  	s15 =	simm.s32 $0x80;
	s16 =	simm.s32 $0x1A400;
	s17 =	simm.s32 $0x0  }
0x5: {  	[smem:$0x7FF] =	sst s2;
	s4 =	sand.u32 $0x1, s3;
	s30 =	sshll.u32 s1, $0x1  }
0x6: {  	s3 =	sadd.s32 $0x373600, s7;
	s5 =	sadd.s32 $0x4600, s7;
	s6 =	sadd.s32 $0x66200, s7  }
0x7: {  	_ =	strace $0x80000047;
	s8 =	sor.u32 s4, s30;
	s10 =	ssub.s32 $0x2, s4  }
0x8: {  	v4 =	vlaneseq.u32;
	s4 =	sadd.s32 $0x35400, s7;
	s9 =	smul.u32 $0x30E0, s8;
	s11 =	sshrl.u32 s10, $0x1  }
0x9: {  	v5 =	vmul.u32 $0x61, v4;
	s12 =	smul.u32 $0xFFFFF3CB, s8;
	s31 =	ssub.s32 s10, s11;
	s10 =	simm.s32 $0x18900  }
0xa: {  	v3 =	vimm.s32 $0x0;
	v1 =	vadd.s32 $0xC35, v4;
	v2 =	vmul.u32 $0x200, v4;
	s11 =	simm.s32 $0x18F80;
	s7 =	sadd.s32 s9, s7;
	s8 =	smax.u32 s31, $0x1  }
0xb: {  	v4 =	vor.u32 $0x6C0, v4;
	v5 =	vadd.s32 $0x8, v5;
	s9 =	simm.s32 $0x2;
	v0 =	vmov s12;
	s12 =	simm.s32 $0x19D00;
	s7 =	sadd.s32 $0x69400, s7  }
.LBB2_1:
0xc: {  	[tilespmem:s2], [sflag:$0x2] =	stream.linear.gather [hbm4b:s6+s2], $0x18900, $0x38;
	[tilespmem:$0x1E400] =	vst v63  }
0xd: {  	_ =	swait.ge [sflag:s9], $0x18900  }
0xe: {  	[sflag:s9] =	ssyncset.done $0x0  }
0xf: {  	[sflag:s9] =	ssyncadd.s32 $0xFFFE7700  }
0x10: {  	v6 =	vor.u32 s2, v2;
	[tilespmem:s12+$0x0] =	vst v1  }
0x11: {  	s19 =	simm.s32 $0x1;
	s20 =	simm.s32 $0x19D10;
	s21 =	simm.s32 $0x19600;
	[tilespmem:s13+$0x0] =	vst v6  }
.LBB2_2:
0x12: {  	[tilespmem:s20+$0x0] =	vst v1;
	v6 =	vor.u32 s19, v2;
	p0 =	sne.s32 s19, $0x6C;
	s19 =	sadd.s32 $0x1, s19;
	s21 =	sadd.s32 $0x10, s21  }
.Ltmp0:
0x13: {  	s18 =	simm.s32 $0x0;
	[tilespmem:s21+$0x0] =	vst v6;
	(pc) =	sbr.rel @p0 .LBB2_2-.Ltmp0, $2  }
0x14: {  	_ =	sdelay $0x2  }
0x15: {  	s20 =	sadd.s32 $0x10, s20  }
.Ltmp1:
0x16: {  	(pc) =	sbr.rel .LBB2_4-.Ltmp1, $2  }
0x17: {  	_ =	sdelay $0x2  }
0x18: {  	s20 =	simm.s32 $0x0;
	s19 =	simm.s32 $0x0  }
.LBB2_12:
0x19: {  	s19 =	sadd.s32 $0x1, s19  }
0x1a: {  	p0 =	sne.s32 s19, $0x3E8  }
.Ltmp2:
0x1b: {  	_ = 	snop;
	(pc) =	sbr.rel @!p0 .LBB2_13-.Ltmp2, $3  }
0x1c: {  	_ =	sdelay $0x1  }
0x1d: {  	s21 =	sshll.u32 s21, $0x7  }
0x1e: {  	s20 =	ssub.s32 s20, s21  }
.LBB2_4:
0x1f: {  	s21 =	smul.u32 $0xC8, s19;
	_ =	sdelay $0x1  }
0x20: {  	s22 =	sadd.s32 s4, s21  }
0x21: {  	[tilespmem:s10], [sflag:$0x2] =	stream.linear.gather [hbm4b:s22+s18], $0x640, $0x38;
	[tilespmem:$0x1E400] =	vst v63  }
0x22: {  	_ =	swait.ge [sflag:s9], $0x640  }
0x23: {  	[sflag:s9] =	ssyncset.done $0x0  }
0x24: {  	s21 =	sadd.s32 s5, s21;
	[sflag:s9] =	ssyncadd.s32 $0xFFFFF9C0  }
0x25: {  	[tilespmem:s11], [sflag:$0x2] =	stream.linear.gather [hbm4b:s21+s18], $0x640, $0x38;
	[tilespmem:$0x1E400] =	vst v63  }
0x26: {  	_ =	swait.ge [sflag:s9], $0x640  }
0x27: {  	[sflag:s9] =	ssyncset.done $0x0  }
0x28: {  	s31 =	simm.s32 $0x0;
	[sflag:s9] =	ssyncadd.s32 $0xFFFFF9C0  }
0x29: {  	v6 =	vld [tilespmem:s31+$0x18F80];
	_ =	sdelay $0x4  }
0x2a: {  	v6 =	vadd.s32 v0, v6  }
0x2b: {  	vm0 =	vlt.u32 v6, $0xC35  }
0x2c: {  	v7 =	vsel vm0, $0x1, v3  }
0x2d: {  	(xrf0) =	vadd.scan.msk.s32 $0xffff, v7;
	_ =	sdelay $0x2  }
0x2e: {  	v7 =	vmov s20  }
0x2f: {  	v7 =	vadd.s32 $0xFFFFFFFF, v7  }
0x30: {  	v7 =	vbroadcast v7, $0x0  }
0x31: {  	v8, _, _ =	vpop (xrf0)  }
0x32: {  	v7 =	vadd.s32 v8, v7;
	(v2sf) =	vpush v8, $0xF  }
0x33: {  	v9 =	vld [tilespmem:s31+$0x18900];
	v7 =	vsel vm0, v7, v4;
	_ =	sdelay $0x3  }
0x34: {  	v6 =	vmin.u32 v6, $0xC35  }
0x35: {  	v9 =	vsel vm0, v9, v5;
	[tilespmem:v7+s12+$0x0] =	vst.idx.msk $0xffff, v6  }
0x36: {  	s22 =	simm.s32 $0x10;
	s21 =	simm.s32 $0x80;
	[tilespmem:v7+s13+$0x0] =	vst.idx.msk $0xffff, v9  }
.LBB2_5:
0x37: {  	p0 =	sne.s32 s21, $0x18C0;
	v6 =	vld [tilespmem:s22+$0x18F80];
	_ =	sdelay $0x1  }
0x38: {  	v7 =	vld [tilespmem:s22+$0x18900];
	_ =	sdelay $0x2  }
0x39: {  	v6 =	vadd.s32 v0, v6  }
0x3a: {  	vm0 =	vlt.u32 v6, $0xC35;
	v6 =	vmin.u32 v6, $0xC35  }
0x3b: {  	v8 =	vsel vm0, $0x1, v3;
	v7 =	vsel vm0, v7, v5;
	s22 =	spop (v2sf)  }
0x3c: {  	(xrf0) =	vadd.scan.msk.s32 $0xffff, v8;
	s20 =	sadd.s32 s20, s22  }
0x3d: {  	v8 =	vmov s20  }
0x3e: {  	v8 =	vadd.s32 $0xFFFFFFFF, v8  }
0x3f: {  	v8 =	vbroadcast v8, $0x0;
	_ =	sdelay $0x2  }
0x40: {  	v9, _, _ =	vpop (xrf0)  }
0x41: {  	v8 =	vadd.s32 v9, v8;
	(v2sf) =	vpush v9, $0xF  }
0x42: {  	v8 =	vsel vm0, v8, v4;
	_ =	sdelay $0x1  }
.Ltmp3:
0x43: {  	(pc) =	sbr.rel @p0 .LBB2_5-.Ltmp3, $3  }
0x44: {  	_ =	sdelay $0x1  }
0x45: {  	[tilespmem:v8+s12+$0x0] =	vst.idx.msk $0xffff, v6  }
0x46: {  	s22 =	sshra.s32 s21, $0x2;
	s21 =	sadd.s32 $0x40, s21;
	[tilespmem:v8+s13+$0x0] =	vst.idx.msk $0xffff, v7  }
0x47: {  	v6 =	vld [tilespmem:s22+$0x18F80];
	_ =	sdelay $0x4  }
0x48: {  	v6 =	vadd.s32 v0, v6  }
0x49: {  	vm0 =	vlt.u32 v6, $0xC35  }
0x4a: {  	v7 =	vsel vm0, $0x1, v3  }
0x4b: {  	(xrf0) =	vadd.scan.msk.s32 $0xffff, v7;
	_ =	sdelay $0x5  }
0x4c: {  	v7, _, _ =	vpop (xrf0)  }
0x4d: {  	(v2sf) =	vpush v7, $0xF;
	_ =	sdelay $0xd  }
0x4e: {  	s21 =	spop (v2sf)  }
0x4f: {  	s20 =	sadd.s32 s20, s21;
	s29 =	spop (v2sf)  }
0x50: {  	v8 =	vmov s20;
	s20 =	sadd.s32 s20, s29  }
0x51: {  	s21 =	sand.u32 $0x7F, s20  }
0x52: {  	v8 =	vadd.s32 $0xFFFFFFFF, v8;
	s30 =	sshra.s32 s20, $0x1F;
	p0 =	slt.s32 s20, $0x1;
	p1 =	sne.s32 s21, $0x0  }
0x53: {  	v8 =	vbroadcast v8, $0x0;
	s31 =	sshrl.u32 s30, $0x19;
	p0 =	por !p0, !p1  }
0x54: {  	v63 =	vld [tilespmem:s22+$0x18900];
	s22 =	simm.s32 $0x1;
	s21 =	sadd.s32 s31, s20;
	p0 =	por !p0, !p0  }
0x55: {  	v7 =	vadd.s32 v7, v8;
	s21 =	sshra.s32 s21, $0x7;
	s22 =	simm.s32 @!p0 $0x0  }
0x56: {  	v7 =	vsel vm0, v7, v4;
	s21 =	ssub.s32 s21, s22  }
0x57: {  	p0 =	slt.s32 s21, $0x1  }
.Ltmp4:
0x58: {  	_ = 	snop;
	(pc) =	sbr.rel @p0 .LBB2_12-.Ltmp4, $4  }
0x59: {  	_ = 	snop  }
0x5a: {  	v6 =	vmin.u32 v6, $0xC35  }
0x5b: {  	v8 =	vsel vm0, v63, v5;
	[tilespmem:v7+s12+$0x0] =	vst.idx.msk $0xffff, v6  }
0x5c: {  	[tilespmem:v7+s13+$0x0] =	vst.idx.msk $0xffff, v8;
	s22 =	simm.s32 $0x0  }
.LBB2_7:
0x5d: {  	[tilespmem:s16], [sflag:$0x1] =	stream.indirect.gather [hbm4b:s3+s15], $0x80, s13, s15, $0xb8;
	[tilespmem:$0x1E400] =	vst v63  }
0x5e: {  	_ =	swait.ge [sflag:s14], $0x4000  }
0x5f: {  	[sflag:s14] =	ssyncset.done $0x0  }
0x60: {  	s23 =	simm.s32 $0x0;
	[sflag:s14] =	ssyncadd.s32 $0xFFFFC000  }
0x61: {  	v6 =	vld [tilespmem:s23+$0x19D00];
	_ =	sdelay $0x4  }
0x62: {  	(v2sf) =	vpush v6, $0x0;
	_ =	sdelay $0xe  }
0x63: {  	s24 =	spop (v2sf)  }
0x64: {  	s23 =	simm.s32 $0x1A410;
	s24 =	sshll.u32 s24, $0x7  }
0x65: {  	v6 =	vld [tilespmem:s23+$0xFFFFFFF0];
	s25 =	sshra.s32 s24, $0x2  }
0x66: {  	v7 =	vld [tilespmem:s25+$0x0];
	_ =	sdelay $0x4  }
0x67: {  	v6 =	vmax.f32 v7, v6  }
0x68: {  	[tilespmem:s25+$0x0] =	vst v6;
	v6 =	vld [tilespmem:s25+$0x10]  }
0x69: {  	v7 =	vld [tilespmem:s23+$0x0];
	_ =	sdelay $0x4  }
0x6a: {  	s26 =	simm.s32 $0x8;
	s24 =	simm.s32 $0x4;
	v6 =	vmax.f32 v6, v7  }
.LBB2_8:
0x6b: {  	s28 =	sshra.s32 s24, $0x2  }
0x6c: {  	[tilespmem:s25+$0x10] =	vst v6;
	s23 =	sadd.s32 $0x80, s23;
	s24 =	smov.u32 s26;
	s29 =	sadd.s32 $0x4, s26  }
0x6d: {  	p0 =	sne.s32 s26, $0x1FC;
	v6 =	vld [tilespmem:s28+$0x19D00];
	_ =	sdelay $0x4  }
0x6e: {  	(v2sf) =	vpush v6, $0x0;
	_ =	sdelay $0xe  }
0x6f: {  	s25 =	spop (v2sf)  }
0x70: {  	s25 =	sshll.u32 s25, $0x7  }
0x71: {  	s25 =	sshra.s32 s25, $0x2;
	v6 =	vld [tilespmem:s23+$0xFFFFFFF0]  }
0x72: {  	v7 =	vld [tilespmem:s25+$0x0];
	_ =	sdelay $0x4  }
0x73: {  	v6 =	vmax.f32 v7, v6  }
0x74: {  	[tilespmem:s25+$0x0] =	vst v6;
	v6 =	vld [tilespmem:s25+$0x10]  }
0x75: {  	v7 =	vld [tilespmem:s23+$0x0]  }
.Ltmp5:
0x76: {  	(pc) =	sbr.rel @p0 .LBB2_8-.Ltmp5, $2  }
0x77: {  	_ =	sdelay $0x2  }
0x78: {  	s26 =	smov.u32 s29;
	v6 =	vmax.f32 v6, v7  }
0x79: {  	s24 =	sshra.s32 s24, $0x2;
	[tilespmem:s25+$0x10] =	vst v6  }
0x7a: {  	v6 =	vld [tilespmem:s24+$0x19D00];
	_ =	sdelay $0x4  }
0x7b: {  	(v2sf) =	vpush v6, $0x0;
	_ =	sdelay $0xe  }
0x7c: {  	s29 =	spop (v2sf)  }
0x7d: {  	s23 =	sadd.s32 $0x80, s23;
	s24 =	sshll.u32 s29, $0x7  }
0x7e: {  	v6 =	vld [tilespmem:s23+$0xFFFFFFF0];
	s24 =	sshra.s32 s24, $0x2  }
0x7f: {  	v7 =	vld [tilespmem:s24+$0x0];
	_ =	sdelay $0x4  }
0x80: {  	v6 =	vmax.f32 v7, v6  }
0x81: {  	[tilespmem:s24+$0x0] =	vst v6;
	v6 =	vld [tilespmem:s24+$0x10]  }
0x82: {  	v7 =	vld [tilespmem:s23+$0x0];
	_ =	sdelay $0x4  }
0x83: {  	s30 =	simm.s32 $0x0;
	v6 =	vmax.f32 v6, v7  }
0x84: {  	s23 =	sand.u32 $0x7F0, s30;
	[tilespmem:s24+$0x10] =	vst v6  }
0x85: {  	v6 =	vld [tilespmem:s23+$0x19D80];
	_ =	sdelay $0x3  }
0x86: {  	s24 =	simm.s32 $0x19D00  }
0x87: {  	[tilespmem:s24+$0x0] =	vst v6  }
0x88: {  	v6 =	vld [tilespmem:s23+$0x19680];
	_ =	sdelay $0x3  }
0x89: {  	s31 =	simm.s32 $0x10;
	s23 =	simm.s32 $0x19600  }
0x8a: {  	s25 =	simm.s32 $0x20;
	s26 =	sand.u32 $0x7F0, s31;
	[tilespmem:s23+$0x0] =	vst v6  }
.LBB2_10:
0x8b: {  	p0 =	sne.s32 s25, $0x640;
	v6 =	vld [tilespmem:s26+$0x19D80];
	_ =	sdelay $0x3  }
0x8c: {  	s24 =	sadd.s32 $0x10, s24  }
0x8d: {  	[tilespmem:s24+$0x0] =	vst v6  }
0x8e: {  	v6 =	vld [tilespmem:s26+$0x19680]  }
.Ltmp6:
0x8f: {  	(pc) =	sbr.rel @p0 .LBB2_10-.Ltmp6, $3  }
0x90: {  	_ =	sdelay $0x1  }
0x91: {  	s23 =	sadd.s32 $0x10, s23  }
0x92: {  	s26 =	sand.u32 $0x7F0, s25;
	s25 =	sadd.s32 $0x10, s25;
	[tilespmem:s23+$0x0] =	vst v6  }
0x93: {  	v6 =	vld [tilespmem:s26+$0x19D80];
	_ =	sdelay $0x3  }
0x94: {  	s24 =	sadd.s32 $0x10, s24  }
0x95: {  	s22 =	sadd.s32 $0x1, s22;
	[tilespmem:s24+$0x0] =	vst v6  }
0x96: {  	p0 =	sne.s32 s22, s21;
	v6 =	vld [tilespmem:s26+$0x19680]  }
.Ltmp7:
0x97: {  	_ = 	snop;
	(pc) =	sbr.rel @p0 .LBB2_7-.Ltmp7, $4  }
.Ltmp8:
0x98: {  	_ = 	snop;
	(pc) =	sbr.rel @!p0 .LBB2_12-.Ltmp8, $4  }
0x99: {  	_ = 	snop  }
0x9a: {  	s23 =	sadd.s32 $0x10, s23  }
0x9b: {  	[tilespmem:s23+$0x0] =	vst v6  }
0x9c: {  	_ = 	snop  }
.LBB2_13:
0x9d: {  	[tilespmem:s16], [sflag:$0x1] =	stream.indirect.gather [hbm4b:s3+s15], $0x80, s13, s15, $0xb8;
	[tilespmem:$0x1E400] =	vst v63  }
0x9e: {  	_ =	swait.ge [sflag:s14], $0x4000  }
0x9f: {  	[sflag:s14] =	ssyncset.done $0x0  }
0xa0: {  	s18 =	simm.s32 $0x0;
	[sflag:s14] =	ssyncadd.s32 $0xFFFFC000  }
0xa1: {  	v6 =	vld [tilespmem:s18+$0x19D00];
	_ =	sdelay $0x4  }
0xa2: {  	(v2sf) =	vpush v6, $0x0;
	_ =	sdelay $0xe  }
0xa3: {  	s31 =	spop (v2sf)  }
0xa4: {  	s19 =	simm.s32 $0x1A410;
	s18 =	sshll.u32 s31, $0x7  }
0xa5: {  	v6 =	vld [tilespmem:s19+$0xFFFFFFF0];
	s21 =	sshra.s32 s18, $0x2  }
0xa6: {  	v7 =	vld [tilespmem:s21+$0x0];
	_ =	sdelay $0x4  }
0xa7: {  	v6 =	vmax.f32 v7, v6  }
0xa8: {  	[tilespmem:s21+$0x0] =	vst v6;
	v6 =	vld [tilespmem:s21+$0x10]  }
0xa9: {  	v7 =	vld [tilespmem:s19+$0x0];
	_ =	sdelay $0x4  }
0xaa: {  	s20 =	simm.s32 $0x4;
	s22 =	simm.s32 $0x8;
	s18 =	simm.s32 $0x0;
	v6 =	vmax.f32 v6, v7  }
.LBB2_14:
0xab: {  	s23 =	sshra.s32 s20, $0x2  }
0xac: {  	[tilespmem:s21+$0x10] =	vst v6;
	s19 =	sadd.s32 $0x80, s19;
	s20 =	smov.u32 s22;
	s24 =	sadd.s32 $0x4, s22  }
0xad: {  	p0 =	sne.s32 s22, $0x1FC;
	v6 =	vld [tilespmem:s23+$0x19D00];
	_ =	sdelay $0x4  }
0xae: {  	(v2sf) =	vpush v6, $0x0;
	_ =	sdelay $0xe  }
0xaf: {  	s21 =	spop (v2sf)  }
0xb0: {  	s21 =	sshll.u32 s21, $0x7  }
0xb1: {  	s21 =	sshra.s32 s21, $0x2;
	v6 =	vld [tilespmem:s19+$0xFFFFFFF0]  }
0xb2: {  	v7 =	vld [tilespmem:s21+$0x0];
	_ =	sdelay $0x4  }
0xb3: {  	v6 =	vmax.f32 v7, v6  }
0xb4: {  	[tilespmem:s21+$0x0] =	vst v6;
	v6 =	vld [tilespmem:s21+$0x10]  }
0xb5: {  	v7 =	vld [tilespmem:s19+$0x0]  }
.Ltmp9:
0xb6: {  	(pc) =	sbr.rel @p0 .LBB2_14-.Ltmp9, $2  }
0xb7: {  	_ =	sdelay $0x2  }
0xb8: {  	s22 =	smov.u32 s24;
	v6 =	vmax.f32 v6, v7  }
0xb9: {  	s20 =	sshra.s32 s20, $0x2;
	[tilespmem:s21+$0x10] =	vst v6  }
0xba: {  	v6 =	vld [tilespmem:s20+$0x19D00];
	_ =	sdelay $0x4  }
0xbb: {  	(v2sf) =	vpush v6, $0x0;
	_ =	sdelay $0xe  }
0xbc: {  	s29 =	spop (v2sf)  }
0xbd: {  	s19 =	sadd.s32 $0x80, s19;
	s20 =	sshll.u32 s29, $0x7  }
0xbe: {  	v6 =	vld [tilespmem:s19+$0xFFFFFFF0];
	s20 =	sshra.s32 s20, $0x2  }
0xbf: {  	v7 =	vld [tilespmem:s20+$0x0];
	_ =	sdelay $0x4  }
0xc0: {  	v6 =	vmax.f32 v7, v6  }
0xc1: {  	[tilespmem:s20+$0x0] =	vst v6;
	v6 =	vld [tilespmem:s20+$0x10]  }
0xc2: {  	v7 =	vld [tilespmem:s19+$0x0];
	_ =	sdelay $0x4  }
0xc3: {  	v6 =	vmax.f32 v6, v7  }
0xc4: {  	s30 =	sand.u32 $0x7F0, s18;
	[tilespmem:s20+$0x10] =	vst v6  }
0xc5: {  	v6 =	vld [tilespmem:s30+$0x19D80];
	_ =	sdelay $0x3  }
0xc6: {  	s18 =	simm.s32 $0x19D00  }
0xc7: {  	[tilespmem:s18+$0x0] =	vst v6  }
0xc8: {  	v6 =	vld [tilespmem:s30+$0x19680];
	_ =	sdelay $0x3  }
0xc9: {  	s31 =	simm.s32 $0x10;
	s19 =	simm.s32 $0x19600  }
0xca: {  	s21 =	sand.u32 $0x7F0, s31;
	s20 =	simm.s32 $0x20;
	[tilespmem:s19+$0x0] =	vst v6  }
.LBB2_16:
0xcb: {  	p0 =	sne.s32 s20, $0x640;
	v6 =	vld [tilespmem:s21+$0x19D80];
	_ =	sdelay $0x3  }
0xcc: {  	s18 =	sadd.s32 $0x10, s18  }
0xcd: {  	[tilespmem:s18+$0x0] =	vst v6  }
0xce: {  	v6 =	vld [tilespmem:s21+$0x19680]  }
.Ltmp10:
0xcf: {  	(pc) =	sbr.rel @p0 .LBB2_16-.Ltmp10, $3  }
0xd0: {  	_ =	sdelay $0x1  }
0xd1: {  	s19 =	sadd.s32 $0x10, s19  }
0xd2: {  	s21 =	sand.u32 $0x7F0, s20;
	s20 =	sadd.s32 $0x10, s20;
	[tilespmem:s19+$0x0] =	vst v6  }
0xd3: {  	v6 =	vld [tilespmem:s21+$0x19D80];
	_ =	sdelay $0x3  }
0xd4: {  	s18 =	sadd.s32 $0x10, s18  }
0xd5: {  	[tilespmem:s18+$0x0] =	vst v6  }
0xd6: {  	v6 =	vld [tilespmem:s21+$0x19680];
	_ =	sdelay $0x2  }
0xd7: {  	s17 =	sadd.s32 $0x1, s17  }
0xd8: {  	s31 =	sadd.s32 $0x10, s19;
	p0 =	sne.s32 s17, s8  }
.Ltmp11:
0xd9: {  	[tilespmem:s31+$0x0] =	vst v6;
	(pc) =	sbr.rel @p0 .LBB2_1-.Ltmp11, $4  }
0xda: {  	[hbm4b:s7+s2] =	stream.linear.scatter [tilespmem:s2], [sflag:$0x2], $0x18700, $0x38;
	[tilespmem:$0x1E400] =	vst v63  }
0xdb: {  	_ =	swait.ge [sflag:s9], $0x18700  }
0xdc: {  	[sflag:s9] =	ssyncset.done $0x0  }
0xdd: {  	[sflag:s9] =	ssyncadd.s32 $0xFFFE7900  }
0xde: {  	_ =	sfence.sel $0x180000  }
0xdf: {  	[bflag:$0x0] =	sbarrier.arrive $0xFFFF  }
0xe0: {  	p0 =	sne.s32 s1, $0x0;
	_ =	strace $0x90000047  }
0xe1: {  	s0 =	sadd.s32 @!p0 $0x100000, s0;
	[bflag:$0x2] =	sbarrier.arrive $0xFFFF  }
0xe2: {  	[sflag:s0] =	ssyncadd.tile.s32 @!p0 $0x1;
	_ =	shalt  }
.Lfunc_end2:
_tile_overlayer_lowered:
.L_overlay_start_2:
0xe3: {  	(tag) =	ssettag $0x2  }
0xe4: {  	s0 =	rddreg [dreg:$0x0];
	s2 =	stileid.u32  }
0xe5: {  	s1 =	rddreg [dreg:$0x1];
	p0 =	sne.s32 s2, $0x0  }
0xe6: {  	s3 =	rddreg [dreg:$0x2];
	[bflag:$0x3] =	sbarrier.arrive $0xFFFF;
	s2 =	simm.s32 @!p0 $0x1C02  }
0xe7: {  	[timem:s3], [sflag:s2] =	dma.local @!p0 [hbm:s0], s1  }
0xe8: {  	s0 =	simm.s32 @!p0 $0x2  }
0xe9: {  	_ =	swait.ge @!p0 [sflag:s0], s1  }
0xea: {  	s1 =	ssub.s32 @!p0 $0x0, s1;
	[sflag:s0] =	ssyncset.done @!p0 $0x0  }
0xeb: {  	[sflag:s0] =	ssyncadd.s32 @!p0 s1  }
0xec: {  	[bflag:$0x3] =	sbarrier.arrive $0xFFFF  }
0xed: {  	_ =	shalt  }

</sc_bundles>
